<compile_context>
chip_gen: v7x
topology: tpu7x:2x2x1
jax: 0.10.2.dev20260603
libtpu: 0.0.44.dev20260713+nightly
codegen_flags: <defaults>
</compile_context>

<pallas_src>
import functools

import jax
import jax.numpy as jnp
from jax import lax
from jax.experimental import pallas as pl
from jax.experimental.pallas import tpu as pltpu
from jax.experimental.pallas import tpu_sc as plsc

N = 10000
E = 320000
D = 16
NCLS = 64

NC = 2
NS = 16
NW = NC * NS
EPW = E // NW
CHUNK = 80
NCHUNK = 125
EPAD = NW * NCHUNK * CHUNK - E
N_PAD = 10240
NPT = N_PAD // NS

_f32 = jnp.float32


def _prep_body(h0, h1, h2, Eh0, Eh1, Eh2, Wp_a, Wp_b, Wp_c, b_proj,
               Ee0, Ee1, We1_a, We1_b, b_e1, We2t, be2r,
               x0_out, wall_out):
    lanes = lax.broadcasted_iota(jnp.int32, (N_PAD, 16), 1)
    oh0 = (h0[...] == lanes).astype(_f32)
    oh1 = (h1[...] == lanes).astype(_f32)
    oh2 = (h2[...] == lanes).astype(_f32)
    P0 = jnp.dot(Eh0[...], Wp_a[...], preferred_element_type=_f32)
    P1 = jnp.dot(Eh1[...], Wp_b[...], preferred_element_type=_f32)
    P2 = jnp.dot(Eh2[...], Wp_c[...], preferred_element_type=_f32)
    x0 = jnp.dot(oh0, P0, preferred_element_type=_f32)
    x0 = x0 + jnp.dot(oh1, P1, preferred_element_type=_f32)
    x0 = x0 + jnp.dot(oh2, P2, preferred_element_type=_f32)
    x0_out[...] = jnp.maximum(x0 + b_proj[...], 0.0)

    ii = lax.broadcasted_iota(jnp.int32, (NCLS, 8), 0)
    jj = lax.broadcasted_iota(jnp.int32, (NCLS, 8), 1)
    OH0 = ((ii // 8) == jj).astype(_f32)
    OH1 = ((ii % 8) == jj).astype(_f32)
    Q0 = jnp.dot(Ee0[...], We1_a[...], preferred_element_type=_f32)
    Q1 = jnp.dot(Ee1[...], We1_b[...], preferred_element_type=_f32)
    A = jnp.dot(OH0, Q0, preferred_element_type=_f32)
    A = A + jnp.dot(OH1, Q1, preferred_element_type=_f32)
    A = jnp.maximum(A + b_e1[...], 0.0)
    for d in range(D):
        wall_out[d, :, :] = (
            jnp.dot(A, We2t[d], preferred_element_type=_f32) + be2r[d][None, :])


def _prep(h0, h1, h2, Eh0, Eh1, Eh2, Wp_a, Wp_b, Wp_c, b_proj,
          Ee0, Ee1, We1_a, We1_b, b_e1, We2t, be2r):
    return pl.pallas_call(
        _prep_body,
        out_shape=(jax.ShapeDtypeStruct((N_PAD, D), _f32),
                   jax.ShapeDtypeStruct((D, NCLS, D), _f32)),
    )(h0, h1, h2, Eh0, Eh1, Eh2, Wp_a, Wp_b, Wp_c, b_proj,
      Ee0, Ee1, We1_a, We1_b, b_e1, We2t, be2r)


_RB = 2048


def _ymm_body(x_ref, w_ref, y_ref):
    y_ref[...] = jnp.dot(x_ref[...], w_ref[...], preferred_element_type=_f32)


def _ymm(x, w2d):
    return pl.pallas_call(
        _ymm_body,
        grid=(N_PAD // _RB,),
        in_specs=[pl.BlockSpec((_RB, D), lambda i: (i, 0)),
                  pl.BlockSpec((D, NCLS * D), lambda i: (0, 0))],
        out_specs=pl.BlockSpec((_RB, NCLS * D), lambda i: (i, 0)),
        out_shape=jax.ShapeDtypeStruct((N_PAD, NCLS * D), _f32),
    )(x, w2d)


NBUF = 4


def _ring_loop(y_hbm, gidx_v, dst_ref, agg_sh, rows, sems):
    for b in range(NBUF):
        pltpu.async_copy(y_hbm.at[gidx_v.at[b]], rows[b], sems[b])

    def cbody(i, c):
        j0 = i * NBUF
        for b in range(NBUF):
            j = j0 + b
            pltpu.make_async_copy(y_hbm.at[gidx_v.at[j]], rows[b],
                                  sems[b]).wait()
            pltpu.sync_copy(rows[b], agg_sh.at[dst_ref.at[j]], add=True)

            @pl.when(j + NBUF < NCHUNK)
            def _():
                pltpu.async_copy(y_hbm.at[gidx_v.at[j + NBUF]], rows[b],
                                 sems[b])
        return c
    lax.fori_loop(0, NCHUNK // NBUF, cbody, 0)
    for j in range((NCHUNK // NBUF) * NBUF, NCHUNK):
        b = j % NBUF
        pltpu.make_async_copy(y_hbm.at[gidx_v.at[j]], rows[b], sems[b]).wait()
        pltpu.sync_copy(rows[b], agg_sh.at[dst_ref.at[j]], add=True)


def _zero_agg(zero_v, agg_sh, sid):
    def zbody(i, c):
        zero_v[i, :] = jnp.zeros((16,), _f32)
        return c
    lax.fori_loop(0, NPT, zbody, 0)
    pltpu.sync_copy(zero_v, agg_sh.at[pl.ds(sid * NPT, NPT)])


def _sc_body_first(y_hbm, src_hbm, e0_hbm, e1_hbm, dst_hbm, out_hbm, gidx_out,
                   src_v, e0_v, e1_v, dst_v, gidx_v, rows_v, rows2_v, rows3_v,
                   rows4_v, zero_v, agg_sh, sem, sem2, sem3, sem4):
    cid = lax.axis_index("c")
    sid = lax.axis_index("s")
    wid = sid * NC + cid

    pltpu.sync_copy(src_hbm.at[wid], src_v)
    pltpu.sync_copy(e0_hbm.at[wid], e0_v)
    pltpu.sync_copy(e1_hbm.at[wid], e1_v)
    pltpu.sync_copy(dst_hbm.at[wid], dst_v)
    _zero_agg(zero_v, agg_sh, sid)

    def gbody(j, c):
        for i in range(CHUNK // 16):
            sl = pl.ds(i * 16, 16)
            gidx_v[j, sl] = src_v[j, sl] * NCLS + e0_v[j, sl] * 8 + e1_v[j, sl]
        return c
    lax.fori_loop(0, NCHUNK, gbody, 0)
    pltpu.sync_copy(gidx_v, gidx_out.at[wid])

    plsc.subcore_barrier()
    _ring_loop(y_hbm, gidx_v, dst_v, agg_sh,
               (rows_v, rows2_v, rows3_v, rows4_v), (sem, sem2, sem3, sem4))
    plsc.subcore_barrier()
    pltpu.sync_copy(agg_sh.at[pl.ds(sid * NPT, NPT)],
                    out_hbm.at[pl.ds(cid * N_PAD + sid * NPT, NPT)])


def _sc_body_rest(y_hbm, gidx_hbm, dst_hbm, out_hbm,
                  dst_v, gidx_v, rows_v, rows2_v, rows3_v,
                  rows4_v, zero_v, agg_sh, sem, sem2, sem3, sem4):
    cid = lax.axis_index("c")
    sid = lax.axis_index("s")
    wid = sid * NC + cid

    pltpu.sync_copy(gidx_hbm.at[wid], gidx_v)
    pltpu.sync_copy(dst_hbm.at[wid], dst_v)
    _zero_agg(zero_v, agg_sh, sid)

    plsc.subcore_barrier()
    _ring_loop(y_hbm, gidx_v, dst_v, agg_sh,
               (rows_v, rows2_v, rows3_v, rows4_v), (sem, sem2, sem3, sem4))
    plsc.subcore_barrier()
    pltpu.sync_copy(agg_sh.at[pl.ds(sid * NPT, NPT)],
                    out_hbm.at[pl.ds(cid * N_PAD + sid * NPT, NPT)])


_SC_SCRATCH_TAIL = [
    pltpu.VMEM((NCHUNK, CHUNK), jnp.int32),
    pltpu.VMEM((CHUNK, D), _f32),
    pltpu.VMEM((CHUNK, D), _f32),
    pltpu.VMEM((CHUNK, D), _f32),
    pltpu.VMEM((CHUNK, D), _f32),
    pltpu.VMEM((NPT, D), _f32),
    pltpu.VMEM_SHARED((N_PAD, D), _f32),
    pltpu.SemaphoreType.DMA,
    pltpu.SemaphoreType.DMA,
    pltpu.SemaphoreType.DMA,
    pltpu.SemaphoreType.DMA,
]


def _sc_step_first(y2d, srcb, e0b, e1b, dstb):
    mesh = plsc.VectorSubcoreMesh(core_axis_name="c", subcore_axis_name="s")
    k = functools.partial(
        pl.kernel,
        mesh=mesh,
        out_type=(jax.ShapeDtypeStruct((NC * N_PAD, D), _f32),
                  jax.ShapeDtypeStruct((NW, NCHUNK, CHUNK), jnp.int32)),
        scratch_types=[
            pltpu.VMEM((NCHUNK, CHUNK), jnp.int32),
            pltpu.VMEM((NCHUNK, CHUNK), jnp.int32),
            pltpu.VMEM((NCHUNK, CHUNK), jnp.int32),
            pltpu.VMEM((NCHUNK, CHUNK), jnp.int32),
        ] + _SC_SCRATCH_TAIL,
        compiler_params=pltpu.CompilerParams(use_tc_tiling_on_sc=False),
    )(_sc_body_first)
    return k(y2d, srcb, e0b, e1b, dstb)


def _sc_step_rest(y2d, gidxb, dstb):
    mesh = plsc.VectorSubcoreMesh(core_axis_name="c", subcore_axis_name="s")
    k = functools.partial(
        pl.kernel,
        mesh=mesh,
        out_type=jax.ShapeDtypeStruct((NC * N_PAD, D), _f32),
        scratch_types=[
            pltpu.VMEM((NCHUNK, CHUNK), jnp.int32),
        ] + _SC_SCRATCH_TAIL,
        compiler_params=pltpu.CompilerParams(use_tc_tiling_on_sc=False),
    )(_sc_body_rest)
    return k(y2d, gidxb, dstb)


def _gru_math2(agg_a_val, agg_b_val, hid_ref, b_conv,
               Wri, Wzi, Wni, Wrh, Wzh, Wnh, bri, bzi, bni, brh, bzh, bnh):
    class _W:
        def __init__(self, v):
            self.v = v
        def __getitem__(self, idx):
            return self.v
    return _gru_math(_W(agg_a_val), _W(agg_b_val), hid_ref, b_conv,
                     Wri, Wzi, Wni, Wrh, Wzh, Wnh,
                     bri, bzi, bni, brh, bzh, bnh)


def _gru_math(agg_a, agg_b, hid_ref, b_conv,
              Wri, Wzi, Wni, Wrh, Wzh, Wnh, bri, bzi, bni, brh, bzh, bnh):
    agg = agg_a[...] + agg_b[...] + b_conv[...]
    x_in = jnp.maximum(agg, 0.0)
    hid = hid_ref[...]

    def mm(a, b):
        return jnp.dot(a, b[...], preferred_element_type=_f32)

    r = jax.nn.sigmoid(mm(x_in, Wri) + bri[...] + mm(hid, Wrh) + brh[...])
    z = jax.nn.sigmoid(mm(x_in, Wzi) + bzi[...] + mm(hid, Wzh) + bzh[...])
    n = jnp.tanh(mm(x_in, Wni) + bni[...] + r * (mm(hid, Wnh) + bnh[...]))
    return (1.0 - z) * n + z * hid


def _gru_y_body(agg_a, agg_b, hid_ref, b_conv, Wri, Wzi, Wni, Wrh, Wzh, Wnh,
                bri, bzi, bni, brh, bzh, bnh, w2d_ref, hnew_ref, y_ref):
    hnew = _gru_math(agg_a, agg_b, hid_ref, b_conv, Wri, Wzi, Wni, Wrh, Wzh,
                     Wnh, bri, bzi, bni, brh, bzh, bnh)
    hnew_ref[...] = hnew
    y_ref[...] = jnp.dot(hnew, w2d_ref[...], preferred_element_type=_f32)


def _gru_step(aggp, hid, w2d, b_conv2d, gw):
    nb = N_PAD // _RB
    wspec = [pl.BlockSpec((D, D), lambda i: (0, 0))] * 6
    bspec = [pl.BlockSpec((1, D), lambda i: (0, 0))] * 6
    in_specs = ([pl.BlockSpec((_RB, D), lambda i: (i, 0)),
                 pl.BlockSpec((_RB, D), lambda i: (i + nb, 0)),
                 pl.BlockSpec((_RB, D), lambda i: (i, 0)),
                 pl.BlockSpec((1, D), lambda i: (0, 0))]
                + wspec + bspec)
    args = [aggp, aggp, hid, b_conv2d] + gw
    in_specs.append(pl.BlockSpec((D, NCLS * D), lambda i: (0, 0)))
    return pl.pallas_call(
        _gru_y_body,
        grid=(nb,),
        in_specs=in_specs,
        out_specs=(pl.BlockSpec((_RB, D), lambda i: (i, 0)),
                   pl.BlockSpec((_RB, NCLS * D), lambda i: (i, 0))),
        out_shape=(jax.ShapeDtypeStruct((N_PAD, D), _f32),
                   jax.ShapeDtypeStruct((N_PAD, NCLS * D), _f32)),
    )(*args, w2d)


def _tail_body(aggp_ref, hid_ref, b_conv, Wri, Wzi, Wni, Wrh, Wzh, Wnh,
               bri, bzi, bni, brh, bzh, bnh,
               Wi_q, Wi_r, Wf_q, Wf_r, Wg_q, Wg_r, Wo_q, Wo_r,
               Whi, Whf, Whg, Who, bi, bf, bg, bo,
               Wp1q, Wp1r, bp1, Wp2, bp2, out_ref):
    aggp = aggp_ref[...]
    x = _gru_math2(aggp[0:N_PAD, :], aggp[N_PAD:2 * N_PAD, :], hid_ref,
                   b_conv, Wri, Wzi, Wni, Wrh, Wzh, Wnh,
                   bri, bzi, bni, brh, bzh, bnh)
    valid = lax.broadcasted_iota(jnp.int32, (N_PAD, 1), 0) < N

    def mm(a, b):
        return jnp.dot(a, b[...], preferred_element_type=_f32)

    hc = jnp.zeros((1, D), _f32)
    cc = jnp.zeros((1, D), _f32)
    q = jnp.zeros((1, D), _f32)
    readout = jnp.zeros((1, D), _f32)
    for _ in range(3):
        i_g = jax.nn.sigmoid(mm(q, Wi_q) + mm(readout, Wi_r) + mm(hc, Whi)
                             + bi[...])
        f_g = jax.nn.sigmoid(mm(q, Wf_q) + mm(readout, Wf_r) + mm(hc, Whf)
                             + bf[...])
        g_g = jnp.tanh(mm(q, Wg_q) + mm(readout, Wg_r) + mm(hc, Whg)
                       + bg[...])
        o_g = jax.nn.sigmoid(mm(q, Wo_q) + mm(readout, Wo_r) + mm(hc, Who)
                             + bo[...])
        cc = f_g * cc + i_g * g_g
        hc = o_g * jnp.tanh(cc)
        q = hc
        en = jnp.sum(x * q, axis=-1, keepdims=True)
        en = jnp.where(valid, en, -jnp.inf)
        mx = jnp.max(en)
        w = jnp.where(valid, jnp.exp(en - mx), 0.0)
        readout = jnp.sum(x * w, axis=0, keepdims=True) / jnp.sum(w)

    hmlp = jnp.maximum(mm(q, Wp1q) + mm(readout, Wp1r) + bp1[...], 0.0)
    out_ref[...] = mm(hmlp, Wp2) + bp2[...]


def _tail(aggp, hid, b_conv2d, gw, tw):
    return pl.pallas_call(
        _tail_body,
        out_shape=jax.ShapeDtypeStruct((1, D), _f32),
    )(aggp, hid, b_conv2d, *gw, *tw)


def kernel(edge_index, h, e, Eh0, Eh1, Eh2, Ee0, Ee1, W_proj, b_proj,
           W_e1, b_e1, W_e2, b_e2, b_conv,
           W_ih_gru, W_hh_gru, b_ih_gru, b_hh_gru,
           W_ih_lstm, W_hh_lstm, b_ih_lstm, b_hh_lstm,
           W_p1, b_p1, W_p2, b_p2):
    def _edges(v, fill):
        v = jnp.concatenate([v.astype(jnp.int32),
                             jnp.full((EPAD,), fill, jnp.int32)])
        return v.reshape(NW, NCHUNK, CHUNK)
    srcb = _edges(edge_index[0], 0)
    dstb = _edges(edge_index[1], N)
    e0b = _edges(e[:, 0], 0)
    e1b = _edges(e[:, 1], 0)
    hpad = jnp.zeros((N_PAD - N, 1), jnp.int32)
    h0 = jnp.concatenate([h[:, 0:1].astype(jnp.int32), hpad])
    h1 = jnp.concatenate([h[:, 1:2].astype(jnp.int32), hpad])
    h2 = jnp.concatenate([h[:, 2:3].astype(jnp.int32), hpad])
    We2t = W_e2.reshape(2 * D, D, D).transpose(1, 0, 2)
    be2r = b_e2.reshape(D, D)
    Wgi = W_ih_gru.T
    Wgh = W_hh_gru.T
    gw = [Wgi[:, 0:D], Wgi[:, D:2 * D], Wgi[:, 2 * D:3 * D],
          Wgh[:, 0:D], Wgh[:, D:2 * D], Wgh[:, 2 * D:3 * D],
          b_ih_gru[0:D].reshape(1, D), b_ih_gru[D:2 * D].reshape(1, D),
          b_ih_gru[2 * D:3 * D].reshape(1, D),
          b_hh_gru[0:D].reshape(1, D), b_hh_gru[D:2 * D].reshape(1, D),
          b_hh_gru[2 * D:3 * D].reshape(1, D)]
    Wli = W_ih_lstm.T
    Wlh = W_hh_lstm.T
    bl_i = b_ih_lstm.reshape(1, 4 * D)
    bl_h = b_hh_lstm.reshape(1, 4 * D)
    tw = []
    for g in range(4):
        tw += [Wli[0:D, g * D:(g + 1) * D], Wli[D:2 * D, g * D:(g + 1) * D]]
    tw += [Wlh[:, g * D:(g + 1) * D] for g in range(4)]
    tw += [(bl_i[:, g * D:(g + 1) * D] + bl_h[:, g * D:(g + 1) * D])
           for g in range(4)]
    tw += [W_p1[0:D], W_p1[D:2 * D], b_p1.reshape(1, D), W_p2,
           b_p2.reshape(1, D)]

    x0, wall = _prep(h0, h1, h2, Eh0, Eh1, Eh2,
                     W_proj[0:8], W_proj[8:12], W_proj[12:16],
                     b_proj.reshape(1, D), Ee0, Ee1,
                     W_e1[0:4], W_e1[4:8], b_e1.reshape(1, 2 * D), We2t, be2r)
    w2d = wall.reshape(D, NCLS * D)
    y = _ymm(x0, w2d)
    hid = x0
    bc2d = b_conv.reshape(1, D)
    aggp, gidxb = _sc_step_first(y.reshape(N_PAD * NCLS, D), srcb, e0b, e1b,
                                 dstb)
    hid, y = _gru_step(aggp, hid, w2d, bc2d, gw)
    aggp = _sc_step_rest(y.reshape(N_PAD * NCLS, D), gidxb, dstb)
    hid, y = _gru_step(aggp, hid, w2d, bc2d, gw)
    aggp = _sc_step_rest(y.reshape(N_PAD * NCLS, D), gidxb, dstb)
    return _tail(aggp, hid, bc2d, gw, tw)

# --- scband reference (transcript-rebuilt; emitter-appended) ---
"""Pipeline reference for scband-mpnn-2448131359132 (READ-ONLY COPY).

The authoritative reference and input builder live on the scoring server;
editing this copy changes nothing except your own understanding.
"""

import jax, jax.numpy as jnp
import numpy as np

N = 10000
E = 320000
D = 16
EH = 32
T_MP = 3
T_S2S = 3
OUT = 16


def setup_inputs(seed: int = 0):
    key = jax.random.key(seed)
    ks = jax.random.split(key, 20)
    s = 0.1
    inp = {}
    inp['edge_index'] = jax.random.randint(ks[0], (2, E), 0, N)
    inp['h'] = jax.random.randint(ks[1], (N, 3), 0, 16)
    inp['e'] = jax.random.randint(ks[2], (E, 2), 0, 8)
    inp['Eh0'] = jax.random.normal(ks[3], (16, 8), dtype=jnp.float32) * s
    inp['Eh1'] = jax.random.normal(ks[4], (16, 4), dtype=jnp.float32) * s
    inp['Eh2'] = jax.random.normal(ks[5], (16, 4), dtype=jnp.float32) * s
    inp['Ee0'] = jax.random.normal(ks[6], (8, 4), dtype=jnp.float32) * s
    inp['Ee1'] = jax.random.normal(ks[7], (8, 4), dtype=jnp.float32) * s
    inp['W_proj'] = jax.random.normal(ks[8], (16, D), dtype=jnp.float32) * s
    inp['b_proj'] = jnp.zeros((D,), dtype=jnp.float32)
    inp['W_e1'] = jax.random.normal(ks[9], (8, EH), dtype=jnp.float32) * s
    inp['b_e1'] = jnp.zeros((EH,), dtype=jnp.float32)
    inp['W_e2'] = jax.random.normal(ks[10], (EH, D * D), dtype=jnp.float32) * s
    inp['b_e2'] = jnp.zeros((D * D,), dtype=jnp.float32)
    inp['b_conv'] = jnp.zeros((D,), dtype=jnp.float32)
    inp['W_ih_gru'] = jax.random.normal(ks[11], (3 * D, D), dtype=jnp.float32) * s
    inp['W_hh_gru'] = jax.random.normal(ks[12], (3 * D, D), dtype=jnp.float32) * s
    inp['b_ih_gru'] = jnp.zeros((3 * D,), dtype=jnp.float32)
    inp['b_hh_gru'] = jnp.zeros((3 * D,), dtype=jnp.float32)
    inp['W_ih_lstm'] = jax.random.normal(ks[13], (4 * D, 2 * D), dtype=jnp.float32) * s
    inp['W_hh_lstm'] = jax.random.normal(ks[14], (4 * D, D), dtype=jnp.float32) * s
    inp['b_ih_lstm'] = jnp.zeros((4 * D,), dtype=jnp.float32)
    inp['b_hh_lstm'] = jnp.zeros((4 * D,), dtype=jnp.float32)
    inp['W_p1'] = jax.random.normal(ks[15], (2 * D, D), dtype=jnp.float32) * s
    inp['b_p1'] = jnp.zeros((D,), dtype=jnp.float32)
    inp['W_p2'] = jax.random.normal(ks[16], (D, OUT), dtype=jnp.float32) * s
    inp['b_p2'] = jnp.zeros((OUT,), dtype=jnp.float32)
    return inp


def reference(edge_index, h, e, Eh0, Eh1, Eh2, Ee0, Ee1, W_proj, b_proj,
              W_e1, b_e1, W_e2, b_e2, b_conv,
              W_ih_gru, W_hh_gru, b_ih_gru, b_hh_gru,
              W_ih_lstm, W_hh_lstm, b_ih_lstm, b_hh_lstm,
              W_p1, b_p1, W_p2, b_p2):
    src = edge_index[0]
    dst = edge_index[1]
    # per-feature embedding lookup + concat (Embedding wrapper)
    hf = jnp.concatenate([Eh0[h[:, 0]], Eh1[h[:, 1]], Eh2[h[:, 2]]], axis=-1)
    ef = jnp.concatenate([Ee0[e[:, 0]], Ee1[e[:, 1]]], axis=-1)
    # MPNNGNN: project node feats
    x = jax.nn.relu(hf @ W_proj + b_proj)
    hidden = x
    # NNConv edge network (edge feats are constant across steps)
    ew = jax.nn.relu(ef @ W_e1 + b_e1) @ W_e2 + b_e2
    ew = ew.reshape(-1, D, D)
    for _ in range(T_MP):
        m = jnp.einsum('ed,edo->eo', x[src], ew)
        agg = jax.ops.segment_sum(m, dst, num_segments=N) + b_conv
        x_in = jax.nn.relu(agg)
        # GRU cell (seq_len=1, batch=N nodes)
        gi = x_in @ W_ih_gru.T + b_ih_gru
        gh = hidden @ W_hh_gru.T + b_hh_gru
        i_r, i_z, i_n = jnp.split(gi, 3, axis=-1)
        h_r, h_z, h_n = jnp.split(gh, 3, axis=-1)
        r = jax.nn.sigmoid(i_r + h_r)
        z = jax.nn.sigmoid(i_z + h_z)
        n = jnp.tanh(i_n + r * h_n)
        hidden = (1.0 - z) * n + z * hidden
        x = hidden
    # Set2Set readout (single graph, batch_size=1)
    hc = jnp.zeros((1, D), dtype=x.dtype)
    cc = jnp.zeros((1, D), dtype=x.dtype)
    q_star = jnp.zeros((1, 2 * D), dtype=x.dtype)
    for _ in range(T_S2S):
        gates = q_star @ W_ih_lstm.T + b_ih_lstm + hc @ W_hh_lstm.T + b_hh_lstm
        i_g, f_g, g_g, o_g = jnp.split(gates, 4, axis=-1)
        i_g = jax.nn.sigmoid(i_g)
        f_g = jax.nn.sigmoid(f_g)
        g_g = jnp.tanh(g_g)
        o_g = jax.nn.sigmoid(o_g)
        cc = f_g * cc + i_g * g_g
        hc = o_g * jnp.tanh(cc)
        q = hc
        en = jnp.sum(x * q, axis=-1)
        alpha = jax.nn.softmax(en)
        readout = jnp.sum(x * alpha[:, None], axis=0, keepdims=True)
        q_star = jnp.concatenate([q, readout], axis=-1)
    # predictor MLP
    out = jax.nn.relu(q_star @ W_p1 + b_p1) @ W_p2 + b_p2
    return out

if __name__ == "__main__":
    import jax
    _d = setup_inputs()
    print(jax.jit(kernel)(*tuple(_d.values())))

</pallas_src>

<mosaic_0001>
#map = affine_map<(d0, d1) -> (0, 0)>
#map1 = affine_map<(d0, d1) -> (0, 0, 0)>
module attributes {stable_mosaic.version = 14 : i64} {
  func.func @_sc_body_first(%arg0: i32, %arg1: i32, %arg2: memref<655360x16xf32, #tpu.memory_space<hbm>>, %arg3: memref<32x125x80xi32, #tpu.memory_space<hbm>>, %arg4: memref<32x125x80xi32, #tpu.memory_space<hbm>>, %arg5: memref<32x125x80xi32, #tpu.memory_space<hbm>>, %arg6: memref<32x125x80xi32, #tpu.memory_space<hbm>>, %arg7: memref<20480x16xf32, #tpu.memory_space<hbm>>, %arg8: memref<32x125x80xi32, #tpu.memory_space<hbm>>, %arg9: memref<125x80xi32, #tpu.memory_space<vmem>>, %arg10: memref<125x80xi32, #tpu.memory_space<vmem>>, %arg11: memref<125x80xi32, #tpu.memory_space<vmem>>, %arg12: memref<125x80xi32, #tpu.memory_space<vmem>>, %arg13: memref<125x80xi32, #tpu.memory_space<vmem>>, %arg14: memref<80x16xf32, #tpu.memory_space<vmem>>, %arg15: memref<80x16xf32, #tpu.memory_space<vmem>>, %arg16: memref<80x16xf32, #tpu.memory_space<vmem>>, %arg17: memref<80x16xf32, #tpu.memory_space<vmem>>, %arg18: memref<640x16xf32, #tpu.memory_space<vmem>>, %arg19: memref<10240x16xf32, #tpu.memory_space<vmem_shared>>, %arg20: memref<!tpu.dma_semaphore, #tpu.memory_space<semaphore_mem>>, %arg21: memref<!tpu.dma_semaphore, #tpu.memory_space<semaphore_mem>>, %arg22: memref<!tpu.dma_semaphore, #tpu.memory_space<semaphore_mem>>, %arg23: memref<!tpu.dma_semaphore, #tpu.memory_space<semaphore_mem>>) attributes {dimension_semantics = [#tpu.dimension_semantics<core_parallel>, #tpu.dimension_semantics<subcore_parallel>], iteration_bounds = array<i64: 2, 16>, scalar_prefetch = 0 : i64, scratch_operands = 15 : i64, tpu.core_type = #tpu.core_type<sc_vector_subcore>, window_params = [{transform_indices = #map}, {transform_indices = #map1}, {transform_indices = #map1}, {transform_indices = #map1}, {transform_indices = #map1}, {transform_indices = #map}, {transform_indices = #map1}]} {
    %mul3A = arith.constant 2 : i32
    %mul3A_0 = arith.muli %arg1, %mul3A : i32
    %add3A = arith.addi %mul3A_0, %arg0 : i32
    "tpu.region"() ({
      %run_scoped3A_61 = tpu.sem_alloc : memref<!tpu.dma_semaphore, #tpu.memory_space<semaphore_mem>>
      %dma_start3A_62 = arith.constant 0 : i32
      %dma_start3A_63 = arith.constant 0 : i32
      %dma_start3A_64 = tpu.memref_slice %arg3[%add3A, %dma_start3A_62, %dma_start3A_63] : memref<32x125x80xi32, #tpu.memory_space<hbm>> -> memref<1x125x80xi32, #tpu.memory_space<hbm>>
      %dma_start3A_65 = tpu.memref_squeeze %dma_start3A_64 : memref<1x125x80xi32, #tpu.memory_space<hbm>> -> memref<125x80xi32, #tpu.memory_space<hbm>>
      %dma_start3A_66 = arith.constant 0 : i32
      %dma_start3A_67 = arith.constant 0 : i32
      %dma_start3A_68 = tpu.memref_slice %arg3[%add3A, %dma_start3A_66, %dma_start3A_67] : memref<32x125x80xi32, #tpu.memory_space<hbm>> -> memref<1x125x80xi32, #tpu.memory_space<hbm>>
      %dma_start3A_69 = tpu.memref_squeeze %dma_start3A_68 : memref<1x125x80xi32, #tpu.memory_space<hbm>> -> memref<125x80xi32, #tpu.memory_space<hbm>>
      tpu.enqueue_dma source(%dma_start3A_69 : memref<125x80xi32, #tpu.memory_space<hbm>>) target(%arg9 : memref<125x80xi32, #tpu.memory_space<vmem>>) target_semaphore(%run_scoped3A_61 : memref<!tpu.dma_semaphore, #tpu.memory_space<semaphore_mem>>)
      %dma_wait3A_70 = arith.constant 0 : i32
      %dma_wait3A_71 = arith.constant 0 : i32
      %dma_wait3A_72 = tpu.memref_slice %arg3[%add3A, %dma_wait3A_70, %dma_wait3A_71] : memref<32x125x80xi32, #tpu.memory_space<hbm>> -> memref<1x125x80xi32, #tpu.memory_space<hbm>>
      %dma_wait3A_73 = tpu.memref_squeeze %dma_wait3A_72 : memref<1x125x80xi32, #tpu.memory_space<hbm>> -> memref<125x80xi32, #tpu.memory_space<hbm>>
      %dma_wait3A_74 = arith.constant 0 : i32
      %dma_wait3A_75 = arith.constant 0 : i32
      %dma_wait3A_76 = tpu.memref_slice %arg3[%add3A, %dma_wait3A_74, %dma_wait3A_75] : memref<32x125x80xi32, #tpu.memory_space<hbm>> -> memref<1x125x80xi32, #tpu.memory_space<hbm>>
      %dma_wait3A_77 = tpu.memref_squeeze %dma_wait3A_76 : memref<1x125x80xi32, #tpu.memory_space<hbm>> -> memref<125x80xi32, #tpu.memory_space<hbm>>
      tpu.wait_dma2 semaphore(%run_scoped3A_61 : memref<!tpu.dma_semaphore, #tpu.memory_space<semaphore_mem>>) src(%dma_wait3A_77 : memref<125x80xi32, #tpu.memory_space<hbm>>) dst(%arg9 : memref<125x80xi32, #tpu.memory_space<vmem>>)
      tpu.yield
    }) : () -> ()
    "tpu.region"() ({
      %run_scoped3A_61 = tpu.sem_alloc : memref<!tpu.dma_semaphore, #tpu.memory_space<semaphore_mem>>
      %dma_start3A_62 = arith.constant 0 : i32
      %dma_start3A_63 = arith.constant 0 : i32
      %dma_start3A_64 = tpu.memref_slice %arg4[%add3A, %dma_start3A_62, %dma_start3A_63] : memref<32x125x80xi32, #tpu.memory_space<hbm>> -> memref<1x125x80xi32, #tpu.memory_space<hbm>>
      %dma_start3A_65 = tpu.memref_squeeze %dma_start3A_64 : memref<1x125x80xi32, #tpu.memory_space<hbm>> -> memref<125x80xi32, #tpu.memory_space<hbm>>
      %dma_start3A_66 = arith.constant 0 : i32
      %dma_start3A_67 = arith.constant 0 : i32
      %dma_start3A_68 = tpu.memref_slice %arg4[%add3A, %dma_start3A_66, %dma_start3A_67] : memref<32x125x80xi32, #tpu.memory_space<hbm>> -> memref<1x125x80xi32, #tpu.memory_space<hbm>>
      %dma_start3A_69 = tpu.memref_squeeze %dma_start3A_68 : memref<1x125x80xi32, #tpu.memory_space<hbm>> -> memref<125x80xi32, #tpu.memory_space<hbm>>
      tpu.enqueue_dma source(%dma_start3A_69 : memref<125x80xi32, #tpu.memory_space<hbm>>) target(%arg10 : memref<125x80xi32, #tpu.memory_space<vmem>>) target_semaphore(%run_scoped3A_61 : memref<!tpu.dma_semaphore, #tpu.memory_space<semaphore_mem>>)
      %dma_wait3A_70 = arith.constant 0 : i32
      %dma_wait3A_71 = arith.constant 0 : i32
      %dma_wait3A_72 = tpu.memref_slice %arg4[%add3A, %dma_wait3A_70, %dma_wait3A_71] : memref<32x125x80xi32, #tpu.memory_space<hbm>> -> memref<1x125x80xi32, #tpu.memory_space<hbm>>
      %dma_wait3A_73 = tpu.memref_squeeze %dma_wait3A_72 : memref<1x125x80xi32, #tpu.memory_space<hbm>> -> memref<125x80xi32, #tpu.memory_space<hbm>>
      %dma_wait3A_74 = arith.constant 0 : i32
      %dma_wait3A_75 = arith.constant 0 : i32
      %dma_wait3A_76 = tpu.memref_slice %arg4[%add3A, %dma_wait3A_74, %dma_wait3A_75] : memref<32x125x80xi32, #tpu.memory_space<hbm>> -> memref<1x125x80xi32, #tpu.memory_space<hbm>>
      %dma_wait3A_77 = tpu.memref_squeeze %dma_wait3A_76 : memref<1x125x80xi32, #tpu.memory_space<hbm>> -> memref<125x80xi32, #tpu.memory_space<hbm>>
      tpu.wait_dma2 semaphore(%run_scoped3A_61 : memref<!tpu.dma_semaphore, #tpu.memory_space<semaphore_mem>>) src(%dma_wait3A_77 : memref<125x80xi32, #tpu.memory_space<hbm>>) dst(%arg10 : memref<125x80xi32, #tpu.memory_space<vmem>>)
      tpu.yield
    }) : () -> ()
    "tpu.region"() ({
      %run_scoped3A_61 = tpu.sem_alloc : memref<!tpu.dma_semaphore, #tpu.memory_space<semaphore_mem>>
      %dma_start3A_62 = arith.constant 0 : i32
      %dma_start3A_63 = arith.constant 0 : i32
      %dma_start3A_64 = tpu.memref_slice %arg5[%add3A, %dma_start3A_62, %dma_start3A_63] : memref<32x125x80xi32, #tpu.memory_space<hbm>> -> memref<1x125x80xi32, #tpu.memory_space<hbm>>
      %dma_start3A_65 = tpu.memref_squeeze %dma_start3A_64 : memref<1x125x80xi32, #tpu.memory_space<hbm>> -> memref<125x80xi32, #tpu.memory_space<hbm>>
      %dma_start3A_66 = arith.constant 0 : i32
      %dma_start3A_67 = arith.constant 0 : i32
      %dma_start3A_68 = tpu.memref_slice %arg5[%add3A, %dma_start3A_66, %dma_start3A_67] : memref<32x125x80xi32, #tpu.memory_space<hbm>> -> memref<1x125x80xi32, #tpu.memory_space<hbm>>
      %dma_start3A_69 = tpu.memref_squeeze %dma_start3A_68 : memref<1x125x80xi32, #tpu.memory_space<hbm>> -> memref<125x80xi32, #tpu.memory_space<hbm>>
      tpu.enqueue_dma source(%dma_start3A_69 : memref<125x80xi32, #tpu.memory_space<hbm>>) target(%arg11 : memref<125x80xi32, #tpu.memory_space<vmem>>) target_semaphore(%run_scoped3A_61 : memref<!tpu.dma_semaphore, #tpu.memory_space<semaphore_mem>>)
      %dma_wait3A_70 = arith.constant 0 : i32
      %dma_wait3A_71 = arith.constant 0 : i32
      %dma_wait3A_72 = tpu.memref_slice %arg5[%add3A, %dma_wait3A_70, %dma_wait3A_71] : memref<32x125x80xi32, #tpu.memory_space<hbm>> -> memref<1x125x80xi32, #tpu.memory_space<hbm>>
      %dma_wait3A_73 = tpu.memref_squeeze %dma_wait3A_72 : memref<1x125x80xi32, #tpu.memory_space<hbm>> -> memref<125x80xi32, #tpu.memory_space<hbm>>
      %dma_wait3A_74 = arith.constant 0 : i32
      %dma_wait3A_75 = arith.constant 0 : i32
      %dma_wait3A_76 = tpu.memref_slice %arg5[%add3A, %dma_wait3A_74, %dma_wait3A_75] : memref<32x125x80xi32, #tpu.memory_space<hbm>> -> memref<1x125x80xi32, #tpu.memory_space<hbm>>
      %dma_wait3A_77 = tpu.memref_squeeze %dma_wait3A_76 : memref<1x125x80xi32, #tpu.memory_space<hbm>> -> memref<125x80xi32, #tpu.memory_space<hbm>>
      tpu.wait_dma2 semaphore(%run_scoped3A_61 : memref<!tpu.dma_semaphore, #tpu.memory_space<semaphore_mem>>) src(%dma_wait3A_77 : memref<125x80xi32, #tpu.memory_space<hbm>>) dst(%arg11 : memref<125x80xi32, #tpu.memory_space<vmem>>)
      tpu.yield
    }) : () -> ()
    "tpu.region"() ({
      %run_scoped3A_61 = tpu.sem_alloc : memref<!tpu.dma_semaphore, #tpu.memory_space<semaphore_mem>>
      %dma_start3A_62 = arith.constant 0 : i32
      %dma_start3A_63 = arith.constant 0 : i32
      %dma_start3A_64 = tpu.memref_slice %arg6[%add3A, %dma_start3A_62, %dma_start3A_63] : memref<32x125x80xi32, #tpu.memory_space<hbm>> -> memref<1x125x80xi32, #tpu.memory_space<hbm>>
      %dma_start3A_65 = tpu.memref_squeeze %dma_start3A_64 : memref<1x125x80xi32, #tpu.memory_space<hbm>> -> memref<125x80xi32, #tpu.memory_space<hbm>>
      %dma_start3A_66 = arith.constant 0 : i32
      %dma_start3A_67 = arith.constant 0 : i32
      %dma_start3A_68 = tpu.memref_slice %arg6[%add3A, %dma_start3A_66, %dma_start3A_67] : memref<32x125x80xi32, #tpu.memory_space<hbm>> -> memref<1x125x80xi32, #tpu.memory_space<hbm>>
      %dma_start3A_69 = tpu.memref_squeeze %dma_start3A_68 : memref<1x125x80xi32, #tpu.memory_space<hbm>> -> memref<125x80xi32, #tpu.memory_space<hbm>>
      tpu.enqueue_dma source(%dma_start3A_69 : memref<125x80xi32, #tpu.memory_space<hbm>>) target(%arg12 : memref<125x80xi32, #tpu.memory_space<vmem>>) target_semaphore(%run_scoped3A_61 : memref<!tpu.dma_semaphore, #tpu.memory_space<semaphore_mem>>)
      %dma_wait3A_70 = arith.constant 0 : i32
      %dma_wait3A_71 = arith.constant 0 : i32
      %dma_wait3A_72 = tpu.memref_slice %arg6[%add3A, %dma_wait3A_70, %dma_wait3A_71] : memref<32x125x80xi32, #tpu.memory_space<hbm>> -> memref<1x125x80xi32, #tpu.memory_space<hbm>>
      %dma_wait3A_73 = tpu.memref_squeeze %dma_wait3A_72 : memref<1x125x80xi32, #tpu.memory_space<hbm>> -> memref<125x80xi32, #tpu.memory_space<hbm>>
      %dma_wait3A_74 = arith.constant 0 : i32
      %dma_wait3A_75 = arith.constant 0 : i32
      %dma_wait3A_76 = tpu.memref_slice %arg6[%add3A, %dma_wait3A_74, %dma_wait3A_75] : memref<32x125x80xi32, #tpu.memory_space<hbm>> -> memref<1x125x80xi32, #tpu.memory_space<hbm>>
      %dma_wait3A_77 = tpu.memref_squeeze %dma_wait3A_76 : memref<1x125x80xi32, #tpu.memory_space<hbm>> -> memref<125x80xi32, #tpu.memory_space<hbm>>
      tpu.wait_dma2 semaphore(%run_scoped3A_61 : memref<!tpu.dma_semaphore, #tpu.memory_space<semaphore_mem>>) src(%dma_wait3A_77 : memref<125x80xi32, #tpu.memory_space<hbm>>) dst(%arg12 : memref<125x80xi32, #tpu.memory_space<vmem>>)
      tpu.yield
    }) : () -> ()
    %scan3A = arith.constant 0 : i32
    %scan3A_1 = arith.constant 0 : i32
    %scan3A_2 = arith.constant 640 : i32
    %scan3A_3 = arith.addi %scan3A_1, %scan3A_2 : i32
    %scan3A_4 = arith.constant 1 : i32
    scf.for %scan3A_61 = %scan3A_1 to %scan3A_3 step %scan3A_4  : i32 {
      %broadcast_in_dim3A = arith.constant 0.000000e+00 : f32
      %broadcast_in_dim3A_62 = vector.broadcast %broadcast_in_dim3A : f32 to vector<16xf32>
      %swap3A = arith.index_cast %scan3A_61 : i32 to index
      %swap3A_63 = arith.constant 0 : index
      %swap3A_64 = tpu.vector_load %arg18[%swap3A, %swap3A_63] {strides = array<i32>} : memref<640x16xf32, #tpu.memory_space<vmem>>, vector<1x16xf32>,
      %swap3A_65 = vector.shape_cast %swap3A_64 : vector<1x16xf32> to vector<16xf32>
      %swap3A_66 = vector.shape_cast %broadcast_in_dim3A_62 : vector<16xf32> to vector<1x16xf32>
      tpu.vector_store %arg18[%swap3A, %swap3A_63], %swap3A_66 {strides = array<i32>} : memref<640x16xf32, #tpu.memory_space<vmem>>, vector<1x16xf32>,
    }
    %scan3A_5 = arith.constant 640 : i32
    %mul3A_6 = arith.constant 640 : i32
    %mul3A_7 = arith.muli %arg1, %mul3A_6 : i32
    "tpu.region"() ({
      %run_scoped3A_61 = tpu.sem_alloc : memref<!tpu.dma_semaphore, #tpu.memory_space<semaphore_mem>>
      %dma_start3A_62 = arith.constant 0 : i32
      %dma_start3A_63 = tpu.memref_slice %arg19[%mul3A_7, %dma_start3A_62] : memref<10240x16xf32, #tpu.memory_space<vmem_shared>> -> memref<640x16xf32, #tpu.memory_space<vmem_shared>>
      %dma_start3A_64 = arith.constant 0 : i32
      %dma_start3A_65 = tpu.memref_slice %arg19[%mul3A_7, %dma_start3A_64] : memref<10240x16xf32, #tpu.memory_space<vmem_shared>> -> memref<640x16xf32, #tpu.memory_space<vmem_shared>>
      tpu.enqueue_dma source(%arg18 : memref<640x16xf32, #tpu.memory_space<vmem>>) target(%dma_start3A_65 : memref<640x16xf32, #tpu.memory_space<vmem_shared>>) target_semaphore(%run_scoped3A_61 : memref<!tpu.dma_semaphore, #tpu.memory_space<semaphore_mem>>)
      %dma_wait3A_66 = arith.constant 0 : i32
      %dma_wait3A_67 = tpu.memref_slice %arg19[%mul3A_7, %dma_wait3A_66] : memref<10240x16xf32, #tpu.memory_space<vmem_shared>> -> memref<640x16xf32, #tpu.memory_space<vmem_shared>>
      %dma_wait3A_68 = arith.constant 0 : i32
      %dma_wait3A_69 = tpu.memref_slice %arg19[%mul3A_7, %dma_wait3A_68] : memref<10240x16xf32, #tpu.memory_space<vmem_shared>> -> memref<640x16xf32, #tpu.memory_space<vmem_shared>>
      tpu.wait_dma2 semaphore(%run_scoped3A_61 : memref<!tpu.dma_semaphore, #tpu.memory_space<semaphore_mem>>) src(%arg18 : memref<640x16xf32, #tpu.memory_space<vmem>>) dst(%dma_wait3A_69 : memref<640x16xf32, #tpu.memory_space<vmem_shared>>)
      tpu.yield
    }) : () -> ()
    %scan3A_8 = arith.constant 0 : i32
    %scan3A_9 = arith.constant 0 : i32
    %scan3A_10 = arith.constant 125 : i32
    %scan3A_11 = arith.addi %scan3A_9, %scan3A_10 : i32
    %scan3A_12 = arith.constant 1 : i32
    scf.for %scan3A_61 = %scan3A_9 to %scan3A_11 step %scan3A_12  : i32 {
      %get3A = arith.index_cast %scan3A_61 : i32 to index
      %get3A_62 = arith.constant 0 : index
      %get3A_63 = tpu.vector_load %arg9[%get3A, %get3A_62] {strides = array<i32>} : memref<125x80xi32, #tpu.memory_space<vmem>>, vector<1x16xi32>,
      %get3A_64 = vector.shape_cast %get3A_63 : vector<1x16xi32> to vector<16xi32>
      %mul3A_65 = arith.constant 64 : i32
      %mul3A_66 = vector.broadcast %mul3A_65 : i32 to vector<16xi32>
      %mul3A_67 = arith.muli %get3A_64, %mul3A_66 : vector<16xi32>
      %get3A_68 = arith.index_cast %scan3A_61 : i32 to index
      %get3A_69 = arith.constant 0 : index
      %get3A_70 = tpu.vector_load %arg10[%get3A_68, %get3A_69] {strides = array<i32>} : memref<125x80xi32, #tpu.memory_space<vmem>>, vector<1x16xi32>,
      %get3A_71 = vector.shape_cast %get3A_70 : vector<1x16xi32> to vector<16xi32>
      %mul3A_72 = arith.constant 8 : i32
      %mul3A_73 = vector.broadcast %mul3A_72 : i32 to vector<16xi32>
      %mul3A_74 = arith.muli %get3A_71, %mul3A_73 : vector<16xi32>
      %add3A_75 = arith.addi %mul3A_67, %mul3A_74 : vector<16xi32>
      %get3A_76 = arith.index_cast %scan3A_61 : i32 to index
      %get3A_77 = arith.constant 0 : index
      %get3A_78 = tpu.vector_load %arg11[%get3A_76, %get3A_77] {strides = array<i32>} : memref<125x80xi32, #tpu.memory_space<vmem>>, vector<1x16xi32>,
      %get3A_79 = vector.shape_cast %get3A_78 : vector<1x16xi32> to vector<16xi32>
      %add3A_80 = arith.addi %add3A_75, %get3A_79 : vector<16xi32>
      %swap3A = arith.index_cast %scan3A_61 : i32 to index
      %swap3A_81 = arith.constant 0 : index
      %swap3A_82 = tpu.vector_load %arg13[%swap3A, %swap3A_81] {strides = array<i32>} : memref<125x80xi32, #tpu.memory_space<vmem>>, vector<1x16xi32>,
      %swap3A_83 = vector.shape_cast %swap3A_82 : vector<1x16xi32> to vector<16xi32>
      %swap3A_84 = vector.shape_cast %add3A_80 : vector<16xi32> to vector<1x16xi32>
      tpu.vector_store %arg13[%swap3A, %swap3A_81], %swap3A_84 {strides = array<i32>} : memref<125x80xi32, #tpu.memory_space<vmem>>, vector<1x16xi32>,
      %get3A_85 = arith.index_cast %scan3A_61 : i32 to index
      %get3A_86 = arith.constant 16 : index
      %get3A_87 = tpu.vector_load %arg9[%get3A_85, %get3A_86] {strides = array<i32>} : memref<125x80xi32, #tpu.memory_space<vmem>>, vector<1x16xi32>,
      %get3A_88 = vector.shape_cast %get3A_87 : vector<1x16xi32> to vector<16xi32>
      %mul3A_89 = arith.constant 64 : i32
      %mul3A_90 = vector.broadcast %mul3A_89 : i32 to vector<16xi32>
      %mul3A_91 = arith.muli %get3A_88, %mul3A_90 : vector<16xi32>
      %get3A_92 = arith.index_cast %scan3A_61 : i32 to index
      %get3A_93 = arith.constant 16 : index
      %get3A_94 = tpu.vector_load %arg10[%get3A_92, %get3A_93] {strides = array<i32>} : memref<125x80xi32, #tpu.memory_space<vmem>>, vector<1x16xi32>,
      %get3A_95 = vector.shape_cast %get3A_94 : vector<1x16xi32> to vector<16xi32>
      %mul3A_96 = arith.constant 8 : i32
      %mul3A_97 = vector.broadcast %mul3A_96 : i32 to vector<16xi32>
      %mul3A_98 = arith.muli %get3A_95, %mul3A_97 : vector<16xi32>
      %add3A_99 = arith.addi %mul3A_91, %mul3A_98 : vector<16xi32>
      %get3A_100 = arith.index_cast %scan3A_61 : i32 to index
      %get3A_101 = arith.constant 16 : index
      %get3A_102 = tpu.vector_load %arg11[%get3A_100, %get3A_101] {strides = array<i32>} : memref<125x80xi32, #tpu.memory_space<vmem>>, vector<1x16xi32>,
      %get3A_103 = vector.shape_cast %get3A_102 : vector<1x16xi32> to vector<16xi32>
      %add3A_104 = arith.addi %add3A_99, %get3A_103 : vector<16xi32>
      %swap3A_105 = arith.index_cast %scan3A_61 : i32 to index
      %swap3A_106 = arith.constant 16 : index
      %swap3A_107 = tpu.vector_load %arg13[%swap3A_105, %swap3A_106] {strides = array<i32>} : memref<125x80xi32, #tpu.memory_space<vmem>>, vector<1x16xi32>,
      %swap3A_108 = vector.shape_cast %swap3A_107 : vector<1x16xi32> to vector<16xi32>
      %swap3A_109 = vector.shape_cast %add3A_104 : vector<16xi32> to vector<1x16xi32>
      tpu.vector_store %arg13[%swap3A_105, %swap3A_106], %swap3A_109 {strides = array<i32>} : memref<125x80xi32, #tpu.memory_space<vmem>>, vector<1x16xi32>,
      %get3A_110 = arith.index_cast %scan3A_61 : i32 to index
      %get3A_111 = arith.constant 32 : index
      %get3A_112 = tpu.vector_load %arg9[%get3A_110, %get3A_111] {strides = array<i32>} : memref<125x80xi32, #tpu.memory_space<vmem>>, vector<1x16xi32>,
      %get3A_113 = vector.shape_cast %get3A_112 : vector<1x16xi32> to vector<16xi32>
      %mul3A_114 = arith.constant 64 : i32
      %mul3A_115 = vector.broadcast %mul3A_114 : i32 to vector<16xi32>
      %mul3A_116 = arith.muli %get3A_113, %mul3A_115 : vector<16xi32>
      %get3A_117 = arith.index_cast %scan3A_61 : i32 to index
      %get3A_118 = arith.constant 32 : index
      %get3A_119 = tpu.vector_load %arg10[%get3A_117, %get3A_118] {strides = array<i32>} : memref<125x80xi32, #tpu.memory_space<vmem>>, vector<1x16xi32>,
      %get3A_120 = vector.shape_cast %get3A_119 : vector<1x16xi32> to vector<16xi32>
      %mul3A_121 = arith.constant 8 : i32
      %mul3A_122 = vector.broadcast %mul3A_121 : i32 to vector<16xi32>
      %mul3A_123 = arith.muli %get3A_120, %mul3A_122 : vector<16xi32>
      %add3A_124 = arith.addi %mul3A_116, %mul3A_123 : vector<16xi32>
      %get3A_125 = arith.index_cast %scan3A_61 : i32 to index
      %get3A_126 = arith.constant 32 : index
      %get3A_127 = tpu.vector_load %arg11[%get3A_125, %get3A_126] {strides = array<i32>} : memref<125x80xi32, #tpu.memory_space<vmem>>, vector<1x16xi32>,
      %get3A_128 = vector.shape_cast %get3A_127 : vector<1x16xi32> to vector<16xi32>
      %add3A_129 = arith.addi %add3A_124, %get3A_128 : vector<16xi32>
      %swap3A_130 = arith.index_cast %scan3A_61 : i32 to index
      %swap3A_131 = arith.constant 32 : index
      %swap3A_132 = tpu.vector_load %arg13[%swap3A_130, %swap3A_131] {strides = array<i32>} : memref<125x80xi32, #tpu.memory_space<vmem>>, vector<1x16xi32>,
      %swap3A_133 = vector.shape_cast %swap3A_132 : vector<1x16xi32> to vector<16xi32>
      %swap3A_134 = vector.shape_cast %add3A_129 : vector<16xi32> to vector<1x16xi32>
      tpu.vector_store %arg13[%swap3A_130, %swap3A_131], %swap3A_134 {strides = array<i32>} : memref<125x80xi32, #tpu.memory_space<vmem>>, vector<1x16xi32>,
      %get3A_135 = arith.index_cast %scan3A_61 : i32 to index
      %get3A_136 = arith.constant 48 : index
      %get3A_137 = tpu.vector_load %arg9[%get3A_135, %get3A_136] {strides = array<i32>} : memref<125x80xi32, #tpu.memory_space<vmem>>, vector<1x16xi32>,
      %get3A_138 = vector.shape_cast %get3A_137 : vector<1x16xi32> to vector<16xi32>
      %mul3A_139 = arith.constant 64 : i32
      %mul3A_140 = vector.broadcast %mul3A_139 : i32 to vector<16xi32>
      %mul3A_141 = arith.muli %get3A_138, %mul3A_140 : vector<16xi32>
      %get3A_142 = arith.index_cast %scan3A_61 : i32 to index
      %get3A_143 = arith.constant 48 : index
      %get3A_144 = tpu.vector_load %arg10[%get3A_142, %get3A_143] {strides = array<i32>} : memref<125x80xi32, #tpu.memory_space<vmem>>, vector<1x16xi32>,
      %get3A_145 = vector.shape_cast %get3A_144 : vector<1x16xi32> to vector<16xi32>
      %mul3A_146 = arith.constant 8 : i32
      %mul3A_147 = vector.broadcast %mul3A_146 : i32 to vector<16xi32>
      %mul3A_148 = arith.muli %get3A_145, %mul3A_147 : vector<16xi32>
      %add3A_149 = arith.addi %mul3A_141, %mul3A_148 : vector<16xi32>
      %get3A_150 = arith.index_cast %scan3A_61 : i32 to index
      %get3A_151 = arith.constant 48 : index
      %get3A_152 = tpu.vector_load %arg11[%get3A_150, %get3A_151] {strides = array<i32>} : memref<125x80xi32, #tpu.memory_space<vmem>>, vector<1x16xi32>,
      %get3A_153 = vector.shape_cast %get3A_152 : vector<1x16xi32> to vector<16xi32>
      %add3A_154 = arith.addi %add3A_149, %get3A_153 : vector<16xi32>
      %swap3A_155 = arith.index_cast %scan3A_61 : i32 to index
      %swap3A_156 = arith.constant 48 : index
      %swap3A_157 = tpu.vector_load %arg13[%swap3A_155, %swap3A_156] {strides = array<i32>} : memref<125x80xi32, #tpu.memory_space<vmem>>, vector<1x16xi32>,
      %swap3A_158 = vector.shape_cast %swap3A_157 : vector<1x16xi32> to vector<16xi32>
      %swap3A_159 = vector.shape_cast %add3A_154 : vector<16xi32> to vector<1x16xi32>
      tpu.vector_store %arg13[%swap3A_155, %swap3A_156], %swap3A_159 {strides = array<i32>} : memref<125x80xi32, #tpu.memory_space<vmem>>, vector<1x16xi32>,
      %get3A_160 = arith.index_cast %scan3A_61 : i32 to index
      %get3A_161 = arith.constant 64 : index
      %get3A_162 = tpu.vector_load %arg9[%get3A_160, %get3A_161] {strides = array<i32>} : memref<125x80xi32, #tpu.memory_space<vmem>>, vector<1x16xi32>,
      %get3A_163 = vector.shape_cast %get3A_162 : vector<1x16xi32> to vector<16xi32>
      %mul3A_164 = arith.constant 64 : i32
      %mul3A_165 = vector.broadcast %mul3A_164 : i32 to vector<16xi32>
      %mul3A_166 = arith.muli %get3A_163, %mul3A_165 : vector<16xi32>
      %get3A_167 = arith.index_cast %scan3A_61 : i32 to index
      %get3A_168 = arith.constant 64 : index
      %get3A_169 = tpu.vector_load %arg10[%get3A_167, %get3A_168] {strides = array<i32>} : memref<125x80xi32, #tpu.memory_space<vmem>>, vector<1x16xi32>,
      %get3A_170 = vector.shape_cast %get3A_169 : vector<1x16xi32> to vector<16xi32>
      %mul3A_171 = arith.constant 8 : i32
      %mul3A_172 = vector.broadcast %mul3A_171 : i32 to vector<16xi32>
      %mul3A_173 = arith.muli %get3A_170, %mul3A_172 : vector<16xi32>
      %add3A_174 = arith.addi %mul3A_166, %mul3A_173 : vector<16xi32>
      %get3A_175 = arith.index_cast %scan3A_61 : i32 to index
      %get3A_176 = arith.constant 64 : index
      %get3A_177 = tpu.vector_load %arg11[%get3A_175, %get3A_176] {strides = array<i32>} : memref<125x80xi32, #tpu.memory_space<vmem>>, vector<1x16xi32>,
      %get3A_178 = vector.shape_cast %get3A_177 : vector<1x16xi32> to vector<16xi32>
      %add3A_179 = arith.addi %add3A_174, %get3A_178 : vector<16xi32>
      %swap3A_180 = arith.index_cast %scan3A_61 : i32 to index
      %swap3A_181 = arith.constant 64 : index
      %swap3A_182 = tpu.vector_load %arg13[%swap3A_180, %swap3A_181] {strides = array<i32>} : memref<125x80xi32, #tpu.memory_space<vmem>>, vector<1x16xi32>,
      %swap3A_183 = vector.shape_cast %swap3A_182 : vector<1x16xi32> to vector<16xi32>
      %swap3A_184 = vector.shape_cast %add3A_179 : vector<16xi32> to vector<1x16xi32>
      tpu.vector_store %arg13[%swap3A_180, %swap3A_181], %swap3A_184 {strides = array<i32>} : memref<125x80xi32, #tpu.memory_space<vmem>>, vector<1x16xi32>,
    }
    %scan3A_13 = arith.constant 125 : i32
    "tpu.region"() ({
      %run_scoped3A_61 = tpu.sem_alloc : memref<!tpu.dma_semaphore, #tpu.memory_space<semaphore_mem>>
      %dma_start3A_62 = arith.constant 0 : i32
      %dma_start3A_63 = arith.constant 0 : i32
      %dma_start3A_64 = tpu.memref_slice %arg8[%add3A, %dma_start3A_62, %dma_start3A_63] : memref<32x125x80xi32, #tpu.memory_space<hbm>> -> memref<1x125x80xi32, #tpu.memory_space<hbm>>
      %dma_start3A_65 = tpu.memref_squeeze %dma_start3A_64 : memref<1x125x80xi32, #tpu.memory_space<hbm>> -> memref<125x80xi32, #tpu.memory_space<hbm>>
      %dma_start3A_66 = arith.constant 0 : i32
      %dma_start3A_67 = arith.constant 0 : i32
      %dma_start3A_68 = tpu.memref_slice %arg8[%add3A, %dma_start3A_66, %dma_start3A_67] : memref<32x125x80xi32, #tpu.memory_space<hbm>> -> memref<1x125x80xi32, #tpu.memory_space<hbm>>
      %dma_start3A_69 = tpu.memref_squeeze %dma_start3A_68 : memref<1x125x80xi32, #tpu.memory_space<hbm>> -> memref<125x80xi32, #tpu.memory_space<hbm>>
      tpu.enqueue_dma source(%arg13 : memref<125x80xi32, #tpu.memory_space<vmem>>) target(%dma_start3A_69 : memref<125x80xi32, #tpu.memory_space<hbm>>) target_semaphore(%run_scoped3A_61 : memref<!tpu.dma_semaphore, #tpu.memory_space<semaphore_mem>>)
      %dma_wait3A_70 = arith.constant 0 : i32
      %dma_wait3A_71 = arith.constant 0 : i32
      %dma_wait3A_72 = tpu.memref_slice %arg8[%add3A, %dma_wait3A_70, %dma_wait3A_71] : memref<32x125x80xi32, #tpu.memory_space<hbm>> -> memref<1x125x80xi32, #tpu.memory_space<hbm>>
      %dma_wait3A_73 = tpu.memref_squeeze %dma_wait3A_72 : memref<1x125x80xi32, #tpu.memory_space<hbm>> -> memref<125x80xi32, #tpu.memory_space<hbm>>
      %dma_wait3A_74 = arith.constant 0 : i32
      %dma_wait3A_75 = arith.constant 0 : i32
      %dma_wait3A_76 = tpu.memref_slice %arg8[%add3A, %dma_wait3A_74, %dma_wait3A_75] : memref<32x125x80xi32, #tpu.memory_space<hbm>> -> memref<1x125x80xi32, #tpu.memory_space<hbm>>
      %dma_wait3A_77 = tpu.memref_squeeze %dma_wait3A_76 : memref<1x125x80xi32, #tpu.memory_space<hbm>> -> memref<125x80xi32, #tpu.memory_space<hbm>>
      tpu.wait_dma2 semaphore(%run_scoped3A_61 : memref<!tpu.dma_semaphore, #tpu.memory_space<semaphore_mem>>) src(%arg13 : memref<125x80xi32, #tpu.memory_space<vmem>>) dst(%dma_wait3A_77 : memref<125x80xi32, #tpu.memory_space<hbm>>)
      tpu.yield
    }) : () -> ()
    %barrier3A = arith.constant 0 : index
    tpu.barrier barrier_id(%barrier3A)
    %dma_start3A = arith.constant 0 : i32
    %dma_start3A_14 = arith.constant 0 : i32
    %dma_start3A_15 = tpu.memref_slice %arg13[%dma_start3A, %dma_start3A_14] : memref<125x80xi32, #tpu.memory_space<vmem>> -> memref<1x80xi32, #tpu.memory_space<vmem>>
    %dma_start3A_16 = tpu.memref_squeeze %dma_start3A_15 : memref<1x80xi32, #tpu.memory_space<vmem>> -> memref<80xi32, #tpu.memory_space<vmem>>
    %dma_start3A_17 = arith.constant 0 : i32
    %dma_start3A_18 = arith.constant 0 : i32
    %dma_start3A_19 = tpu.memref_slice %arg2[%dma_start3A_17, %dma_start3A_18] : memref<655360x16xf32, #tpu.memory_space<hbm>> -> memref<655360x16xf32, #tpu.memory_space<hbm>>
    tpu.enqueue_indirect_dma source(%dma_start3A_19 : memref<655360x16xf32, #tpu.memory_space<hbm>>) target(%arg14 : memref<80x16xf32, #tpu.memory_space<vmem>>) offsets(%dma_start3A_16 : memref<80xi32, #tpu.memory_space<vmem>>) semaphore(%arg20 : memref<!tpu.dma_semaphore, #tpu.memory_space<semaphore_mem>>)
    %dma_start3A_20 = arith.constant 1 : i32
    %dma_start3A_21 = arith.constant 0 : i32
    %dma_start3A_22 = tpu.memref_slice %arg13[%dma_start3A_20, %dma_start3A_21] : memref<125x80xi32, #tpu.memory_space<vmem>> -> memref<1x80xi32, #tpu.memory_space<vmem>>
    %dma_start3A_23 = tpu.memref_squeeze %dma_start3A_22 : memref<1x80xi32, #tpu.memory_space<vmem>> -> memref<80xi32, #tpu.memory_space<vmem>>
    %dma_start3A_24 = arith.constant 0 : i32
    %dma_start3A_25 = arith.constant 0 : i32
    %dma_start3A_26 = tpu.memref_slice %arg2[%dma_start3A_24, %dma_start3A_25] : memref<655360x16xf32, #tpu.memory_space<hbm>> -> memref<655360x16xf32, #tpu.memory_space<hbm>>
    tpu.enqueue_indirect_dma source(%dma_start3A_26 : memref<655360x16xf32, #tpu.memory_space<hbm>>) target(%arg15 : memref<80x16xf32, #tpu.memory_space<vmem>>) offsets(%dma_start3A_23 : memref<80xi32, #tpu.memory_space<vmem>>) semaphore(%arg21 : memref<!tpu.dma_semaphore, #tpu.memory_space<semaphore_mem>>)
    %dma_start3A_27 = arith.constant 2 : i32
    %dma_start3A_28 = arith.constant 0 : i32
    %dma_start3A_29 = tpu.memref_slice %arg13[%dma_start3A_27, %dma_start3A_28] : memref<125x80xi32, #tpu.memory_space<vmem>> -> memref<1x80xi32, #tpu.memory_space<vmem>>
    %dma_start3A_30 = tpu.memref_squeeze %dma_start3A_29 : memref<1x80xi32, #tpu.memory_space<vmem>> -> memref<80xi32, #tpu.memory_space<vmem>>
    %dma_start3A_31 = arith.constant 0 : i32
    %dma_start3A_32 = arith.constant 0 : i32
    %dma_start3A_33 = tpu.memref_slice %arg2[%dma_start3A_31, %dma_start3A_32] : memref<655360x16xf32, #tpu.memory_space<hbm>> -> memref<655360x16xf32, #tpu.memory_space<hbm>>
    tpu.enqueue_indirect_dma source(%dma_start3A_33 : memref<655360x16xf32, #tpu.memory_space<hbm>>) target(%arg16 : memref<80x16xf32, #tpu.memory_space<vmem>>) offsets(%dma_start3A_30 : memref<80xi32, #tpu.memory_space<vmem>>) semaphore(%arg22 : memref<!tpu.dma_semaphore, #tpu.memory_space<semaphore_mem>>)
    %dma_start3A_34 = arith.constant 3 : i32
    %dma_start3A_35 = arith.constant 0 : i32
    %dma_start3A_36 = tpu.memref_slice %arg13[%dma_start3A_34, %dma_start3A_35] : memref<125x80xi32, #tpu.memory_space<vmem>> -> memref<1x80xi32, #tpu.memory_space<vmem>>
    %dma_start3A_37 = tpu.memref_squeeze %dma_start3A_36 : memref<1x80xi32, #tpu.memory_space<vmem>> -> memref<80xi32, #tpu.memory_space<vmem>>
    %dma_start3A_38 = arith.constant 0 : i32
    %dma_start3A_39 = arith.constant 0 : i32
    %dma_start3A_40 = tpu.memref_slice %arg2[%dma_start3A_38, %dma_start3A_39] : memref<655360x16xf32, #tpu.memory_space<hbm>> -> memref<655360x16xf32, #tpu.memory_space<hbm>>
    tpu.enqueue_indirect_dma source(%dma_start3A_40 : memref<655360x16xf32, #tpu.memory_space<hbm>>) target(%arg17 : memref<80x16xf32, #tpu.memory_space<vmem>>) offsets(%dma_start3A_37 : memref<80xi32, #tpu.memory_space<vmem>>) semaphore(%arg23 : memref<!tpu.dma_semaphore, #tpu.memory_space<semaphore_mem>>)
    %scan3A_41 = arith.constant 0 : i32
    %scan3A_42 = arith.constant 0 : i32
    %scan3A_43 = arith.constant 31 : i32
    %scan3A_44 = arith.addi %scan3A_42, %scan3A_43 : i32
    %scan3A_45 = arith.constant 1 : i32
    scf.for %scan3A_61 = %scan3A_42 to %scan3A_44 step %scan3A_45  : i32 {
      %mul3A_62 = arith.constant 4 : i32
      %mul3A_63 = arith.muli %scan3A_61, %mul3A_62 : i32
      %add3A_64 = arith.constant 0 : i32
      %add3A_65 = arith.addi %mul3A_63, %add3A_64 : i32
      %dma_wait3A_66 = arith.constant 0 : i32
      %dma_wait3A_67 = tpu.memref_slice %arg13[%add3A_65, %dma_wait3A_66] : memref<125x80xi32, #tpu.memory_space<vmem>> -> memref<1x80xi32, #tpu.memory_space<vmem>>
      %dma_wait3A_68 = tpu.memref_squeeze %dma_wait3A_67 : memref<1x80xi32, #tpu.memory_space<vmem>> -> memref<80xi32, #tpu.memory_space<vmem>>
      %dma_wait3A_69 = arith.constant 0 : i32
      %dma_wait3A_70 = arith.constant 0 : i32
      %dma_wait3A_71 = tpu.memref_slice %arg2[%dma_wait3A_69, %dma_wait3A_70] : memref<655360x16xf32, #tpu.memory_space<hbm>> -> memref<655360x16xf32, #tpu.memory_space<hbm>>
      tpu.wait_indirect_dma semaphore(%arg20 : memref<!tpu.dma_semaphore, #tpu.memory_space<semaphore_mem>>) src(%dma_wait3A_71 : memref<655360x16xf32, #tpu.memory_space<hbm>>) dst(%arg14 : memref<80x16xf32, #tpu.memory_space<vmem>>)
      "tpu.region"() ({
        %run_scoped3A_121 = tpu.sem_alloc : memref<!tpu.dma_semaphore, #tpu.memory_space<semaphore_mem>>
        %dma_start3A_122 = arith.constant 0 : i32
        %dma_start3A_123 = tpu.memref_slice %arg12[%add3A_65, %dma_start3A_122] : memref<125x80xi32, #tpu.memory_space<vmem>> -> memref<1x80xi32, #tpu.memory_space<vmem>>
        %dma_start3A_124 = tpu.memref_squeeze %dma_start3A_123 : memref<1x80xi32, #tpu.memory_space<vmem>> -> memref<80xi32, #tpu.memory_space<vmem>>
        %dma_start3A_125 = arith.constant 0 : i32
        %dma_start3A_126 = arith.constant 0 : i32
        %dma_start3A_127 = tpu.memref_slice %arg19[%dma_start3A_125, %dma_start3A_126] : memref<10240x16xf32, #tpu.memory_space<vmem_shared>> -> memref<10240x16xf32, #tpu.memory_space<vmem_shared>>
        tpu.enqueue_indirect_dma source(%arg14 : memref<80x16xf32, #tpu.memory_space<vmem>>) target(%dma_start3A_127 : memref<10240x16xf32, #tpu.memory_space<vmem_shared>>) offsets(%dma_start3A_124 : memref<80xi32, #tpu.memory_space<vmem>>) semaphore(%run_scoped3A_121 : memref<!tpu.dma_semaphore, #tpu.memory_space<semaphore_mem>>) {add = true}
        %dma_wait3A_128 = arith.constant 0 : i32
        %dma_wait3A_129 = tpu.memref_slice %arg12[%add3A_65, %dma_wait3A_128] : memref<125x80xi32, #tpu.memory_space<vmem>> -> memref<1x80xi32, #tpu.memory_space<vmem>>
        %dma_wait3A_130 = tpu.memref_squeeze %dma_wait3A_129 : memref<1x80xi32, #tpu.memory_space<vmem>> -> memref<80xi32, #tpu.memory_space<vmem>>
        %dma_wait3A_131 = arith.constant 0 : i32
        %dma_wait3A_132 = arith.constant 0 : i32
        %dma_wait3A_133 = tpu.memref_slice %arg19[%dma_wait3A_131, %dma_wait3A_132] : memref<10240x16xf32, #tpu.memory_space<vmem_shared>> -> memref<10240x16xf32, #tpu.memory_space<vmem_shared>>
        tpu.wait_indirect_dma semaphore(%run_scoped3A_121 : memref<!tpu.dma_semaphore, #tpu.memory_space<semaphore_mem>>) src(%arg14 : memref<80x16xf32, #tpu.memory_space<vmem>>) dst(%dma_wait3A_133 : memref<10240x16xf32, #tpu.memory_space<vmem_shared>>)
        tpu.yield
      }) : () -> ()
      %add3A_72 = arith.constant 4 : i32
      %add3A_73 = arith.addi %add3A_65, %add3A_72 : i32
      %lt3A = arith.constant 125 : i32
      %lt3A_74 = arith.cmpi slt, %add3A_73, %lt3A : i32
      %convert_element_type3A = arith.extui %lt3A_74 : i1 to i32
      %cond3A = arith.constant 0 : i32
      %cond3A_75 = arith.cmpi ne, %convert_element_type3A, %cond3A : i32
      scf.if %cond3A_75 {
        %add3A_121 = arith.constant 4 : i32
        %add3A_122 = arith.addi %add3A_65, %add3A_121 : i32
        %dma_start3A_123 = arith.constant 0 : i32
        %dma_start3A_124 = tpu.memref_slice %arg13[%add3A_122, %dma_start3A_123] : memref<125x80xi32, #tpu.memory_space<vmem>> -> memref<1x80xi32, #tpu.memory_space<vmem>>
        %dma_start3A_125 = tpu.memref_squeeze %dma_start3A_124 : memref<1x80xi32, #tpu.memory_space<vmem>> -> memref<80xi32, #tpu.memory_space<vmem>>
        %dma_start3A_126 = arith.constant 0 : i32
        %dma_start3A_127 = arith.constant 0 : i32
        %dma_start3A_128 = tpu.memref_slice %arg2[%dma_start3A_126, %dma_start3A_127] : memref<655360x16xf32, #tpu.memory_space<hbm>> -> memref<655360x16xf32, #tpu.memory_space<hbm>>
        tpu.enqueue_indirect_dma source(%dma_start3A_128 : memref<655360x16xf32, #tpu.memory_space<hbm>>) target(%arg14 : memref<80x16xf32, #tpu.memory_space<vmem>>) offsets(%dma_start3A_125 : memref<80xi32, #tpu.memory_space<vmem>>) semaphore(%arg20 : memref<!tpu.dma_semaphore, #tpu.memory_space<semaphore_mem>>)
      } else {
      }
      %add3A_76 = arith.constant 1 : i32
      %add3A_77 = arith.addi %mul3A_63, %add3A_76 : i32
      %dma_wait3A_78 = arith.constant 0 : i32
      %dma_wait3A_79 = tpu.memref_slice %arg13[%add3A_77, %dma_wait3A_78] : memref<125x80xi32, #tpu.memory_space<vmem>> -> memref<1x80xi32, #tpu.memory_space<vmem>>
      %dma_wait3A_80 = tpu.memref_squeeze %dma_wait3A_79 : memref<1x80xi32, #tpu.memory_space<vmem>> -> memref<80xi32, #tpu.memory_space<vmem>>
      %dma_wait3A_81 = arith.constant 0 : i32
      %dma_wait3A_82 = arith.constant 0 : i32
      %dma_wait3A_83 = tpu.memref_slice %arg2[%dma_wait3A_81, %dma_wait3A_82] : memref<655360x16xf32, #tpu.memory_space<hbm>> -> memref<655360x16xf32, #tpu.memory_space<hbm>>
      tpu.wait_indirect_dma semaphore(%arg21 : memref<!tpu.dma_semaphore, #tpu.memory_space<semaphore_mem>>) src(%dma_wait3A_83 : memref<655360x16xf32, #tpu.memory_space<hbm>>) dst(%arg15 : memref<80x16xf32, #tpu.memory_space<vmem>>)
      "tpu.region"() ({
        %run_scoped3A_121 = tpu.sem_alloc : memref<!tpu.dma_semaphore, #tpu.memory_space<semaphore_mem>>
        %dma_start3A_122 = arith.constant 0 : i32
        %dma_start3A_123 = tpu.memref_slice %arg12[%add3A_77, %dma_start3A_122] : memref<125x80xi32, #tpu.memory_space<vmem>> -> memref<1x80xi32, #tpu.memory_space<vmem>>
        %dma_start3A_124 = tpu.memref_squeeze %dma_start3A_123 : memref<1x80xi32, #tpu.memory_space<vmem>> -> memref<80xi32, #tpu.memory_space<vmem>>
        %dma_start3A_125 = arith.constant 0 : i32
        %dma_start3A_126 = arith.constant 0 : i32
        %dma_start3A_127 = tpu.memref_slice %arg19[%dma_start3A_125, %dma_start3A_126] : memref<10240x16xf32, #tpu.memory_space<vmem_shared>> -> memref<10240x16xf32, #tpu.memory_space<vmem_shared>>
        tpu.enqueue_indirect_dma source(%arg15 : memref<80x16xf32, #tpu.memory_space<vmem>>) target(%dma_start3A_127 : memref<10240x16xf32, #tpu.memory_space<vmem_shared>>) offsets(%dma_start3A_124 : memref<80xi32, #tpu.memory_space<vmem>>) semaphore(%run_scoped3A_121 : memref<!tpu.dma_semaphore, #tpu.memory_space<semaphore_mem>>) {add = true}
        %dma_wait3A_128 = arith.constant 0 : i32
        %dma_wait3A_129 = tpu.memref_slice %arg12[%add3A_77, %dma_wait3A_128] : memref<125x80xi32, #tpu.memory_space<vmem>> -> memref<1x80xi32, #tpu.memory_space<vmem>>
        %dma_wait3A_130 = tpu.memref_squeeze %dma_wait3A_129 : memref<1x80xi32, #tpu.memory_space<vmem>> -> memref<80xi32, #tpu.memory_space<vmem>>
        %dma_wait3A_131 = arith.constant 0 : i32
        %dma_wait3A_132 = arith.constant 0 : i32
        %dma_wait3A_133 = tpu.memref_slice %arg19[%dma_wait3A_131, %dma_wait3A_132] : memref<10240x16xf32, #tpu.memory_space<vmem_shared>> -> memref<10240x16xf32, #tpu.memory_space<vmem_shared>>
        tpu.wait_indirect_dma semaphore(%run_scoped3A_121 : memref<!tpu.dma_semaphore, #tpu.memory_space<semaphore_mem>>) src(%arg15 : memref<80x16xf32, #tpu.memory_space<vmem>>) dst(%dma_wait3A_133 : memref<10240x16xf32, #tpu.memory_space<vmem_shared>>)
        tpu.yield
      }) : () -> ()
      %add3A_84 = arith.constant 4 : i32
      %add3A_85 = arith.addi %add3A_77, %add3A_84 : i32
      %lt3A_86 = arith.constant 125 : i32
      %lt3A_87 = arith.cmpi slt, %add3A_85, %lt3A_86 : i32
      %convert_element_type3A_88 = arith.extui %lt3A_87 : i1 to i32
      %cond3A_89 = arith.constant 0 : i32
      %cond3A_90 = arith.cmpi ne, %convert_element_type3A_88, %cond3A_89 : i32
      scf.if %cond3A_90 {
        %add3A_121 = arith.constant 4 : i32
        %add3A_122 = arith.addi %add3A_77, %add3A_121 : i32
        %dma_start3A_123 = arith.constant 0 : i32
        %dma_start3A_124 = tpu.memref_slice %arg13[%add3A_122, %dma_start3A_123] : memref<125x80xi32, #tpu.memory_space<vmem>> -> memref<1x80xi32, #tpu.memory_space<vmem>>
        %dma_start3A_125 = tpu.memref_squeeze %dma_start3A_124 : memref<1x80xi32, #tpu.memory_space<vmem>> -> memref<80xi32, #tpu.memory_space<vmem>>
        %dma_start3A_126 = arith.constant 0 : i32
        %dma_start3A_127 = arith.constant 0 : i32
        %dma_start3A_128 = tpu.memref_slice %arg2[%dma_start3A_126, %dma_start3A_127] : memref<655360x16xf32, #tpu.memory_space<hbm>> -> memref<655360x16xf32, #tpu.memory_space<hbm>>
        tpu.enqueue_indirect_dma source(%dma_start3A_128 : memref<655360x16xf32, #tpu.memory_space<hbm>>) target(%arg15 : memref<80x16xf32, #tpu.memory_space<vmem>>) offsets(%dma_start3A_125 : memref<80xi32, #tpu.memory_space<vmem>>) semaphore(%arg21 : memref<!tpu.dma_semaphore, #tpu.memory_space<semaphore_mem>>)
      } else {
      }
      %add3A_91 = arith.constant 2 : i32
      %add3A_92 = arith.addi %mul3A_63, %add3A_91 : i32
      %dma_wait3A_93 = arith.constant 0 : i32
      %dma_wait3A_94 = tpu.memref_slice %arg13[%add3A_92, %dma_wait3A_93] : memref<125x80xi32, #tpu.memory_space<vmem>> -> memref<1x80xi32, #tpu.memory_space<vmem>>
      %dma_wait3A_95 = tpu.memref_squeeze %dma_wait3A_94 : memref<1x80xi32, #tpu.memory_space<vmem>> -> memref<80xi32, #tpu.memory_space<vmem>>
      %dma_wait3A_96 = arith.constant 0 : i32
      %dma_wait3A_97 = arith.constant 0 : i32
      %dma_wait3A_98 = tpu.memref_slice %arg2[%dma_wait3A_96, %dma_wait3A_97] : memref<655360x16xf32, #tpu.memory_space<hbm>> -> memref<655360x16xf32, #tpu.memory_space<hbm>>
      tpu.wait_indirect_dma semaphore(%arg22 : memref<!tpu.dma_semaphore, #tpu.memory_space<semaphore_mem>>) src(%dma_wait3A_98 : memref<655360x16xf32, #tpu.memory_space<hbm>>) dst(%arg16 : memref<80x16xf32, #tpu.memory_space<vmem>>)
      "tpu.region"() ({
        %run_scoped3A_121 = tpu.sem_alloc : memref<!tpu.dma_semaphore, #tpu.memory_space<semaphore_mem>>
        %dma_start3A_122 = arith.constant 0 : i32
        %dma_start3A_123 = tpu.memref_slice %arg12[%add3A_92, %dma_start3A_122] : memref<125x80xi32, #tpu.memory_space<vmem>> -> memref<1x80xi32, #tpu.memory_space<vmem>>
        %dma_start3A_124 = tpu.memref_squeeze %dma_start3A_123 : memref<1x80xi32, #tpu.memory_space<vmem>> -> memref<80xi32, #tpu.memory_space<vmem>>
        %dma_start3A_125 = arith.constant 0 : i32
        %dma_start3A_126 = arith.constant 0 : i32
        %dma_start3A_127 = tpu.memref_slice %arg19[%dma_start3A_125, %dma_start3A_126] : memref<10240x16xf32, #tpu.memory_space<vmem_shared>> -> memref<10240x16xf32, #tpu.memory_space<vmem_shared>>
        tpu.enqueue_indirect_dma source(%arg16 : memref<80x16xf32, #tpu.memory_space<vmem>>) target(%dma_start3A_127 : memref<10240x16xf32, #tpu.memory_space<vmem_shared>>) offsets(%dma_start3A_124 : memref<80xi32, #tpu.memory_space<vmem>>) semaphore(%run_scoped3A_121 : memref<!tpu.dma_semaphore, #tpu.memory_space<semaphore_mem>>) {add = true}
        %dma_wait3A_128 = arith.constant 0 : i32
        %dma_wait3A_129 = tpu.memref_slice %arg12[%add3A_92, %dma_wait3A_128] : memref<125x80xi32, #tpu.memory_space<vmem>> -> memref<1x80xi32, #tpu.memory_space<vmem>>
        %dma_wait3A_130 = tpu.memref_squeeze %dma_wait3A_129 : memref<1x80xi32, #tpu.memory_space<vmem>> -> memref<80xi32, #tpu.memory_space<vmem>>
        %dma_wait3A_131 = arith.constant 0 : i32
        %dma_wait3A_132 = arith.constant 0 : i32
        %dma_wait3A_133 = tpu.memref_slice %arg19[%dma_wait3A_131, %dma_wait3A_132] : memref<10240x16xf32, #tpu.memory_space<vmem_shared>> -> memref<10240x16xf32, #tpu.memory_space<vmem_shared>>
        tpu.wait_indirect_dma semaphore(%run_scoped3A_121 : memref<!tpu.dma_semaphore, #tpu.memory_space<semaphore_mem>>) src(%arg16 : memref<80x16xf32, #tpu.memory_space<vmem>>) dst(%dma_wait3A_133 : memref<10240x16xf32, #tpu.memory_space<vmem_shared>>)
        tpu.yield
      }) : () -> ()
      %add3A_99 = arith.constant 4 : i32
      %add3A_100 = arith.addi %add3A_92, %add3A_99 : i32
      %lt3A_101 = arith.constant 125 : i32
      %lt3A_102 = arith.cmpi slt, %add3A_100, %lt3A_101 : i32
      %convert_element_type3A_103 = arith.extui %lt3A_102 : i1 to i32
      %cond3A_104 = arith.constant 0 : i32
      %cond3A_105 = arith.cmpi ne, %convert_element_type3A_103, %cond3A_104 : i32
      scf.if %cond3A_105 {
        %add3A_121 = arith.constant 4 : i32
        %add3A_122 = arith.addi %add3A_92, %add3A_121 : i32
        %dma_start3A_123 = arith.constant 0 : i32
        %dma_start3A_124 = tpu.memref_slice %arg13[%add3A_122, %dma_start3A_123] : memref<125x80xi32, #tpu.memory_space<vmem>> -> memref<1x80xi32, #tpu.memory_space<vmem>>
        %dma_start3A_125 = tpu.memref_squeeze %dma_start3A_124 : memref<1x80xi32, #tpu.memory_space<vmem>> -> memref<80xi32, #tpu.memory_space<vmem>>
        %dma_start3A_126 = arith.constant 0 : i32
        %dma_start3A_127 = arith.constant 0 : i32
        %dma_start3A_128 = tpu.memref_slice %arg2[%dma_start3A_126, %dma_start3A_127] : memref<655360x16xf32, #tpu.memory_space<hbm>> -> memref<655360x16xf32, #tpu.memory_space<hbm>>
        tpu.enqueue_indirect_dma source(%dma_start3A_128 : memref<655360x16xf32, #tpu.memory_space<hbm>>) target(%arg16 : memref<80x16xf32, #tpu.memory_space<vmem>>) offsets(%dma_start3A_125 : memref<80xi32, #tpu.memory_space<vmem>>) semaphore(%arg22 : memref<!tpu.dma_semaphore, #tpu.memory_space<semaphore_mem>>)
      } else {
      }
      %add3A_106 = arith.constant 3 : i32
      %add3A_107 = arith.addi %mul3A_63, %add3A_106 : i32
      %dma_wait3A_108 = arith.constant 0 : i32
      %dma_wait3A_109 = tpu.memref_slice %arg13[%add3A_107, %dma_wait3A_108] : memref<125x80xi32, #tpu.memory_space<vmem>> -> memref<1x80xi32, #tpu.memory_space<vmem>>
      %dma_wait3A_110 = tpu.memref_squeeze %dma_wait3A_109 : memref<1x80xi32, #tpu.memory_space<vmem>> -> memref<80xi32, #tpu.memory_space<vmem>>
      %dma_wait3A_111 = arith.constant 0 : i32
      %dma_wait3A_112 = arith.constant 0 : i32
      %dma_wait3A_113 = tpu.memref_slice %arg2[%dma_wait3A_111, %dma_wait3A_112] : memref<655360x16xf32, #tpu.memory_space<hbm>> -> memref<655360x16xf32, #tpu.memory_space<hbm>>
      tpu.wait_indirect_dma semaphore(%arg23 : memref<!tpu.dma_semaphore, #tpu.memory_space<semaphore_mem>>) src(%dma_wait3A_113 : memref<655360x16xf32, #tpu.memory_space<hbm>>) dst(%arg17 : memref<80x16xf32, #tpu.memory_space<vmem>>)
      "tpu.region"() ({
        %run_scoped3A_121 = tpu.sem_alloc : memref<!tpu.dma_semaphore, #tpu.memory_space<semaphore_mem>>
        %dma_start3A_122 = arith.constant 0 : i32
        %dma_start3A_123 = tpu.memref_slice %arg12[%add3A_107, %dma_start3A_122] : memref<125x80xi32, #tpu.memory_space<vmem>> -> memref<1x80xi32, #tpu.memory_space<vmem>>
        %dma_start3A_124 = tpu.memref_squeeze %dma_start3A_123 : memref<1x80xi32, #tpu.memory_space<vmem>> -> memref<80xi32, #tpu.memory_space<vmem>>
        %dma_start3A_125 = arith.constant 0 : i32
        %dma_start3A_126 = arith.constant 0 : i32
        %dma_start3A_127 = tpu.memref_slice %arg19[%dma_start3A_125, %dma_start3A_126] : memref<10240x16xf32, #tpu.memory_space<vmem_shared>> -> memref<10240x16xf32, #tpu.memory_space<vmem_shared>>
        tpu.enqueue_indirect_dma source(%arg17 : memref<80x16xf32, #tpu.memory_space<vmem>>) target(%dma_start3A_127 : memref<10240x16xf32, #tpu.memory_space<vmem_shared>>) offsets(%dma_start3A_124 : memref<80xi32, #tpu.memory_space<vmem>>) semaphore(%run_scoped3A_121 : memref<!tpu.dma_semaphore, #tpu.memory_space<semaphore_mem>>) {add = true}
        %dma_wait3A_128 = arith.constant 0 : i32
        %dma_wait3A_129 = tpu.memref_slice %arg12[%add3A_107, %dma_wait3A_128] : memref<125x80xi32, #tpu.memory_space<vmem>> -> memref<1x80xi32, #tpu.memory_space<vmem>>
        %dma_wait3A_130 = tpu.memref_squeeze %dma_wait3A_129 : memref<1x80xi32, #tpu.memory_space<vmem>> -> memref<80xi32, #tpu.memory_space<vmem>>
        %dma_wait3A_131 = arith.constant 0 : i32
        %dma_wait3A_132 = arith.constant 0 : i32
        %dma_wait3A_133 = tpu.memref_slice %arg19[%dma_wait3A_131, %dma_wait3A_132] : memref<10240x16xf32, #tpu.memory_space<vmem_shared>> -> memref<10240x16xf32, #tpu.memory_space<vmem_shared>>
        tpu.wait_indirect_dma semaphore(%run_scoped3A_121 : memref<!tpu.dma_semaphore, #tpu.memory_space<semaphore_mem>>) src(%arg17 : memref<80x16xf32, #tpu.memory_space<vmem>>) dst(%dma_wait3A_133 : memref<10240x16xf32, #tpu.memory_space<vmem_shared>>)
        tpu.yield
      }) : () -> ()
      %add3A_114 = arith.constant 4 : i32
      %add3A_115 = arith.addi %add3A_107, %add3A_114 : i32
      %lt3A_116 = arith.constant 125 : i32
      %lt3A_117 = arith.cmpi slt, %add3A_115, %lt3A_116 : i32
      %convert_element_type3A_118 = arith.extui %lt3A_117 : i1 to i32
      %cond3A_119 = arith.constant 0 : i32
      %cond3A_120 = arith.cmpi ne, %convert_element_type3A_118, %cond3A_119 : i32
      scf.if %cond3A_120 {
        %add3A_121 = arith.constant 4 : i32
        %add3A_122 = arith.addi %add3A_107, %add3A_121 : i32
        %dma_start3A_123 = arith.constant 0 : i32
        %dma_start3A_124 = tpu.memref_slice %arg13[%add3A_122, %dma_start3A_123] : memref<125x80xi32, #tpu.memory_space<vmem>> -> memref<1x80xi32, #tpu.memory_space<vmem>>
        %dma_start3A_125 = tpu.memref_squeeze %dma_start3A_124 : memref<1x80xi32, #tpu.memory_space<vmem>> -> memref<80xi32, #tpu.memory_space<vmem>>
        %dma_start3A_126 = arith.constant 0 : i32
        %dma_start3A_127 = arith.constant 0 : i32
        %dma_start3A_128 = tpu.memref_slice %arg2[%dma_start3A_126, %dma_start3A_127] : memref<655360x16xf32, #tpu.memory_space<hbm>> -> memref<655360x16xf32, #tpu.memory_space<hbm>>
        tpu.enqueue_indirect_dma source(%dma_start3A_128 : memref<655360x16xf32, #tpu.memory_space<hbm>>) target(%arg17 : memref<80x16xf32, #tpu.memory_space<vmem>>) offsets(%dma_start3A_125 : memref<80xi32, #tpu.memory_space<vmem>>) semaphore(%arg23 : memref<!tpu.dma_semaphore, #tpu.memory_space<semaphore_mem>>)
      } else {
      }
    }
    %scan3A_46 = arith.constant 31 : i32
    %dma_wait3A = arith.constant 124 : i32
    %dma_wait3A_47 = arith.constant 0 : i32
    %dma_wait3A_48 = tpu.memref_slice %arg13[%dma_wait3A, %dma_wait3A_47] : memref<125x80xi32, #tpu.memory_space<vmem>> -> memref<1x80xi32, #tpu.memory_space<vmem>>
    %dma_wait3A_49 = tpu.memref_squeeze %dma_wait3A_48 : memref<1x80xi32, #tpu.memory_space<vmem>> -> memref<80xi32, #tpu.memory_space<vmem>>
    %dma_wait3A_50 = arith.constant 0 : i32
    %dma_wait3A_51 = arith.constant 0 : i32
    %dma_wait3A_52 = tpu.memref_slice %arg2[%dma_wait3A_50, %dma_wait3A_51] : memref<655360x16xf32, #tpu.memory_space<hbm>> -> memref<655360x16xf32, #tpu.memory_space<hbm>>
    tpu.wait_indirect_dma semaphore(%arg20 : memref<!tpu.dma_semaphore, #tpu.memory_space<semaphore_mem>>) src(%dma_wait3A_52 : memref<655360x16xf32, #tpu.memory_space<hbm>>) dst(%arg14 : memref<80x16xf32, #tpu.memory_space<vmem>>)
    %run_scoped3A = arith.constant 124 : i32
    "tpu.region"() ({
      %run_scoped3A_61 = tpu.sem_alloc : memref<!tpu.dma_semaphore, #tpu.memory_space<semaphore_mem>>
      %dma_start3A_62 = arith.constant 0 : i32
      %dma_start3A_63 = tpu.memref_slice %arg12[%run_scoped3A, %dma_start3A_62] : memref<125x80xi32, #tpu.memory_space<vmem>> -> memref<1x80xi32, #tpu.memory_space<vmem>>
      %dma_start3A_64 = tpu.memref_squeeze %dma_start3A_63 : memref<1x80xi32, #tpu.memory_space<vmem>> -> memref<80xi32, #tpu.memory_space<vmem>>
      %dma_start3A_65 = arith.constant 0 : i32
      %dma_start3A_66 = arith.constant 0 : i32
      %dma_start3A_67 = tpu.memref_slice %arg19[%dma_start3A_65, %dma_start3A_66] : memref<10240x16xf32, #tpu.memory_space<vmem_shared>> -> memref<10240x16xf32, #tpu.memory_space<vmem_shared>>
      tpu.enqueue_indirect_dma source(%arg14 : memref<80x16xf32, #tpu.memory_space<vmem>>) target(%dma_start3A_67 : memref<10240x16xf32, #tpu.memory_space<vmem_shared>>) offsets(%dma_start3A_64 : memref<80xi32, #tpu.memory_space<vmem>>) semaphore(%run_scoped3A_61 : memref<!tpu.dma_semaphore, #tpu.memory_space<semaphore_mem>>) {add = true}
      %dma_wait3A_68 = arith.constant 0 : i32
      %dma_wait3A_69 = tpu.memref_slice %arg12[%run_scoped3A, %dma_wait3A_68] : memref<125x80xi32, #tpu.memory_space<vmem>> -> memref<1x80xi32, #tpu.memory_space<vmem>>
      %dma_wait3A_70 = tpu.memref_squeeze %dma_wait3A_69 : memref<1x80xi32, #tpu.memory_space<vmem>> -> memref<80xi32, #tpu.memory_space<vmem>>
      %dma_wait3A_71 = arith.constant 0 : i32
      %dma_wait3A_72 = arith.constant 0 : i32
      %dma_wait3A_73 = tpu.memref_slice %arg19[%dma_wait3A_71, %dma_wait3A_72] : memref<10240x16xf32, #tpu.memory_space<vmem_shared>> -> memref<10240x16xf32, #tpu.memory_space<vmem_shared>>
      tpu.wait_indirect_dma semaphore(%run_scoped3A_61 : memref<!tpu.dma_semaphore, #tpu.memory_space<semaphore_mem>>) src(%arg14 : memref<80x16xf32, #tpu.memory_space<vmem>>) dst(%dma_wait3A_73 : memref<10240x16xf32, #tpu.memory_space<vmem_shared>>)
      tpu.yield
    }) : () -> ()
    %barrier3A_53 = arith.constant 0 : index
    tpu.barrier barrier_id(%barrier3A_53)
    %mul3A_54 = arith.constant 640 : i32
    %mul3A_55 = arith.muli %arg1, %mul3A_54 : i32
    %mul3A_56 = arith.constant 10240 : i32
    %mul3A_57 = arith.muli %arg0, %mul3A_56 : i32
    %mul3A_58 = arith.constant 640 : i32
    %mul3A_59 = arith.muli %arg1, %mul3A_58 : i32
    %add3A_60 = arith.addi %mul3A_57, %mul3A_59 : i32
    "tpu.region"() ({
      %run_scoped3A_61 = tpu.sem_alloc : memref<!tpu.dma_semaphore, #tpu.memory_space<semaphore_mem>>
      %dma_start3A_62 = arith.constant 0 : i32
      %dma_start3A_63 = tpu.memref_slice %arg7[%add3A_60, %dma_start3A_62] : memref<20480x16xf32, #tpu.memory_space<hbm>> -> memref<640x16xf32, #tpu.memory_space<hbm>>
      %dma_start3A_64 = arith.constant 0 : i32
      %dma_start3A_65 = tpu.memref_slice %arg19[%mul3A_55, %dma_start3A_64] : memref<10240x16xf32, #tpu.memory_space<vmem_shared>> -> memref<640x16xf32, #tpu.memory_space<vmem_shared>>
      tpu.enqueue_dma source(%dma_start3A_65 : memref<640x16xf32, #tpu.memory_space<vmem_shared>>) target(%dma_start3A_63 : memref<640x16xf32, #tpu.memory_space<hbm>>) target_semaphore(%run_scoped3A_61 : memref<!tpu.dma_semaphore, #tpu.memory_space<semaphore_mem>>)
      %dma_wait3A_66 = arith.constant 0 : i32
      %dma_wait3A_67 = tpu.memref_slice %arg7[%add3A_60, %dma_wait3A_66] : memref<20480x16xf32, #tpu.memory_space<hbm>> -> memref<640x16xf32, #tpu.memory_space<hbm>>
      %dma_wait3A_68 = arith.constant 0 : i32
      %dma_wait3A_69 = tpu.memref_slice %arg19[%mul3A_55, %dma_wait3A_68] : memref<10240x16xf32, #tpu.memory_space<vmem_shared>> -> memref<640x16xf32, #tpu.memory_space<vmem_shared>>
      tpu.wait_dma2 semaphore(%run_scoped3A_61 : memref<!tpu.dma_semaphore, #tpu.memory_space<semaphore_mem>>) src(%dma_wait3A_69 : memref<640x16xf32, #tpu.memory_space<vmem_shared>>) dst(%dma_wait3A_67 : memref<640x16xf32, #tpu.memory_space<hbm>>)
      tpu.yield
    }) : () -> ()
    return
  }
}

#map = affine_map<(d0, d1) -> (0, 0)>
#map1 = affine_map<(d0, d1) -> (0, 0, 0)>
module attributes {stable_mosaic.version = 14 : i64} {
  func.func @_sc_body_rest(%arg0: i32, %arg1: i32, %arg2: memref<655360x16xf32, #tpu.memory_space<hbm>>, %arg3: memref<32x125x80xi32, #tpu.memory_space<hbm>>, %arg4: memref<32x125x80xi32, #tpu.memory_space<hbm>>, %arg5: memref<20480x16xf32, #tpu.memory_space<hbm>>, %arg6: memref<125x80xi32, #tpu.memory_space<vmem>>, %arg7: memref<125x80xi32, #tpu.memory_space<vmem>>, %arg8: memref<80x16xf32, #tpu.memory_space<vmem>>, %arg9: memref<80x16xf32, #tpu.memory_space<vmem>>, %arg10: memref<80x16xf32, #tpu.memory_space<vmem>>, %arg11: memref<80x16xf32, #tpu.memory_space<vmem>>, %arg12: memref<640x16xf32, #tpu.memory_space<vmem>>, %arg13: memref<10240x16xf32, #tpu.memory_space<vmem_shared>>, %arg14: memref<!tpu.dma_semaphore, #tpu.memory_space<semaphore_mem>>, %arg15: memref<!tpu.dma_semaphore, #tpu.memory_space<semaphore_mem>>, %arg16: memref<!tpu.dma_semaphore, #tpu.memory_space<semaphore_mem>>, %arg17: memref<!tpu.dma_semaphore, #tpu.memory_space<semaphore_mem>>) attributes {dimension_semantics = [#tpu.dimension_semantics<core_parallel>, #tpu.dimension_semantics<subcore_parallel>], iteration_bounds = array<i64: 2, 16>, scalar_prefetch = 0 : i64, scratch_operands = 12 : i64, tpu.core_type = #tpu.core_type<sc_vector_subcore>, window_params = [{transform_indices = #map}, {transform_indices = #map1}, {transform_indices = #map1}, {transform_indices = #map}]} {
    %mul3A = arith.constant 2 : i32
    %mul3A_0 = arith.muli %arg1, %mul3A : i32
    %add3A = arith.addi %mul3A_0, %arg0 : i32
    "tpu.region"() ({
      %run_scoped3A_55 = tpu.sem_alloc : memref<!tpu.dma_semaphore, #tpu.memory_space<semaphore_mem>>
      %dma_start3A_56 = arith.constant 0 : i32
      %dma_start3A_57 = arith.constant 0 : i32
      %dma_start3A_58 = tpu.memref_slice %arg3[%add3A, %dma_start3A_56, %dma_start3A_57] : memref<32x125x80xi32, #tpu.memory_space<hbm>> -> memref<1x125x80xi32, #tpu.memory_space<hbm>>
      %dma_start3A_59 = tpu.memref_squeeze %dma_start3A_58 : memref<1x125x80xi32, #tpu.memory_space<hbm>> -> memref<125x80xi32, #tpu.memory_space<hbm>>
      %dma_start3A_60 = arith.constant 0 : i32
      %dma_start3A_61 = arith.constant 0 : i32
      %dma_start3A_62 = tpu.memref_slice %arg3[%add3A, %dma_start3A_60, %dma_start3A_61] : memref<32x125x80xi32, #tpu.memory_space<hbm>> -> memref<1x125x80xi32, #tpu.memory_space<hbm>>
      %dma_start3A_63 = tpu.memref_squeeze %dma_start3A_62 : memref<1x125x80xi32, #tpu.memory_space<hbm>> -> memref<125x80xi32, #tpu.memory_space<hbm>>
      tpu.enqueue_dma source(%dma_start3A_63 : memref<125x80xi32, #tpu.memory_space<hbm>>) target(%arg7 : memref<125x80xi32, #tpu.memory_space<vmem>>) target_semaphore(%run_scoped3A_55 : memref<!tpu.dma_semaphore, #tpu.memory_space<semaphore_mem>>)
      %dma_wait3A_64 = arith.constant 0 : i32
      %dma_wait3A_65 = arith.constant 0 : i32
      %dma_wait3A_66 = tpu.memref_slice %arg3[%add3A, %dma_wait3A_64, %dma_wait3A_65] : memref<32x125x80xi32, #tpu.memory_space<hbm>> -> memref<1x125x80xi32, #tpu.memory_space<hbm>>
      %dma_wait3A_67 = tpu.memref_squeeze %dma_wait3A_66 : memref<1x125x80xi32, #tpu.memory_space<hbm>> -> memref<125x80xi32, #tpu.memory_space<hbm>>
      %dma_wait3A_68 = arith.constant 0 : i32
      %dma_wait3A_69 = arith.constant 0 : i32
      %dma_wait3A_70 = tpu.memref_slice %arg3[%add3A, %dma_wait3A_68, %dma_wait3A_69] : memref<32x125x80xi32, #tpu.memory_space<hbm>> -> memref<1x125x80xi32, #tpu.memory_space<hbm>>
      %dma_wait3A_71 = tpu.memref_squeeze %dma_wait3A_70 : memref<1x125x80xi32, #tpu.memory_space<hbm>> -> memref<125x80xi32, #tpu.memory_space<hbm>>
      tpu.wait_dma2 semaphore(%run_scoped3A_55 : memref<!tpu.dma_semaphore, #tpu.memory_space<semaphore_mem>>) src(%dma_wait3A_71 : memref<125x80xi32, #tpu.memory_space<hbm>>) dst(%arg7 : memref<125x80xi32, #tpu.memory_space<vmem>>)
      tpu.yield
    }) : () -> ()
    "tpu.region"() ({
      %run_scoped3A_55 = tpu.sem_alloc : memref<!tpu.dma_semaphore, #tpu.memory_space<semaphore_mem>>
      %dma_start3A_56 = arith.constant 0 : i32
      %dma_start3A_57 = arith.constant 0 : i32
      %dma_start3A_58 = tpu.memref_slice %arg4[%add3A, %dma_start3A_56, %dma_start3A_57] : memref<32x125x80xi32, #tpu.memory_space<hbm>> -> memref<1x125x80xi32, #tpu.memory_space<hbm>>
      %dma_start3A_59 = tpu.memref_squeeze %dma_start3A_58 : memref<1x125x80xi32, #tpu.memory_space<hbm>> -> memref<125x80xi32, #tpu.memory_space<hbm>>
      %dma_start3A_60 = arith.constant 0 : i32
      %dma_start3A_61 = arith.constant 0 : i32
      %dma_start3A_62 = tpu.memref_slice %arg4[%add3A, %dma_start3A_60, %dma_start3A_61] : memref<32x125x80xi32, #tpu.memory_space<hbm>> -> memref<1x125x80xi32, #tpu.memory_space<hbm>>
      %dma_start3A_63 = tpu.memref_squeeze %dma_start3A_62 : memref<1x125x80xi32, #tpu.memory_space<hbm>> -> memref<125x80xi32, #tpu.memory_space<hbm>>
      tpu.enqueue_dma source(%dma_start3A_63 : memref<125x80xi32, #tpu.memory_space<hbm>>) target(%arg6 : memref<125x80xi32, #tpu.memory_space<vmem>>) target_semaphore(%run_scoped3A_55 : memref<!tpu.dma_semaphore, #tpu.memory_space<semaphore_mem>>)
      %dma_wait3A_64 = arith.constant 0 : i32
      %dma_wait3A_65 = arith.constant 0 : i32
      %dma_wait3A_66 = tpu.memref_slice %arg4[%add3A, %dma_wait3A_64, %dma_wait3A_65] : memref<32x125x80xi32, #tpu.memory_space<hbm>> -> memref<1x125x80xi32, #tpu.memory_space<hbm>>
      %dma_wait3A_67 = tpu.memref_squeeze %dma_wait3A_66 : memref<1x125x80xi32, #tpu.memory_space<hbm>> -> memref<125x80xi32, #tpu.memory_space<hbm>>
      %dma_wait3A_68 = arith.constant 0 : i32
      %dma_wait3A_69 = arith.constant 0 : i32
      %dma_wait3A_70 = tpu.memref_slice %arg4[%add3A, %dma_wait3A_68, %dma_wait3A_69] : memref<32x125x80xi32, #tpu.memory_space<hbm>> -> memref<1x125x80xi32, #tpu.memory_space<hbm>>
      %dma_wait3A_71 = tpu.memref_squeeze %dma_wait3A_70 : memref<1x125x80xi32, #tpu.memory_space<hbm>> -> memref<125x80xi32, #tpu.memory_space<hbm>>
      tpu.wait_dma2 semaphore(%run_scoped3A_55 : memref<!tpu.dma_semaphore, #tpu.memory_space<semaphore_mem>>) src(%dma_wait3A_71 : memref<125x80xi32, #tpu.memory_space<hbm>>) dst(%arg6 : memref<125x80xi32, #tpu.memory_space<vmem>>)
      tpu.yield
    }) : () -> ()
    %scan3A = arith.constant 0 : i32
    %scan3A_1 = arith.constant 0 : i32
    %scan3A_2 = arith.constant 640 : i32
    %scan3A_3 = arith.addi %scan3A_1, %scan3A_2 : i32
    %scan3A_4 = arith.constant 1 : i32
    scf.for %scan3A_55 = %scan3A_1 to %scan3A_3 step %scan3A_4  : i32 {
      %broadcast_in_dim3A = arith.constant 0.000000e+00 : f32
      %broadcast_in_dim3A_56 = vector.broadcast %broadcast_in_dim3A : f32 to vector<16xf32>
      %swap3A = arith.index_cast %scan3A_55 : i32 to index
      %swap3A_57 = arith.constant 0 : index
      %swap3A_58 = tpu.vector_load %arg12[%swap3A, %swap3A_57] {strides = array<i32>} : memref<640x16xf32, #tpu.memory_space<vmem>>, vector<1x16xf32>,
      %swap3A_59 = vector.shape_cast %swap3A_58 : vector<1x16xf32> to vector<16xf32>
      %swap3A_60 = vector.shape_cast %broadcast_in_dim3A_56 : vector<16xf32> to vector<1x16xf32>
      tpu.vector_store %arg12[%swap3A, %swap3A_57], %swap3A_60 {strides = array<i32>} : memref<640x16xf32, #tpu.memory_space<vmem>>, vector<1x16xf32>,
    }
    %scan3A_5 = arith.constant 640 : i32
    %mul3A_6 = arith.constant 640 : i32
    %mul3A_7 = arith.muli %arg1, %mul3A_6 : i32
    "tpu.region"() ({
      %run_scoped3A_55 = tpu.sem_alloc : memref<!tpu.dma_semaphore, #tpu.memory_space<semaphore_mem>>
      %dma_start3A_56 = arith.constant 0 : i32
      %dma_start3A_57 = tpu.memref_slice %arg13[%mul3A_7, %dma_start3A_56] : memref<10240x16xf32, #tpu.memory_space<vmem_shared>> -> memref<640x16xf32, #tpu.memory_space<vmem_shared>>
      %dma_start3A_58 = arith.constant 0 : i32
      %dma_start3A_59 = tpu.memref_slice %arg13[%mul3A_7, %dma_start3A_58] : memref<10240x16xf32, #tpu.memory_space<vmem_shared>> -> memref<640x16xf32, #tpu.memory_space<vmem_shared>>
      tpu.enqueue_dma source(%arg12 : memref<640x16xf32, #tpu.memory_space<vmem>>) target(%dma_start3A_59 : memref<640x16xf32, #tpu.memory_space<vmem_shared>>) target_semaphore(%run_scoped3A_55 : memref<!tpu.dma_semaphore, #tpu.memory_space<semaphore_mem>>)
      %dma_wait3A_60 = arith.constant 0 : i32
      %dma_wait3A_61 = tpu.memref_slice %arg13[%mul3A_7, %dma_wait3A_60] : memref<10240x16xf32, #tpu.memory_space<vmem_shared>> -> memref<640x16xf32, #tpu.memory_space<vmem_shared>>
      %dma_wait3A_62 = arith.constant 0 : i32
      %dma_wait3A_63 = tpu.memref_slice %arg13[%mul3A_7, %dma_wait3A_62] : memref<10240x16xf32, #tpu.memory_space<vmem_shared>> -> memref<640x16xf32, #tpu.memory_space<vmem_shared>>
      tpu.wait_dma2 semaphore(%run_scoped3A_55 : memref<!tpu.dma_semaphore, #tpu.memory_space<semaphore_mem>>) src(%arg12 : memref<640x16xf32, #tpu.memory_space<vmem>>) dst(%dma_wait3A_63 : memref<640x16xf32, #tpu.memory_space<vmem_shared>>)
      tpu.yield
    }) : () -> ()
    %barrier3A = arith.constant 0 : index
    tpu.barrier barrier_id(%barrier3A)
    %dma_start3A = arith.constant 0 : i32
    %dma_start3A_8 = arith.constant 0 : i32
    %dma_start3A_9 = tpu.memref_slice %arg7[%dma_start3A, %dma_start3A_8] : memref<125x80xi32, #tpu.memory_space<vmem>> -> memref<1x80xi32, #tpu.memory_space<vmem>>
    %dma_start3A_10 = tpu.memref_squeeze %dma_start3A_9 : memref<1x80xi32, #tpu.memory_space<vmem>> -> memref<80xi32, #tpu.memory_space<vmem>>
    %dma_start3A_11 = arith.constant 0 : i32
    %dma_start3A_12 = arith.constant 0 : i32
    %dma_start3A_13 = tpu.memref_slice %arg2[%dma_start3A_11, %dma_start3A_12] : memref<655360x16xf32, #tpu.memory_space<hbm>> -> memref<655360x16xf32, #tpu.memory_space<hbm>>
    tpu.enqueue_indirect_dma source(%dma_start3A_13 : memref<655360x16xf32, #tpu.memory_space<hbm>>) target(%arg8 : memref<80x16xf32, #tpu.memory_space<vmem>>) offsets(%dma_start3A_10 : memref<80xi32, #tpu.memory_space<vmem>>) semaphore(%arg14 : memref<!tpu.dma_semaphore, #tpu.memory_space<semaphore_mem>>)
    %dma_start3A_14 = arith.constant 1 : i32
    %dma_start3A_15 = arith.constant 0 : i32
    %dma_start3A_16 = tpu.memref_slice %arg7[%dma_start3A_14, %dma_start3A_15] : memref<125x80xi32, #tpu.memory_space<vmem>> -> memref<1x80xi32, #tpu.memory_space<vmem>>
    %dma_start3A_17 = tpu.memref_squeeze %dma_start3A_16 : memref<1x80xi32, #tpu.memory_space<vmem>> -> memref<80xi32, #tpu.memory_space<vmem>>
    %dma_start3A_18 = arith.constant 0 : i32
    %dma_start3A_19 = arith.constant 0 : i32
    %dma_start3A_20 = tpu.memref_slice %arg2[%dma_start3A_18, %dma_start3A_19] : memref<655360x16xf32, #tpu.memory_space<hbm>> -> memref<655360x16xf32, #tpu.memory_space<hbm>>
    tpu.enqueue_indirect_dma source(%dma_start3A_20 : memref<655360x16xf32, #tpu.memory_space<hbm>>) target(%arg9 : memref<80x16xf32, #tpu.memory_space<vmem>>) offsets(%dma_start3A_17 : memref<80xi32, #tpu.memory_space<vmem>>) semaphore(%arg15 : memref<!tpu.dma_semaphore, #tpu.memory_space<semaphore_mem>>)
    %dma_start3A_21 = arith.constant 2 : i32
    %dma_start3A_22 = arith.constant 0 : i32
    %dma_start3A_23 = tpu.memref_slice %arg7[%dma_start3A_21, %dma_start3A_22] : memref<125x80xi32, #tpu.memory_space<vmem>> -> memref<1x80xi32, #tpu.memory_space<vmem>>
    %dma_start3A_24 = tpu.memref_squeeze %dma_start3A_23 : memref<1x80xi32, #tpu.memory_space<vmem>> -> memref<80xi32, #tpu.memory_space<vmem>>
    %dma_start3A_25 = arith.constant 0 : i32
    %dma_start3A_26 = arith.constant 0 : i32
    %dma_start3A_27 = tpu.memref_slice %arg2[%dma_start3A_25, %dma_start3A_26] : memref<655360x16xf32, #tpu.memory_space<hbm>> -> memref<655360x16xf32, #tpu.memory_space<hbm>>
    tpu.enqueue_indirect_dma source(%dma_start3A_27 : memref<655360x16xf32, #tpu.memory_space<hbm>>) target(%arg10 : memref<80x16xf32, #tpu.memory_space<vmem>>) offsets(%dma_start3A_24 : memref<80xi32, #tpu.memory_space<vmem>>) semaphore(%arg16 : memref<!tpu.dma_semaphore, #tpu.memory_space<semaphore_mem>>)
    %dma_start3A_28 = arith.constant 3 : i32
    %dma_start3A_29 = arith.constant 0 : i32
    %dma_start3A_30 = tpu.memref_slice %arg7[%dma_start3A_28, %dma_start3A_29] : memref<125x80xi32, #tpu.memory_space<vmem>> -> memref<1x80xi32, #tpu.memory_space<vmem>>
    %dma_start3A_31 = tpu.memref_squeeze %dma_start3A_30 : memref<1x80xi32, #tpu.memory_space<vmem>> -> memref<80xi32, #tpu.memory_space<vmem>>
    %dma_start3A_32 = arith.constant 0 : i32
    %dma_start3A_33 = arith.constant 0 : i32
    %dma_start3A_34 = tpu.memref_slice %arg2[%dma_start3A_32, %dma_start3A_33] : memref<655360x16xf32, #tpu.memory_space<hbm>> -> memref<655360x16xf32, #tpu.memory_space<hbm>>
    tpu.enqueue_indirect_dma source(%dma_start3A_34 : memref<655360x16xf32, #tpu.memory_space<hbm>>) target(%arg11 : memref<80x16xf32, #tpu.memory_space<vmem>>) offsets(%dma_start3A_31 : memref<80xi32, #tpu.memory_space<vmem>>) semaphore(%arg17 : memref<!tpu.dma_semaphore, #tpu.memory_space<semaphore_mem>>)
    %scan3A_35 = arith.constant 0 : i32
    %scan3A_36 = arith.constant 0 : i32
    %scan3A_37 = arith.constant 31 : i32
    %scan3A_38 = arith.addi %scan3A_36, %scan3A_37 : i32
    %scan3A_39 = arith.constant 1 : i32
    scf.for %scan3A_55 = %scan3A_36 to %scan3A_38 step %scan3A_39  : i32 {
      %mul3A_56 = arith.constant 4 : i32
      %mul3A_57 = arith.muli %scan3A_55, %mul3A_56 : i32
      %add3A_58 = arith.constant 0 : i32
      %add3A_59 = arith.addi %mul3A_57, %add3A_58 : i32
      %dma_wait3A_60 = arith.constant 0 : i32
      %dma_wait3A_61 = tpu.memref_slice %arg7[%add3A_59, %dma_wait3A_60] : memref<125x80xi32, #tpu.memory_space<vmem>> -> memref<1x80xi32, #tpu.memory_space<vmem>>
      %dma_wait3A_62 = tpu.memref_squeeze %dma_wait3A_61 : memref<1x80xi32, #tpu.memory_space<vmem>> -> memref<80xi32, #tpu.memory_space<vmem>>
      %dma_wait3A_63 = arith.constant 0 : i32
      %dma_wait3A_64 = arith.constant 0 : i32
      %dma_wait3A_65 = tpu.memref_slice %arg2[%dma_wait3A_63, %dma_wait3A_64] : memref<655360x16xf32, #tpu.memory_space<hbm>> -> memref<655360x16xf32, #tpu.memory_space<hbm>>
      tpu.wait_indirect_dma semaphore(%arg14 : memref<!tpu.dma_semaphore, #tpu.memory_space<semaphore_mem>>) src(%dma_wait3A_65 : memref<655360x16xf32, #tpu.memory_space<hbm>>) dst(%arg8 : memref<80x16xf32, #tpu.memory_space<vmem>>)
      "tpu.region"() ({
        %run_scoped3A_115 = tpu.sem_alloc : memref<!tpu.dma_semaphore, #tpu.memory_space<semaphore_mem>>
        %dma_start3A_116 = arith.constant 0 : i32
        %dma_start3A_117 = tpu.memref_slice %arg6[%add3A_59, %dma_start3A_116] : memref<125x80xi32, #tpu.memory_space<vmem>> -> memref<1x80xi32, #tpu.memory_space<vmem>>
        %dma_start3A_118 = tpu.memref_squeeze %dma_start3A_117 : memref<1x80xi32, #tpu.memory_space<vmem>> -> memref<80xi32, #tpu.memory_space<vmem>>
        %dma_start3A_119 = arith.constant 0 : i32
        %dma_start3A_120 = arith.constant 0 : i32
        %dma_start3A_121 = tpu.memref_slice %arg13[%dma_start3A_119, %dma_start3A_120] : memref<10240x16xf32, #tpu.memory_space<vmem_shared>> -> memref<10240x16xf32, #tpu.memory_space<vmem_shared>>
        tpu.enqueue_indirect_dma source(%arg8 : memref<80x16xf32, #tpu.memory_space<vmem>>) target(%dma_start3A_121 : memref<10240x16xf32, #tpu.memory_space<vmem_shared>>) offsets(%dma_start3A_118 : memref<80xi32, #tpu.memory_space<vmem>>) semaphore(%run_scoped3A_115 : memref<!tpu.dma_semaphore, #tpu.memory_space<semaphore_mem>>) {add = true}
        %dma_wait3A_122 = arith.constant 0 : i32
        %dma_wait3A_123 = tpu.memref_slice %arg6[%add3A_59, %dma_wait3A_122] : memref<125x80xi32, #tpu.memory_space<vmem>> -> memref<1x80xi32, #tpu.memory_space<vmem>>
        %dma_wait3A_124 = tpu.memref_squeeze %dma_wait3A_123 : memref<1x80xi32, #tpu.memory_space<vmem>> -> memref<80xi32, #tpu.memory_space<vmem>>
        %dma_wait3A_125 = arith.constant 0 : i32
        %dma_wait3A_126 = arith.constant 0 : i32
        %dma_wait3A_127 = tpu.memref_slice %arg13[%dma_wait3A_125, %dma_wait3A_126] : memref<10240x16xf32, #tpu.memory_space<vmem_shared>> -> memref<10240x16xf32, #tpu.memory_space<vmem_shared>>
        tpu.wait_indirect_dma semaphore(%run_scoped3A_115 : memref<!tpu.dma_semaphore, #tpu.memory_space<semaphore_mem>>) src(%arg8 : memref<80x16xf32, #tpu.memory_space<vmem>>) dst(%dma_wait3A_127 : memref<10240x16xf32, #tpu.memory_space<vmem_shared>>)
        tpu.yield
      }) : () -> ()
      %add3A_66 = arith.constant 4 : i32
      %add3A_67 = arith.addi %add3A_59, %add3A_66 : i32
      %lt3A = arith.constant 125 : i32
      %lt3A_68 = arith.cmpi slt, %add3A_67, %lt3A : i32
      %convert_element_type3A = arith.extui %lt3A_68 : i1 to i32
      %cond3A = arith.constant 0 : i32
      %cond3A_69 = arith.cmpi ne, %convert_element_type3A, %cond3A : i32
      scf.if %cond3A_69 {
        %add3A_115 = arith.constant 4 : i32
        %add3A_116 = arith.addi %add3A_59, %add3A_115 : i32
        %dma_start3A_117 = arith.constant 0 : i32
        %dma_start3A_118 = tpu.memref_slice %arg7[%add3A_116, %dma_start3A_117] : memref<125x80xi32, #tpu.memory_space<vmem>> -> memref<1x80xi32, #tpu.memory_space<vmem>>
        %dma_start3A_119 = tpu.memref_squeeze %dma_start3A_118 : memref<1x80xi32, #tpu.memory_space<vmem>> -> memref<80xi32, #tpu.memory_space<vmem>>
        %dma_start3A_120 = arith.constant 0 : i32
        %dma_start3A_121 = arith.constant 0 : i32
        %dma_start3A_122 = tpu.memref_slice %arg2[%dma_start3A_120, %dma_start3A_121] : memref<655360x16xf32, #tpu.memory_space<hbm>> -> memref<655360x16xf32, #tpu.memory_space<hbm>>
        tpu.enqueue_indirect_dma source(%dma_start3A_122 : memref<655360x16xf32, #tpu.memory_space<hbm>>) target(%arg8 : memref<80x16xf32, #tpu.memory_space<vmem>>) offsets(%dma_start3A_119 : memref<80xi32, #tpu.memory_space<vmem>>) semaphore(%arg14 : memref<!tpu.dma_semaphore, #tpu.memory_space<semaphore_mem>>)
      } else {
      }
      %add3A_70 = arith.constant 1 : i32
      %add3A_71 = arith.addi %mul3A_57, %add3A_70 : i32
      %dma_wait3A_72 = arith.constant 0 : i32
      %dma_wait3A_73 = tpu.memref_slice %arg7[%add3A_71, %dma_wait3A_72] : memref<125x80xi32, #tpu.memory_space<vmem>> -> memref<1x80xi32, #tpu.memory_space<vmem>>
      %dma_wait3A_74 = tpu.memref_squeeze %dma_wait3A_73 : memref<1x80xi32, #tpu.memory_space<vmem>> -> memref<80xi32, #tpu.memory_space<vmem>>
      %dma_wait3A_75 = arith.constant 0 : i32
      %dma_wait3A_76 = arith.constant 0 : i32
      %dma_wait3A_77 = tpu.memref_slice %arg2[%dma_wait3A_75, %dma_wait3A_76] : memref<655360x16xf32, #tpu.memory_space<hbm>> -> memref<655360x16xf32, #tpu.memory_space<hbm>>
      tpu.wait_indirect_dma semaphore(%arg15 : memref<!tpu.dma_semaphore, #tpu.memory_space<semaphore_mem>>) src(%dma_wait3A_77 : memref<655360x16xf32, #tpu.memory_space<hbm>>) dst(%arg9 : memref<80x16xf32, #tpu.memory_space<vmem>>)
      "tpu.region"() ({
        %run_scoped3A_115 = tpu.sem_alloc : memref<!tpu.dma_semaphore, #tpu.memory_space<semaphore_mem>>
        %dma_start3A_116 = arith.constant 0 : i32
        %dma_start3A_117 = tpu.memref_slice %arg6[%add3A_71, %dma_start3A_116] : memref<125x80xi32, #tpu.memory_space<vmem>> -> memref<1x80xi32, #tpu.memory_space<vmem>>
        %dma_start3A_118 = tpu.memref_squeeze %dma_start3A_117 : memref<1x80xi32, #tpu.memory_space<vmem>> -> memref<80xi32, #tpu.memory_space<vmem>>
        %dma_start3A_119 = arith.constant 0 : i32
        %dma_start3A_120 = arith.constant 0 : i32
        %dma_start3A_121 = tpu.memref_slice %arg13[%dma_start3A_119, %dma_start3A_120] : memref<10240x16xf32, #tpu.memory_space<vmem_shared>> -> memref<10240x16xf32, #tpu.memory_space<vmem_shared>>
        tpu.enqueue_indirect_dma source(%arg9 : memref<80x16xf32, #tpu.memory_space<vmem>>) target(%dma_start3A_121 : memref<10240x16xf32, #tpu.memory_space<vmem_shared>>) offsets(%dma_start3A_118 : memref<80xi32, #tpu.memory_space<vmem>>) semaphore(%run_scoped3A_115 : memref<!tpu.dma_semaphore, #tpu.memory_space<semaphore_mem>>) {add = true}
        %dma_wait3A_122 = arith.constant 0 : i32
        %dma_wait3A_123 = tpu.memref_slice %arg6[%add3A_71, %dma_wait3A_122] : memref<125x80xi32, #tpu.memory_space<vmem>> -> memref<1x80xi32, #tpu.memory_space<vmem>>
        %dma_wait3A_124 = tpu.memref_squeeze %dma_wait3A_123 : memref<1x80xi32, #tpu.memory_space<vmem>> -> memref<80xi32, #tpu.memory_space<vmem>>
        %dma_wait3A_125 = arith.constant 0 : i32
        %dma_wait3A_126 = arith.constant 0 : i32
        %dma_wait3A_127 = tpu.memref_slice %arg13[%dma_wait3A_125, %dma_wait3A_126] : memref<10240x16xf32, #tpu.memory_space<vmem_shared>> -> memref<10240x16xf32, #tpu.memory_space<vmem_shared>>
        tpu.wait_indirect_dma semaphore(%run_scoped3A_115 : memref<!tpu.dma_semaphore, #tpu.memory_space<semaphore_mem>>) src(%arg9 : memref<80x16xf32, #tpu.memory_space<vmem>>) dst(%dma_wait3A_127 : memref<10240x16xf32, #tpu.memory_space<vmem_shared>>)
        tpu.yield
      }) : () -> ()
      %add3A_78 = arith.constant 4 : i32
      %add3A_79 = arith.addi %add3A_71, %add3A_78 : i32
      %lt3A_80 = arith.constant 125 : i32
      %lt3A_81 = arith.cmpi slt, %add3A_79, %lt3A_80 : i32
      %convert_element_type3A_82 = arith.extui %lt3A_81 : i1 to i32
      %cond3A_83 = arith.constant 0 : i32
      %cond3A_84 = arith.cmpi ne, %convert_element_type3A_82, %cond3A_83 : i32
      scf.if %cond3A_84 {
        %add3A_115 = arith.constant 4 : i32
        %add3A_116 = arith.addi %add3A_71, %add3A_115 : i32
        %dma_start3A_117 = arith.constant 0 : i32
        %dma_start3A_118 = tpu.memref_slice %arg7[%add3A_116, %dma_start3A_117] : memref<125x80xi32, #tpu.memory_space<vmem>> -> memref<1x80xi32, #tpu.memory_space<vmem>>
        %dma_start3A_119 = tpu.memref_squeeze %dma_start3A_118 : memref<1x80xi32, #tpu.memory_space<vmem>> -> memref<80xi32, #tpu.memory_space<vmem>>
        %dma_start3A_120 = arith.constant 0 : i32
        %dma_start3A_121 = arith.constant 0 : i32
        %dma_start3A_122 = tpu.memref_slice %arg2[%dma_start3A_120, %dma_start3A_121] : memref<655360x16xf32, #tpu.memory_space<hbm>> -> memref<655360x16xf32, #tpu.memory_space<hbm>>
        tpu.enqueue_indirect_dma source(%dma_start3A_122 : memref<655360x16xf32, #tpu.memory_space<hbm>>) target(%arg9 : memref<80x16xf32, #tpu.memory_space<vmem>>) offsets(%dma_start3A_119 : memref<80xi32, #tpu.memory_space<vmem>>) semaphore(%arg15 : memref<!tpu.dma_semaphore, #tpu.memory_space<semaphore_mem>>)
      } else {
      }
      %add3A_85 = arith.constant 2 : i32
      %add3A_86 = arith.addi %mul3A_57, %add3A_85 : i32
      %dma_wait3A_87 = arith.constant 0 : i32
      %dma_wait3A_88 = tpu.memref_slice %arg7[%add3A_86, %dma_wait3A_87] : memref<125x80xi32, #tpu.memory_space<vmem>> -> memref<1x80xi32, #tpu.memory_space<vmem>>
      %dma_wait3A_89 = tpu.memref_squeeze %dma_wait3A_88 : memref<1x80xi32, #tpu.memory_space<vmem>> -> memref<80xi32, #tpu.memory_space<vmem>>
      %dma_wait3A_90 = arith.constant 0 : i32
      %dma_wait3A_91 = arith.constant 0 : i32
      %dma_wait3A_92 = tpu.memref_slice %arg2[%dma_wait3A_90, %dma_wait3A_91] : memref<655360x16xf32, #tpu.memory_space<hbm>> -> memref<655360x16xf32, #tpu.memory_space<hbm>>
      tpu.wait_indirect_dma semaphore(%arg16 : memref<!tpu.dma_semaphore, #tpu.memory_space<semaphore_mem>>) src(%dma_wait3A_92 : memref<655360x16xf32, #tpu.memory_space<hbm>>) dst(%arg10 : memref<80x16xf32, #tpu.memory_space<vmem>>)
      "tpu.region"() ({
        %run_scoped3A_115 = tpu.sem_alloc : memref<!tpu.dma_semaphore, #tpu.memory_space<semaphore_mem>>
        %dma_start3A_116 = arith.constant 0 : i32
        %dma_start3A_117 = tpu.memref_slice %arg6[%add3A_86, %dma_start3A_116] : memref<125x80xi32, #tpu.memory_space<vmem>> -> memref<1x80xi32, #tpu.memory_space<vmem>>
        %dma_start3A_118 = tpu.memref_squeeze %dma_start3A_117 : memref<1x80xi32, #tpu.memory_space<vmem>> -> memref<80xi32, #tpu.memory_space<vmem>>
        %dma_start3A_119 = arith.constant 0 : i32
        %dma_start3A_120 = arith.constant 0 : i32
        %dma_start3A_121 = tpu.memref_slice %arg13[%dma_start3A_119, %dma_start3A_120] : memref<10240x16xf32, #tpu.memory_space<vmem_shared>> -> memref<10240x16xf32, #tpu.memory_space<vmem_shared>>
        tpu.enqueue_indirect_dma source(%arg10 : memref<80x16xf32, #tpu.memory_space<vmem>>) target(%dma_start3A_121 : memref<10240x16xf32, #tpu.memory_space<vmem_shared>>) offsets(%dma_start3A_118 : memref<80xi32, #tpu.memory_space<vmem>>) semaphore(%run_scoped3A_115 : memref<!tpu.dma_semaphore, #tpu.memory_space<semaphore_mem>>) {add = true}
        %dma_wait3A_122 = arith.constant 0 : i32
        %dma_wait3A_123 = tpu.memref_slice %arg6[%add3A_86, %dma_wait3A_122] : memref<125x80xi32, #tpu.memory_space<vmem>> -> memref<1x80xi32, #tpu.memory_space<vmem>>
        %dma_wait3A_124 = tpu.memref_squeeze %dma_wait3A_123 : memref<1x80xi32, #tpu.memory_space<vmem>> -> memref<80xi32, #tpu.memory_space<vmem>>
        %dma_wait3A_125 = arith.constant 0 : i32
        %dma_wait3A_126 = arith.constant 0 : i32
        %dma_wait3A_127 = tpu.memref_slice %arg13[%dma_wait3A_125, %dma_wait3A_126] : memref<10240x16xf32, #tpu.memory_space<vmem_shared>> -> memref<10240x16xf32, #tpu.memory_space<vmem_shared>>
        tpu.wait_indirect_dma semaphore(%run_scoped3A_115 : memref<!tpu.dma_semaphore, #tpu.memory_space<semaphore_mem>>) src(%arg10 : memref<80x16xf32, #tpu.memory_space<vmem>>) dst(%dma_wait3A_127 : memref<10240x16xf32, #tpu.memory_space<vmem_shared>>)
        tpu.yield
      }) : () -> ()
      %add3A_93 = arith.constant 4 : i32
      %add3A_94 = arith.addi %add3A_86, %add3A_93 : i32
      %lt3A_95 = arith.constant 125 : i32
      %lt3A_96 = arith.cmpi slt, %add3A_94, %lt3A_95 : i32
      %convert_element_type3A_97 = arith.extui %lt3A_96 : i1 to i32
      %cond3A_98 = arith.constant 0 : i32
      %cond3A_99 = arith.cmpi ne, %convert_element_type3A_97, %cond3A_98 : i32
      scf.if %cond3A_99 {
        %add3A_115 = arith.constant 4 : i32
        %add3A_116 = arith.addi %add3A_86, %add3A_115 : i32
        %dma_start3A_117 = arith.constant 0 : i32
        %dma_start3A_118 = tpu.memref_slice %arg7[%add3A_116, %dma_start3A_117] : memref<125x80xi32, #tpu.memory_space<vmem>> -> memref<1x80xi32, #tpu.memory_space<vmem>>
        %dma_start3A_119 = tpu.memref_squeeze %dma_start3A_118 : memref<1x80xi32, #tpu.memory_space<vmem>> -> memref<80xi32, #tpu.memory_space<vmem>>
        %dma_start3A_120 = arith.constant 0 : i32
        %dma_start3A_121 = arith.constant 0 : i32
        %dma_start3A_122 = tpu.memref_slice %arg2[%dma_start3A_120, %dma_start3A_121] : memref<655360x16xf32, #tpu.memory_space<hbm>> -> memref<655360x16xf32, #tpu.memory_space<hbm>>
        tpu.enqueue_indirect_dma source(%dma_start3A_122 : memref<655360x16xf32, #tpu.memory_space<hbm>>) target(%arg10 : memref<80x16xf32, #tpu.memory_space<vmem>>) offsets(%dma_start3A_119 : memref<80xi32, #tpu.memory_space<vmem>>) semaphore(%arg16 : memref<!tpu.dma_semaphore, #tpu.memory_space<semaphore_mem>>)
      } else {
      }
      %add3A_100 = arith.constant 3 : i32
      %add3A_101 = arith.addi %mul3A_57, %add3A_100 : i32
      %dma_wait3A_102 = arith.constant 0 : i32
      %dma_wait3A_103 = tpu.memref_slice %arg7[%add3A_101, %dma_wait3A_102] : memref<125x80xi32, #tpu.memory_space<vmem>> -> memref<1x80xi32, #tpu.memory_space<vmem>>
      %dma_wait3A_104 = tpu.memref_squeeze %dma_wait3A_103 : memref<1x80xi32, #tpu.memory_space<vmem>> -> memref<80xi32, #tpu.memory_space<vmem>>
      %dma_wait3A_105 = arith.constant 0 : i32
      %dma_wait3A_106 = arith.constant 0 : i32
      %dma_wait3A_107 = tpu.memref_slice %arg2[%dma_wait3A_105, %dma_wait3A_106] : memref<655360x16xf32, #tpu.memory_space<hbm>> -> memref<655360x16xf32, #tpu.memory_space<hbm>>
      tpu.wait_indirect_dma semaphore(%arg17 : memref<!tpu.dma_semaphore, #tpu.memory_space<semaphore_mem>>) src(%dma_wait3A_107 : memref<655360x16xf32, #tpu.memory_space<hbm>>) dst(%arg11 : memref<80x16xf32, #tpu.memory_space<vmem>>)
      "tpu.region"() ({
        %run_scoped3A_115 = tpu.sem_alloc : memref<!tpu.dma_semaphore, #tpu.memory_space<semaphore_mem>>
        %dma_start3A_116 = arith.constant 0 : i32
        %dma_start3A_117 = tpu.memref_slice %arg6[%add3A_101, %dma_start3A_116] : memref<125x80xi32, #tpu.memory_space<vmem>> -> memref<1x80xi32, #tpu.memory_space<vmem>>
        %dma_start3A_118 = tpu.memref_squeeze %dma_start3A_117 : memref<1x80xi32, #tpu.memory_space<vmem>> -> memref<80xi32, #tpu.memory_space<vmem>>
        %dma_start3A_119 = arith.constant 0 : i32
        %dma_start3A_120 = arith.constant 0 : i32
        %dma_start3A_121 = tpu.memref_slice %arg13[%dma_start3A_119, %dma_start3A_120] : memref<10240x16xf32, #tpu.memory_space<vmem_shared>> -> memref<10240x16xf32, #tpu.memory_space<vmem_shared>>
        tpu.enqueue_indirect_dma source(%arg11 : memref<80x16xf32, #tpu.memory_space<vmem>>) target(%dma_start3A_121 : memref<10240x16xf32, #tpu.memory_space<vmem_shared>>) offsets(%dma_start3A_118 : memref<80xi32, #tpu.memory_space<vmem>>) semaphore(%run_scoped3A_115 : memref<!tpu.dma_semaphore, #tpu.memory_space<semaphore_mem>>) {add = true}
        %dma_wait3A_122 = arith.constant 0 : i32
        %dma_wait3A_123 = tpu.memref_slice %arg6[%add3A_101, %dma_wait3A_122] : memref<125x80xi32, #tpu.memory_space<vmem>> -> memref<1x80xi32, #tpu.memory_space<vmem>>
        %dma_wait3A_124 = tpu.memref_squeeze %dma_wait3A_123 : memref<1x80xi32, #tpu.memory_space<vmem>> -> memref<80xi32, #tpu.memory_space<vmem>>
        %dma_wait3A_125 = arith.constant 0 : i32
        %dma_wait3A_126 = arith.constant 0 : i32
        %dma_wait3A_127 = tpu.memref_slice %arg13[%dma_wait3A_125, %dma_wait3A_126] : memref<10240x16xf32, #tpu.memory_space<vmem_shared>> -> memref<10240x16xf32, #tpu.memory_space<vmem_shared>>
        tpu.wait_indirect_dma semaphore(%run_scoped3A_115 : memref<!tpu.dma_semaphore, #tpu.memory_space<semaphore_mem>>) src(%arg11 : memref<80x16xf32, #tpu.memory_space<vmem>>) dst(%dma_wait3A_127 : memref<10240x16xf32, #tpu.memory_space<vmem_shared>>)
        tpu.yield
      }) : () -> ()
      %add3A_108 = arith.constant 4 : i32
      %add3A_109 = arith.addi %add3A_101, %add3A_108 : i32
      %lt3A_110 = arith.constant 125 : i32
      %lt3A_111 = arith.cmpi slt, %add3A_109, %lt3A_110 : i32
      %convert_element_type3A_112 = arith.extui %lt3A_111 : i1 to i32
      %cond3A_113 = arith.constant 0 : i32
      %cond3A_114 = arith.cmpi ne, %convert_element_type3A_112, %cond3A_113 : i32
      scf.if %cond3A_114 {
        %add3A_115 = arith.constant 4 : i32
        %add3A_116 = arith.addi %add3A_101, %add3A_115 : i32
        %dma_start3A_117 = arith.constant 0 : i32
        %dma_start3A_118 = tpu.memref_slice %arg7[%add3A_116, %dma_start3A_117] : memref<125x80xi32, #tpu.memory_space<vmem>> -> memref<1x80xi32, #tpu.memory_space<vmem>>
        %dma_start3A_119 = tpu.memref_squeeze %dma_start3A_118 : memref<1x80xi32, #tpu.memory_space<vmem>> -> memref<80xi32, #tpu.memory_space<vmem>>
        %dma_start3A_120 = arith.constant 0 : i32
        %dma_start3A_121 = arith.constant 0 : i32
        %dma_start3A_122 = tpu.memref_slice %arg2[%dma_start3A_120, %dma_start3A_121] : memref<655360x16xf32, #tpu.memory_space<hbm>> -> memref<655360x16xf32, #tpu.memory_space<hbm>>
        tpu.enqueue_indirect_dma source(%dma_start3A_122 : memref<655360x16xf32, #tpu.memory_space<hbm>>) target(%arg11 : memref<80x16xf32, #tpu.memory_space<vmem>>) offsets(%dma_start3A_119 : memref<80xi32, #tpu.memory_space<vmem>>) semaphore(%arg17 : memref<!tpu.dma_semaphore, #tpu.memory_space<semaphore_mem>>)
      } else {
      }
    }
    %scan3A_40 = arith.constant 31 : i32
    %dma_wait3A = arith.constant 124 : i32
    %dma_wait3A_41 = arith.constant 0 : i32
    %dma_wait3A_42 = tpu.memref_slice %arg7[%dma_wait3A, %dma_wait3A_41] : memref<125x80xi32, #tpu.memory_space<vmem>> -> memref<1x80xi32, #tpu.memory_space<vmem>>
    %dma_wait3A_43 = tpu.memref_squeeze %dma_wait3A_42 : memref<1x80xi32, #tpu.memory_space<vmem>> -> memref<80xi32, #tpu.memory_space<vmem>>
    %dma_wait3A_44 = arith.constant 0 : i32
    %dma_wait3A_45 = arith.constant 0 : i32
    %dma_wait3A_46 = tpu.memref_slice %arg2[%dma_wait3A_44, %dma_wait3A_45] : memref<655360x16xf32, #tpu.memory_space<hbm>> -> memref<655360x16xf32, #tpu.memory_space<hbm>>
    tpu.wait_indirect_dma semaphore(%arg14 : memref<!tpu.dma_semaphore, #tpu.memory_space<semaphore_mem>>) src(%dma_wait3A_46 : memref<655360x16xf32, #tpu.memory_space<hbm>>) dst(%arg8 : memref<80x16xf32, #tpu.memory_space<vmem>>)
    %run_scoped3A = arith.constant 124 : i32
    "tpu.region"() ({
      %run_scoped3A_55 = tpu.sem_alloc : memref<!tpu.dma_semaphore, #tpu.memory_space<semaphore_mem>>
      %dma_start3A_56 = arith.constant 0 : i32
      %dma_start3A_57 = tpu.memref_slice %arg6[%run_scoped3A, %dma_start3A_56] : memref<125x80xi32, #tpu.memory_space<vmem>> -> memref<1x80xi32, #tpu.memory_space<vmem>>
      %dma_start3A_58 = tpu.memref_squeeze %dma_start3A_57 : memref<1x80xi32, #tpu.memory_space<vmem>> -> memref<80xi32, #tpu.memory_space<vmem>>
      %dma_start3A_59 = arith.constant 0 : i32
      %dma_start3A_60 = arith.constant 0 : i32
      %dma_start3A_61 = tpu.memref_slice %arg13[%dma_start3A_59, %dma_start3A_60] : memref<10240x16xf32, #tpu.memory_space<vmem_shared>> -> memref<10240x16xf32, #tpu.memory_space<vmem_shared>>
      tpu.enqueue_indirect_dma source(%arg8 : memref<80x16xf32, #tpu.memory_space<vmem>>) target(%dma_start3A_61 : memref<10240x16xf32, #tpu.memory_space<vmem_shared>>) offsets(%dma_start3A_58 : memref<80xi32, #tpu.memory_space<vmem>>) semaphore(%run_scoped3A_55 : memref<!tpu.dma_semaphore, #tpu.memory_space<semaphore_mem>>) {add = true}
      %dma_wait3A_62 = arith.constant 0 : i32
      %dma_wait3A_63 = tpu.memref_slice %arg6[%run_scoped3A, %dma_wait3A_62] : memref<125x80xi32, #tpu.memory_space<vmem>> -> memref<1x80xi32, #tpu.memory_space<vmem>>
      %dma_wait3A_64 = tpu.memref_squeeze %dma_wait3A_63 : memref<1x80xi32, #tpu.memory_space<vmem>> -> memref<80xi32, #tpu.memory_space<vmem>>
      %dma_wait3A_65 = arith.constant 0 : i32
      %dma_wait3A_66 = arith.constant 0 : i32
      %dma_wait3A_67 = tpu.memref_slice %arg13[%dma_wait3A_65, %dma_wait3A_66] : memref<10240x16xf32, #tpu.memory_space<vmem_shared>> -> memref<10240x16xf32, #tpu.memory_space<vmem_shared>>
      tpu.wait_indirect_dma semaphore(%run_scoped3A_55 : memref<!tpu.dma_semaphore, #tpu.memory_space<semaphore_mem>>) src(%arg8 : memref<80x16xf32, #tpu.memory_space<vmem>>) dst(%dma_wait3A_67 : memref<10240x16xf32, #tpu.memory_space<vmem_shared>>)
      tpu.yield
    }) : () -> ()
    %barrier3A_47 = arith.constant 0 : index
    tpu.barrier barrier_id(%barrier3A_47)
    %mul3A_48 = arith.constant 640 : i32
    %mul3A_49 = arith.muli %arg1, %mul3A_48 : i32
    %mul3A_50 = arith.constant 10240 : i32
    %mul3A_51 = arith.muli %arg0, %mul3A_50 : i32
    %mul3A_52 = arith.constant 640 : i32
    %mul3A_53 = arith.muli %arg1, %mul3A_52 : i32
    %add3A_54 = arith.addi %mul3A_51, %mul3A_53 : i32
    "tpu.region"() ({
      %run_scoped3A_55 = tpu.sem_alloc : memref<!tpu.dma_semaphore, #tpu.memory_space<semaphore_mem>>
      %dma_start3A_56 = arith.constant 0 : i32
      %dma_start3A_57 = tpu.memref_slice %arg5[%add3A_54, %dma_start3A_56] : memref<20480x16xf32, #tpu.memory_space<hbm>> -> memref<640x16xf32, #tpu.memory_space<hbm>>
      %dma_start3A_58 = arith.constant 0 : i32
      %dma_start3A_59 = tpu.memref_slice %arg13[%mul3A_49, %dma_start3A_58] : memref<10240x16xf32, #tpu.memory_space<vmem_shared>> -> memref<640x16xf32, #tpu.memory_space<vmem_shared>>
      tpu.enqueue_dma source(%dma_start3A_59 : memref<640x16xf32, #tpu.memory_space<vmem_shared>>) target(%dma_start3A_57 : memref<640x16xf32, #tpu.memory_space<hbm>>) target_semaphore(%run_scoped3A_55 : memref<!tpu.dma_semaphore, #tpu.memory_space<semaphore_mem>>)
      %dma_wait3A_60 = arith.constant 0 : i32
      %dma_wait3A_61 = tpu.memref_slice %arg5[%add3A_54, %dma_wait3A_60] : memref<20480x16xf32, #tpu.memory_space<hbm>> -> memref<640x16xf32, #tpu.memory_space<hbm>>
      %dma_wait3A_62 = arith.constant 0 : i32
      %dma_wait3A_63 = tpu.memref_slice %arg13[%mul3A_49, %dma_wait3A_62] : memref<10240x16xf32, #tpu.memory_space<vmem_shared>> -> memref<640x16xf32, #tpu.memory_space<vmem_shared>>
      tpu.wait_dma2 semaphore(%run_scoped3A_55 : memref<!tpu.dma_semaphore, #tpu.memory_space<semaphore_mem>>) src(%dma_wait3A_63 : memref<640x16xf32, #tpu.memory_space<vmem_shared>>) dst(%dma_wait3A_61 : memref<640x16xf32, #tpu.memory_space<hbm>>)
      tpu.yield
    }) : () -> ()
    return
  }
}

#map = affine_map<(d0, d1) -> (0, 0)>
#map1 = affine_map<(d0, d1) -> (0, 0, 0)>
module attributes {stable_mosaic.version = 14 : i64} {
  func.func @_sc_body_rest(%arg0: i32, %arg1: i32, %arg2: memref<655360x16xf32, #tpu.memory_space<hbm>>, %arg3: memref<32x125x80xi32, #tpu.memory_space<hbm>>, %arg4: memref<32x125x80xi32, #tpu.memory_space<hbm>>, %arg5: memref<20480x16xf32, #tpu.memory_space<hbm>>, %arg6: memref<125x80xi32, #tpu.memory_space<vmem>>, %arg7: memref<125x80xi32, #tpu.memory_space<vmem>>, %arg8: memref<80x16xf32, #tpu.memory_space<vmem>>, %arg9: memref<80x16xf32, #tpu.memory_space<vmem>>, %arg10: memref<80x16xf32, #tpu.memory_space<vmem>>, %arg11: memref<80x16xf32, #tpu.memory_space<vmem>>, %arg12: memref<640x16xf32, #tpu.memory_space<vmem>>, %arg13: memref<10240x16xf32, #tpu.memory_space<vmem_shared>>, %arg14: memref<!tpu.dma_semaphore, #tpu.memory_space<semaphore_mem>>, %arg15: memref<!tpu.dma_semaphore, #tpu.memory_space<semaphore_mem>>, %arg16: memref<!tpu.dma_semaphore, #tpu.memory_space<semaphore_mem>>, %arg17: memref<!tpu.dma_semaphore, #tpu.memory_space<semaphore_mem>>) attributes {dimension_semantics = [#tpu.dimension_semantics<core_parallel>, #tpu.dimension_semantics<subcore_parallel>], iteration_bounds = array<i64: 2, 16>, scalar_prefetch = 0 : i64, scratch_operands = 12 : i64, tpu.core_type = #tpu.core_type<sc_vector_subcore>, window_params = [{transform_indices = #map}, {transform_indices = #map1}, {transform_indices = #map1}, {transform_indices = #map}]} {
    %mul3A = arith.constant 2 : i32
    %mul3A_0 = arith.muli %arg1, %mul3A : i32
    %add3A = arith.addi %mul3A_0, %arg0 : i32
    "tpu.region"() ({
      %run_scoped3A_55 = tpu.sem_alloc : memref<!tpu.dma_semaphore, #tpu.memory_space<semaphore_mem>>
      %dma_start3A_56 = arith.constant 0 : i32
      %dma_start3A_57 = arith.constant 0 : i32
      %dma_start3A_58 = tpu.memref_slice %arg3[%add3A, %dma_start3A_56, %dma_start3A_57] : memref<32x125x80xi32, #tpu.memory_space<hbm>> -> memref<1x125x80xi32, #tpu.memory_space<hbm>>
      %dma_start3A_59 = tpu.memref_squeeze %dma_start3A_58 : memref<1x125x80xi32, #tpu.memory_space<hbm>> -> memref<125x80xi32, #tpu.memory_space<hbm>>
      %dma_start3A_60 = arith.constant 0 : i32
      %dma_start3A_61 = arith.constant 0 : i32
      %dma_start3A_62 = tpu.memref_slice %arg3[%add3A, %dma_start3A_60, %dma_start3A_61] : memref<32x125x80xi32, #tpu.memory_space<hbm>> -> memref<1x125x80xi32, #tpu.memory_space<hbm>>
      %dma_start3A_63 = tpu.memref_squeeze %dma_start3A_62 : memref<1x125x80xi32, #tpu.memory_space<hbm>> -> memref<125x80xi32, #tpu.memory_space<hbm>>
      tpu.enqueue_dma source(%dma_start3A_63 : memref<125x80xi32, #tpu.memory_space<hbm>>) target(%arg7 : memref<125x80xi32, #tpu.memory_space<vmem>>) target_semaphore(%run_scoped3A_55 : memref<!tpu.dma_semaphore, #tpu.memory_space<semaphore_mem>>)
      %dma_wait3A_64 = arith.constant 0 : i32
      %dma_wait3A_65 = arith.constant 0 : i32
      %dma_wait3A_66 = tpu.memref_slice %arg3[%add3A, %dma_wait3A_64, %dma_wait3A_65] : memref<32x125x80xi32, #tpu.memory_space<hbm>> -> memref<1x125x80xi32, #tpu.memory_space<hbm>>
      %dma_wait3A_67 = tpu.memref_squeeze %dma_wait3A_66 : memref<1x125x80xi32, #tpu.memory_space<hbm>> -> memref<125x80xi32, #tpu.memory_space<hbm>>
      %dma_wait3A_68 = arith.constant 0 : i32
      %dma_wait3A_69 = arith.constant 0 : i32
      %dma_wait3A_70 = tpu.memref_slice %arg3[%add3A, %dma_wait3A_68, %dma_wait3A_69] : memref<32x125x80xi32, #tpu.memory_space<hbm>> -> memref<1x125x80xi32, #tpu.memory_space<hbm>>
      %dma_wait3A_71 = tpu.memref_squeeze %dma_wait3A_70 : memref<1x125x80xi32, #tpu.memory_space<hbm>> -> memref<125x80xi32, #tpu.memory_space<hbm>>
      tpu.wait_dma2 semaphore(%run_scoped3A_55 : memref<!tpu.dma_semaphore, #tpu.memory_space<semaphore_mem>>) src(%dma_wait3A_71 : memref<125x80xi32, #tpu.memory_space<hbm>>) dst(%arg7 : memref<125x80xi32, #tpu.memory_space<vmem>>)
      tpu.yield
    }) : () -> ()
    "tpu.region"() ({
      %run_scoped3A_55 = tpu.sem_alloc : memref<!tpu.dma_semaphore, #tpu.memory_space<semaphore_mem>>
      %dma_start3A_56 = arith.constant 0 : i32
      %dma_start3A_57 = arith.constant 0 : i32
      %dma_start3A_58 = tpu.memref_slice %arg4[%add3A, %dma_start3A_56, %dma_start3A_57] : memref<32x125x80xi32, #tpu.memory_space<hbm>> -> memref<1x125x80xi32, #tpu.memory_space<hbm>>
      %dma_start3A_59 = tpu.memref_squeeze %dma_start3A_58 : memref<1x125x80xi32, #tpu.memory_space<hbm>> -> memref<125x80xi32, #tpu.memory_space<hbm>>
      %dma_start3A_60 = arith.constant 0 : i32
      %dma_start3A_61 = arith.constant 0 : i32
      %dma_start3A_62 = tpu.memref_slice %arg4[%add3A, %dma_start3A_60, %dma_start3A_61] : memref<32x125x80xi32, #tpu.memory_space<hbm>> -> memref<1x125x80xi32, #tpu.memory_space<hbm>>
      %dma_start3A_63 = tpu.memref_squeeze %dma_start3A_62 : memref<1x125x80xi32, #tpu.memory_space<hbm>> -> memref<125x80xi32, #tpu.memory_space<hbm>>
      tpu.enqueue_dma source(%dma_start3A_63 : memref<125x80xi32, #tpu.memory_space<hbm>>) target(%arg6 : memref<125x80xi32, #tpu.memory_space<vmem>>) target_semaphore(%run_scoped3A_55 : memref<!tpu.dma_semaphore, #tpu.memory_space<semaphore_mem>>)
      %dma_wait3A_64 = arith.constant 0 : i32
      %dma_wait3A_65 = arith.constant 0 : i32
      %dma_wait3A_66 = tpu.memref_slice %arg4[%add3A, %dma_wait3A_64, %dma_wait3A_65] : memref<32x125x80xi32, #tpu.memory_space<hbm>> -> memref<1x125x80xi32, #tpu.memory_space<hbm>>
      %dma_wait3A_67 = tpu.memref_squeeze %dma_wait3A_66 : memref<1x125x80xi32, #tpu.memory_space<hbm>> -> memref<125x80xi32, #tpu.memory_space<hbm>>
      %dma_wait3A_68 = arith.constant 0 : i32
      %dma_wait3A_69 = arith.constant 0 : i32
      %dma_wait3A_70 = tpu.memref_slice %arg4[%add3A, %dma_wait3A_68, %dma_wait3A_69] : memref<32x125x80xi32, #tpu.memory_space<hbm>> -> memref<1x125x80xi32, #tpu.memory_space<hbm>>
      %dma_wait3A_71 = tpu.memref_squeeze %dma_wait3A_70 : memref<1x125x80xi32, #tpu.memory_space<hbm>> -> memref<125x80xi32, #tpu.memory_space<hbm>>
      tpu.wait_dma2 semaphore(%run_scoped3A_55 : memref<!tpu.dma_semaphore, #tpu.memory_space<semaphore_mem>>) src(%dma_wait3A_71 : memref<125x80xi32, #tpu.memory_space<hbm>>) dst(%arg6 : memref<125x80xi32, #tpu.memory_space<vmem>>)
      tpu.yield
    }) : () -> ()
    %scan3A = arith.constant 0 : i32
    %scan3A_1 = arith.constant 0 : i32
    %scan3A_2 = arith.constant 640 : i32
    %scan3A_3 = arith.addi %scan3A_1, %scan3A_2 : i32
    %scan3A_4 = arith.constant 1 : i32
    scf.for %scan3A_55 = %scan3A_1 to %scan3A_3 step %scan3A_4  : i32 {
      %broadcast_in_dim3A = arith.constant 0.000000e+00 : f32
      %broadcast_in_dim3A_56 = vector.broadcast %broadcast_in_dim3A : f32 to vector<16xf32>
      %swap3A = arith.index_cast %scan3A_55 : i32 to index
      %swap3A_57 = arith.constant 0 : index
      %swap3A_58 = tpu.vector_load %arg12[%swap3A, %swap3A_57] {strides = array<i32>} : memref<640x16xf32, #tpu.memory_space<vmem>>, vector<1x16xf32>,
      %swap3A_59 = vector.shape_cast %swap3A_58 : vector<1x16xf32> to vector<16xf32>
      %swap3A_60 = vector.shape_cast %broadcast_in_dim3A_56 : vector<16xf32> to vector<1x16xf32>
      tpu.vector_store %arg12[%swap3A, %swap3A_57], %swap3A_60 {strides = array<i32>} : memref<640x16xf32, #tpu.memory_space<vmem>>, vector<1x16xf32>,
    }
    %scan3A_5 = arith.constant 640 : i32
    %mul3A_6 = arith.constant 640 : i32
    %mul3A_7 = arith.muli %arg1, %mul3A_6 : i32
    "tpu.region"() ({
      %run_scoped3A_55 = tpu.sem_alloc : memref<!tpu.dma_semaphore, #tpu.memory_space<semaphore_mem>>
      %dma_start3A_56 = arith.constant 0 : i32
      %dma_start3A_57 = tpu.memref_slice %arg13[%mul3A_7, %dma_start3A_56] : memref<10240x16xf32, #tpu.memory_space<vmem_shared>> -> memref<640x16xf32, #tpu.memory_space<vmem_shared>>
      %dma_start3A_58 = arith.constant 0 : i32
      %dma_start3A_59 = tpu.memref_slice %arg13[%mul3A_7, %dma_start3A_58] : memref<10240x16xf32, #tpu.memory_space<vmem_shared>> -> memref<640x16xf32, #tpu.memory_space<vmem_shared>>
      tpu.enqueue_dma source(%arg12 : memref<640x16xf32, #tpu.memory_space<vmem>>) target(%dma_start3A_59 : memref<640x16xf32, #tpu.memory_space<vmem_shared>>) target_semaphore(%run_scoped3A_55 : memref<!tpu.dma_semaphore, #tpu.memory_space<semaphore_mem>>)
      %dma_wait3A_60 = arith.constant 0 : i32
      %dma_wait3A_61 = tpu.memref_slice %arg13[%mul3A_7, %dma_wait3A_60] : memref<10240x16xf32, #tpu.memory_space<vmem_shared>> -> memref<640x16xf32, #tpu.memory_space<vmem_shared>>
      %dma_wait3A_62 = arith.constant 0 : i32
      %dma_wait3A_63 = tpu.memref_slice %arg13[%mul3A_7, %dma_wait3A_62] : memref<10240x16xf32, #tpu.memory_space<vmem_shared>> -> memref<640x16xf32, #tpu.memory_space<vmem_shared>>
      tpu.wait_dma2 semaphore(%run_scoped3A_55 : memref<!tpu.dma_semaphore, #tpu.memory_space<semaphore_mem>>) src(%arg12 : memref<640x16xf32, #tpu.memory_space<vmem>>) dst(%dma_wait3A_63 : memref<640x16xf32, #tpu.memory_space<vmem_shared>>)
      tpu.yield
    }) : () -> ()
    %barrier3A = arith.constant 0 : index
    tpu.barrier barrier_id(%barrier3A)
    %dma_start3A = arith.constant 0 : i32
    %dma_start3A_8 = arith.constant 0 : i32
    %dma_start3A_9 = tpu.memref_slice %arg7[%dma_start3A, %dma_start3A_8] : memref<125x80xi32, #tpu.memory_space<vmem>> -> memref<1x80xi32, #tpu.memory_space<vmem>>
    %dma_start3A_10 = tpu.memref_squeeze %dma_start3A_9 : memref<1x80xi32, #tpu.memory_space<vmem>> -> memref<80xi32, #tpu.memory_space<vmem>>
    %dma_start3A_11 = arith.constant 0 : i32
    %dma_start3A_12 = arith.constant 0 : i32
    %dma_start3A_13 = tpu.memref_slice %arg2[%dma_start3A_11, %dma_start3A_12] : memref<655360x16xf32, #tpu.memory_space<hbm>> -> memref<655360x16xf32, #tpu.memory_space<hbm>>
    tpu.enqueue_indirect_dma source(%dma_start3A_13 : memref<655360x16xf32, #tpu.memory_space<hbm>>) target(%arg8 : memref<80x16xf32, #tpu.memory_space<vmem>>) offsets(%dma_start3A_10 : memref<80xi32, #tpu.memory_space<vmem>>) semaphore(%arg14 : memref<!tpu.dma_semaphore, #tpu.memory_space<semaphore_mem>>)
    %dma_start3A_14 = arith.constant 1 : i32
    %dma_start3A_15 = arith.constant 0 : i32
    %dma_start3A_16 = tpu.memref_slice %arg7[%dma_start3A_14, %dma_start3A_15] : memref<125x80xi32, #tpu.memory_space<vmem>> -> memref<1x80xi32, #tpu.memory_space<vmem>>
    %dma_start3A_17 = tpu.memref_squeeze %dma_start3A_16 : memref<1x80xi32, #tpu.memory_space<vmem>> -> memref<80xi32, #tpu.memory_space<vmem>>
    %dma_start3A_18 = arith.constant 0 : i32
    %dma_start3A_19 = arith.constant 0 : i32
    %dma_start3A_20 = tpu.memref_slice %arg2[%dma_start3A_18, %dma_start3A_19] : memref<655360x16xf32, #tpu.memory_space<hbm>> -> memref<655360x16xf32, #tpu.memory_space<hbm>>
    tpu.enqueue_indirect_dma source(%dma_start3A_20 : memref<655360x16xf32, #tpu.memory_space<hbm>>) target(%arg9 : memref<80x16xf32, #tpu.memory_space<vmem>>) offsets(%dma_start3A_17 : memref<80xi32, #tpu.memory_space<vmem>>) semaphore(%arg15 : memref<!tpu.dma_semaphore, #tpu.memory_space<semaphore_mem>>)
    %dma_start3A_21 = arith.constant 2 : i32
    %dma_start3A_22 = arith.constant 0 : i32
    %dma_start3A_23 = tpu.memref_slice %arg7[%dma_start3A_21, %dma_start3A_22] : memref<125x80xi32, #tpu.memory_space<vmem>> -> memref<1x80xi32, #tpu.memory_space<vmem>>
    %dma_start3A_24 = tpu.memref_squeeze %dma_start3A_23 : memref<1x80xi32, #tpu.memory_space<vmem>> -> memref<80xi32, #tpu.memory_space<vmem>>
    %dma_start3A_25 = arith.constant 0 : i32
    %dma_start3A_26 = arith.constant 0 : i32
    %dma_start3A_27 = tpu.memref_slice %arg2[%dma_start3A_25, %dma_start3A_26] : memref<655360x16xf32, #tpu.memory_space<hbm>> -> memref<655360x16xf32, #tpu.memory_space<hbm>>
    tpu.enqueue_indirect_dma source(%dma_start3A_27 : memref<655360x16xf32, #tpu.memory_space<hbm>>) target(%arg10 : memref<80x16xf32, #tpu.memory_space<vmem>>) offsets(%dma_start3A_24 : memref<80xi32, #tpu.memory_space<vmem>>) semaphore(%arg16 : memref<!tpu.dma_semaphore, #tpu.memory_space<semaphore_mem>>)
    %dma_start3A_28 = arith.constant 3 : i32
    %dma_start3A_29 = arith.constant 0 : i32
    %dma_start3A_30 = tpu.memref_slice %arg7[%dma_start3A_28, %dma_start3A_29] : memref<125x80xi32, #tpu.memory_space<vmem>> -> memref<1x80xi32, #tpu.memory_space<vmem>>
    %dma_start3A_31 = tpu.memref_squeeze %dma_start3A_30 : memref<1x80xi32, #tpu.memory_space<vmem>> -> memref<80xi32, #tpu.memory_space<vmem>>
    %dma_start3A_32 = arith.constant 0 : i32
    %dma_start3A_33 = arith.constant 0 : i32
    %dma_start3A_34 = tpu.memref_slice %arg2[%dma_start3A_32, %dma_start3A_33] : memref<655360x16xf32, #tpu.memory_space<hbm>> -> memref<655360x16xf32, #tpu.memory_space<hbm>>
    tpu.enqueue_indirect_dma source(%dma_start3A_34 : memref<655360x16xf32, #tpu.memory_space<hbm>>) target(%arg11 : memref<80x16xf32, #tpu.memory_space<vmem>>) offsets(%dma_start3A_31 : memref<80xi32, #tpu.memory_space<vmem>>) semaphore(%arg17 : memref<!tpu.dma_semaphore, #tpu.memory_space<semaphore_mem>>)
    %scan3A_35 = arith.constant 0 : i32
    %scan3A_36 = arith.constant 0 : i32
    %scan3A_37 = arith.constant 31 : i32
    %scan3A_38 = arith.addi %scan3A_36, %scan3A_37 : i32
    %scan3A_39 = arith.constant 1 : i32
    scf.for %scan3A_55 = %scan3A_36 to %scan3A_38 step %scan3A_39  : i32 {
      %mul3A_56 = arith.constant 4 : i32
      %mul3A_57 = arith.muli %scan3A_55, %mul3A_56 : i32
      %add3A_58 = arith.constant 0 : i32
      %add3A_59 = arith.addi %mul3A_57, %add3A_58 : i32
      %dma_wait3A_60 = arith.constant 0 : i32
      %dma_wait3A_61 = tpu.memref_slice %arg7[%add3A_59, %dma_wait3A_60] : memref<125x80xi32, #tpu.memory_space<vmem>> -> memref<1x80xi32, #tpu.memory_space<vmem>>
      %dma_wait3A_62 = tpu.memref_squeeze %dma_wait3A_61 : memref<1x80xi32, #tpu.memory_space<vmem>> -> memref<80xi32, #tpu.memory_space<vmem>>
      %dma_wait3A_63 = arith.constant 0 : i32
      %dma_wait3A_64 = arith.constant 0 : i32
      %dma_wait3A_65 = tpu.memref_slice %arg2[%dma_wait3A_63, %dma_wait3A_64] : memref<655360x16xf32, #tpu.memory_space<hbm>> -> memref<655360x16xf32, #tpu.memory_space<hbm>>
      tpu.wait_indirect_dma semaphore(%arg14 : memref<!tpu.dma_semaphore, #tpu.memory_space<semaphore_mem>>) src(%dma_wait3A_65 : memref<655360x16xf32, #tpu.memory_space<hbm>>) dst(%arg8 : memref<80x16xf32, #tpu.memory_space<vmem>>)
      "tpu.region"() ({
        %run_scoped3A_115 = tpu.sem_alloc : memref<!tpu.dma_semaphore, #tpu.memory_space<semaphore_mem>>
        %dma_start3A_116 = arith.constant 0 : i32
        %dma_start3A_117 = tpu.memref_slice %arg6[%add3A_59, %dma_start3A_116] : memref<125x80xi32, #tpu.memory_space<vmem>> -> memref<1x80xi32, #tpu.memory_space<vmem>>
        %dma_start3A_118 = tpu.memref_squeeze %dma_start3A_117 : memref<1x80xi32, #tpu.memory_space<vmem>> -> memref<80xi32, #tpu.memory_space<vmem>>
        %dma_start3A_119 = arith.constant 0 : i32
        %dma_start3A_120 = arith.constant 0 : i32
        %dma_start3A_121 = tpu.memref_slice %arg13[%dma_start3A_119, %dma_start3A_120] : memref<10240x16xf32, #tpu.memory_space<vmem_shared>> -> memref<10240x16xf32, #tpu.memory_space<vmem_shared>>
        tpu.enqueue_indirect_dma source(%arg8 : memref<80x16xf32, #tpu.memory_space<vmem>>) target(%dma_start3A_121 : memref<10240x16xf32, #tpu.memory_space<vmem_shared>>) offsets(%dma_start3A_118 : memref<80xi32, #tpu.memory_space<vmem>>) semaphore(%run_scoped3A_115 : memref<!tpu.dma_semaphore, #tpu.memory_space<semaphore_mem>>) {add = true}
        %dma_wait3A_122 = arith.constant 0 : i32
        %dma_wait3A_123 = tpu.memref_slice %arg6[%add3A_59, %dma_wait3A_122] : memref<125x80xi32, #tpu.memory_space<vmem>> -> memref<1x80xi32, #tpu.memory_space<vmem>>
        %dma_wait3A_124 = tpu.memref_squeeze %dma_wait3A_123 : memref<1x80xi32, #tpu.memory_space<vmem>> -> memref<80xi32, #tpu.memory_space<vmem>>
        %dma_wait3A_125 = arith.constant 0 : i32
        %dma_wait3A_126 = arith.constant 0 : i32
        %dma_wait3A_127 = tpu.memref_slice %arg13[%dma_wait3A_125, %dma_wait3A_126] : memref<10240x16xf32, #tpu.memory_space<vmem_shared>> -> memref<10240x16xf32, #tpu.memory_space<vmem_shared>>
        tpu.wait_indirect_dma semaphore(%run_scoped3A_115 : memref<!tpu.dma_semaphore, #tpu.memory_space<semaphore_mem>>) src(%arg8 : memref<80x16xf32, #tpu.memory_space<vmem>>) dst(%dma_wait3A_127 : memref<10240x16xf32, #tpu.memory_space<vmem_shared>>)
        tpu.yield
      }) : () -> ()
      %add3A_66 = arith.constant 4 : i32
      %add3A_67 = arith.addi %add3A_59, %add3A_66 : i32
      %lt3A = arith.constant 125 : i32
      %lt3A_68 = arith.cmpi slt, %add3A_67, %lt3A : i32
      %convert_element_type3A = arith.extui %lt3A_68 : i1 to i32
      %cond3A = arith.constant 0 : i32
      %cond3A_69 = arith.cmpi ne, %convert_element_type3A, %cond3A : i32
      scf.if %cond3A_69 {
        %add3A_115 = arith.constant 4 : i32
        %add3A_116 = arith.addi %add3A_59, %add3A_115 : i32
        %dma_start3A_117 = arith.constant 0 : i32
        %dma_start3A_118 = tpu.memref_slice %arg7[%add3A_116, %dma_start3A_117] : memref<125x80xi32, #tpu.memory_space<vmem>> -> memref<1x80xi32, #tpu.memory_space<vmem>>
        %dma_start3A_119 = tpu.memref_squeeze %dma_start3A_118 : memref<1x80xi32, #tpu.memory_space<vmem>> -> memref<80xi32, #tpu.memory_space<vmem>>
        %dma_start3A_120 = arith.constant 0 : i32
        %dma_start3A_121 = arith.constant 0 : i32
        %dma_start3A_122 = tpu.memref_slice %arg2[%dma_start3A_120, %dma_start3A_121] : memref<655360x16xf32, #tpu.memory_space<hbm>> -> memref<655360x16xf32, #tpu.memory_space<hbm>>
        tpu.enqueue_indirect_dma source(%dma_start3A_122 : memref<655360x16xf32, #tpu.memory_space<hbm>>) target(%arg8 : memref<80x16xf32, #tpu.memory_space<vmem>>) offsets(%dma_start3A_119 : memref<80xi32, #tpu.memory_space<vmem>>) semaphore(%arg14 : memref<!tpu.dma_semaphore, #tpu.memory_space<semaphore_mem>>)
      } else {
      }
      %add3A_70 = arith.constant 1 : i32
      %add3A_71 = arith.addi %mul3A_57, %add3A_70 : i32
      %dma_wait3A_72 = arith.constant 0 : i32
      %dma_wait3A_73 = tpu.memref_slice %arg7[%add3A_71, %dma_wait3A_72] : memref<125x80xi32, #tpu.memory_space<vmem>> -> memref<1x80xi32, #tpu.memory_space<vmem>>
      %dma_wait3A_74 = tpu.memref_squeeze %dma_wait3A_73 : memref<1x80xi32, #tpu.memory_space<vmem>> -> memref<80xi32, #tpu.memory_space<vmem>>
      %dma_wait3A_75 = arith.constant 0 : i32
      %dma_wait3A_76 = arith.constant 0 : i32
      %dma_wait3A_77 = tpu.memref_slice %arg2[%dma_wait3A_75, %dma_wait3A_76] : memref<655360x16xf32, #tpu.memory_space<hbm>> -> memref<655360x16xf32, #tpu.memory_space<hbm>>
      tpu.wait_indirect_dma semaphore(%arg15 : memref<!tpu.dma_semaphore, #tpu.memory_space<semaphore_mem>>) src(%dma_wait3A_77 : memref<655360x16xf32, #tpu.memory_space<hbm>>) dst(%arg9 : memref<80x16xf32, #tpu.memory_space<vmem>>)
      "tpu.region"() ({
        %run_scoped3A_115 = tpu.sem_alloc : memref<!tpu.dma_semaphore, #tpu.memory_space<semaphore_mem>>
        %dma_start3A_116 = arith.constant 0 : i32
        %dma_start3A_117 = tpu.memref_slice %arg6[%add3A_71, %dma_start3A_116] : memref<125x80xi32, #tpu.memory_space<vmem>> -> memref<1x80xi32, #tpu.memory_space<vmem>>
        %dma_start3A_118 = tpu.memref_squeeze %dma_start3A_117 : memref<1x80xi32, #tpu.memory_space<vmem>> -> memref<80xi32, #tpu.memory_space<vmem>>
        %dma_start3A_119 = arith.constant 0 : i32
        %dma_start3A_120 = arith.constant 0 : i32
        %dma_start3A_121 = tpu.memref_slice %arg13[%dma_start3A_119, %dma_start3A_120] : memref<10240x16xf32, #tpu.memory_space<vmem_shared>> -> memref<10240x16xf32, #tpu.memory_space<vmem_shared>>
        tpu.enqueue_indirect_dma source(%arg9 : memref<80x16xf32, #tpu.memory_space<vmem>>) target(%dma_start3A_121 : memref<10240x16xf32, #tpu.memory_space<vmem_shared>>) offsets(%dma_start3A_118 : memref<80xi32, #tpu.memory_space<vmem>>) semaphore(%run_scoped3A_115 : memref<!tpu.dma_semaphore, #tpu.memory_space<semaphore_mem>>) {add = true}
        %dma_wait3A_122 = arith.constant 0 : i32
        %dma_wait3A_123 = tpu.memref_slice %arg6[%add3A_71, %dma_wait3A_122] : memref<125x80xi32, #tpu.memory_space<vmem>> -> memref<1x80xi32, #tpu.memory_space<vmem>>
        %dma_wait3A_124 = tpu.memref_squeeze %dma_wait3A_123 : memref<1x80xi32, #tpu.memory_space<vmem>> -> memref<80xi32, #tpu.memory_space<vmem>>
        %dma_wait3A_125 = arith.constant 0 : i32
        %dma_wait3A_126 = arith.constant 0 : i32
        %dma_wait3A_127 = tpu.memref_slice %arg13[%dma_wait3A_125, %dma_wait3A_126] : memref<10240x16xf32, #tpu.memory_space<vmem_shared>> -> memref<10240x16xf32, #tpu.memory_space<vmem_shared>>
        tpu.wait_indirect_dma semaphore(%run_scoped3A_115 : memref<!tpu.dma_semaphore, #tpu.memory_space<semaphore_mem>>) src(%arg9 : memref<80x16xf32, #tpu.memory_space<vmem>>) dst(%dma_wait3A_127 : memref<10240x16xf32, #tpu.memory_space<vmem_shared>>)
        tpu.yield
      }) : () -> ()
      %add3A_78 = arith.constant 4 : i32
      %add3A_79 = arith.addi %add3A_71, %add3A_78 : i32
      %lt3A_80 = arith.constant 125 : i32
      %lt3A_81 = arith.cmpi slt, %add3A_79, %lt3A_80 : i32
      %convert_element_type3A_82 = arith.extui %lt3A_81 : i1 to i32
      %cond3A_83 = arith.constant 0 : i32
      %cond3A_84 = arith.cmpi ne, %convert_element_type3A_82, %cond3A_83 : i32
      scf.if %cond3A_84 {
        %add3A_115 = arith.constant 4 : i32
        %add3A_116 = arith.addi %add3A_71, %add3A_115 : i32
        %dma_start3A_117 = arith.constant 0 : i32
        %dma_start3A_118 = tpu.memref_slice %arg7[%add3A_116, %dma_start3A_117] : memref<125x80xi32, #tpu.memory_space<vmem>> -> memref<1x80xi32, #tpu.memory_space<vmem>>
        %dma_start3A_119 = tpu.memref_squeeze %dma_start3A_118 : memref<1x80xi32, #tpu.memory_space<vmem>> -> memref<80xi32, #tpu.memory_space<vmem>>
        %dma_start3A_120 = arith.constant 0 : i32
        %dma_start3A_121 = arith.constant 0 : i32
        %dma_start3A_122 = tpu.memref_slice %arg2[%dma_start3A_120, %dma_start3A_121] : memref<655360x16xf32, #tpu.memory_space<hbm>> -> memref<655360x16xf32, #tpu.memory_space<hbm>>
        tpu.enqueue_indirect_dma source(%dma_start3A_122 : memref<655360x16xf32, #tpu.memory_space<hbm>>) target(%arg9 : memref<80x16xf32, #tpu.memory_space<vmem>>) offsets(%dma_start3A_119 : memref<80xi32, #tpu.memory_space<vmem>>) semaphore(%arg15 : memref<!tpu.dma_semaphore, #tpu.memory_space<semaphore_mem>>)
      } else {
      }
      %add3A_85 = arith.constant 2 : i32
      %add3A_86 = arith.addi %mul3A_57, %add3A_85 : i32
      %dma_wait3A_87 = arith.constant 0 : i32
      %dma_wait3A_88 = tpu.memref_slice %arg7[%add3A_86, %dma_wait3A_87] : memref<125x80xi32, #tpu.memory_space<vmem>> -> memref<1x80xi32, #tpu.memory_space<vmem>>
      %dma_wait3A_89 = tpu.memref_squeeze %dma_wait3A_88 : memref<1x80xi32, #tpu.memory_space<vmem>> -> memref<80xi32, #tpu.memory_space<vmem>>
      %dma_wait3A_90 = arith.constant 0 : i32
      %dma_wait3A_91 = arith.constant 0 : i32
      %dma_wait3A_92 = tpu.memref_slice %arg2[%dma_wait3A_90, %dma_wait3A_91] : memref<655360x16xf32, #tpu.memory_space<hbm>> -> memref<655360x16xf32, #tpu.memory_space<hbm>>
      tpu.wait_indirect_dma semaphore(%arg16 : memref<!tpu.dma_semaphore, #tpu.memory_space<semaphore_mem>>) src(%dma_wait3A_92 : memref<655360x16xf32, #tpu.memory_space<hbm>>) dst(%arg10 : memref<80x16xf32, #tpu.memory_space<vmem>>)
      "tpu.region"() ({
        %run_scoped3A_115 = tpu.sem_alloc : memref<!tpu.dma_semaphore, #tpu.memory_space<semaphore_mem>>
        %dma_start3A_116 = arith.constant 0 : i32
        %dma_start3A_117 = tpu.memref_slice %arg6[%add3A_86, %dma_start3A_116] : memref<125x80xi32, #tpu.memory_space<vmem>> -> memref<1x80xi32, #tpu.memory_space<vmem>>
        %dma_start3A_118 = tpu.memref_squeeze %dma_start3A_117 : memref<1x80xi32, #tpu.memory_space<vmem>> -> memref<80xi32, #tpu.memory_space<vmem>>
        %dma_start3A_119 = arith.constant 0 : i32
        %dma_start3A_120 = arith.constant 0 : i32
        %dma_start3A_121 = tpu.memref_slice %arg13[%dma_start3A_119, %dma_start3A_120] : memref<10240x16xf32, #tpu.memory_space<vmem_shared>> -> memref<10240x16xf32, #tpu.memory_space<vmem_shared>>
        tpu.enqueue_indirect_dma source(%arg10 : memref<80x16xf32, #tpu.memory_space<vmem>>) target(%dma_start3A_121 : memref<10240x16xf32, #tpu.memory_space<vmem_shared>>) offsets(%dma_start3A_118 : memref<80xi32, #tpu.memory_space<vmem>>) semaphore(%run_scoped3A_115 : memref<!tpu.dma_semaphore, #tpu.memory_space<semaphore_mem>>) {add = true}
        %dma_wait3A_122 = arith.constant 0 : i32
        %dma_wait3A_123 = tpu.memref_slice %arg6[%add3A_86, %dma_wait3A_122] : memref<125x80xi32, #tpu.memory_space<vmem>> -> memref<1x80xi32, #tpu.memory_space<vmem>>
        %dma_wait3A_124 = tpu.memref_squeeze %dma_wait3A_123 : memref<1x80xi32, #tpu.memory_space<vmem>> -> memref<80xi32, #tpu.memory_space<vmem>>
        %dma_wait3A_125 = arith.constant 0 : i32
        %dma_wait3A_126 = arith.constant 0 : i32
        %dma_wait3A_127 = tpu.memref_slice %arg13[%dma_wait3A_125, %dma_wait3A_126] : memref<10240x16xf32, #tpu.memory_space<vmem_shared>> -> memref<10240x16xf32, #tpu.memory_space<vmem_shared>>
        tpu.wait_indirect_dma semaphore(%run_scoped3A_115 : memref<!tpu.dma_semaphore, #tpu.memory_space<semaphore_mem>>) src(%arg10 : memref<80x16xf32, #tpu.memory_space<vmem>>) dst(%dma_wait3A_127 : memref<10240x16xf32, #tpu.memory_space<vmem_shared>>)
        tpu.yield
      }) : () -> ()
      %add3A_93 = arith.constant 4 : i32
      %add3A_94 = arith.addi %add3A_86, %add3A_93 : i32
      %lt3A_95 = arith.constant 125 : i32
      %lt3A_96 = arith.cmpi slt, %add3A_94, %lt3A_95 : i32
      %convert_element_type3A_97 = arith.extui %lt3A_96 : i1 to i32
      %cond3A_98 = arith.constant 0 : i32
      %cond3A_99 = arith.cmpi ne, %convert_element_type3A_97, %cond3A_98 : i32
      scf.if %cond3A_99 {
        %add3A_115 = arith.constant 4 : i32
        %add3A_116 = arith.addi %add3A_86, %add3A_115 : i32
        %dma_start3A_117 = arith.constant 0 : i32
        %dma_start3A_118 = tpu.memref_slice %arg7[%add3A_116, %dma_start3A_117] : memref<125x80xi32, #tpu.memory_space<vmem>> -> memref<1x80xi32, #tpu.memory_space<vmem>>
        %dma_start3A_119 = tpu.memref_squeeze %dma_start3A_118 : memref<1x80xi32, #tpu.memory_space<vmem>> -> memref<80xi32, #tpu.memory_space<vmem>>
        %dma_start3A_120 = arith.constant 0 : i32
        %dma_start3A_121 = arith.constant 0 : i32
        %dma_start3A_122 = tpu.memref_slice %arg2[%dma_start3A_120, %dma_start3A_121] : memref<655360x16xf32, #tpu.memory_space<hbm>> -> memref<655360x16xf32, #tpu.memory_space<hbm>>
        tpu.enqueue_indirect_dma source(%dma_start3A_122 : memref<655360x16xf32, #tpu.memory_space<hbm>>) target(%arg10 : memref<80x16xf32, #tpu.memory_space<vmem>>) offsets(%dma_start3A_119 : memref<80xi32, #tpu.memory_space<vmem>>) semaphore(%arg16 : memref<!tpu.dma_semaphore, #tpu.memory_space<semaphore_mem>>)
      } else {
      }
      %add3A_100 = arith.constant 3 : i32
      %add3A_101 = arith.addi %mul3A_57, %add3A_100 : i32
      %dma_wait3A_102 = arith.constant 0 : i32
      %dma_wait3A_103 = tpu.memref_slice %arg7[%add3A_101, %dma_wait3A_102] : memref<125x80xi32, #tpu.memory_space<vmem>> -> memref<1x80xi32, #tpu.memory_space<vmem>>
      %dma_wait3A_104 = tpu.memref_squeeze %dma_wait3A_103 : memref<1x80xi32, #tpu.memory_space<vmem>> -> memref<80xi32, #tpu.memory_space<vmem>>
      %dma_wait3A_105 = arith.constant 0 : i32
      %dma_wait3A_106 = arith.constant 0 : i32
      %dma_wait3A_107 = tpu.memref_slice %arg2[%dma_wait3A_105, %dma_wait3A_106] : memref<655360x16xf32, #tpu.memory_space<hbm>> -> memref<655360x16xf32, #tpu.memory_space<hbm>>
      tpu.wait_indirect_dma semaphore(%arg17 : memref<!tpu.dma_semaphore, #tpu.memory_space<semaphore_mem>>) src(%dma_wait3A_107 : memref<655360x16xf32, #tpu.memory_space<hbm>>) dst(%arg11 : memref<80x16xf32, #tpu.memory_space<vmem>>)
      "tpu.region"() ({
        %run_scoped3A_115 = tpu.sem_alloc : memref<!tpu.dma_semaphore, #tpu.memory_space<semaphore_mem>>
        %dma_start3A_116 = arith.constant 0 : i32
        %dma_start3A_117 = tpu.memref_slice %arg6[%add3A_101, %dma_start3A_116] : memref<125x80xi32, #tpu.memory_space<vmem>> -> memref<1x80xi32, #tpu.memory_space<vmem>>
        %dma_start3A_118 = tpu.memref_squeeze %dma_start3A_117 : memref<1x80xi32, #tpu.memory_space<vmem>> -> memref<80xi32, #tpu.memory_space<vmem>>
        %dma_start3A_119 = arith.constant 0 : i32
        %dma_start3A_120 = arith.constant 0 : i32
        %dma_start3A_121 = tpu.memref_slice %arg13[%dma_start3A_119, %dma_start3A_120] : memref<10240x16xf32, #tpu.memory_space<vmem_shared>> -> memref<10240x16xf32, #tpu.memory_space<vmem_shared>>
        tpu.enqueue_indirect_dma source(%arg11 : memref<80x16xf32, #tpu.memory_space<vmem>>) target(%dma_start3A_121 : memref<10240x16xf32, #tpu.memory_space<vmem_shared>>) offsets(%dma_start3A_118 : memref<80xi32, #tpu.memory_space<vmem>>) semaphore(%run_scoped3A_115 : memref<!tpu.dma_semaphore, #tpu.memory_space<semaphore_mem>>) {add = true}
        %dma_wait3A_122 = arith.constant 0 : i32
        %dma_wait3A_123 = tpu.memref_slice %arg6[%add3A_101, %dma_wait3A_122] : memref<125x80xi32, #tpu.memory_space<vmem>> -> memref<1x80xi32, #tpu.memory_space<vmem>>
        %dma_wait3A_124 = tpu.memref_squeeze %dma_wait3A_123 : memref<1x80xi32, #tpu.memory_space<vmem>> -> memref<80xi32, #tpu.memory_space<vmem>>
        %dma_wait3A_125 = arith.constant 0 : i32
        %dma_wait3A_126 = arith.constant 0 : i32
        %dma_wait3A_127 = tpu.memref_slice %arg13[%dma_wait3A_125, %dma_wait3A_126] : memref<10240x16xf32, #tpu.memory_space<vmem_shared>> -> memref<10240x16xf32, #tpu.memory_space<vmem_shared>>
        tpu.wait_indirect_dma semaphore(%run_scoped3A_115 : memref<!tpu.dma_semaphore, #tpu.memory_space<semaphore_mem>>) src(%arg11 : memref<80x16xf32, #tpu.memory_space<vmem>>) dst(%dma_wait3A_127 : memref<10240x16xf32, #tpu.memory_space<vmem_shared>>)
        tpu.yield
      }) : () -> ()
      %add3A_108 = arith.constant 4 : i32
      %add3A_109 = arith.addi %add3A_101, %add3A_108 : i32
      %lt3A_110 = arith.constant 125 : i32
      %lt3A_111 = arith.cmpi slt, %add3A_109, %lt3A_110 : i32
      %convert_element_type3A_112 = arith.extui %lt3A_111 : i1 to i32
      %cond3A_113 = arith.constant 0 : i32
      %cond3A_114 = arith.cmpi ne, %convert_element_type3A_112, %cond3A_113 : i32
      scf.if %cond3A_114 {
        %add3A_115 = arith.constant 4 : i32
        %add3A_116 = arith.addi %add3A_101, %add3A_115 : i32
        %dma_start3A_117 = arith.constant 0 : i32
        %dma_start3A_118 = tpu.memref_slice %arg7[%add3A_116, %dma_start3A_117] : memref<125x80xi32, #tpu.memory_space<vmem>> -> memref<1x80xi32, #tpu.memory_space<vmem>>
        %dma_start3A_119 = tpu.memref_squeeze %dma_start3A_118 : memref<1x80xi32, #tpu.memory_space<vmem>> -> memref<80xi32, #tpu.memory_space<vmem>>
        %dma_start3A_120 = arith.constant 0 : i32
        %dma_start3A_121 = arith.constant 0 : i32
        %dma_start3A_122 = tpu.memref_slice %arg2[%dma_start3A_120, %dma_start3A_121] : memref<655360x16xf32, #tpu.memory_space<hbm>> -> memref<655360x16xf32, #tpu.memory_space<hbm>>
        tpu.enqueue_indirect_dma source(%dma_start3A_122 : memref<655360x16xf32, #tpu.memory_space<hbm>>) target(%arg11 : memref<80x16xf32, #tpu.memory_space<vmem>>) offsets(%dma_start3A_119 : memref<80xi32, #tpu.memory_space<vmem>>) semaphore(%arg17 : memref<!tpu.dma_semaphore, #tpu.memory_space<semaphore_mem>>)
      } else {
      }
    }
    %scan3A_40 = arith.constant 31 : i32
    %dma_wait3A = arith.constant 124 : i32
    %dma_wait3A_41 = arith.constant 0 : i32
    %dma_wait3A_42 = tpu.memref_slice %arg7[%dma_wait3A, %dma_wait3A_41] : memref<125x80xi32, #tpu.memory_space<vmem>> -> memref<1x80xi32, #tpu.memory_space<vmem>>
    %dma_wait3A_43 = tpu.memref_squeeze %dma_wait3A_42 : memref<1x80xi32, #tpu.memory_space<vmem>> -> memref<80xi32, #tpu.memory_space<vmem>>
    %dma_wait3A_44 = arith.constant 0 : i32
    %dma_wait3A_45 = arith.constant 0 : i32
    %dma_wait3A_46 = tpu.memref_slice %arg2[%dma_wait3A_44, %dma_wait3A_45] : memref<655360x16xf32, #tpu.memory_space<hbm>> -> memref<655360x16xf32, #tpu.memory_space<hbm>>
    tpu.wait_indirect_dma semaphore(%arg14 : memref<!tpu.dma_semaphore, #tpu.memory_space<semaphore_mem>>) src(%dma_wait3A_46 : memref<655360x16xf32, #tpu.memory_space<hbm>>) dst(%arg8 : memref<80x16xf32, #tpu.memory_space<vmem>>)
    %run_scoped3A = arith.constant 124 : i32
    "tpu.region"() ({
      %run_scoped3A_55 = tpu.sem_alloc : memref<!tpu.dma_semaphore, #tpu.memory_space<semaphore_mem>>
      %dma_start3A_56 = arith.constant 0 : i32
      %dma_start3A_57 = tpu.memref_slice %arg6[%run_scoped3A, %dma_start3A_56] : memref<125x80xi32, #tpu.memory_space<vmem>> -> memref<1x80xi32, #tpu.memory_space<vmem>>
      %dma_start3A_58 = tpu.memref_squeeze %dma_start3A_57 : memref<1x80xi32, #tpu.memory_space<vmem>> -> memref<80xi32, #tpu.memory_space<vmem>>
      %dma_start3A_59 = arith.constant 0 : i32
      %dma_start3A_60 = arith.constant 0 : i32
      %dma_start3A_61 = tpu.memref_slice %arg13[%dma_start3A_59, %dma_start3A_60] : memref<10240x16xf32, #tpu.memory_space<vmem_shared>> -> memref<10240x16xf32, #tpu.memory_space<vmem_shared>>
      tpu.enqueue_indirect_dma source(%arg8 : memref<80x16xf32, #tpu.memory_space<vmem>>) target(%dma_start3A_61 : memref<10240x16xf32, #tpu.memory_space<vmem_shared>>) offsets(%dma_start3A_58 : memref<80xi32, #tpu.memory_space<vmem>>) semaphore(%run_scoped3A_55 : memref<!tpu.dma_semaphore, #tpu.memory_space<semaphore_mem>>) {add = true}
      %dma_wait3A_62 = arith.constant 0 : i32
      %dma_wait3A_63 = tpu.memref_slice %arg6[%run_scoped3A, %dma_wait3A_62] : memref<125x80xi32, #tpu.memory_space<vmem>> -> memref<1x80xi32, #tpu.memory_space<vmem>>
      %dma_wait3A_64 = tpu.memref_squeeze %dma_wait3A_63 : memref<1x80xi32, #tpu.memory_space<vmem>> -> memref<80xi32, #tpu.memory_space<vmem>>
      %dma_wait3A_65 = arith.constant 0 : i32
      %dma_wait3A_66 = arith.constant 0 : i32
      %dma_wait3A_67 = tpu.memref_slice %arg13[%dma_wait3A_65, %dma_wait3A_66] : memref<10240x16xf32, #tpu.memory_space<vmem_shared>> -> memref<10240x16xf32, #tpu.memory_space<vmem_shared>>
      tpu.wait_indirect_dma semaphore(%run_scoped3A_55 : memref<!tpu.dma_semaphore, #tpu.memory_space<semaphore_mem>>) src(%arg8 : memref<80x16xf32, #tpu.memory_space<vmem>>) dst(%dma_wait3A_67 : memref<10240x16xf32, #tpu.memory_space<vmem_shared>>)
      tpu.yield
    }) : () -> ()
    %barrier3A_47 = arith.constant 0 : index
    tpu.barrier barrier_id(%barrier3A_47)
    %mul3A_48 = arith.constant 640 : i32
    %mul3A_49 = arith.muli %arg1, %mul3A_48 : i32
    %mul3A_50 = arith.constant 10240 : i32
    %mul3A_51 = arith.muli %arg0, %mul3A_50 : i32
    %mul3A_52 = arith.constant 640 : i32
    %mul3A_53 = arith.muli %arg1, %mul3A_52 : i32
    %add3A_54 = arith.addi %mul3A_51, %mul3A_53 : i32
    "tpu.region"() ({
      %run_scoped3A_55 = tpu.sem_alloc : memref<!tpu.dma_semaphore, #tpu.memory_space<semaphore_mem>>
      %dma_start3A_56 = arith.constant 0 : i32
      %dma_start3A_57 = tpu.memref_slice %arg5[%add3A_54, %dma_start3A_56] : memref<20480x16xf32, #tpu.memory_space<hbm>> -> memref<640x16xf32, #tpu.memory_space<hbm>>
      %dma_start3A_58 = arith.constant 0 : i32
      %dma_start3A_59 = tpu.memref_slice %arg13[%mul3A_49, %dma_start3A_58] : memref<10240x16xf32, #tpu.memory_space<vmem_shared>> -> memref<640x16xf32, #tpu.memory_space<vmem_shared>>
      tpu.enqueue_dma source(%dma_start3A_59 : memref<640x16xf32, #tpu.memory_space<vmem_shared>>) target(%dma_start3A_57 : memref<640x16xf32, #tpu.memory_space<hbm>>) target_semaphore(%run_scoped3A_55 : memref<!tpu.dma_semaphore, #tpu.memory_space<semaphore_mem>>)
      %dma_wait3A_60 = arith.constant 0 : i32
      %dma_wait3A_61 = tpu.memref_slice %arg5[%add3A_54, %dma_wait3A_60] : memref<20480x16xf32, #tpu.memory_space<hbm>> -> memref<640x16xf32, #tpu.memory_space<hbm>>
      %dma_wait3A_62 = arith.constant 0 : i32
      %dma_wait3A_63 = tpu.memref_slice %arg13[%mul3A_49, %dma_wait3A_62] : memref<10240x16xf32, #tpu.memory_space<vmem_shared>> -> memref<640x16xf32, #tpu.memory_space<vmem_shared>>
      tpu.wait_dma2 semaphore(%run_scoped3A_55 : memref<!tpu.dma_semaphore, #tpu.memory_space<semaphore_mem>>) src(%dma_wait3A_63 : memref<640x16xf32, #tpu.memory_space<vmem_shared>>) dst(%dma_wait3A_61 : memref<640x16xf32, #tpu.memory_space<hbm>>)
      tpu.yield
    }) : () -> ()
    return
  }
}

module attributes {stable_mosaic.version = 14 : i64} {
  func.func @_prep_body(%arg0: memref<10240x1xi32, #tpu.memory_space<vmem>>, %arg1: memref<10240x1xi32, #tpu.memory_space<vmem>>, %arg2: memref<10240x1xi32, #tpu.memory_space<vmem>>, %arg3: memref<16x8xf32, #tpu.memory_space<vmem>>, %arg4: memref<16x4xf32, #tpu.memory_space<vmem>>, %arg5: memref<16x4xf32, #tpu.memory_space<vmem>>, %arg6: memref<8x16xf32, #tpu.memory_space<vmem>>, %arg7: memref<4x16xf32, #tpu.memory_space<vmem>>, %arg8: memref<4x16xf32, #tpu.memory_space<vmem>>, %arg9: memref<1x16xf32, #tpu.memory_space<vmem>>, %arg10: memref<8x4xf32, #tpu.memory_space<vmem>>, %arg11: memref<8x4xf32, #tpu.memory_space<vmem>>, %arg12: memref<4x32xf32, #tpu.memory_space<vmem>>, %arg13: memref<4x32xf32, #tpu.memory_space<vmem>>, %arg14: memref<1x32xf32, #tpu.memory_space<vmem>>, %arg15: memref<16x32x16xf32, #tpu.memory_space<vmem>>, %arg16: memref<16x16xf32, #tpu.memory_space<vmem>>, %arg17: memref<10240x16xf32, #tpu.memory_space<vmem>>, %arg18: memref<16x64x16xf32, #tpu.memory_space<vmem>>) attributes {dimension_semantics = [], scalar_prefetch = 0 : i64, scratch_operands = 0 : i64, tpu.core_type = #tpu.core_type<tc>} {
    %iota3A = tpu.iota {dimensions = array<i32: 1>} : vector<10240x16xi32>
    %get3A = arith.constant 0 : index
    %get3A_0 = arith.constant 0 : index
    %get3A_1 = vector.load %arg0[%get3A, %get3A_0] : memref<10240x1xi32, #tpu.memory_space<vmem>>, vector<10240x1xi32>
    %eq3A = vector.broadcast %get3A_1 : vector<10240x1xi32> to vector<10240x16xi32>
    %eq3A_2 = arith.cmpi eq, %eq3A, %iota3A : vector<10240x16xi32>
    %convert_element_type3A = arith.extui %eq3A_2 : vector<10240x16xi1> to vector<10240x16xi32>
    %convert_element_type3A_3 = arith.sitofp %convert_element_type3A : vector<10240x16xi32> to vector<10240x16xf32>
    %get3A_4 = arith.constant 0 : index
    %get3A_5 = arith.constant 0 : index
    %get3A_6 = vector.load %arg1[%get3A_4, %get3A_5] : memref<10240x1xi32, #tpu.memory_space<vmem>>, vector<10240x1xi32>
    %eq3A_7 = vector.broadcast %get3A_6 : vector<10240x1xi32> to vector<10240x16xi32>
    %eq3A_8 = arith.cmpi eq, %eq3A_7, %iota3A : vector<10240x16xi32>
    %convert_element_type3A_9 = arith.extui %eq3A_8 : vector<10240x16xi1> to vector<10240x16xi32>
    %convert_element_type3A_10 = arith.sitofp %convert_element_type3A_9 : vector<10240x16xi32> to vector<10240x16xf32>
    %get3A_11 = arith.constant 0 : index
    %get3A_12 = arith.constant 0 : index
    %get3A_13 = vector.load %arg2[%get3A_11, %get3A_12] : memref<10240x1xi32, #tpu.memory_space<vmem>>, vector<10240x1xi32>
    %eq3A_14 = vector.broadcast %get3A_13 : vector<10240x1xi32> to vector<10240x16xi32>
    %eq3A_15 = arith.cmpi eq, %eq3A_14, %iota3A : vector<10240x16xi32>
    %convert_element_type3A_16 = arith.extui %eq3A_15 : vector<10240x16xi1> to vector<10240x16xi32>
    %convert_element_type3A_17 = arith.sitofp %convert_element_type3A_16 : vector<10240x16xi32> to vector<10240x16xf32>
    %get3A_18 = arith.constant 0 : index
    %get3A_19 = arith.constant 0 : index
    %get3A_20 = vector.load %arg3[%get3A_18, %get3A_19] : memref<16x8xf32, #tpu.memory_space<vmem>>, vector<16x8xf32>
    %get3A_21 = arith.constant 0 : index
    %get3A_22 = arith.constant 0 : index
    %get3A_23 = vector.load %arg6[%get3A_21, %get3A_22] : memref<8x16xf32, #tpu.memory_space<vmem>>, vector<8x16xf32>
    %dot_general3A = arith.constant dense<0.000000e+00> : vector<16x16xf32>
    %dot_general3A_24 = tpu.matmul %get3A_20, %get3A_23, %dot_general3A {dimension_numbers = #tpu.dot_dimension_numbers<[1], [0], [0], [1], [0, 0, 1, 1], [], []>, transpose_lhs_hint = false} : vector<16x8xf32>, vector<8x16xf32>, vector<16x16xf32> -> vector<16x16xf32>
    %get3A_25 = arith.constant 0 : index
    %get3A_26 = arith.constant 0 : index
    %get3A_27 = vector.load %arg4[%get3A_25, %get3A_26] : memref<16x4xf32, #tpu.memory_space<vmem>>, vector<16x4xf32>
    %get3A_28 = arith.constant 0 : index
    %get3A_29 = arith.constant 0 : index
    %get3A_30 = vector.load %arg7[%get3A_28, %get3A_29] : memref<4x16xf32, #tpu.memory_space<vmem>>, vector<4x16xf32>
    %dot_general3A_31 = arith.constant dense<0.000000e+00> : vector<16x16xf32>
    %dot_general3A_32 = tpu.matmul %get3A_27, %get3A_30, %dot_general3A_31 {dimension_numbers = #tpu.dot_dimension_numbers<[1], [0], [0], [1], [0, 0, 1, 1], [], []>, transpose_lhs_hint = false} : vector<16x4xf32>, vector<4x16xf32>, vector<16x16xf32> -> vector<16x16xf32>
    %get3A_33 = arith.constant 0 : index
    %get3A_34 = arith.constant 0 : index
    %get3A_35 = vector.load %arg5[%get3A_33, %get3A_34] : memref<16x4xf32, #tpu.memory_space<vmem>>, vector<16x4xf32>
    %get3A_36 = arith.constant 0 : index
    %get3A_37 = arith.constant 0 : index
    %get3A_38 = vector.load %arg8[%get3A_36, %get3A_37] : memref<4x16xf32, #tpu.memory_space<vmem>>, vector<4x16xf32>
    %dot_general3A_39 = arith.constant dense<0.000000e+00> : vector<16x16xf32>
    %dot_general3A_40 = tpu.matmul %get3A_35, %get3A_38, %dot_general3A_39 {dimension_numbers = #tpu.dot_dimension_numbers<[1], [0], [0], [1], [0, 0, 1, 1], [], []>, transpose_lhs_hint = false} : vector<16x4xf32>, vector<4x16xf32>, vector<16x16xf32> -> vector<16x16xf32>
    %dot_general3A_41 = arith.constant dense<0.000000e+00> : vector<10240x16xf32>
    %dot_general3A_42 = tpu.matmul %convert_element_type3A_3, %dot_general3A_24, %dot_general3A_41 {dimension_numbers = #tpu.dot_dimension_numbers<[1], [0], [0], [1], [0, 0, 1, 1], [], []>, transpose_lhs_hint = false} : vector<10240x16xf32>, vector<16x16xf32>, vector<10240x16xf32> -> vector<10240x16xf32>
    %dot_general3A_43 = arith.constant dense<0.000000e+00> : vector<10240x16xf32>
    %dot_general3A_44 = tpu.matmul %convert_element_type3A_10, %dot_general3A_32, %dot_general3A_43 {dimension_numbers = #tpu.dot_dimension_numbers<[1], [0], [0], [1], [0, 0, 1, 1], [], []>, transpose_lhs_hint = false} : vector<10240x16xf32>, vector<16x16xf32>, vector<10240x16xf32> -> vector<10240x16xf32>
    %add3A = arith.addf %dot_general3A_42, %dot_general3A_44 : vector<10240x16xf32>
    %dot_general3A_45 = arith.constant dense<0.000000e+00> : vector<10240x16xf32>
    %dot_general3A_46 = tpu.matmul %convert_element_type3A_17, %dot_general3A_40, %dot_general3A_45 {dimension_numbers = #tpu.dot_dimension_numbers<[1], [0], [0], [1], [0, 0, 1, 1], [], []>, transpose_lhs_hint = false} : vector<10240x16xf32>, vector<16x16xf32>, vector<10240x16xf32> -> vector<10240x16xf32>
    %add3A_47 = arith.addf %add3A, %dot_general3A_46 : vector<10240x16xf32>
    %get3A_48 = arith.constant 0 : index
    %get3A_49 = arith.constant 0 : index
    %get3A_50 = vector.load %arg9[%get3A_48, %get3A_49] : memref<1x16xf32, #tpu.memory_space<vmem>>, vector<1x16xf32>
    %add3A_51 = vector.broadcast %get3A_50 : vector<1x16xf32> to vector<10240x16xf32>
    %add3A_52 = arith.addf %add3A_47, %add3A_51 : vector<10240x16xf32>
    %max3A = arith.constant 0.000000e+00 : f32
    %max3A_53 = vector.broadcast %max3A : f32 to vector<10240x16xf32>
    %max3A_54 = arith.maximumf %add3A_52, %max3A_53 : vector<10240x16xf32>
    %swap3A = arith.constant 0 : index
    %swap3A_55 = arith.constant 0 : index
    %swap3A_56 = vector.load %arg17[%swap3A, %swap3A_55] : memref<10240x16xf32, #tpu.memory_space<vmem>>, vector<10240x16xf32>
    tpu.vector_store %arg17[%swap3A, %swap3A_55], %max3A_54 {strides = array<i32>} : memref<10240x16xf32, #tpu.memory_space<vmem>>, vector<10240x16xf32>,
    %iota3A_57 = tpu.iota {dimensions = array<i32: 0>} : vector<64x8xi32>
    %iota3A_58 = tpu.iota {dimensions = array<i32: 1>} : vector<64x8xi32>
    %jit3A = arith.constant 8 : i32
    %div3A = vector.broadcast %jit3A : i32 to vector<64x8xi32>
    %div3A_59 = arith.divsi %iota3A_57, %div3A : vector<64x8xi32>
    %sign3A = arith.constant 0 : i32
    %sign3A_60 = vector.broadcast %sign3A : i32 to vector<64x8xi32>
    %sign3A_61 = arith.cmpi sgt, %iota3A_57, %sign3A_60 : vector<64x8xi32>
    %sign3A_62 = arith.extui %sign3A_61 : vector<64x8xi1> to vector<64x8xi32>
    %sign3A_63 = arith.constant 0 : i32
    %sign3A_64 = vector.broadcast %sign3A_63 : i32 to vector<64x8xi32>
    %sign3A_65 = arith.cmpi slt, %iota3A_57, %sign3A_64 : vector<64x8xi32>
    %sign3A_66 = arith.extui %sign3A_65 : vector<64x8xi1> to vector<64x8xi32>
    %sign3A_67 = arith.subi %sign3A_62, %sign3A_66 : vector<64x8xi32>
    %sign3A_68 = arith.constant 0 : i32
    %sign3A_69 = arith.cmpi sgt, %jit3A, %sign3A_68 : i32
    %sign3A_70 = arith.extui %sign3A_69 : i1 to i32
    %sign3A_71 = arith.constant 0 : i32
    %sign3A_72 = arith.cmpi slt, %jit3A, %sign3A_71 : i32
    %sign3A_73 = arith.extui %sign3A_72 : i1 to i32
    %sign3A_74 = arith.subi %sign3A_70, %sign3A_73 : i32
    %ne3A = vector.broadcast %sign3A_74 : i32 to vector<64x8xi32>
    %ne3A_75 = arith.cmpi ne, %sign3A_67, %ne3A : vector<64x8xi32>
    %rem3A = vector.broadcast %jit3A : i32 to vector<64x8xi32>
    %rem3A_76 = arith.remsi %iota3A_57, %rem3A : vector<64x8xi32>
    %ne3A_77 = arith.constant 0 : i32
    %ne3A_78 = vector.broadcast %ne3A_77 : i32 to vector<64x8xi32>
    %ne3A_79 = arith.cmpi ne, %rem3A_76, %ne3A_78 : vector<64x8xi32>
    %and3A = arith.andi %ne3A_75, %ne3A_79 : vector<64x8xi1>
    %sub3A = arith.constant 1 : i32
    %sub3A_80 = vector.broadcast %sub3A : i32 to vector<64x8xi32>
    %sub3A_81 = arith.subi %div3A_59, %sub3A_80 : vector<64x8xi32>
    %select_n3A = arith.select %and3A, %sub3A_81, %div3A_59 : vector<64x8xi1>, vector<64x8xi32>
    %eq3A_82 = arith.cmpi eq, %select_n3A, %iota3A_58 : vector<64x8xi32>
    %convert_element_type3A_83 = arith.extui %eq3A_82 : vector<64x8xi1> to vector<64x8xi32>
    %convert_element_type3A_84 = arith.sitofp %convert_element_type3A_83 : vector<64x8xi32> to vector<64x8xf32>
    %jit3A_85 = arith.constant 8 : i32
    %eq3A_86 = arith.constant 0 : i32
    %eq3A_87 = arith.cmpi eq, %jit3A_85, %eq3A_86 : i32
    %jit3A_88 = arith.constant 1 : i32
    %select_n3A_89 = arith.select %eq3A_87, %jit3A_88, %jit3A_85 : i32
    %rem3A_90 = vector.broadcast %select_n3A_89 : i32 to vector<64x8xi32>
    %rem3A_91 = arith.remsi %iota3A_57, %rem3A_90 : vector<64x8xi32>
    %ne3A_92 = arith.constant 0 : i32
    %ne3A_93 = vector.broadcast %ne3A_92 : i32 to vector<64x8xi32>
    %ne3A_94 = arith.cmpi ne, %rem3A_91, %ne3A_93 : vector<64x8xi32>
    %lt3A = arith.constant 0 : i32
    %lt3A_95 = vector.broadcast %lt3A : i32 to vector<64x8xi32>
    %lt3A_96 = arith.cmpi slt, %rem3A_91, %lt3A_95 : vector<64x8xi32>
    %lt3A_97 = arith.constant 0 : i32
    %lt3A_98 = arith.cmpi slt, %select_n3A_89, %lt3A_97 : i32
    %ne3A_99 = vector.broadcast %lt3A_98 : i1 to vector<64x8xi1>
    %ne3A_100 = vector.broadcast %ne3A_99 : vector<64x8xi1> to vector<64x8xi1>
    %ne3A_101 = arith.xori %lt3A_96, %ne3A_100 : vector<64x8xi1>
    %and3A_102 = arith.andi %ne3A_101, %ne3A_94 : vector<64x8xi1>
    %add3A_103 = vector.broadcast %select_n3A_89 : i32 to vector<64x8xi32>
    %add3A_104 = arith.addi %rem3A_91, %add3A_103 : vector<64x8xi32>
    %select_n3A_105 = arith.select %and3A_102, %add3A_104, %rem3A_91 : vector<64x8xi1>, vector<64x8xi32>
    %eq3A_106 = arith.cmpi eq, %select_n3A_105, %iota3A_58 : vector<64x8xi32>
    %convert_element_type3A_107 = arith.extui %eq3A_106 : vector<64x8xi1> to vector<64x8xi32>
    %convert_element_type3A_108 = arith.sitofp %convert_element_type3A_107 : vector<64x8xi32> to vector<64x8xf32>
    %get3A_109 = arith.constant 0 : index
    %get3A_110 = arith.constant 0 : index
    %get3A_111 = vector.load %arg10[%get3A_109, %get3A_110] : memref<8x4xf32, #tpu.memory_space<vmem>>, vector<8x4xf32>
    %get3A_112 = arith.constant 0 : index
    %get3A_113 = arith.constant 0 : index
    %get3A_114 = vector.load %arg12[%get3A_112, %get3A_113] : memref<4x32xf32, #tpu.memory_space<vmem>>, vector<4x32xf32>
    %dot_general3A_115 = arith.constant dense<0.000000e+00> : vector<8x32xf32>
    %dot_general3A_116 = tpu.matmul %get3A_111, %get3A_114, %dot_general3A_115 {dimension_numbers = #tpu.dot_dimension_numbers<[1], [0], [0], [1], [0, 0, 1, 1], [], []>, transpose_lhs_hint = false} : vector<8x4xf32>, vector<4x32xf32>, vector<8x32xf32> -> vector<8x32xf32>
    %get3A_117 = arith.constant 0 : index
    %get3A_118 = arith.constant 0 : index
    %get3A_119 = vector.load %arg11[%get3A_117, %get3A_118] : memref<8x4xf32, #tpu.memory_space<vmem>>, vector<8x4xf32>
    %get3A_120 = arith.constant 0 : index
    %get3A_121 = arith.constant 0 : index
    %get3A_122 = vector.load %arg13[%get3A_120, %get3A_121] : memref<4x32xf32, #tpu.memory_space<vmem>>, vector<4x32xf32>
    %dot_general3A_123 = arith.constant dense<0.000000e+00> : vector<8x32xf32>
    %dot_general3A_124 = tpu.matmul %get3A_119, %get3A_122, %dot_general3A_123 {dimension_numbers = #tpu.dot_dimension_numbers<[1], [0], [0], [1], [0, 0, 1, 1], [], []>, transpose_lhs_hint = false} : vector<8x4xf32>, vector<4x32xf32>, vector<8x32xf32> -> vector<8x32xf32>
    %dot_general3A_125 = arith.constant dense<0.000000e+00> : vector<64x32xf32>
    %dot_general3A_126 = tpu.matmul %convert_element_type3A_84, %dot_general3A_116, %dot_general3A_125 {dimension_numbers = #tpu.dot_dimension_numbers<[1], [0], [0], [1], [0, 0, 1, 1], [], []>, transpose_lhs_hint = false} : vector<64x8xf32>, vector<8x32xf32>, vector<64x32xf32> -> vector<64x32xf32>
    %dot_general3A_127 = arith.constant dense<0.000000e+00> : vector<64x32xf32>
    %dot_general3A_128 = tpu.matmul %convert_element_type3A_108, %dot_general3A_124, %dot_general3A_127 {dimension_numbers = #tpu.dot_dimension_numbers<[1], [0], [0], [1], [0, 0, 1, 1], [], []>, transpose_lhs_hint = false} : vector<64x8xf32>, vector<8x32xf32>, vector<64x32xf32> -> vector<64x32xf32>
    %add3A_129 = arith.addf %dot_general3A_126, %dot_general3A_128 : vector<64x32xf32>
    %get3A_130 = arith.constant 0 : index
    %get3A_131 = arith.constant 0 : index
    %get3A_132 = vector.load %arg14[%get3A_130, %get3A_131] : memref<1x32xf32, #tpu.memory_space<vmem>>, vector<1x32xf32>
    %add3A_133 = vector.broadcast %get3A_132 : vector<1x32xf32> to vector<64x32xf32>
    %add3A_134 = arith.addf %add3A_129, %add3A_133 : vector<64x32xf32>
    %max3A_135 = arith.constant 0.000000e+00 : f32
    %max3A_136 = vector.broadcast %max3A_135 : f32 to vector<64x32xf32>
    %max3A_137 = arith.maximumf %add3A_134, %max3A_136 : vector<64x32xf32>
    %get3A_138 = arith.constant 0 : index
    %get3A_139 = arith.constant 0 : index
    %get3A_140 = arith.constant 0 : index
    %get3A_141 = vector.load %arg15[%get3A_138, %get3A_139, %get3A_140] : memref<16x32x16xf32, #tpu.memory_space<vmem>>, vector<1x32x16xf32>
    %get3A_142 = vector.shape_cast %get3A_141 : vector<1x32x16xf32> to vector<32x16xf32>
    %dot_general3A_143 = arith.constant dense<0.000000e+00> : vector<64x16xf32>
    %dot_general3A_144 = tpu.matmul %max3A_137, %get3A_142, %dot_general3A_143 {dimension_numbers = #tpu.dot_dimension_numbers<[1], [0], [0], [1], [0, 0, 1, 1], [], []>, transpose_lhs_hint = false} : vector<64x32xf32>, vector<32x16xf32>, vector<64x16xf32> -> vector<64x16xf32>
    %get3A_145 = arith.constant 0 : index
    %get3A_146 = arith.constant 0 : index
    %get3A_147 = vector.load %arg16[%get3A_145, %get3A_146] : memref<16x16xf32, #tpu.memory_space<vmem>>, vector<1x16xf32>
    %get3A_148 = vector.shape_cast %get3A_147 : vector<1x16xf32> to vector<16xf32>
    %broadcast_in_dim3A = vector.shape_cast %get3A_148 : vector<16xf32> to vector<1x16xf32>
    %add3A_149 = vector.broadcast %broadcast_in_dim3A : vector<1x16xf32> to vector<64x16xf32>
    %add3A_150 = arith.addf %dot_general3A_144, %add3A_149 : vector<64x16xf32>
    %swap3A_151 = arith.constant 0 : index
    %swap3A_152 = arith.constant 0 : index
    %swap3A_153 = arith.constant 0 : index
    %swap3A_154 = vector.load %arg18[%swap3A_151, %swap3A_152, %swap3A_153] : memref<16x64x16xf32, #tpu.memory_space<vmem>>, vector<1x64x16xf32>
    %swap3A_155 = vector.shape_cast %swap3A_154 : vector<1x64x16xf32> to vector<64x16xf32>
    %swap3A_156 = vector.shape_cast %add3A_150 : vector<64x16xf32> to vector<1x64x16xf32>
    tpu.vector_store %arg18[%swap3A_151, %swap3A_152, %swap3A_153], %swap3A_156 {strides = array<i32>} : memref<16x64x16xf32, #tpu.memory_space<vmem>>, vector<1x64x16xf32>,
    %get3A_157 = arith.constant 1 : index
    %get3A_158 = arith.constant 0 : index
    %get3A_159 = arith.constant 0 : index
    %get3A_160 = vector.load %arg15[%get3A_157, %get3A_158, %get3A_159] : memref<16x32x16xf32, #tpu.memory_space<vmem>>, vector<1x32x16xf32>
    %get3A_161 = vector.shape_cast %get3A_160 : vector<1x32x16xf32> to vector<32x16xf32>
    %dot_general3A_162 = arith.constant dense<0.000000e+00> : vector<64x16xf32>
    %dot_general3A_163 = tpu.matmul %max3A_137, %get3A_161, %dot_general3A_162 {dimension_numbers = #tpu.dot_dimension_numbers<[1], [0], [0], [1], [0, 0, 1, 1], [], []>, transpose_lhs_hint = false} : vector<64x32xf32>, vector<32x16xf32>, vector<64x16xf32> -> vector<64x16xf32>
    %get3A_164 = arith.constant 1 : index
    %get3A_165 = arith.constant 0 : index
    %get3A_166 = vector.load %arg16[%get3A_164, %get3A_165] : memref<16x16xf32, #tpu.memory_space<vmem>>, vector<1x16xf32>
    %get3A_167 = vector.shape_cast %get3A_166 : vector<1x16xf32> to vector<16xf32>
    %broadcast_in_dim3A_168 = vector.shape_cast %get3A_167 : vector<16xf32> to vector<1x16xf32>
    %add3A_169 = vector.broadcast %broadcast_in_dim3A_168 : vector<1x16xf32> to vector<64x16xf32>
    %add3A_170 = arith.addf %dot_general3A_163, %add3A_169 : vector<64x16xf32>
    %swap3A_171 = arith.constant 1 : index
    %swap3A_172 = arith.constant 0 : index
    %swap3A_173 = arith.constant 0 : index
    %swap3A_174 = vector.load %arg18[%swap3A_171, %swap3A_172, %swap3A_173] : memref<16x64x16xf32, #tpu.memory_space<vmem>>, vector<1x64x16xf32>
    %swap3A_175 = vector.shape_cast %swap3A_174 : vector<1x64x16xf32> to vector<64x16xf32>
    %swap3A_176 = vector.shape_cast %add3A_170 : vector<64x16xf32> to vector<1x64x16xf32>
    tpu.vector_store %arg18[%swap3A_171, %swap3A_172, %swap3A_173], %swap3A_176 {strides = array<i32>} : memref<16x64x16xf32, #tpu.memory_space<vmem>>, vector<1x64x16xf32>,
    %get3A_177 = arith.constant 2 : index
    %get3A_178 = arith.constant 0 : index
    %get3A_179 = arith.constant 0 : index
    %get3A_180 = vector.load %arg15[%get3A_177, %get3A_178, %get3A_179] : memref<16x32x16xf32, #tpu.memory_space<vmem>>, vector<1x32x16xf32>
    %get3A_181 = vector.shape_cast %get3A_180 : vector<1x32x16xf32> to vector<32x16xf32>
    %dot_general3A_182 = arith.constant dense<0.000000e+00> : vector<64x16xf32>
    %dot_general3A_183 = tpu.matmul %max3A_137, %get3A_181, %dot_general3A_182 {dimension_numbers = #tpu.dot_dimension_numbers<[1], [0], [0], [1], [0, 0, 1, 1], [], []>, transpose_lhs_hint = false} : vector<64x32xf32>, vector<32x16xf32>, vector<64x16xf32> -> vector<64x16xf32>
    %get3A_184 = arith.constant 2 : index
    %get3A_185 = arith.constant 0 : index
    %get3A_186 = vector.load %arg16[%get3A_184, %get3A_185] : memref<16x16xf32, #tpu.memory_space<vmem>>, vector<1x16xf32>
    %get3A_187 = vector.shape_cast %get3A_186 : vector<1x16xf32> to vector<16xf32>
    %broadcast_in_dim3A_188 = vector.shape_cast %get3A_187 : vector<16xf32> to vector<1x16xf32>
    %add3A_189 = vector.broadcast %broadcast_in_dim3A_188 : vector<1x16xf32> to vector<64x16xf32>
    %add3A_190 = arith.addf %dot_general3A_183, %add3A_189 : vector<64x16xf32>
    %swap3A_191 = arith.constant 2 : index
    %swap3A_192 = arith.constant 0 : index
    %swap3A_193 = arith.constant 0 : index
    %swap3A_194 = vector.load %arg18[%swap3A_191, %swap3A_192, %swap3A_193] : memref<16x64x16xf32, #tpu.memory_space<vmem>>, vector<1x64x16xf32>
    %swap3A_195 = vector.shape_cast %swap3A_194 : vector<1x64x16xf32> to vector<64x16xf32>
    %swap3A_196 = vector.shape_cast %add3A_190 : vector<64x16xf32> to vector<1x64x16xf32>
    tpu.vector_store %arg18[%swap3A_191, %swap3A_192, %swap3A_193], %swap3A_196 {strides = array<i32>} : memref<16x64x16xf32, #tpu.memory_space<vmem>>, vector<1x64x16xf32>,
    %get3A_197 = arith.constant 3 : index
    %get3A_198 = arith.constant 0 : index
    %get3A_199 = arith.constant 0 : index
    %get3A_200 = vector.load %arg15[%get3A_197, %get3A_198, %get3A_199] : memref<16x32x16xf32, #tpu.memory_space<vmem>>, vector<1x32x16xf32>
    %get3A_201 = vector.shape_cast %get3A_200 : vector<1x32x16xf32> to vector<32x16xf32>
    %dot_general3A_202 = arith.constant dense<0.000000e+00> : vector<64x16xf32>
    %dot_general3A_203 = tpu.matmul %max3A_137, %get3A_201, %dot_general3A_202 {dimension_numbers = #tpu.dot_dimension_numbers<[1], [0], [0], [1], [0, 0, 1, 1], [], []>, transpose_lhs_hint = false} : vector<64x32xf32>, vector<32x16xf32>, vector<64x16xf32> -> vector<64x16xf32>
    %get3A_204 = arith.constant 3 : index
    %get3A_205 = arith.constant 0 : index
    %get3A_206 = vector.load %arg16[%get3A_204, %get3A_205] : memref<16x16xf32, #tpu.memory_space<vmem>>, vector<1x16xf32>
    %get3A_207 = vector.shape_cast %get3A_206 : vector<1x16xf32> to vector<16xf32>
    %broadcast_in_dim3A_208 = vector.shape_cast %get3A_207 : vector<16xf32> to vector<1x16xf32>
    %add3A_209 = vector.broadcast %broadcast_in_dim3A_208 : vector<1x16xf32> to vector<64x16xf32>
    %add3A_210 = arith.addf %dot_general3A_203, %add3A_209 : vector<64x16xf32>
    %swap3A_211 = arith.constant 3 : index
    %swap3A_212 = arith.constant 0 : index
    %swap3A_213 = arith.constant 0 : index
    %swap3A_214 = vector.load %arg18[%swap3A_211, %swap3A_212, %swap3A_213] : memref<16x64x16xf32, #tpu.memory_space<vmem>>, vector<1x64x16xf32>
    %swap3A_215 = vector.shape_cast %swap3A_214 : vector<1x64x16xf32> to vector<64x16xf32>
    %swap3A_216 = vector.shape_cast %add3A_210 : vector<64x16xf32> to vector<1x64x16xf32>
    tpu.vector_store %arg18[%swap3A_211, %swap3A_212, %swap3A_213], %swap3A_216 {strides = array<i32>} : memref<16x64x16xf32, #tpu.memory_space<vmem>>, vector<1x64x16xf32>,
    %get3A_217 = arith.constant 4 : index
    %get3A_218 = arith.constant 0 : index
    %get3A_219 = arith.constant 0 : index
    %get3A_220 = vector.load %arg15[%get3A_217, %get3A_218, %get3A_219] : memref<16x32x16xf32, #tpu.memory_space<vmem>>, vector<1x32x16xf32>
    %get3A_221 = vector.shape_cast %get3A_220 : vector<1x32x16xf32> to vector<32x16xf32>
    %dot_general3A_222 = arith.constant dense<0.000000e+00> : vector<64x16xf32>
    %dot_general3A_223 = tpu.matmul %max3A_137, %get3A_221, %dot_general3A_222 {dimension_numbers = #tpu.dot_dimension_numbers<[1], [0], [0], [1], [0, 0, 1, 1], [], []>, transpose_lhs_hint = false} : vector<64x32xf32>, vector<32x16xf32>, vector<64x16xf32> -> vector<64x16xf32>
    %get3A_224 = arith.constant 4 : index
    %get3A_225 = arith.constant 0 : index
    %get3A_226 = vector.load %arg16[%get3A_224, %get3A_225] : memref<16x16xf32, #tpu.memory_space<vmem>>, vector<1x16xf32>
    %get3A_227 = vector.shape_cast %get3A_226 : vector<1x16xf32> to vector<16xf32>
    %broadcast_in_dim3A_228 = vector.shape_cast %get3A_227 : vector<16xf32> to vector<1x16xf32>
    %add3A_229 = vector.broadcast %broadcast_in_dim3A_228 : vector<1x16xf32> to vector<64x16xf32>
    %add3A_230 = arith.addf %dot_general3A_223, %add3A_229 : vector<64x16xf32>
    %swap3A_231 = arith.constant 4 : index
    %swap3A_232 = arith.constant 0 : index
    %swap3A_233 = arith.constant 0 : index
    %swap3A_234 = vector.load %arg18[%swap3A_231, %swap3A_232, %swap3A_233] : memref<16x64x16xf32, #tpu.memory_space<vmem>>, vector<1x64x16xf32>
    %swap3A_235 = vector.shape_cast %swap3A_234 : vector<1x64x16xf32> to vector<64x16xf32>
    %swap3A_236 = vector.shape_cast %add3A_230 : vector<64x16xf32> to vector<1x64x16xf32>
    tpu.vector_store %arg18[%swap3A_231, %swap3A_232, %swap3A_233], %swap3A_236 {strides = array<i32>} : memref<16x64x16xf32, #tpu.memory_space<vmem>>, vector<1x64x16xf32>,
    %get3A_237 = arith.constant 5 : index
    %get3A_238 = arith.constant 0 : index
    %get3A_239 = arith.constant 0 : index
    %get3A_240 = vector.load %arg15[%get3A_237, %get3A_238, %get3A_239] : memref<16x32x16xf32, #tpu.memory_space<vmem>>, vector<1x32x16xf32>
    %get3A_241 = vector.shape_cast %get3A_240 : vector<1x32x16xf32> to vector<32x16xf32>
    %dot_general3A_242 = arith.constant dense<0.000000e+00> : vector<64x16xf32>
    %dot_general3A_243 = tpu.matmul %max3A_137, %get3A_241, %dot_general3A_242 {dimension_numbers = #tpu.dot_dimension_numbers<[1], [0], [0], [1], [0, 0, 1, 1], [], []>, transpose_lhs_hint = false} : vector<64x32xf32>, vector<32x16xf32>, vector<64x16xf32> -> vector<64x16xf32>
    %get3A_244 = arith.constant 5 : index
    %get3A_245 = arith.constant 0 : index
    %get3A_246 = vector.load %arg16[%get3A_244, %get3A_245] : memref<16x16xf32, #tpu.memory_space<vmem>>, vector<1x16xf32>
    %get3A_247 = vector.shape_cast %get3A_246 : vector<1x16xf32> to vector<16xf32>
    %broadcast_in_dim3A_248 = vector.shape_cast %get3A_247 : vector<16xf32> to vector<1x16xf32>
    %add3A_249 = vector.broadcast %broadcast_in_dim3A_248 : vector<1x16xf32> to vector<64x16xf32>
    %add3A_250 = arith.addf %dot_general3A_243, %add3A_249 : vector<64x16xf32>
    %swap3A_251 = arith.constant 5 : index
    %swap3A_252 = arith.constant 0 : index
    %swap3A_253 = arith.constant 0 : index
    %swap3A_254 = vector.load %arg18[%swap3A_251, %swap3A_252, %swap3A_253] : memref<16x64x16xf32, #tpu.memory_space<vmem>>, vector<1x64x16xf32>
    %swap3A_255 = vector.shape_cast %swap3A_254 : vector<1x64x16xf32> to vector<64x16xf32>
    %swap3A_256 = vector.shape_cast %add3A_250 : vector<64x16xf32> to vector<1x64x16xf32>
    tpu.vector_store %arg18[%swap3A_251, %swap3A_252, %swap3A_253], %swap3A_256 {strides = array<i32>} : memref<16x64x16xf32, #tpu.memory_space<vmem>>, vector<1x64x16xf32>,
    %get3A_257 = arith.constant 6 : index
    %get3A_258 = arith.constant 0 : index
    %get3A_259 = arith.constant 0 : index
    %get3A_260 = vector.load %arg15[%get3A_257, %get3A_258, %get3A_259] : memref<16x32x16xf32, #tpu.memory_space<vmem>>, vector<1x32x16xf32>
    %get3A_261 = vector.shape_cast %get3A_260 : vector<1x32x16xf32> to vector<32x16xf32>
    %dot_general3A_262 = arith.constant dense<0.000000e+00> : vector<64x16xf32>
    %dot_general3A_263 = tpu.matmul %max3A_137, %get3A_261, %dot_general3A_262 {dimension_numbers = #tpu.dot_dimension_numbers<[1], [0], [0], [1], [0, 0, 1, 1], [], []>, transpose_lhs_hint = false} : vector<64x32xf32>, vector<32x16xf32>, vector<64x16xf32> -> vector<64x16xf32>
    %get3A_264 = arith.constant 6 : index
    %get3A_265 = arith.constant 0 : index
    %get3A_266 = vector.load %arg16[%get3A_264, %get3A_265] : memref<16x16xf32, #tpu.memory_space<vmem>>, vector<1x16xf32>
    %get3A_267 = vector.shape_cast %get3A_266 : vector<1x16xf32> to vector<16xf32>
    %broadcast_in_dim3A_268 = vector.shape_cast %get3A_267 : vector<16xf32> to vector<1x16xf32>
    %add3A_269 = vector.broadcast %broadcast_in_dim3A_268 : vector<1x16xf32> to vector<64x16xf32>
    %add3A_270 = arith.addf %dot_general3A_263, %add3A_269 : vector<64x16xf32>
    %swap3A_271 = arith.constant 6 : index
    %swap3A_272 = arith.constant 0 : index
    %swap3A_273 = arith.constant 0 : index
    %swap3A_274 = vector.load %arg18[%swap3A_271, %swap3A_272, %swap3A_273] : memref<16x64x16xf32, #tpu.memory_space<vmem>>, vector<1x64x16xf32>
    %swap3A_275 = vector.shape_cast %swap3A_274 : vector<1x64x16xf32> to vector<64x16xf32>
    %swap3A_276 = vector.shape_cast %add3A_270 : vector<64x16xf32> to vector<1x64x16xf32>
    tpu.vector_store %arg18[%swap3A_271, %swap3A_272, %swap3A_273], %swap3A_276 {strides = array<i32>} : memref<16x64x16xf32, #tpu.memory_space<vmem>>, vector<1x64x16xf32>,
    %get3A_277 = arith.constant 7 : index
    %get3A_278 = arith.constant 0 : index
    %get3A_279 = arith.constant 0 : index
    %get3A_280 = vector.load %arg15[%get3A_277, %get3A_278, %get3A_279] : memref<16x32x16xf32, #tpu.memory_space<vmem>>, vector<1x32x16xf32>
    %get3A_281 = vector.shape_cast %get3A_280 : vector<1x32x16xf32> to vector<32x16xf32>
    %dot_general3A_282 = arith.constant dense<0.000000e+00> : vector<64x16xf32>
    %dot_general3A_283 = tpu.matmul %max3A_137, %get3A_281, %dot_general3A_282 {dimension_numbers = #tpu.dot_dimension_numbers<[1], [0], [0], [1], [0, 0, 1, 1], [], []>, transpose_lhs_hint = false} : vector<64x32xf32>, vector<32x16xf32>, vector<64x16xf32> -> vector<64x16xf32>
    %get3A_284 = arith.constant 7 : index
    %get3A_285 = arith.constant 0 : index
    %get3A_286 = vector.load %arg16[%get3A_284, %get3A_285] : memref<16x16xf32, #tpu.memory_space<vmem>>, vector<1x16xf32>
    %get3A_287 = vector.shape_cast %get3A_286 : vector<1x16xf32> to vector<16xf32>
    %broadcast_in_dim3A_288 = vector.shape_cast %get3A_287 : vector<16xf32> to vector<1x16xf32>
    %add3A_289 = vector.broadcast %broadcast_in_dim3A_288 : vector<1x16xf32> to vector<64x16xf32>
    %add3A_290 = arith.addf %dot_general3A_283, %add3A_289 : vector<64x16xf32>
    %swap3A_291 = arith.constant 7 : index
    %swap3A_292 = arith.constant 0 : index
    %swap3A_293 = arith.constant 0 : index
    %swap3A_294 = vector.load %arg18[%swap3A_291, %swap3A_292, %swap3A_293] : memref<16x64x16xf32, #tpu.memory_space<vmem>>, vector<1x64x16xf32>
    %swap3A_295 = vector.shape_cast %swap3A_294 : vector<1x64x16xf32> to vector<64x16xf32>
    %swap3A_296 = vector.shape_cast %add3A_290 : vector<64x16xf32> to vector<1x64x16xf32>
    tpu.vector_store %arg18[%swap3A_291, %swap3A_292, %swap3A_293], %swap3A_296 {strides = array<i32>} : memref<16x64x16xf32, #tpu.memory_space<vmem>>, vector<1x64x16xf32>,
    %get3A_297 = arith.constant 8 : index
    %get3A_298 = arith.constant 0 : index
    %get3A_299 = arith.constant 0 : index
    %get3A_300 = vector.load %arg15[%get3A_297, %get3A_298, %get3A_299] : memref<16x32x16xf32, #tpu.memory_space<vmem>>, vector<1x32x16xf32>
    %get3A_301 = vector.shape_cast %get3A_300 : vector<1x32x16xf32> to vector<32x16xf32>
    %dot_general3A_302 = arith.constant dense<0.000000e+00> : vector<64x16xf32>
    %dot_general3A_303 = tpu.matmul %max3A_137, %get3A_301, %dot_general3A_302 {dimension_numbers = #tpu.dot_dimension_numbers<[1], [0], [0], [1], [0, 0, 1, 1], [], []>, transpose_lhs_hint = false} : vector<64x32xf32>, vector<32x16xf32>, vector<64x16xf32> -> vector<64x16xf32>
    %get3A_304 = arith.constant 8 : index
    %get3A_305 = arith.constant 0 : index
    %get3A_306 = vector.load %arg16[%get3A_304, %get3A_305] : memref<16x16xf32, #tpu.memory_space<vmem>>, vector<1x16xf32>
    %get3A_307 = vector.shape_cast %get3A_306 : vector<1x16xf32> to vector<16xf32>
    %broadcast_in_dim3A_308 = vector.shape_cast %get3A_307 : vector<16xf32> to vector<1x16xf32>
    %add3A_309 = vector.broadcast %broadcast_in_dim3A_308 : vector<1x16xf32> to vector<64x16xf32>
    %add3A_310 = arith.addf %dot_general3A_303, %add3A_309 : vector<64x16xf32>
    %swap3A_311 = arith.constant 8 : index
    %swap3A_312 = arith.constant 0 : index
    %swap3A_313 = arith.constant 0 : index
    %swap3A_314 = vector.load %arg18[%swap3A_311, %swap3A_312, %swap3A_313] : memref<16x64x16xf32, #tpu.memory_space<vmem>>, vector<1x64x16xf32>
    %swap3A_315 = vector.shape_cast %swap3A_314 : vector<1x64x16xf32> to vector<64x16xf32>
    %swap3A_316 = vector.shape_cast %add3A_310 : vector<64x16xf32> to vector<1x64x16xf32>
    tpu.vector_store %arg18[%swap3A_311, %swap3A_312, %swap3A_313], %swap3A_316 {strides = array<i32>} : memref<16x64x16xf32, #tpu.memory_space<vmem>>, vector<1x64x16xf32>,
    %get3A_317 = arith.constant 9 : index
    %get3A_318 = arith.constant 0 : index
    %get3A_319 = arith.constant 0 : index
    %get3A_320 = vector.load %arg15[%get3A_317, %get3A_318, %get3A_319] : memref<16x32x16xf32, #tpu.memory_space<vmem>>, vector<1x32x16xf32>
    %get3A_321 = vector.shape_cast %get3A_320 : vector<1x32x16xf32> to vector<32x16xf32>
    %dot_general3A_322 = arith.constant dense<0.000000e+00> : vector<64x16xf32>
    %dot_general3A_323 = tpu.matmul %max3A_137, %get3A_321, %dot_general3A_322 {dimension_numbers = #tpu.dot_dimension_numbers<[1], [0], [0], [1], [0, 0, 1, 1], [], []>, transpose_lhs_hint = false} : vector<64x32xf32>, vector<32x16xf32>, vector<64x16xf32> -> vector<64x16xf32>
    %get3A_324 = arith.constant 9 : index
    %get3A_325 = arith.constant 0 : index
    %get3A_326 = vector.load %arg16[%get3A_324, %get3A_325] : memref<16x16xf32, #tpu.memory_space<vmem>>, vector<1x16xf32>
    %get3A_327 = vector.shape_cast %get3A_326 : vector<1x16xf32> to vector<16xf32>
    %broadcast_in_dim3A_328 = vector.shape_cast %get3A_327 : vector<16xf32> to vector<1x16xf32>
    %add3A_329 = vector.broadcast %broadcast_in_dim3A_328 : vector<1x16xf32> to vector<64x16xf32>
    %add3A_330 = arith.addf %dot_general3A_323, %add3A_329 : vector<64x16xf32>
    %swap3A_331 = arith.constant 9 : index
    %swap3A_332 = arith.constant 0 : index
    %swap3A_333 = arith.constant 0 : index
    %swap3A_334 = vector.load %arg18[%swap3A_331, %swap3A_332, %swap3A_333] : memref<16x64x16xf32, #tpu.memory_space<vmem>>, vector<1x64x16xf32>
    %swap3A_335 = vector.shape_cast %swap3A_334 : vector<1x64x16xf32> to vector<64x16xf32>
    %swap3A_336 = vector.shape_cast %add3A_330 : vector<64x16xf32> to vector<1x64x16xf32>
    tpu.vector_store %arg18[%swap3A_331, %swap3A_332, %swap3A_333], %swap3A_336 {strides = array<i32>} : memref<16x64x16xf32, #tpu.memory_space<vmem>>, vector<1x64x16xf32>,
    %get3A_337 = arith.constant 10 : index
    %get3A_338 = arith.constant 0 : index
    %get3A_339 = arith.constant 0 : index
    %get3A_340 = vector.load %arg15[%get3A_337, %get3A_338, %get3A_339] : memref<16x32x16xf32, #tpu.memory_space<vmem>>, vector<1x32x16xf32>
    %get3A_341 = vector.shape_cast %get3A_340 : vector<1x32x16xf32> to vector<32x16xf32>
    %dot_general3A_342 = arith.constant dense<0.000000e+00> : vector<64x16xf32>
    %dot_general3A_343 = tpu.matmul %max3A_137, %get3A_341, %dot_general3A_342 {dimension_numbers = #tpu.dot_dimension_numbers<[1], [0], [0], [1], [0, 0, 1, 1], [], []>, transpose_lhs_hint = false} : vector<64x32xf32>, vector<32x16xf32>, vector<64x16xf32> -> vector<64x16xf32>
    %get3A_344 = arith.constant 10 : index
    %get3A_345 = arith.constant 0 : index
    %get3A_346 = vector.load %arg16[%get3A_344, %get3A_345] : memref<16x16xf32, #tpu.memory_space<vmem>>, vector<1x16xf32>
    %get3A_347 = vector.shape_cast %get3A_346 : vector<1x16xf32> to vector<16xf32>
    %broadcast_in_dim3A_348 = vector.shape_cast %get3A_347 : vector<16xf32> to vector<1x16xf32>
    %add3A_349 = vector.broadcast %broadcast_in_dim3A_348 : vector<1x16xf32> to vector<64x16xf32>
    %add3A_350 = arith.addf %dot_general3A_343, %add3A_349 : vector<64x16xf32>
    %swap3A_351 = arith.constant 10 : index
    %swap3A_352 = arith.constant 0 : index
    %swap3A_353 = arith.constant 0 : index
    %swap3A_354 = vector.load %arg18[%swap3A_351, %swap3A_352, %swap3A_353] : memref<16x64x16xf32, #tpu.memory_space<vmem>>, vector<1x64x16xf32>
    %swap3A_355 = vector.shape_cast %swap3A_354 : vector<1x64x16xf32> to vector<64x16xf32>
    %swap3A_356 = vector.shape_cast %add3A_350 : vector<64x16xf32> to vector<1x64x16xf32>
    tpu.vector_store %arg18[%swap3A_351, %swap3A_352, %swap3A_353], %swap3A_356 {strides = array<i32>} : memref<16x64x16xf32, #tpu.memory_space<vmem>>, vector<1x64x16xf32>,
    %get3A_357 = arith.constant 11 : index
    %get3A_358 = arith.constant 0 : index
    %get3A_359 = arith.constant 0 : index
    %get3A_360 = vector.load %arg15[%get3A_357, %get3A_358, %get3A_359] : memref<16x32x16xf32, #tpu.memory_space<vmem>>, vector<1x32x16xf32>
    %get3A_361 = vector.shape_cast %get3A_360 : vector<1x32x16xf32> to vector<32x16xf32>
    %dot_general3A_362 = arith.constant dense<0.000000e+00> : vector<64x16xf32>
    %dot_general3A_363 = tpu.matmul %max3A_137, %get3A_361, %dot_general3A_362 {dimension_numbers = #tpu.dot_dimension_numbers<[1], [0], [0], [1], [0, 0, 1, 1], [], []>, transpose_lhs_hint = false} : vector<64x32xf32>, vector<32x16xf32>, vector<64x16xf32> -> vector<64x16xf32>
    %get3A_364 = arith.constant 11 : index
    %get3A_365 = arith.constant 0 : index
    %get3A_366 = vector.load %arg16[%get3A_364, %get3A_365] : memref<16x16xf32, #tpu.memory_space<vmem>>, vector<1x16xf32>
    %get3A_367 = vector.shape_cast %get3A_366 : vector<1x16xf32> to vector<16xf32>
    %broadcast_in_dim3A_368 = vector.shape_cast %get3A_367 : vector<16xf32> to vector<1x16xf32>
    %add3A_369 = vector.broadcast %broadcast_in_dim3A_368 : vector<1x16xf32> to vector<64x16xf32>
    %add3A_370 = arith.addf %dot_general3A_363, %add3A_369 : vector<64x16xf32>
    %swap3A_371 = arith.constant 11 : index
    %swap3A_372 = arith.constant 0 : index
    %swap3A_373 = arith.constant 0 : index
    %swap3A_374 = vector.load %arg18[%swap3A_371, %swap3A_372, %swap3A_373] : memref<16x64x16xf32, #tpu.memory_space<vmem>>, vector<1x64x16xf32>
    %swap3A_375 = vector.shape_cast %swap3A_374 : vector<1x64x16xf32> to vector<64x16xf32>
    %swap3A_376 = vector.shape_cast %add3A_370 : vector<64x16xf32> to vector<1x64x16xf32>
    tpu.vector_store %arg18[%swap3A_371, %swap3A_372, %swap3A_373], %swap3A_376 {strides = array<i32>} : memref<16x64x16xf32, #tpu.memory_space<vmem>>, vector<1x64x16xf32>,
    %get3A_377 = arith.constant 12 : index
    %get3A_378 = arith.constant 0 : index
    %get3A_379 = arith.constant 0 : index
    %get3A_380 = vector.load %arg15[%get3A_377, %get3A_378, %get3A_379] : memref<16x32x16xf32, #tpu.memory_space<vmem>>, vector<1x32x16xf32>
    %get3A_381 = vector.shape_cast %get3A_380 : vector<1x32x16xf32> to vector<32x16xf32>
    %dot_general3A_382 = arith.constant dense<0.000000e+00> : vector<64x16xf32>
    %dot_general3A_383 = tpu.matmul %max3A_137, %get3A_381, %dot_general3A_382 {dimension_numbers = #tpu.dot_dimension_numbers<[1], [0], [0], [1], [0, 0, 1, 1], [], []>, transpose_lhs_hint = false} : vector<64x32xf32>, vector<32x16xf32>, vector<64x16xf32> -> vector<64x16xf32>
    %get3A_384 = arith.constant 12 : index
    %get3A_385 = arith.constant 0 : index
    %get3A_386 = vector.load %arg16[%get3A_384, %get3A_385] : memref<16x16xf32, #tpu.memory_space<vmem>>, vector<1x16xf32>
    %get3A_387 = vector.shape_cast %get3A_386 : vector<1x16xf32> to vector<16xf32>
    %broadcast_in_dim3A_388 = vector.shape_cast %get3A_387 : vector<16xf32> to vector<1x16xf32>
    %add3A_389 = vector.broadcast %broadcast_in_dim3A_388 : vector<1x16xf32> to vector<64x16xf32>
    %add3A_390 = arith.addf %dot_general3A_383, %add3A_389 : vector<64x16xf32>
    %swap3A_391 = arith.constant 12 : index
    %swap3A_392 = arith.constant 0 : index
    %swap3A_393 = arith.constant 0 : index
    %swap3A_394 = vector.load %arg18[%swap3A_391, %swap3A_392, %swap3A_393] : memref<16x64x16xf32, #tpu.memory_space<vmem>>, vector<1x64x16xf32>
    %swap3A_395 = vector.shape_cast %swap3A_394 : vector<1x64x16xf32> to vector<64x16xf32>
    %swap3A_396 = vector.shape_cast %add3A_390 : vector<64x16xf32> to vector<1x64x16xf32>
    tpu.vector_store %arg18[%swap3A_391, %swap3A_392, %swap3A_393], %swap3A_396 {strides = array<i32>} : memref<16x64x16xf32, #tpu.memory_space<vmem>>, vector<1x64x16xf32>,
    %get3A_397 = arith.constant 13 : index
    %get3A_398 = arith.constant 0 : index
    %get3A_399 = arith.constant 0 : index
    %get3A_400 = vector.load %arg15[%get3A_397, %get3A_398, %get3A_399] : memref<16x32x16xf32, #tpu.memory_space<vmem>>, vector<1x32x16xf32>
    %get3A_401 = vector.shape_cast %get3A_400 : vector<1x32x16xf32> to vector<32x16xf32>
    %dot_general3A_402 = arith.constant dense<0.000000e+00> : vector<64x16xf32>
    %dot_general3A_403 = tpu.matmul %max3A_137, %get3A_401, %dot_general3A_402 {dimension_numbers = #tpu.dot_dimension_numbers<[1], [0], [0], [1], [0, 0, 1, 1], [], []>, transpose_lhs_hint = false} : vector<64x32xf32>, vector<32x16xf32>, vector<64x16xf32> -> vector<64x16xf32>
    %get3A_404 = arith.constant 13 : index
    %get3A_405 = arith.constant 0 : index
    %get3A_406 = vector.load %arg16[%get3A_404, %get3A_405] : memref<16x16xf32, #tpu.memory_space<vmem>>, vector<1x16xf32>
    %get3A_407 = vector.shape_cast %get3A_406 : vector<1x16xf32> to vector<16xf32>
    %broadcast_in_dim3A_408 = vector.shape_cast %get3A_407 : vector<16xf32> to vector<1x16xf32>
    %add3A_409 = vector.broadcast %broadcast_in_dim3A_408 : vector<1x16xf32> to vector<64x16xf32>
    %add3A_410 = arith.addf %dot_general3A_403, %add3A_409 : vector<64x16xf32>
    %swap3A_411 = arith.constant 13 : index
    %swap3A_412 = arith.constant 0 : index
    %swap3A_413 = arith.constant 0 : index
    %swap3A_414 = vector.load %arg18[%swap3A_411, %swap3A_412, %swap3A_413] : memref<16x64x16xf32, #tpu.memory_space<vmem>>, vector<1x64x16xf32>
    %swap3A_415 = vector.shape_cast %swap3A_414 : vector<1x64x16xf32> to vector<64x16xf32>
    %swap3A_416 = vector.shape_cast %add3A_410 : vector<64x16xf32> to vector<1x64x16xf32>
    tpu.vector_store %arg18[%swap3A_411, %swap3A_412, %swap3A_413], %swap3A_416 {strides = array<i32>} : memref<16x64x16xf32, #tpu.memory_space<vmem>>, vector<1x64x16xf32>,
    %get3A_417 = arith.constant 14 : index
    %get3A_418 = arith.constant 0 : index
    %get3A_419 = arith.constant 0 : index
    %get3A_420 = vector.load %arg15[%get3A_417, %get3A_418, %get3A_419] : memref<16x32x16xf32, #tpu.memory_space<vmem>>, vector<1x32x16xf32>
    %get3A_421 = vector.shape_cast %get3A_420 : vector<1x32x16xf32> to vector<32x16xf32>
    %dot_general3A_422 = arith.constant dense<0.000000e+00> : vector<64x16xf32>
    %dot_general3A_423 = tpu.matmul %max3A_137, %get3A_421, %dot_general3A_422 {dimension_numbers = #tpu.dot_dimension_numbers<[1], [0], [0], [1], [0, 0, 1, 1], [], []>, transpose_lhs_hint = false} : vector<64x32xf32>, vector<32x16xf32>, vector<64x16xf32> -> vector<64x16xf32>
    %get3A_424 = arith.constant 14 : index
    %get3A_425 = arith.constant 0 : index
    %get3A_426 = vector.load %arg16[%get3A_424, %get3A_425] : memref<16x16xf32, #tpu.memory_space<vmem>>, vector<1x16xf32>
    %get3A_427 = vector.shape_cast %get3A_426 : vector<1x16xf32> to vector<16xf32>
    %broadcast_in_dim3A_428 = vector.shape_cast %get3A_427 : vector<16xf32> to vector<1x16xf32>
    %add3A_429 = vector.broadcast %broadcast_in_dim3A_428 : vector<1x16xf32> to vector<64x16xf32>
    %add3A_430 = arith.addf %dot_general3A_423, %add3A_429 : vector<64x16xf32>
    %swap3A_431 = arith.constant 14 : index
    %swap3A_432 = arith.constant 0 : index
    %swap3A_433 = arith.constant 0 : index
    %swap3A_434 = vector.load %arg18[%swap3A_431, %swap3A_432, %swap3A_433] : memref<16x64x16xf32, #tpu.memory_space<vmem>>, vector<1x64x16xf32>
    %swap3A_435 = vector.shape_cast %swap3A_434 : vector<1x64x16xf32> to vector<64x16xf32>
    %swap3A_436 = vector.shape_cast %add3A_430 : vector<64x16xf32> to vector<1x64x16xf32>
    tpu.vector_store %arg18[%swap3A_431, %swap3A_432, %swap3A_433], %swap3A_436 {strides = array<i32>} : memref<16x64x16xf32, #tpu.memory_space<vmem>>, vector<1x64x16xf32>,
    %get3A_437 = arith.constant 15 : index
    %get3A_438 = arith.constant 0 : index
    %get3A_439 = arith.constant 0 : index
    %get3A_440 = vector.load %arg15[%get3A_437, %get3A_438, %get3A_439] : memref<16x32x16xf32, #tpu.memory_space<vmem>>, vector<1x32x16xf32>
    %get3A_441 = vector.shape_cast %get3A_440 : vector<1x32x16xf32> to vector<32x16xf32>
    %dot_general3A_442 = arith.constant dense<0.000000e+00> : vector<64x16xf32>
    %dot_general3A_443 = tpu.matmul %max3A_137, %get3A_441, %dot_general3A_442 {dimension_numbers = #tpu.dot_dimension_numbers<[1], [0], [0], [1], [0, 0, 1, 1], [], []>, transpose_lhs_hint = false} : vector<64x32xf32>, vector<32x16xf32>, vector<64x16xf32> -> vector<64x16xf32>
    %get3A_444 = arith.constant 15 : index
    %get3A_445 = arith.constant 0 : index
    %get3A_446 = vector.load %arg16[%get3A_444, %get3A_445] : memref<16x16xf32, #tpu.memory_space<vmem>>, vector<1x16xf32>
    %get3A_447 = vector.shape_cast %get3A_446 : vector<1x16xf32> to vector<16xf32>
    %broadcast_in_dim3A_448 = vector.shape_cast %get3A_447 : vector<16xf32> to vector<1x16xf32>
    %add3A_449 = vector.broadcast %broadcast_in_dim3A_448 : vector<1x16xf32> to vector<64x16xf32>
    %add3A_450 = arith.addf %dot_general3A_443, %add3A_449 : vector<64x16xf32>
    %swap3A_451 = arith.constant 15 : index
    %swap3A_452 = arith.constant 0 : index
    %swap3A_453 = arith.constant 0 : index
    %swap3A_454 = vector.load %arg18[%swap3A_451, %swap3A_452, %swap3A_453] : memref<16x64x16xf32, #tpu.memory_space<vmem>>, vector<1x64x16xf32>
    %swap3A_455 = vector.shape_cast %swap3A_454 : vector<1x64x16xf32> to vector<64x16xf32>
    %swap3A_456 = vector.shape_cast %add3A_450 : vector<64x16xf32> to vector<1x64x16xf32>
    tpu.vector_store %arg18[%swap3A_451, %swap3A_452, %swap3A_453], %swap3A_456 {strides = array<i32>} : memref<16x64x16xf32, #tpu.memory_space<vmem>>, vector<1x64x16xf32>,
    return
  }
}

module attributes {stable_mosaic.version = 14 : i64} {
  func.func @_ymm_body(%arg0: i32, %arg1: memref<2048x16xf32, #tpu.memory_space<vmem>>, %arg2: memref<16x1024xf32, #tpu.memory_space<vmem>>, %arg3: memref<2048x1024xf32, #tpu.memory_space<vmem>>) attributes {dimension_semantics = [#tpu.dimension_semantics<arbitrary>], iteration_bounds = array<i64: 5>, scalar_prefetch = 0 : i64, scratch_operands = 0 : i64, tpu.core_type = #tpu.core_type<tc>, window_params = [{transform_indices = @transform_0, window_bounds = array<i64: 2048, 16>}, {pipeline_mode = #tpu.pipeline_mode<synchronous>, transform_indices = @transform_1, window_bounds = array<i64: 16, 1024>}, {transform_indices = @transform_2, window_bounds = array<i64: 2048, 1024>}]} {
    %get3A = arith.constant 0 : index
    %get3A_0 = arith.constant 0 : index
    %get3A_1 = vector.load %arg1[%get3A, %get3A_0] : memref<2048x16xf32, #tpu.memory_space<vmem>>, vector<2048x16xf32>
    %get3A_2 = arith.constant 0 : index
    %get3A_3 = arith.constant 0 : index
    %get3A_4 = vector.load %arg2[%get3A_2, %get3A_3] : memref<16x1024xf32, #tpu.memory_space<vmem>>, vector<16x1024xf32>
    %dot_general3A = arith.constant dense<0.000000e+00> : vector<2048x1024xf32>
    %dot_general3A_5 = tpu.matmul %get3A_1, %get3A_4, %dot_general3A {dimension_numbers = #tpu.dot_dimension_numbers<[1], [0], [0], [1], [0, 0, 1, 1], [], []>, transpose_lhs_hint = false} : vector<2048x16xf32>, vector<16x1024xf32>, vector<2048x1024xf32> -> vector<2048x1024xf32>
    %swap3A = arith.constant 0 : index
    %swap3A_6 = arith.constant 0 : index
    %swap3A_7 = vector.load %arg3[%swap3A, %swap3A_6] : memref<2048x1024xf32, #tpu.memory_space<vmem>>, vector<2048x1024xf32>
    tpu.vector_store %arg3[%swap3A, %swap3A_6], %dot_general3A_5 {strides = array<i32>} : memref<2048x1024xf32, #tpu.memory_space<vmem>>, vector<2048x1024xf32>,
    return
  }
  func.func @transform_0(%arg0: i32) -> (i32, i32) {
    %c0_i32 = arith.constant 0 : i32
    %c0_i32_0 = arith.constant 0 : i32
    return %arg0, %c0_i32 : i32, i32
  }
  func.func @transform_1(%arg0: i32) -> (i32, i32) {
    %c0_i32 = arith.constant 0 : i32
    %c0_i32_0 = arith.constant 0 : i32
    %c0_i32_1 = arith.constant 0 : i32
    return %c0_i32, %c0_i32_0 : i32, i32
  }
  func.func @transform_2(%arg0: i32) -> (i32, i32) {
    %c0_i32 = arith.constant 0 : i32
    %c0_i32_0 = arith.constant 0 : i32
    return %arg0, %c0_i32 : i32, i32
  }
}

module attributes {stable_mosaic.version = 14 : i64} {
  func.func @_gru_y_body(%arg0: i32, %arg1: memref<2048x16xf32, #tpu.memory_space<vmem>>, %arg2: memref<2048x16xf32, #tpu.memory_space<vmem>>, %arg3: memref<2048x16xf32, #tpu.memory_space<vmem>>, %arg4: memref<1x16xf32, #tpu.memory_space<vmem>>, %arg5: memref<16x16xf32, #tpu.memory_space<vmem>>, %arg6: memref<16x16xf32, #tpu.memory_space<vmem>>, %arg7: memref<16x16xf32, #tpu.memory_space<vmem>>, %arg8: memref<16x16xf32, #tpu.memory_space<vmem>>, %arg9: memref<16x16xf32, #tpu.memory_space<vmem>>, %arg10: memref<16x16xf32, #tpu.memory_space<vmem>>, %arg11: memref<1x16xf32, #tpu.memory_space<vmem>>, %arg12: memref<1x16xf32, #tpu.memory_space<vmem>>, %arg13: memref<1x16xf32, #tpu.memory_space<vmem>>, %arg14: memref<1x16xf32, #tpu.memory_space<vmem>>, %arg15: memref<1x16xf32, #tpu.memory_space<vmem>>, %arg16: memref<1x16xf32, #tpu.memory_space<vmem>>, %arg17: memref<16x1024xf32, #tpu.memory_space<vmem>>, %arg18: memref<2048x16xf32, #tpu.memory_space<vmem>>, %arg19: memref<2048x1024xf32, #tpu.memory_space<vmem>>) attributes {dimension_semantics = [#tpu.dimension_semantics<arbitrary>], iteration_bounds = array<i64: 5>, scalar_prefetch = 0 : i64, scratch_operands = 0 : i64, tpu.core_type = #tpu.core_type<tc>, window_params = [{transform_indices = @transform_0, window_bounds = array<i64: 2048, 16>}, {transform_indices = @transform_1, window_bounds = array<i64: 2048, 16>}, {transform_indices = @transform_2, window_bounds = array<i64: 2048, 16>}, {pipeline_mode = #tpu.pipeline_mode<synchronous>, transform_indices = @transform_3, window_bounds = array<i64: 1, 16>}, {pipeline_mode = #tpu.pipeline_mode<synchronous>, transform_indices = @transform_4, window_bounds = array<i64: 16, 16>}, {pipeline_mode = #tpu.pipeline_mode<synchronous>, transform_indices = @transform_5, window_bounds = array<i64: 16, 16>}, {pipeline_mode = #tpu.pipeline_mode<synchronous>, transform_indices = @transform_6, window_bounds = array<i64: 16, 16>}, {pipeline_mode = #tpu.pipeline_mode<synchronous>, transform_indices = @transform_7, window_bounds = array<i64: 16, 16>}, {pipeline_mode = #tpu.pipeline_mode<synchronous>, transform_indices = @transform_8, window_bounds = array<i64: 16, 16>}, {pipeline_mode = #tpu.pipeline_mode<synchronous>, transform_indices = @transform_9, window_bounds = array<i64: 16, 16>}, {pipeline_mode = #tpu.pipeline_mode<synchronous>, transform_indices = @transform_10, window_bounds = array<i64: 1, 16>}, {pipeline_mode = #tpu.pipeline_mode<synchronous>, transform_indices = @transform_11, window_bounds = array<i64: 1, 16>}, {pipeline_mode = #tpu.pipeline_mode<synchronous>, transform_indices = @transform_12, window_bounds = array<i64: 1, 16>}, {pipeline_mode = #tpu.pipeline_mode<synchronous>, transform_indices = @transform_13, window_bounds = array<i64: 1, 16>}, {pipeline_mode = #tpu.pipeline_mode<synchronous>, transform_indices = @transform_14, window_bounds = array<i64: 1, 16>}, {pipeline_mode = #tpu.pipeline_mode<synchronous>, transform_indices = @transform_15, window_bounds = array<i64: 1, 16>}, {pipeline_mode = #tpu.pipeline_mode<synchronous>, transform_indices = @transform_16, window_bounds = array<i64: 16, 1024>}, {transform_indices = @transform_17, window_bounds = array<i64: 2048, 16>}, {transform_indices = @transform_18, window_bounds = array<i64: 2048, 1024>}]} {
    %get3A = arith.constant 0 : index
    %get3A_0 = arith.constant 0 : index
    %get3A_1 = vector.load %arg1[%get3A, %get3A_0] : memref<2048x16xf32, #tpu.memory_space<vmem>>, vector<2048x16xf32>
    %get3A_2 = arith.constant 0 : index
    %get3A_3 = arith.constant 0 : index
    %get3A_4 = vector.load %arg2[%get3A_2, %get3A_3] : memref<2048x16xf32, #tpu.memory_space<vmem>>, vector<2048x16xf32>
    %add3A = arith.addf %get3A_1, %get3A_4 : vector<2048x16xf32>
    %get3A_5 = arith.constant 0 : index
    %get3A_6 = arith.constant 0 : index
    %get3A_7 = vector.load %arg4[%get3A_5, %get3A_6] : memref<1x16xf32, #tpu.memory_space<vmem>>, vector<1x16xf32>
    %add3A_8 = vector.broadcast %get3A_7 : vector<1x16xf32> to vector<2048x16xf32>
    %add3A_9 = arith.addf %add3A, %add3A_8 : vector<2048x16xf32>
    %max3A = arith.constant 0.000000e+00 : f32
    %max3A_10 = vector.broadcast %max3A : f32 to vector<2048x16xf32>
    %max3A_11 = arith.maximumf %add3A_9, %max3A_10 : vector<2048x16xf32>
    %get3A_12 = arith.constant 0 : index
    %get3A_13 = arith.constant 0 : index
    %get3A_14 = vector.load %arg3[%get3A_12, %get3A_13] : memref<2048x16xf32, #tpu.memory_space<vmem>>, vector<2048x16xf32>
    %get3A_15 = arith.constant 0 : index
    %get3A_16 = arith.constant 0 : index
    %get3A_17 = vector.load %arg5[%get3A_15, %get3A_16] : memref<16x16xf32, #tpu.memory_space<vmem>>, vector<16x16xf32>
    %dot_general3A = arith.constant dense<0.000000e+00> : vector<2048x16xf32>
    %dot_general3A_18 = tpu.matmul %max3A_11, %get3A_17, %dot_general3A {dimension_numbers = #tpu.dot_dimension_numbers<[1], [0], [0], [1], [0, 0, 1, 1], [], []>, transpose_lhs_hint = false} : vector<2048x16xf32>, vector<16x16xf32>, vector<2048x16xf32> -> vector<2048x16xf32>
    %get3A_19 = arith.constant 0 : index
    %get3A_20 = arith.constant 0 : index
    %get3A_21 = vector.load %arg11[%get3A_19, %get3A_20] : memref<1x16xf32, #tpu.memory_space<vmem>>, vector<1x16xf32>
    %add3A_22 = vector.broadcast %get3A_21 : vector<1x16xf32> to vector<2048x16xf32>
    %add3A_23 = arith.addf %dot_general3A_18, %add3A_22 : vector<2048x16xf32>
    %get3A_24 = arith.constant 0 : index
    %get3A_25 = arith.constant 0 : index
    %get3A_26 = vector.load %arg8[%get3A_24, %get3A_25] : memref<16x16xf32, #tpu.memory_space<vmem>>, vector<16x16xf32>
    %dot_general3A_27 = arith.constant dense<0.000000e+00> : vector<2048x16xf32>
    %dot_general3A_28 = tpu.matmul %get3A_14, %get3A_26, %dot_general3A_27 {dimension_numbers = #tpu.dot_dimension_numbers<[1], [0], [0], [1], [0, 0, 1, 1], [], []>, transpose_lhs_hint = false} : vector<2048x16xf32>, vector<16x16xf32>, vector<2048x16xf32> -> vector<2048x16xf32>
    %add3A_29 = arith.addf %add3A_23, %dot_general3A_28 : vector<2048x16xf32>
    %get3A_30 = arith.constant 0 : index
    %get3A_31 = arith.constant 0 : index
    %get3A_32 = vector.load %arg14[%get3A_30, %get3A_31] : memref<1x16xf32, #tpu.memory_space<vmem>>, vector<1x16xf32>
    %add3A_33 = vector.broadcast %get3A_32 : vector<1x16xf32> to vector<2048x16xf32>
    %add3A_34 = arith.addf %add3A_29, %add3A_33 : vector<2048x16xf32>
    %logistic3A = arith.negf %add3A_34 : vector<2048x16xf32>
    %logistic3A_35 = math.exp %logistic3A : vector<2048x16xf32>
    %logistic3A_36 = arith.constant 1.000000e+00 : f32
    %logistic3A_37 = vector.broadcast %logistic3A_36 : f32 to vector<2048x16xf32>
    %logistic3A_38 = arith.addf %logistic3A_37, %logistic3A_35 : vector<2048x16xf32>
    %logistic3A_39 = arith.divf %logistic3A_37, %logistic3A_38 : vector<2048x16xf32>
    %get3A_40 = arith.constant 0 : index
    %get3A_41 = arith.constant 0 : index
    %get3A_42 = vector.load %arg6[%get3A_40, %get3A_41] : memref<16x16xf32, #tpu.memory_space<vmem>>, vector<16x16xf32>
    %dot_general3A_43 = arith.constant dense<0.000000e+00> : vector<2048x16xf32>
    %dot_general3A_44 = tpu.matmul %max3A_11, %get3A_42, %dot_general3A_43 {dimension_numbers = #tpu.dot_dimension_numbers<[1], [0], [0], [1], [0, 0, 1, 1], [], []>, transpose_lhs_hint = false} : vector<2048x16xf32>, vector<16x16xf32>, vector<2048x16xf32> -> vector<2048x16xf32>
    %get3A_45 = arith.constant 0 : index
    %get3A_46 = arith.constant 0 : index
    %get3A_47 = vector.load %arg12[%get3A_45, %get3A_46] : memref<1x16xf32, #tpu.memory_space<vmem>>, vector<1x16xf32>
    %add3A_48 = vector.broadcast %get3A_47 : vector<1x16xf32> to vector<2048x16xf32>
    %add3A_49 = arith.addf %dot_general3A_44, %add3A_48 : vector<2048x16xf32>
    %get3A_50 = arith.constant 0 : index
    %get3A_51 = arith.constant 0 : index
    %get3A_52 = vector.load %arg9[%get3A_50, %get3A_51] : memref<16x16xf32, #tpu.memory_space<vmem>>, vector<16x16xf32>
    %dot_general3A_53 = arith.constant dense<0.000000e+00> : vector<2048x16xf32>
    %dot_general3A_54 = tpu.matmul %get3A_14, %get3A_52, %dot_general3A_53 {dimension_numbers = #tpu.dot_dimension_numbers<[1], [0], [0], [1], [0, 0, 1, 1], [], []>, transpose_lhs_hint = false} : vector<2048x16xf32>, vector<16x16xf32>, vector<2048x16xf32> -> vector<2048x16xf32>
    %add3A_55 = arith.addf %add3A_49, %dot_general3A_54 : vector<2048x16xf32>
    %get3A_56 = arith.constant 0 : index
    %get3A_57 = arith.constant 0 : index
    %get3A_58 = vector.load %arg15[%get3A_56, %get3A_57] : memref<1x16xf32, #tpu.memory_space<vmem>>, vector<1x16xf32>
    %add3A_59 = vector.broadcast %get3A_58 : vector<1x16xf32> to vector<2048x16xf32>
    %add3A_60 = arith.addf %add3A_55, %add3A_59 : vector<2048x16xf32>
    %logistic3A_61 = arith.negf %add3A_60 : vector<2048x16xf32>
    %logistic3A_62 = math.exp %logistic3A_61 : vector<2048x16xf32>
    %logistic3A_63 = arith.constant 1.000000e+00 : f32
    %logistic3A_64 = vector.broadcast %logistic3A_63 : f32 to vector<2048x16xf32>
    %logistic3A_65 = arith.addf %logistic3A_64, %logistic3A_62 : vector<2048x16xf32>
    %logistic3A_66 = arith.divf %logistic3A_64, %logistic3A_65 : vector<2048x16xf32>
    %get3A_67 = arith.constant 0 : index
    %get3A_68 = arith.constant 0 : index
    %get3A_69 = vector.load %arg7[%get3A_67, %get3A_68] : memref<16x16xf32, #tpu.memory_space<vmem>>, vector<16x16xf32>
    %dot_general3A_70 = arith.constant dense<0.000000e+00> : vector<2048x16xf32>
    %dot_general3A_71 = tpu.matmul %max3A_11, %get3A_69, %dot_general3A_70 {dimension_numbers = #tpu.dot_dimension_numbers<[1], [0], [0], [1], [0, 0, 1, 1], [], []>, transpose_lhs_hint = false} : vector<2048x16xf32>, vector<16x16xf32>, vector<2048x16xf32> -> vector<2048x16xf32>
    %get3A_72 = arith.constant 0 : index
    %get3A_73 = arith.constant 0 : index
    %get3A_74 = vector.load %arg13[%get3A_72, %get3A_73] : memref<1x16xf32, #tpu.memory_space<vmem>>, vector<1x16xf32>
    %add3A_75 = vector.broadcast %get3A_74 : vector<1x16xf32> to vector<2048x16xf32>
    %add3A_76 = arith.addf %dot_general3A_71, %add3A_75 : vector<2048x16xf32>
    %get3A_77 = arith.constant 0 : index
    %get3A_78 = arith.constant 0 : index
    %get3A_79 = vector.load %arg10[%get3A_77, %get3A_78] : memref<16x16xf32, #tpu.memory_space<vmem>>, vector<16x16xf32>
    %dot_general3A_80 = arith.constant dense<0.000000e+00> : vector<2048x16xf32>
    %dot_general3A_81 = tpu.matmul %get3A_14, %get3A_79, %dot_general3A_80 {dimension_numbers = #tpu.dot_dimension_numbers<[1], [0], [0], [1], [0, 0, 1, 1], [], []>, transpose_lhs_hint = false} : vector<2048x16xf32>, vector<16x16xf32>, vector<2048x16xf32> -> vector<2048x16xf32>
    %get3A_82 = arith.constant 0 : index
    %get3A_83 = arith.constant 0 : index
    %get3A_84 = vector.load %arg16[%get3A_82, %get3A_83] : memref<1x16xf32, #tpu.memory_space<vmem>>, vector<1x16xf32>
    %add3A_85 = vector.broadcast %get3A_84 : vector<1x16xf32> to vector<2048x16xf32>
    %add3A_86 = arith.addf %dot_general3A_81, %add3A_85 : vector<2048x16xf32>
    %mul3A = arith.mulf %logistic3A_39, %add3A_86 : vector<2048x16xf32>
    %add3A_87 = arith.addf %add3A_76, %mul3A : vector<2048x16xf32>
    %tanh3A = math.tanh %add3A_87 : vector<2048x16xf32>
    %sub3A = arith.constant 1.000000e+00 : f32
    %sub3A_88 = vector.broadcast %sub3A : f32 to vector<2048x16xf32>
    %sub3A_89 = arith.subf %sub3A_88, %logistic3A_66 : vector<2048x16xf32>
    %mul3A_90 = arith.mulf %sub3A_89, %tanh3A : vector<2048x16xf32>
    %mul3A_91 = arith.mulf %logistic3A_66, %get3A_14 : vector<2048x16xf32>
    %add3A_92 = arith.addf %mul3A_90, %mul3A_91 : vector<2048x16xf32>
    %swap3A = arith.constant 0 : index
    %swap3A_93 = arith.constant 0 : index
    %swap3A_94 = vector.load %arg18[%swap3A, %swap3A_93] : memref<2048x16xf32, #tpu.memory_space<vmem>>, vector<2048x16xf32>
    tpu.vector_store %arg18[%swap3A, %swap3A_93], %add3A_92 {strides = array<i32>} : memref<2048x16xf32, #tpu.memory_space<vmem>>, vector<2048x16xf32>,
    %get3A_95 = arith.constant 0 : index
    %get3A_96 = arith.constant 0 : index
    %get3A_97 = vector.load %arg17[%get3A_95, %get3A_96] : memref<16x1024xf32, #tpu.memory_space<vmem>>, vector<16x1024xf32>
    %dot_general3A_98 = arith.constant dense<0.000000e+00> : vector<2048x1024xf32>
    %dot_general3A_99 = tpu.matmul %add3A_92, %get3A_97, %dot_general3A_98 {dimension_numbers = #tpu.dot_dimension_numbers<[1], [0], [0], [1], [0, 0, 1, 1], [], []>, transpose_lhs_hint = false} : vector<2048x16xf32>, vector<16x1024xf32>, vector<2048x1024xf32> -> vector<2048x1024xf32>
    %swap3A_100 = arith.constant 0 : index
    %swap3A_101 = arith.constant 0 : index
    %swap3A_102 = vector.load %arg19[%swap3A_100, %swap3A_101] : memref<2048x1024xf32, #tpu.memory_space<vmem>>, vector<2048x1024xf32>
    tpu.vector_store %arg19[%swap3A_100, %swap3A_101], %dot_general3A_99 {strides = array<i32>} : memref<2048x1024xf32, #tpu.memory_space<vmem>>, vector<2048x1024xf32>,
    return
  }
  func.func @transform_0(%arg0: i32) -> (i32, i32) {
    %c0_i32 = arith.constant 0 : i32
    %c0_i32_0 = arith.constant 0 : i32
    return %arg0, %c0_i32 : i32, i32
  }
  func.func @transform_1(%arg0: i32) -> (i32, i32) {
    %add3A = arith.constant 5 : i32
    %add3A_0 = arith.addi %arg0, %add3A : i32
    %c0_i32 = arith.constant 0 : i32
    %c0_i32_1 = arith.constant 0 : i32
    return %add3A_0, %c0_i32 : i32, i32
  }
  func.func @transform_2(%arg0: i32) -> (i32, i32) {
    %c0_i32 = arith.constant 0 : i32
    %c0_i32_0 = arith.constant 0 : i32
    return %arg0, %c0_i32 : i32, i32
  }
  func.func @transform_3(%arg0: i32) -> (i32, i32) {
    %c0_i32 = arith.constant 0 : i32
    %c0_i32_0 = arith.constant 0 : i32
    %c0_i32_1 = arith.constant 0 : i32
    return %c0_i32, %c0_i32_0 : i32, i32
  }
  func.func @transform_4(%arg0: i32) -> (i32, i32) {
    %c0_i32 = arith.constant 0 : i32
    %c0_i32_0 = arith.constant 0 : i32
    %c0_i32_1 = arith.constant 0 : i32
    return %c0_i32, %c0_i32_0 : i32, i32
  }
  func.func @transform_5(%arg0: i32) -> (i32, i32) {
    %c0_i32 = arith.constant 0 : i32
    %c0_i32_0 = arith.constant 0 : i32
    %c0_i32_1 = arith.constant 0 : i32
    return %c0_i32, %c0_i32_0 : i32, i32
  }
  func.func @transform_6(%arg0: i32) -> (i32, i32) {
    %c0_i32 = arith.constant 0 : i32
    %c0_i32_0 = arith.constant 0 : i32
    %c0_i32_1 = arith.constant 0 : i32
    return %c0_i32, %c0_i32_0 : i32, i32
  }
  func.func @transform_7(%arg0: i32) -> (i32, i32) {
    %c0_i32 = arith.constant 0 : i32
    %c0_i32_0 = arith.constant 0 : i32
    %c0_i32_1 = arith.constant 0 : i32
    return %c0_i32, %c0_i32_0 : i32, i32
  }
  func.func @transform_8(%arg0: i32) -> (i32, i32) {
    %c0_i32 = arith.constant 0 : i32
    %c0_i32_0 = arith.constant 0 : i32
    %c0_i32_1 = arith.constant 0 : i32
    return %c0_i32, %c0_i32_0 : i32, i32
  }
  func.func @transform_9(%arg0: i32) -> (i32, i32) {
    %c0_i32 = arith.constant 0 : i32
    %c0_i32_0 = arith.constant 0 : i32
    %c0_i32_1 = arith.constant 0 : i32
    return %c0_i32, %c0_i32_0 : i32, i32
  }
  func.func @transform_10(%arg0: i32) -> (i32, i32) {
    %c0_i32 = arith.constant 0 : i32
    %c0_i32_0 = arith.constant 0 : i32
    %c0_i32_1 = arith.constant 0 : i32
    return %c0_i32, %c0_i32_0 : i32, i32
  }
  func.func @transform_11(%arg0: i32) -> (i32, i32) {
    %c0_i32 = arith.constant 0 : i32
    %c0_i32_0 = arith.constant 0 : i32
    %c0_i32_1 = arith.constant 0 : i32
    return %c0_i32, %c0_i32_0 : i32, i32
  }
  func.func @transform_12(%arg0: i32) -> (i32, i32) {
    %c0_i32 = arith.constant 0 : i32
    %c0_i32_0 = arith.constant 0 : i32
    %c0_i32_1 = arith.constant 0 : i32
    return %c0_i32, %c0_i32_0 : i32, i32
  }
  func.func @transform_13(%arg0: i32) -> (i32, i32) {
    %c0_i32 = arith.constant 0 : i32
    %c0_i32_0 = arith.constant 0 : i32
    %c0_i32_1 = arith.constant 0 : i32
    return %c0_i32, %c0_i32_0 : i32, i32
  }
  func.func @transform_14(%arg0: i32) -> (i32, i32) {
    %c0_i32 = arith.constant 0 : i32
    %c0_i32_0 = arith.constant 0 : i32
    %c0_i32_1 = arith.constant 0 : i32
    return %c0_i32, %c0_i32_0 : i32, i32
  }
  func.func @transform_15(%arg0: i32) -> (i32, i32) {
    %c0_i32 = arith.constant 0 : i32
    %c0_i32_0 = arith.constant 0 : i32
    %c0_i32_1 = arith.constant 0 : i32
    return %c0_i32, %c0_i32_0 : i32, i32
  }
  func.func @transform_16(%arg0: i32) -> (i32, i32) {
    %c0_i32 = arith.constant 0 : i32
    %c0_i32_0 = arith.constant 0 : i32
    %c0_i32_1 = arith.constant 0 : i32
    return %c0_i32, %c0_i32_0 : i32, i32
  }
  func.func @transform_17(%arg0: i32) -> (i32, i32) {
    %c0_i32 = arith.constant 0 : i32
    %c0_i32_0 = arith.constant 0 : i32
    return %arg0, %c0_i32 : i32, i32
  }
  func.func @transform_18(%arg0: i32) -> (i32, i32) {
    %c0_i32 = arith.constant 0 : i32
    %c0_i32_0 = arith.constant 0 : i32
    return %arg0, %c0_i32 : i32, i32
  }
}

module attributes {stable_mosaic.version = 14 : i64} {
  func.func @_tail_body(%arg0: memref<20480x16xf32, #tpu.memory_space<vmem>>, %arg1: memref<10240x16xf32, #tpu.memory_space<vmem>>, %arg2: memref<1x16xf32, #tpu.memory_space<vmem>>, %arg3: memref<16x16xf32, #tpu.memory_space<vmem>>, %arg4: memref<16x16xf32, #tpu.memory_space<vmem>>, %arg5: memref<16x16xf32, #tpu.memory_space<vmem>>, %arg6: memref<16x16xf32, #tpu.memory_space<vmem>>, %arg7: memref<16x16xf32, #tpu.memory_space<vmem>>, %arg8: memref<16x16xf32, #tpu.memory_space<vmem>>, %arg9: memref<1x16xf32, #tpu.memory_space<vmem>>, %arg10: memref<1x16xf32, #tpu.memory_space<vmem>>, %arg11: memref<1x16xf32, #tpu.memory_space<vmem>>, %arg12: memref<1x16xf32, #tpu.memory_space<vmem>>, %arg13: memref<1x16xf32, #tpu.memory_space<vmem>>, %arg14: memref<1x16xf32, #tpu.memory_space<vmem>>, %arg15: memref<16x16xf32, #tpu.memory_space<vmem>>, %arg16: memref<16x16xf32, #tpu.memory_space<vmem>>, %arg17: memref<16x16xf32, #tpu.memory_space<vmem>>, %arg18: memref<16x16xf32, #tpu.memory_space<vmem>>, %arg19: memref<16x16xf32, #tpu.memory_space<vmem>>, %arg20: memref<16x16xf32, #tpu.memory_space<vmem>>, %arg21: memref<16x16xf32, #tpu.memory_space<vmem>>, %arg22: memref<16x16xf32, #tpu.memory_space<vmem>>, %arg23: memref<16x16xf32, #tpu.memory_space<vmem>>, %arg24: memref<16x16xf32, #tpu.memory_space<vmem>>, %arg25: memref<16x16xf32, #tpu.memory_space<vmem>>, %arg26: memref<16x16xf32, #tpu.memory_space<vmem>>, %arg27: memref<1x16xf32, #tpu.memory_space<vmem>>, %arg28: memref<1x16xf32, #tpu.memory_space<vmem>>, %arg29: memref<1x16xf32, #tpu.memory_space<vmem>>, %arg30: memref<1x16xf32, #tpu.memory_space<vmem>>, %arg31: memref<16x16xf32, #tpu.memory_space<vmem>>, %arg32: memref<16x16xf32, #tpu.memory_space<vmem>>, %arg33: memref<1x16xf32, #tpu.memory_space<vmem>>, %arg34: memref<16x16xf32, #tpu.memory_space<vmem>>, %arg35: memref<1x16xf32, #tpu.memory_space<vmem>>, %arg36: memref<1x16xf32, #tpu.memory_space<vmem>>) attributes {dimension_semantics = [], scalar_prefetch = 0 : i64, scratch_operands = 0 : i64, tpu.core_type = #tpu.core_type<tc>} {
    %get3A = arith.constant 0 : index
    %get3A_0 = arith.constant 0 : index
    %get3A_1 = vector.load %arg0[%get3A, %get3A_0] : memref<20480x16xf32, #tpu.memory_space<vmem>>, vector<20480x16xf32>
    %slice3A = vector.extract_strided_slice %get3A_1 {offsets = [0, 0], sizes = [10240, 16], strides = [1, 1]} : vector<20480x16xf32> to vector<10240x16xf32>
    %slice3A_2 = vector.extract_strided_slice %get3A_1 {offsets = [10240, 0], sizes = [10240, 16], strides = [1, 1]} : vector<20480x16xf32> to vector<10240x16xf32>
    %add3A = arith.addf %slice3A, %slice3A_2 : vector<10240x16xf32>
    %get3A_3 = arith.constant 0 : index
    %get3A_4 = arith.constant 0 : index
    %get3A_5 = vector.load %arg2[%get3A_3, %get3A_4] : memref<1x16xf32, #tpu.memory_space<vmem>>, vector<1x16xf32>
    %add3A_6 = vector.broadcast %get3A_5 : vector<1x16xf32> to vector<10240x16xf32>
    %add3A_7 = arith.addf %add3A, %add3A_6 : vector<10240x16xf32>
    %max3A = arith.constant 0.000000e+00 : f32
    %max3A_8 = vector.broadcast %max3A : f32 to vector<10240x16xf32>
    %max3A_9 = arith.maximumf %add3A_7, %max3A_8 : vector<10240x16xf32>
    %get3A_10 = arith.constant 0 : index
    %get3A_11 = arith.constant 0 : index
    %get3A_12 = vector.load %arg1[%get3A_10, %get3A_11] : memref<10240x16xf32, #tpu.memory_space<vmem>>, vector<10240x16xf32>
    %get3A_13 = arith.constant 0 : index
    %get3A_14 = arith.constant 0 : index
    %get3A_15 = vector.load %arg3[%get3A_13, %get3A_14] : memref<16x16xf32, #tpu.memory_space<vmem>>, vector<16x16xf32>
    %dot_general3A = arith.constant dense<0.000000e+00> : vector<10240x16xf32>
    %dot_general3A_16 = tpu.matmul %max3A_9, %get3A_15, %dot_general3A {dimension_numbers = #tpu.dot_dimension_numbers<[1], [0], [0], [1], [0, 0, 1, 1], [], []>, transpose_lhs_hint = false} : vector<10240x16xf32>, vector<16x16xf32>, vector<10240x16xf32> -> vector<10240x16xf32>
    %get3A_17 = arith.constant 0 : index
    %get3A_18 = arith.constant 0 : index
    %get3A_19 = vector.load %arg9[%get3A_17, %get3A_18] : memref<1x16xf32, #tpu.memory_space<vmem>>, vector<1x16xf32>
    %add3A_20 = vector.broadcast %get3A_19 : vector<1x16xf32> to vector<10240x16xf32>
    %add3A_21 = arith.addf %dot_general3A_16, %add3A_20 : vector<10240x16xf32>
    %get3A_22 = arith.constant 0 : index
    %get3A_23 = arith.constant 0 : index
    %get3A_24 = vector.load %arg6[%get3A_22, %get3A_23] : memref<16x16xf32, #tpu.memory_space<vmem>>, vector<16x16xf32>
    %dot_general3A_25 = arith.constant dense<0.000000e+00> : vector<10240x16xf32>
    %dot_general3A_26 = tpu.matmul %get3A_12, %get3A_24, %dot_general3A_25 {dimension_numbers = #tpu.dot_dimension_numbers<[1], [0], [0], [1], [0, 0, 1, 1], [], []>, transpose_lhs_hint = false} : vector<10240x16xf32>, vector<16x16xf32>, vector<10240x16xf32> -> vector<10240x16xf32>
    %add3A_27 = arith.addf %add3A_21, %dot_general3A_26 : vector<10240x16xf32>
    %get3A_28 = arith.constant 0 : index
    %get3A_29 = arith.constant 0 : index
    %get3A_30 = vector.load %arg12[%get3A_28, %get3A_29] : memref<1x16xf32, #tpu.memory_space<vmem>>, vector<1x16xf32>
    %add3A_31 = vector.broadcast %get3A_30 : vector<1x16xf32> to vector<10240x16xf32>
    %add3A_32 = arith.addf %add3A_27, %add3A_31 : vector<10240x16xf32>
    %logistic3A = arith.negf %add3A_32 : vector<10240x16xf32>
    %logistic3A_33 = math.exp %logistic3A : vector<10240x16xf32>
    %logistic3A_34 = arith.constant 1.000000e+00 : f32
    %logistic3A_35 = vector.broadcast %logistic3A_34 : f32 to vector<10240x16xf32>
    %logistic3A_36 = arith.addf %logistic3A_35, %logistic3A_33 : vector<10240x16xf32>
    %logistic3A_37 = arith.divf %logistic3A_35, %logistic3A_36 : vector<10240x16xf32>
    %get3A_38 = arith.constant 0 : index
    %get3A_39 = arith.constant 0 : index
    %get3A_40 = vector.load %arg4[%get3A_38, %get3A_39] : memref<16x16xf32, #tpu.memory_space<vmem>>, vector<16x16xf32>
    %dot_general3A_41 = arith.constant dense<0.000000e+00> : vector<10240x16xf32>
    %dot_general3A_42 = tpu.matmul %max3A_9, %get3A_40, %dot_general3A_41 {dimension_numbers = #tpu.dot_dimension_numbers<[1], [0], [0], [1], [0, 0, 1, 1], [], []>, transpose_lhs_hint = false} : vector<10240x16xf32>, vector<16x16xf32>, vector<10240x16xf32> -> vector<10240x16xf32>
    %get3A_43 = arith.constant 0 : index
    %get3A_44 = arith.constant 0 : index
    %get3A_45 = vector.load %arg10[%get3A_43, %get3A_44] : memref<1x16xf32, #tpu.memory_space<vmem>>, vector<1x16xf32>
    %add3A_46 = vector.broadcast %get3A_45 : vector<1x16xf32> to vector<10240x16xf32>
    %add3A_47 = arith.addf %dot_general3A_42, %add3A_46 : vector<10240x16xf32>
    %get3A_48 = arith.constant 0 : index
    %get3A_49 = arith.constant 0 : index
    %get3A_50 = vector.load %arg7[%get3A_48, %get3A_49] : memref<16x16xf32, #tpu.memory_space<vmem>>, vector<16x16xf32>
    %dot_general3A_51 = arith.constant dense<0.000000e+00> : vector<10240x16xf32>
    %dot_general3A_52 = tpu.matmul %get3A_12, %get3A_50, %dot_general3A_51 {dimension_numbers = #tpu.dot_dimension_numbers<[1], [0], [0], [1], [0, 0, 1, 1], [], []>, transpose_lhs_hint = false} : vector<10240x16xf32>, vector<16x16xf32>, vector<10240x16xf32> -> vector<10240x16xf32>
    %add3A_53 = arith.addf %add3A_47, %dot_general3A_52 : vector<10240x16xf32>
    %get3A_54 = arith.constant 0 : index
    %get3A_55 = arith.constant 0 : index
    %get3A_56 = vector.load %arg13[%get3A_54, %get3A_55] : memref<1x16xf32, #tpu.memory_space<vmem>>, vector<1x16xf32>
    %add3A_57 = vector.broadcast %get3A_56 : vector<1x16xf32> to vector<10240x16xf32>
    %add3A_58 = arith.addf %add3A_53, %add3A_57 : vector<10240x16xf32>
    %logistic3A_59 = arith.negf %add3A_58 : vector<10240x16xf32>
    %logistic3A_60 = math.exp %logistic3A_59 : vector<10240x16xf32>
    %logistic3A_61 = arith.constant 1.000000e+00 : f32
    %logistic3A_62 = vector.broadcast %logistic3A_61 : f32 to vector<10240x16xf32>
    %logistic3A_63 = arith.addf %logistic3A_62, %logistic3A_60 : vector<10240x16xf32>
    %logistic3A_64 = arith.divf %logistic3A_62, %logistic3A_63 : vector<10240x16xf32>
    %get3A_65 = arith.constant 0 : index
    %get3A_66 = arith.constant 0 : index
    %get3A_67 = vector.load %arg5[%get3A_65, %get3A_66] : memref<16x16xf32, #tpu.memory_space<vmem>>, vector<16x16xf32>
    %dot_general3A_68 = arith.constant dense<0.000000e+00> : vector<10240x16xf32>
    %dot_general3A_69 = tpu.matmul %max3A_9, %get3A_67, %dot_general3A_68 {dimension_numbers = #tpu.dot_dimension_numbers<[1], [0], [0], [1], [0, 0, 1, 1], [], []>, transpose_lhs_hint = false} : vector<10240x16xf32>, vector<16x16xf32>, vector<10240x16xf32> -> vector<10240x16xf32>
    %get3A_70 = arith.constant 0 : index
    %get3A_71 = arith.constant 0 : index
    %get3A_72 = vector.load %arg11[%get3A_70, %get3A_71] : memref<1x16xf32, #tpu.memory_space<vmem>>, vector<1x16xf32>
    %add3A_73 = vector.broadcast %get3A_72 : vector<1x16xf32> to vector<10240x16xf32>
    %add3A_74 = arith.addf %dot_general3A_69, %add3A_73 : vector<10240x16xf32>
    %get3A_75 = arith.constant 0 : index
    %get3A_76 = arith.constant 0 : index
    %get3A_77 = vector.load %arg8[%get3A_75, %get3A_76] : memref<16x16xf32, #tpu.memory_space<vmem>>, vector<16x16xf32>
    %dot_general3A_78 = arith.constant dense<0.000000e+00> : vector<10240x16xf32>
    %dot_general3A_79 = tpu.matmul %get3A_12, %get3A_77, %dot_general3A_78 {dimension_numbers = #tpu.dot_dimension_numbers<[1], [0], [0], [1], [0, 0, 1, 1], [], []>, transpose_lhs_hint = false} : vector<10240x16xf32>, vector<16x16xf32>, vector<10240x16xf32> -> vector<10240x16xf32>
    %get3A_80 = arith.constant 0 : index
    %get3A_81 = arith.constant 0 : index
    %get3A_82 = vector.load %arg14[%get3A_80, %get3A_81] : memref<1x16xf32, #tpu.memory_space<vmem>>, vector<1x16xf32>
    %add3A_83 = vector.broadcast %get3A_82 : vector<1x16xf32> to vector<10240x16xf32>
    %add3A_84 = arith.addf %dot_general3A_79, %add3A_83 : vector<10240x16xf32>
    %mul3A = arith.mulf %logistic3A_37, %add3A_84 : vector<10240x16xf32>
    %add3A_85 = arith.addf %add3A_74, %mul3A : vector<10240x16xf32>
    %tanh3A = math.tanh %add3A_85 : vector<10240x16xf32>
    %sub3A = arith.constant 1.000000e+00 : f32
    %sub3A_86 = vector.broadcast %sub3A : f32 to vector<10240x16xf32>
    %sub3A_87 = arith.subf %sub3A_86, %logistic3A_64 : vector<10240x16xf32>
    %mul3A_88 = arith.mulf %sub3A_87, %tanh3A : vector<10240x16xf32>
    %mul3A_89 = arith.mulf %logistic3A_64, %get3A_12 : vector<10240x16xf32>
    %add3A_90 = arith.addf %mul3A_88, %mul3A_89 : vector<10240x16xf32>
    %iota3A = tpu.iota {dimensions = array<i32: 0>} : vector<10240x1xi32>
    %lt3A = arith.constant 10000 : i32
    %lt3A_91 = vector.broadcast %lt3A : i32 to vector<10240x1xi32>
    %lt3A_92 = arith.cmpi slt, %iota3A, %lt3A_91 : vector<10240x1xi32>
    %broadcast_in_dim3A = arith.constant 0.000000e+00 : f32
    %broadcast_in_dim3A_93 = vector.broadcast %broadcast_in_dim3A : f32 to vector<1x16xf32>
    %broadcast_in_dim3A_94 = arith.constant 0.000000e+00 : f32
    %broadcast_in_dim3A_95 = vector.broadcast %broadcast_in_dim3A_94 : f32 to vector<1x16xf32>
    %broadcast_in_dim3A_96 = arith.constant 0.000000e+00 : f32
    %broadcast_in_dim3A_97 = vector.broadcast %broadcast_in_dim3A_96 : f32 to vector<1x16xf32>
    %broadcast_in_dim3A_98 = arith.constant 0.000000e+00 : f32
    %broadcast_in_dim3A_99 = vector.broadcast %broadcast_in_dim3A_98 : f32 to vector<1x16xf32>
    %get3A_100 = arith.constant 0 : index
    %get3A_101 = arith.constant 0 : index
    %get3A_102 = vector.load %arg15[%get3A_100, %get3A_101] : memref<16x16xf32, #tpu.memory_space<vmem>>, vector<16x16xf32>
    %dot_general3A_103 = arith.constant dense<0.000000e+00> : vector<1x16xf32>
    %dot_general3A_104 = tpu.matmul %broadcast_in_dim3A_97, %get3A_102, %dot_general3A_103 {dimension_numbers = #tpu.dot_dimension_numbers<[1], [0], [0], [1], [0, 0, 1, 1], [], []>, transpose_lhs_hint = false} : vector<1x16xf32>, vector<16x16xf32>, vector<1x16xf32> -> vector<1x16xf32>
    %get3A_105 = arith.constant 0 : index
    %get3A_106 = arith.constant 0 : index
    %get3A_107 = vector.load %arg16[%get3A_105, %get3A_106] : memref<16x16xf32, #tpu.memory_space<vmem>>, vector<16x16xf32>
    %dot_general3A_108 = arith.constant dense<0.000000e+00> : vector<1x16xf32>
    %dot_general3A_109 = tpu.matmul %broadcast_in_dim3A_99, %get3A_107, %dot_general3A_108 {dimension_numbers = #tpu.dot_dimension_numbers<[1], [0], [0], [1], [0, 0, 1, 1], [], []>, transpose_lhs_hint = false} : vector<1x16xf32>, vector<16x16xf32>, vector<1x16xf32> -> vector<1x16xf32>
    %add3A_110 = arith.addf %dot_general3A_104, %dot_general3A_109 : vector<1x16xf32>
    %get3A_111 = arith.constant 0 : index
    %get3A_112 = arith.constant 0 : index
    %get3A_113 = vector.load %arg23[%get3A_111, %get3A_112] : memref<16x16xf32, #tpu.memory_space<vmem>>, vector<16x16xf32>
    %dot_general3A_114 = arith.constant dense<0.000000e+00> : vector<1x16xf32>
    %dot_general3A_115 = tpu.matmul %broadcast_in_dim3A_93, %get3A_113, %dot_general3A_114 {dimension_numbers = #tpu.dot_dimension_numbers<[1], [0], [0], [1], [0, 0, 1, 1], [], []>, transpose_lhs_hint = false} : vector<1x16xf32>, vector<16x16xf32>, vector<1x16xf32> -> vector<1x16xf32>
    %add3A_116 = arith.addf %add3A_110, %dot_general3A_115 : vector<1x16xf32>
    %get3A_117 = arith.constant 0 : index
    %get3A_118 = arith.constant 0 : index
    %get3A_119 = vector.load %arg27[%get3A_117, %get3A_118] : memref<1x16xf32, #tpu.memory_space<vmem>>, vector<1x16xf32>
    %add3A_120 = arith.addf %add3A_116, %get3A_119 : vector<1x16xf32>
    %logistic3A_121 = arith.negf %add3A_120 : vector<1x16xf32>
    %logistic3A_122 = math.exp %logistic3A_121 : vector<1x16xf32>
    %logistic3A_123 = arith.constant 1.000000e+00 : f32
    %logistic3A_124 = vector.broadcast %logistic3A_123 : f32 to vector<1x16xf32>
    %logistic3A_125 = arith.addf %logistic3A_124, %logistic3A_122 : vector<1x16xf32>
    %logistic3A_126 = arith.divf %logistic3A_124, %logistic3A_125 : vector<1x16xf32>
    %get3A_127 = arith.constant 0 : index
    %get3A_128 = arith.constant 0 : index
    %get3A_129 = vector.load %arg17[%get3A_127, %get3A_128] : memref<16x16xf32, #tpu.memory_space<vmem>>, vector<16x16xf32>
    %dot_general3A_130 = arith.constant dense<0.000000e+00> : vector<1x16xf32>
    %dot_general3A_131 = tpu.matmul %broadcast_in_dim3A_97, %get3A_129, %dot_general3A_130 {dimension_numbers = #tpu.dot_dimension_numbers<[1], [0], [0], [1], [0, 0, 1, 1], [], []>, transpose_lhs_hint = false} : vector<1x16xf32>, vector<16x16xf32>, vector<1x16xf32> -> vector<1x16xf32>
    %get3A_132 = arith.constant 0 : index
    %get3A_133 = arith.constant 0 : index
    %get3A_134 = vector.load %arg18[%get3A_132, %get3A_133] : memref<16x16xf32, #tpu.memory_space<vmem>>, vector<16x16xf32>
    %dot_general3A_135 = arith.constant dense<0.000000e+00> : vector<1x16xf32>
    %dot_general3A_136 = tpu.matmul %broadcast_in_dim3A_99, %get3A_134, %dot_general3A_135 {dimension_numbers = #tpu.dot_dimension_numbers<[1], [0], [0], [1], [0, 0, 1, 1], [], []>, transpose_lhs_hint = false} : vector<1x16xf32>, vector<16x16xf32>, vector<1x16xf32> -> vector<1x16xf32>
    %add3A_137 = arith.addf %dot_general3A_131, %dot_general3A_136 : vector<1x16xf32>
    %get3A_138 = arith.constant 0 : index
    %get3A_139 = arith.constant 0 : index
    %get3A_140 = vector.load %arg24[%get3A_138, %get3A_139] : memref<16x16xf32, #tpu.memory_space<vmem>>, vector<16x16xf32>
    %dot_general3A_141 = arith.constant dense<0.000000e+00> : vector<1x16xf32>
    %dot_general3A_142 = tpu.matmul %broadcast_in_dim3A_93, %get3A_140, %dot_general3A_141 {dimension_numbers = #tpu.dot_dimension_numbers<[1], [0], [0], [1], [0, 0, 1, 1], [], []>, transpose_lhs_hint = false} : vector<1x16xf32>, vector<16x16xf32>, vector<1x16xf32> -> vector<1x16xf32>
    %add3A_143 = arith.addf %add3A_137, %dot_general3A_142 : vector<1x16xf32>
    %get3A_144 = arith.constant 0 : index
    %get3A_145 = arith.constant 0 : index
    %get3A_146 = vector.load %arg28[%get3A_144, %get3A_145] : memref<1x16xf32, #tpu.memory_space<vmem>>, vector<1x16xf32>
    %add3A_147 = arith.addf %add3A_143, %get3A_146 : vector<1x16xf32>
    %logistic3A_148 = arith.negf %add3A_147 : vector<1x16xf32>
    %logistic3A_149 = math.exp %logistic3A_148 : vector<1x16xf32>
    %logistic3A_150 = arith.constant 1.000000e+00 : f32
    %logistic3A_151 = vector.broadcast %logistic3A_150 : f32 to vector<1x16xf32>
    %logistic3A_152 = arith.addf %logistic3A_151, %logistic3A_149 : vector<1x16xf32>
    %logistic3A_153 = arith.divf %logistic3A_151, %logistic3A_152 : vector<1x16xf32>
    %get3A_154 = arith.constant 0 : index
    %get3A_155 = arith.constant 0 : index
    %get3A_156 = vector.load %arg19[%get3A_154, %get3A_155] : memref<16x16xf32, #tpu.memory_space<vmem>>, vector<16x16xf32>
    %dot_general3A_157 = arith.constant dense<0.000000e+00> : vector<1x16xf32>
    %dot_general3A_158 = tpu.matmul %broadcast_in_dim3A_97, %get3A_156, %dot_general3A_157 {dimension_numbers = #tpu.dot_dimension_numbers<[1], [0], [0], [1], [0, 0, 1, 1], [], []>, transpose_lhs_hint = false} : vector<1x16xf32>, vector<16x16xf32>, vector<1x16xf32> -> vector<1x16xf32>
    %get3A_159 = arith.constant 0 : index
    %get3A_160 = arith.constant 0 : index
    %get3A_161 = vector.load %arg20[%get3A_159, %get3A_160] : memref<16x16xf32, #tpu.memory_space<vmem>>, vector<16x16xf32>
    %dot_general3A_162 = arith.constant dense<0.000000e+00> : vector<1x16xf32>
    %dot_general3A_163 = tpu.matmul %broadcast_in_dim3A_99, %get3A_161, %dot_general3A_162 {dimension_numbers = #tpu.dot_dimension_numbers<[1], [0], [0], [1], [0, 0, 1, 1], [], []>, transpose_lhs_hint = false} : vector<1x16xf32>, vector<16x16xf32>, vector<1x16xf32> -> vector<1x16xf32>
    %add3A_164 = arith.addf %dot_general3A_158, %dot_general3A_163 : vector<1x16xf32>
    %get3A_165 = arith.constant 0 : index
    %get3A_166 = arith.constant 0 : index
    %get3A_167 = vector.load %arg25[%get3A_165, %get3A_166] : memref<16x16xf32, #tpu.memory_space<vmem>>, vector<16x16xf32>
    %dot_general3A_168 = arith.constant dense<0.000000e+00> : vector<1x16xf32>
    %dot_general3A_169 = tpu.matmul %broadcast_in_dim3A_93, %get3A_167, %dot_general3A_168 {dimension_numbers = #tpu.dot_dimension_numbers<[1], [0], [0], [1], [0, 0, 1, 1], [], []>, transpose_lhs_hint = false} : vector<1x16xf32>, vector<16x16xf32>, vector<1x16xf32> -> vector<1x16xf32>
    %add3A_170 = arith.addf %add3A_164, %dot_general3A_169 : vector<1x16xf32>
    %get3A_171 = arith.constant 0 : index
    %get3A_172 = arith.constant 0 : index
    %get3A_173 = vector.load %arg29[%get3A_171, %get3A_172] : memref<1x16xf32, #tpu.memory_space<vmem>>, vector<1x16xf32>
    %add3A_174 = arith.addf %add3A_170, %get3A_173 : vector<1x16xf32>
    %tanh3A_175 = math.tanh %add3A_174 : vector<1x16xf32>
    %get3A_176 = arith.constant 0 : index
    %get3A_177 = arith.constant 0 : index
    %get3A_178 = vector.load %arg21[%get3A_176, %get3A_177] : memref<16x16xf32, #tpu.memory_space<vmem>>, vector<16x16xf32>
    %dot_general3A_179 = arith.constant dense<0.000000e+00> : vector<1x16xf32>
    %dot_general3A_180 = tpu.matmul %broadcast_in_dim3A_97, %get3A_178, %dot_general3A_179 {dimension_numbers = #tpu.dot_dimension_numbers<[1], [0], [0], [1], [0, 0, 1, 1], [], []>, transpose_lhs_hint = false} : vector<1x16xf32>, vector<16x16xf32>, vector<1x16xf32> -> vector<1x16xf32>
    %get3A_181 = arith.constant 0 : index
    %get3A_182 = arith.constant 0 : index
    %get3A_183 = vector.load %arg22[%get3A_181, %get3A_182] : memref<16x16xf32, #tpu.memory_space<vmem>>, vector<16x16xf32>
    %dot_general3A_184 = arith.constant dense<0.000000e+00> : vector<1x16xf32>
    %dot_general3A_185 = tpu.matmul %broadcast_in_dim3A_99, %get3A_183, %dot_general3A_184 {dimension_numbers = #tpu.dot_dimension_numbers<[1], [0], [0], [1], [0, 0, 1, 1], [], []>, transpose_lhs_hint = false} : vector<1x16xf32>, vector<16x16xf32>, vector<1x16xf32> -> vector<1x16xf32>
    %add3A_186 = arith.addf %dot_general3A_180, %dot_general3A_185 : vector<1x16xf32>
    %get3A_187 = arith.constant 0 : index
    %get3A_188 = arith.constant 0 : index
    %get3A_189 = vector.load %arg26[%get3A_187, %get3A_188] : memref<16x16xf32, #tpu.memory_space<vmem>>, vector<16x16xf32>
    %dot_general3A_190 = arith.constant dense<0.000000e+00> : vector<1x16xf32>
    %dot_general3A_191 = tpu.matmul %broadcast_in_dim3A_93, %get3A_189, %dot_general3A_190 {dimension_numbers = #tpu.dot_dimension_numbers<[1], [0], [0], [1], [0, 0, 1, 1], [], []>, transpose_lhs_hint = false} : vector<1x16xf32>, vector<16x16xf32>, vector<1x16xf32> -> vector<1x16xf32>
    %add3A_192 = arith.addf %add3A_186, %dot_general3A_191 : vector<1x16xf32>
    %get3A_193 = arith.constant 0 : index
    %get3A_194 = arith.constant 0 : index
    %get3A_195 = vector.load %arg30[%get3A_193, %get3A_194] : memref<1x16xf32, #tpu.memory_space<vmem>>, vector<1x16xf32>
    %add3A_196 = arith.addf %add3A_192, %get3A_195 : vector<1x16xf32>
    %logistic3A_197 = arith.negf %add3A_196 : vector<1x16xf32>
    %logistic3A_198 = math.exp %logistic3A_197 : vector<1x16xf32>
    %logistic3A_199 = arith.constant 1.000000e+00 : f32
    %logistic3A_200 = vector.broadcast %logistic3A_199 : f32 to vector<1x16xf32>
    %logistic3A_201 = arith.addf %logistic3A_200, %logistic3A_198 : vector<1x16xf32>
    %logistic3A_202 = arith.divf %logistic3A_200, %logistic3A_201 : vector<1x16xf32>
    %mul3A_203 = arith.mulf %logistic3A_153, %broadcast_in_dim3A_95 : vector<1x16xf32>
    %mul3A_204 = arith.mulf %logistic3A_126, %tanh3A_175 : vector<1x16xf32>
    %add3A_205 = arith.addf %mul3A_203, %mul3A_204 : vector<1x16xf32>
    %tanh3A_206 = math.tanh %add3A_205 : vector<1x16xf32>
    %mul3A_207 = arith.mulf %logistic3A_202, %tanh3A_206 : vector<1x16xf32>
    %mul3A_208 = vector.broadcast %mul3A_207 : vector<1x16xf32> to vector<10240x16xf32>
    %mul3A_209 = arith.mulf %add3A_90, %mul3A_208 : vector<10240x16xf32>
    %reduce_sum3A = arith.constant dense<0.000000e+00> : vector<10240xf32>
    %reduce_sum3A_210 = vector.multi_reduction <add>, %mul3A_209, %reduce_sum3A [1] : vector<10240x16xf32> to vector<10240xf32>
    %broadcast_in_dim3A_211 = vector.shape_cast %reduce_sum3A_210 : vector<10240xf32> to vector<10240x1xf32>
    %jit3A = arith.constant 0xFF800000 : f32
    %broadcast_in_dim3A_212 = vector.broadcast %jit3A : f32 to vector<10240x1xf32>
    %select_n3A = arith.select %lt3A_92, %broadcast_in_dim3A_211, %broadcast_in_dim3A_212 : vector<10240x1xi1>, vector<10240x1xf32>
    %reduce_max3A = vector.shape_cast %select_n3A : vector<10240x1xf32> to vector<1x10240x1xf32>
    %reduce_max3A_213 = arith.constant dense<0xFF800000> : vector<1xf32>
    %reduce_max3A_214 = vector.multi_reduction <maximumf>, %reduce_max3A, %reduce_max3A_213 [1, 2] : vector<1x10240x1xf32> to vector<1xf32>
    %reduce_max3A_215 = vector.shape_cast %reduce_max3A_214 : vector<1xf32> to vector<1x1x1xf32>
    %reduce_max3A_216 = vector.extract %reduce_max3A_215[0, 0, 0] : f32 from vector<1x1x1xf32>
    %sub3A_217 = vector.broadcast %reduce_max3A_216 : f32 to vector<10240x1xf32>
    %sub3A_218 = arith.subf %select_n3A, %sub3A_217 : vector<10240x1xf32>
    %exp3A = math.exp %sub3A_218 : vector<10240x1xf32>
    %jit3A_219 = arith.constant 0.000000e+00 : f32
    %broadcast_in_dim3A_220 = vector.broadcast %jit3A_219 : f32 to vector<10240x1xf32>
    %select_n3A_221 = arith.select %lt3A_92, %exp3A, %broadcast_in_dim3A_220 : vector<10240x1xi1>, vector<10240x1xf32>
    %mul3A_222 = vector.broadcast %select_n3A_221 : vector<10240x1xf32> to vector<10240x16xf32>
    %mul3A_223 = arith.mulf %add3A_90, %mul3A_222 : vector<10240x16xf32>
    %reduce_sum3A_224 = arith.constant dense<0.000000e+00> : vector<16xf32>
    %reduce_sum3A_225 = vector.multi_reduction <add>, %mul3A_223, %reduce_sum3A_224 [0] : vector<10240x16xf32> to vector<16xf32>
    %broadcast_in_dim3A_226 = vector.shape_cast %reduce_sum3A_225 : vector<16xf32> to vector<1x16xf32>
    %reduce_sum3A_227 = vector.shape_cast %select_n3A_221 : vector<10240x1xf32> to vector<1x10240x1xf32>
    %reduce_sum3A_228 = arith.constant dense<0.000000e+00> : vector<1xf32>
    %reduce_sum3A_229 = vector.multi_reduction <add>, %reduce_sum3A_227, %reduce_sum3A_228 [1, 2] : vector<1x10240x1xf32> to vector<1xf32>
    %reduce_sum3A_230 = vector.shape_cast %reduce_sum3A_229 : vector<1xf32> to vector<1x1x1xf32>
    %reduce_sum3A_231 = vector.extract %reduce_sum3A_230[0, 0, 0] : f32 from vector<1x1x1xf32>
    %div3A = vector.broadcast %reduce_sum3A_231 : f32 to vector<1x16xf32>
    %div3A_232 = arith.divf %broadcast_in_dim3A_226, %div3A : vector<1x16xf32>
    %get3A_233 = arith.constant 0 : index
    %get3A_234 = arith.constant 0 : index
    %get3A_235 = vector.load %arg15[%get3A_233, %get3A_234] : memref<16x16xf32, #tpu.memory_space<vmem>>, vector<16x16xf32>
    %dot_general3A_236 = arith.constant dense<0.000000e+00> : vector<1x16xf32>
    %dot_general3A_237 = tpu.matmul %mul3A_207, %get3A_235, %dot_general3A_236 {dimension_numbers = #tpu.dot_dimension_numbers<[1], [0], [0], [1], [0, 0, 1, 1], [], []>, transpose_lhs_hint = false} : vector<1x16xf32>, vector<16x16xf32>, vector<1x16xf32> -> vector<1x16xf32>
    %get3A_238 = arith.constant 0 : index
    %get3A_239 = arith.constant 0 : index
    %get3A_240 = vector.load %arg16[%get3A_238, %get3A_239] : memref<16x16xf32, #tpu.memory_space<vmem>>, vector<16x16xf32>
    %dot_general3A_241 = arith.constant dense<0.000000e+00> : vector<1x16xf32>
    %dot_general3A_242 = tpu.matmul %div3A_232, %get3A_240, %dot_general3A_241 {dimension_numbers = #tpu.dot_dimension_numbers<[1], [0], [0], [1], [0, 0, 1, 1], [], []>, transpose_lhs_hint = false} : vector<1x16xf32>, vector<16x16xf32>, vector<1x16xf32> -> vector<1x16xf32>
    %add3A_243 = arith.addf %dot_general3A_237, %dot_general3A_242 : vector<1x16xf32>
    %get3A_244 = arith.constant 0 : index
    %get3A_245 = arith.constant 0 : index
    %get3A_246 = vector.load %arg23[%get3A_244, %get3A_245] : memref<16x16xf32, #tpu.memory_space<vmem>>, vector<16x16xf32>
    %dot_general3A_247 = arith.constant dense<0.000000e+00> : vector<1x16xf32>
    %dot_general3A_248 = tpu.matmul %mul3A_207, %get3A_246, %dot_general3A_247 {dimension_numbers = #tpu.dot_dimension_numbers<[1], [0], [0], [1], [0, 0, 1, 1], [], []>, transpose_lhs_hint = false} : vector<1x16xf32>, vector<16x16xf32>, vector<1x16xf32> -> vector<1x16xf32>
    %add3A_249 = arith.addf %add3A_243, %dot_general3A_248 : vector<1x16xf32>
    %get3A_250 = arith.constant 0 : index
    %get3A_251 = arith.constant 0 : index
    %get3A_252 = vector.load %arg27[%get3A_250, %get3A_251] : memref<1x16xf32, #tpu.memory_space<vmem>>, vector<1x16xf32>
    %add3A_253 = arith.addf %add3A_249, %get3A_252 : vector<1x16xf32>
    %logistic3A_254 = arith.negf %add3A_253 : vector<1x16xf32>
    %logistic3A_255 = math.exp %logistic3A_254 : vector<1x16xf32>
    %logistic3A_256 = arith.constant 1.000000e+00 : f32
    %logistic3A_257 = vector.broadcast %logistic3A_256 : f32 to vector<1x16xf32>
    %logistic3A_258 = arith.addf %logistic3A_257, %logistic3A_255 : vector<1x16xf32>
    %logistic3A_259 = arith.divf %logistic3A_257, %logistic3A_258 : vector<1x16xf32>
    %get3A_260 = arith.constant 0 : index
    %get3A_261 = arith.constant 0 : index
    %get3A_262 = vector.load %arg17[%get3A_260, %get3A_261] : memref<16x16xf32, #tpu.memory_space<vmem>>, vector<16x16xf32>
    %dot_general3A_263 = arith.constant dense<0.000000e+00> : vector<1x16xf32>
    %dot_general3A_264 = tpu.matmul %mul3A_207, %get3A_262, %dot_general3A_263 {dimension_numbers = #tpu.dot_dimension_numbers<[1], [0], [0], [1], [0, 0, 1, 1], [], []>, transpose_lhs_hint = false} : vector<1x16xf32>, vector<16x16xf32>, vector<1x16xf32> -> vector<1x16xf32>
    %get3A_265 = arith.constant 0 : index
    %get3A_266 = arith.constant 0 : index
    %get3A_267 = vector.load %arg18[%get3A_265, %get3A_266] : memref<16x16xf32, #tpu.memory_space<vmem>>, vector<16x16xf32>
    %dot_general3A_268 = arith.constant dense<0.000000e+00> : vector<1x16xf32>
    %dot_general3A_269 = tpu.matmul %div3A_232, %get3A_267, %dot_general3A_268 {dimension_numbers = #tpu.dot_dimension_numbers<[1], [0], [0], [1], [0, 0, 1, 1], [], []>, transpose_lhs_hint = false} : vector<1x16xf32>, vector<16x16xf32>, vector<1x16xf32> -> vector<1x16xf32>
    %add3A_270 = arith.addf %dot_general3A_264, %dot_general3A_269 : vector<1x16xf32>
    %get3A_271 = arith.constant 0 : index
    %get3A_272 = arith.constant 0 : index
    %get3A_273 = vector.load %arg24[%get3A_271, %get3A_272] : memref<16x16xf32, #tpu.memory_space<vmem>>, vector<16x16xf32>
    %dot_general3A_274 = arith.constant dense<0.000000e+00> : vector<1x16xf32>
    %dot_general3A_275 = tpu.matmul %mul3A_207, %get3A_273, %dot_general3A_274 {dimension_numbers = #tpu.dot_dimension_numbers<[1], [0], [0], [1], [0, 0, 1, 1], [], []>, transpose_lhs_hint = false} : vector<1x16xf32>, vector<16x16xf32>, vector<1x16xf32> -> vector<1x16xf32>
    %add3A_276 = arith.addf %add3A_270, %dot_general3A_275 : vector<1x16xf32>
    %get3A_277 = arith.constant 0 : index
    %get3A_278 = arith.constant 0 : index
    %get3A_279 = vector.load %arg28[%get3A_277, %get3A_278] : memref<1x16xf32, #tpu.memory_space<vmem>>, vector<1x16xf32>
    %add3A_280 = arith.addf %add3A_276, %get3A_279 : vector<1x16xf32>
    %logistic3A_281 = arith.negf %add3A_280 : vector<1x16xf32>
    %logistic3A_282 = math.exp %logistic3A_281 : vector<1x16xf32>
    %logistic3A_283 = arith.constant 1.000000e+00 : f32
    %logistic3A_284 = vector.broadcast %logistic3A_283 : f32 to vector<1x16xf32>
    %logistic3A_285 = arith.addf %logistic3A_284, %logistic3A_282 : vector<1x16xf32>
    %logistic3A_286 = arith.divf %logistic3A_284, %logistic3A_285 : vector<1x16xf32>
    %get3A_287 = arith.constant 0 : index
    %get3A_288 = arith.constant 0 : index
    %get3A_289 = vector.load %arg19[%get3A_287, %get3A_288] : memref<16x16xf32, #tpu.memory_space<vmem>>, vector<16x16xf32>
    %dot_general3A_290 = arith.constant dense<0.000000e+00> : vector<1x16xf32>
    %dot_general3A_291 = tpu.matmul %mul3A_207, %get3A_289, %dot_general3A_290 {dimension_numbers = #tpu.dot_dimension_numbers<[1], [0], [0], [1], [0, 0, 1, 1], [], []>, transpose_lhs_hint = false} : vector<1x16xf32>, vector<16x16xf32>, vector<1x16xf32> -> vector<1x16xf32>
    %get3A_292 = arith.constant 0 : index
    %get3A_293 = arith.constant 0 : index
    %get3A_294 = vector.load %arg20[%get3A_292, %get3A_293] : memref<16x16xf32, #tpu.memory_space<vmem>>, vector<16x16xf32>
    %dot_general3A_295 = arith.constant dense<0.000000e+00> : vector<1x16xf32>
    %dot_general3A_296 = tpu.matmul %div3A_232, %get3A_294, %dot_general3A_295 {dimension_numbers = #tpu.dot_dimension_numbers<[1], [0], [0], [1], [0, 0, 1, 1], [], []>, transpose_lhs_hint = false} : vector<1x16xf32>, vector<16x16xf32>, vector<1x16xf32> -> vector<1x16xf32>
    %add3A_297 = arith.addf %dot_general3A_291, %dot_general3A_296 : vector<1x16xf32>
    %get3A_298 = arith.constant 0 : index
    %get3A_299 = arith.constant 0 : index
    %get3A_300 = vector.load %arg25[%get3A_298, %get3A_299] : memref<16x16xf32, #tpu.memory_space<vmem>>, vector<16x16xf32>
    %dot_general3A_301 = arith.constant dense<0.000000e+00> : vector<1x16xf32>
    %dot_general3A_302 = tpu.matmul %mul3A_207, %get3A_300, %dot_general3A_301 {dimension_numbers = #tpu.dot_dimension_numbers<[1], [0], [0], [1], [0, 0, 1, 1], [], []>, transpose_lhs_hint = false} : vector<1x16xf32>, vector<16x16xf32>, vector<1x16xf32> -> vector<1x16xf32>
    %add3A_303 = arith.addf %add3A_297, %dot_general3A_302 : vector<1x16xf32>
    %get3A_304 = arith.constant 0 : index
    %get3A_305 = arith.constant 0 : index
    %get3A_306 = vector.load %arg29[%get3A_304, %get3A_305] : memref<1x16xf32, #tpu.memory_space<vmem>>, vector<1x16xf32>
    %add3A_307 = arith.addf %add3A_303, %get3A_306 : vector<1x16xf32>
    %tanh3A_308 = math.tanh %add3A_307 : vector<1x16xf32>
    %get3A_309 = arith.constant 0 : index
    %get3A_310 = arith.constant 0 : index
    %get3A_311 = vector.load %arg21[%get3A_309, %get3A_310] : memref<16x16xf32, #tpu.memory_space<vmem>>, vector<16x16xf32>
    %dot_general3A_312 = arith.constant dense<0.000000e+00> : vector<1x16xf32>
    %dot_general3A_313 = tpu.matmul %mul3A_207, %get3A_311, %dot_general3A_312 {dimension_numbers = #tpu.dot_dimension_numbers<[1], [0], [0], [1], [0, 0, 1, 1], [], []>, transpose_lhs_hint = false} : vector<1x16xf32>, vector<16x16xf32>, vector<1x16xf32> -> vector<1x16xf32>
    %get3A_314 = arith.constant 0 : index
    %get3A_315 = arith.constant 0 : index
    %get3A_316 = vector.load %arg22[%get3A_314, %get3A_315] : memref<16x16xf32, #tpu.memory_space<vmem>>, vector<16x16xf32>
    %dot_general3A_317 = arith.constant dense<0.000000e+00> : vector<1x16xf32>
    %dot_general3A_318 = tpu.matmul %div3A_232, %get3A_316, %dot_general3A_317 {dimension_numbers = #tpu.dot_dimension_numbers<[1], [0], [0], [1], [0, 0, 1, 1], [], []>, transpose_lhs_hint = false} : vector<1x16xf32>, vector<16x16xf32>, vector<1x16xf32> -> vector<1x16xf32>
    %add3A_319 = arith.addf %dot_general3A_313, %dot_general3A_318 : vector<1x16xf32>
    %get3A_320 = arith.constant 0 : index
    %get3A_321 = arith.constant 0 : index
    %get3A_322 = vector.load %arg26[%get3A_320, %get3A_321] : memref<16x16xf32, #tpu.memory_space<vmem>>, vector<16x16xf32>
    %dot_general3A_323 = arith.constant dense<0.000000e+00> : vector<1x16xf32>
    %dot_general3A_324 = tpu.matmul %mul3A_207, %get3A_322, %dot_general3A_323 {dimension_numbers = #tpu.dot_dimension_numbers<[1], [0], [0], [1], [0, 0, 1, 1], [], []>, transpose_lhs_hint = false} : vector<1x16xf32>, vector<16x16xf32>, vector<1x16xf32> -> vector<1x16xf32>
    %add3A_325 = arith.addf %add3A_319, %dot_general3A_324 : vector<1x16xf32>
    %get3A_326 = arith.constant 0 : index
    %get3A_327 = arith.constant 0 : index
    %get3A_328 = vector.load %arg30[%get3A_326, %get3A_327] : memref<1x16xf32, #tpu.memory_space<vmem>>, vector<1x16xf32>
    %add3A_329 = arith.addf %add3A_325, %get3A_328 : vector<1x16xf32>
    %logistic3A_330 = arith.negf %add3A_329 : vector<1x16xf32>
    %logistic3A_331 = math.exp %logistic3A_330 : vector<1x16xf32>
    %logistic3A_332 = arith.constant 1.000000e+00 : f32
    %logistic3A_333 = vector.broadcast %logistic3A_332 : f32 to vector<1x16xf32>
    %logistic3A_334 = arith.addf %logistic3A_333, %logistic3A_331 : vector<1x16xf32>
    %logistic3A_335 = arith.divf %logistic3A_333, %logistic3A_334 : vector<1x16xf32>
    %mul3A_336 = arith.mulf %logistic3A_286, %add3A_205 : vector<1x16xf32>
    %mul3A_337 = arith.mulf %logistic3A_259, %tanh3A_308 : vector<1x16xf32>
    %add3A_338 = arith.addf %mul3A_336, %mul3A_337 : vector<1x16xf32>
    %tanh3A_339 = math.tanh %add3A_338 : vector<1x16xf32>
    %mul3A_340 = arith.mulf %logistic3A_335, %tanh3A_339 : vector<1x16xf32>
    %mul3A_341 = vector.broadcast %mul3A_340 : vector<1x16xf32> to vector<10240x16xf32>
    %mul3A_342 = arith.mulf %add3A_90, %mul3A_341 : vector<10240x16xf32>
    %reduce_sum3A_343 = arith.constant dense<0.000000e+00> : vector<10240xf32>
    %reduce_sum3A_344 = vector.multi_reduction <add>, %mul3A_342, %reduce_sum3A_343 [1] : vector<10240x16xf32> to vector<10240xf32>
    %broadcast_in_dim3A_345 = vector.shape_cast %reduce_sum3A_344 : vector<10240xf32> to vector<10240x1xf32>
    %jit3A_346 = arith.constant 0xFF800000 : f32
    %broadcast_in_dim3A_347 = vector.broadcast %jit3A_346 : f32 to vector<10240x1xf32>
    %select_n3A_348 = arith.select %lt3A_92, %broadcast_in_dim3A_345, %broadcast_in_dim3A_347 : vector<10240x1xi1>, vector<10240x1xf32>
    %reduce_max3A_349 = vector.shape_cast %select_n3A_348 : vector<10240x1xf32> to vector<1x10240x1xf32>
    %reduce_max3A_350 = arith.constant dense<0xFF800000> : vector<1xf32>
    %reduce_max3A_351 = vector.multi_reduction <maximumf>, %reduce_max3A_349, %reduce_max3A_350 [1, 2] : vector<1x10240x1xf32> to vector<1xf32>
    %reduce_max3A_352 = vector.shape_cast %reduce_max3A_351 : vector<1xf32> to vector<1x1x1xf32>
    %reduce_max3A_353 = vector.extract %reduce_max3A_352[0, 0, 0] : f32 from vector<1x1x1xf32>
    %sub3A_354 = vector.broadcast %reduce_max3A_353 : f32 to vector<10240x1xf32>
    %sub3A_355 = arith.subf %select_n3A_348, %sub3A_354 : vector<10240x1xf32>
    %exp3A_356 = math.exp %sub3A_355 : vector<10240x1xf32>
    %jit3A_357 = arith.constant 0.000000e+00 : f32
    %broadcast_in_dim3A_358 = vector.broadcast %jit3A_357 : f32 to vector<10240x1xf32>
    %select_n3A_359 = arith.select %lt3A_92, %exp3A_356, %broadcast_in_dim3A_358 : vector<10240x1xi1>, vector<10240x1xf32>
    %mul3A_360 = vector.broadcast %select_n3A_359 : vector<10240x1xf32> to vector<10240x16xf32>
    %mul3A_361 = arith.mulf %add3A_90, %mul3A_360 : vector<10240x16xf32>
    %reduce_sum3A_362 = arith.constant dense<0.000000e+00> : vector<16xf32>
    %reduce_sum3A_363 = vector.multi_reduction <add>, %mul3A_361, %reduce_sum3A_362 [0] : vector<10240x16xf32> to vector<16xf32>
    %broadcast_in_dim3A_364 = vector.shape_cast %reduce_sum3A_363 : vector<16xf32> to vector<1x16xf32>
    %reduce_sum3A_365 = vector.shape_cast %select_n3A_359 : vector<10240x1xf32> to vector<1x10240x1xf32>
    %reduce_sum3A_366 = arith.constant dense<0.000000e+00> : vector<1xf32>
    %reduce_sum3A_367 = vector.multi_reduction <add>, %reduce_sum3A_365, %reduce_sum3A_366 [1, 2] : vector<1x10240x1xf32> to vector<1xf32>
    %reduce_sum3A_368 = vector.shape_cast %reduce_sum3A_367 : vector<1xf32> to vector<1x1x1xf32>
    %reduce_sum3A_369 = vector.extract %reduce_sum3A_368[0, 0, 0] : f32 from vector<1x1x1xf32>
    %div3A_370 = vector.broadcast %reduce_sum3A_369 : f32 to vector<1x16xf32>
    %div3A_371 = arith.divf %broadcast_in_dim3A_364, %div3A_370 : vector<1x16xf32>
    %get3A_372 = arith.constant 0 : index
    %get3A_373 = arith.constant 0 : index
    %get3A_374 = vector.load %arg15[%get3A_372, %get3A_373] : memref<16x16xf32, #tpu.memory_space<vmem>>, vector<16x16xf32>
    %dot_general3A_375 = arith.constant dense<0.000000e+00> : vector<1x16xf32>
    %dot_general3A_376 = tpu.matmul %mul3A_340, %get3A_374, %dot_general3A_375 {dimension_numbers = #tpu.dot_dimension_numbers<[1], [0], [0], [1], [0, 0, 1, 1], [], []>, transpose_lhs_hint = false} : vector<1x16xf32>, vector<16x16xf32>, vector<1x16xf32> -> vector<1x16xf32>
    %get3A_377 = arith.constant 0 : index
    %get3A_378 = arith.constant 0 : index
    %get3A_379 = vector.load %arg16[%get3A_377, %get3A_378] : memref<16x16xf32, #tpu.memory_space<vmem>>, vector<16x16xf32>
    %dot_general3A_380 = arith.constant dense<0.000000e+00> : vector<1x16xf32>
    %dot_general3A_381 = tpu.matmul %div3A_371, %get3A_379, %dot_general3A_380 {dimension_numbers = #tpu.dot_dimension_numbers<[1], [0], [0], [1], [0, 0, 1, 1], [], []>, transpose_lhs_hint = false} : vector<1x16xf32>, vector<16x16xf32>, vector<1x16xf32> -> vector<1x16xf32>
    %add3A_382 = arith.addf %dot_general3A_376, %dot_general3A_381 : vector<1x16xf32>
    %get3A_383 = arith.constant 0 : index
    %get3A_384 = arith.constant 0 : index
    %get3A_385 = vector.load %arg23[%get3A_383, %get3A_384] : memref<16x16xf32, #tpu.memory_space<vmem>>, vector<16x16xf32>
    %dot_general3A_386 = arith.constant dense<0.000000e+00> : vector<1x16xf32>
    %dot_general3A_387 = tpu.matmul %mul3A_340, %get3A_385, %dot_general3A_386 {dimension_numbers = #tpu.dot_dimension_numbers<[1], [0], [0], [1], [0, 0, 1, 1], [], []>, transpose_lhs_hint = false} : vector<1x16xf32>, vector<16x16xf32>, vector<1x16xf32> -> vector<1x16xf32>
    %add3A_388 = arith.addf %add3A_382, %dot_general3A_387 : vector<1x16xf32>
    %get3A_389 = arith.constant 0 : index
    %get3A_390 = arith.constant 0 : index
    %get3A_391 = vector.load %arg27[%get3A_389, %get3A_390] : memref<1x16xf32, #tpu.memory_space<vmem>>, vector<1x16xf32>
    %add3A_392 = arith.addf %add3A_388, %get3A_391 : vector<1x16xf32>
    %logistic3A_393 = arith.negf %add3A_392 : vector<1x16xf32>
    %logistic3A_394 = math.exp %logistic3A_393 : vector<1x16xf32>
    %logistic3A_395 = arith.constant 1.000000e+00 : f32
    %logistic3A_396 = vector.broadcast %logistic3A_395 : f32 to vector<1x16xf32>
    %logistic3A_397 = arith.addf %logistic3A_396, %logistic3A_394 : vector<1x16xf32>
    %logistic3A_398 = arith.divf %logistic3A_396, %logistic3A_397 : vector<1x16xf32>
    %get3A_399 = arith.constant 0 : index
    %get3A_400 = arith.constant 0 : index
    %get3A_401 = vector.load %arg17[%get3A_399, %get3A_400] : memref<16x16xf32, #tpu.memory_space<vmem>>, vector<16x16xf32>
    %dot_general3A_402 = arith.constant dense<0.000000e+00> : vector<1x16xf32>
    %dot_general3A_403 = tpu.matmul %mul3A_340, %get3A_401, %dot_general3A_402 {dimension_numbers = #tpu.dot_dimension_numbers<[1], [0], [0], [1], [0, 0, 1, 1], [], []>, transpose_lhs_hint = false} : vector<1x16xf32>, vector<16x16xf32>, vector<1x16xf32> -> vector<1x16xf32>
    %get3A_404 = arith.constant 0 : index
    %get3A_405 = arith.constant 0 : index
    %get3A_406 = vector.load %arg18[%get3A_404, %get3A_405] : memref<16x16xf32, #tpu.memory_space<vmem>>, vector<16x16xf32>
    %dot_general3A_407 = arith.constant dense<0.000000e+00> : vector<1x16xf32>
    %dot_general3A_408 = tpu.matmul %div3A_371, %get3A_406, %dot_general3A_407 {dimension_numbers = #tpu.dot_dimension_numbers<[1], [0], [0], [1], [0, 0, 1, 1], [], []>, transpose_lhs_hint = false} : vector<1x16xf32>, vector<16x16xf32>, vector<1x16xf32> -> vector<1x16xf32>
    %add3A_409 = arith.addf %dot_general3A_403, %dot_general3A_408 : vector<1x16xf32>
    %get3A_410 = arith.constant 0 : index
    %get3A_411 = arith.constant 0 : index
    %get3A_412 = vector.load %arg24[%get3A_410, %get3A_411] : memref<16x16xf32, #tpu.memory_space<vmem>>, vector<16x16xf32>
    %dot_general3A_413 = arith.constant dense<0.000000e+00> : vector<1x16xf32>
    %dot_general3A_414 = tpu.matmul %mul3A_340, %get3A_412, %dot_general3A_413 {dimension_numbers = #tpu.dot_dimension_numbers<[1], [0], [0], [1], [0, 0, 1, 1], [], []>, transpose_lhs_hint = false} : vector<1x16xf32>, vector<16x16xf32>, vector<1x16xf32> -> vector<1x16xf32>
    %add3A_415 = arith.addf %add3A_409, %dot_general3A_414 : vector<1x16xf32>
    %get3A_416 = arith.constant 0 : index
    %get3A_417 = arith.constant 0 : index
    %get3A_418 = vector.load %arg28[%get3A_416, %get3A_417] : memref<1x16xf32, #tpu.memory_space<vmem>>, vector<1x16xf32>
    %add3A_419 = arith.addf %add3A_415, %get3A_418 : vector<1x16xf32>
    %logistic3A_420 = arith.negf %add3A_419 : vector<1x16xf32>
    %logistic3A_421 = math.exp %logistic3A_420 : vector<1x16xf32>
    %logistic3A_422 = arith.constant 1.000000e+00 : f32
    %logistic3A_423 = vector.broadcast %logistic3A_422 : f32 to vector<1x16xf32>
    %logistic3A_424 = arith.addf %logistic3A_423, %logistic3A_421 : vector<1x16xf32>
    %logistic3A_425 = arith.divf %logistic3A_423, %logistic3A_424 : vector<1x16xf32>
    %get3A_426 = arith.constant 0 : index
    %get3A_427 = arith.constant 0 : index
    %get3A_428 = vector.load %arg19[%get3A_426, %get3A_427] : memref<16x16xf32, #tpu.memory_space<vmem>>, vector<16x16xf32>
    %dot_general3A_429 = arith.constant dense<0.000000e+00> : vector<1x16xf32>
    %dot_general3A_430 = tpu.matmul %mul3A_340, %get3A_428, %dot_general3A_429 {dimension_numbers = #tpu.dot_dimension_numbers<[1], [0], [0], [1], [0, 0, 1, 1], [], []>, transpose_lhs_hint = false} : vector<1x16xf32>, vector<16x16xf32>, vector<1x16xf32> -> vector<1x16xf32>
    %get3A_431 = arith.constant 0 : index
    %get3A_432 = arith.constant 0 : index
    %get3A_433 = vector.load %arg20[%get3A_431, %get3A_432] : memref<16x16xf32, #tpu.memory_space<vmem>>, vector<16x16xf32>
    %dot_general3A_434 = arith.constant dense<0.000000e+00> : vector<1x16xf32>
    %dot_general3A_435 = tpu.matmul %div3A_371, %get3A_433, %dot_general3A_434 {dimension_numbers = #tpu.dot_dimension_numbers<[1], [0], [0], [1], [0, 0, 1, 1], [], []>, transpose_lhs_hint = false} : vector<1x16xf32>, vector<16x16xf32>, vector<1x16xf32> -> vector<1x16xf32>
    %add3A_436 = arith.addf %dot_general3A_430, %dot_general3A_435 : vector<1x16xf32>
    %get3A_437 = arith.constant 0 : index
    %get3A_438 = arith.constant 0 : index
    %get3A_439 = vector.load %arg25[%get3A_437, %get3A_438] : memref<16x16xf32, #tpu.memory_space<vmem>>, vector<16x16xf32>
    %dot_general3A_440 = arith.constant dense<0.000000e+00> : vector<1x16xf32>
    %dot_general3A_441 = tpu.matmul %mul3A_340, %get3A_439, %dot_general3A_440 {dimension_numbers = #tpu.dot_dimension_numbers<[1], [0], [0], [1], [0, 0, 1, 1], [], []>, transpose_lhs_hint = false} : vector<1x16xf32>, vector<16x16xf32>, vector<1x16xf32> -> vector<1x16xf32>
    %add3A_442 = arith.addf %add3A_436, %dot_general3A_441 : vector<1x16xf32>
    %get3A_443 = arith.constant 0 : index
    %get3A_444 = arith.constant 0 : index
    %get3A_445 = vector.load %arg29[%get3A_443, %get3A_444] : memref<1x16xf32, #tpu.memory_space<vmem>>, vector<1x16xf32>
    %add3A_446 = arith.addf %add3A_442, %get3A_445 : vector<1x16xf32>
    %tanh3A_447 = math.tanh %add3A_446 : vector<1x16xf32>
    %get3A_448 = arith.constant 0 : index
    %get3A_449 = arith.constant 0 : index
    %get3A_450 = vector.load %arg21[%get3A_448, %get3A_449] : memref<16x16xf32, #tpu.memory_space<vmem>>, vector<16x16xf32>
    %dot_general3A_451 = arith.constant dense<0.000000e+00> : vector<1x16xf32>
    %dot_general3A_452 = tpu.matmul %mul3A_340, %get3A_450, %dot_general3A_451 {dimension_numbers = #tpu.dot_dimension_numbers<[1], [0], [0], [1], [0, 0, 1, 1], [], []>, transpose_lhs_hint = false} : vector<1x16xf32>, vector<16x16xf32>, vector<1x16xf32> -> vector<1x16xf32>
    %get3A_453 = arith.constant 0 : index
    %get3A_454 = arith.constant 0 : index
    %get3A_455 = vector.load %arg22[%get3A_453, %get3A_454] : memref<16x16xf32, #tpu.memory_space<vmem>>, vector<16x16xf32>
    %dot_general3A_456 = arith.constant dense<0.000000e+00> : vector<1x16xf32>
    %dot_general3A_457 = tpu.matmul %div3A_371, %get3A_455, %dot_general3A_456 {dimension_numbers = #tpu.dot_dimension_numbers<[1], [0], [0], [1], [0, 0, 1, 1], [], []>, transpose_lhs_hint = false} : vector<1x16xf32>, vector<16x16xf32>, vector<1x16xf32> -> vector<1x16xf32>
    %add3A_458 = arith.addf %dot_general3A_452, %dot_general3A_457 : vector<1x16xf32>
    %get3A_459 = arith.constant 0 : index
    %get3A_460 = arith.constant 0 : index
    %get3A_461 = vector.load %arg26[%get3A_459, %get3A_460] : memref<16x16xf32, #tpu.memory_space<vmem>>, vector<16x16xf32>
    %dot_general3A_462 = arith.constant dense<0.000000e+00> : vector<1x16xf32>
    %dot_general3A_463 = tpu.matmul %mul3A_340, %get3A_461, %dot_general3A_462 {dimension_numbers = #tpu.dot_dimension_numbers<[1], [0], [0], [1], [0, 0, 1, 1], [], []>, transpose_lhs_hint = false} : vector<1x16xf32>, vector<16x16xf32>, vector<1x16xf32> -> vector<1x16xf32>
    %add3A_464 = arith.addf %add3A_458, %dot_general3A_463 : vector<1x16xf32>
    %get3A_465 = arith.constant 0 : index
    %get3A_466 = arith.constant 0 : index
    %get3A_467 = vector.load %arg30[%get3A_465, %get3A_466] : memref<1x16xf32, #tpu.memory_space<vmem>>, vector<1x16xf32>
    %add3A_468 = arith.addf %add3A_464, %get3A_467 : vector<1x16xf32>
    %logistic3A_469 = arith.negf %add3A_468 : vector<1x16xf32>
    %logistic3A_470 = math.exp %logistic3A_469 : vector<1x16xf32>
    %logistic3A_471 = arith.constant 1.000000e+00 : f32
    %logistic3A_472 = vector.broadcast %logistic3A_471 : f32 to vector<1x16xf32>
    %logistic3A_473 = arith.addf %logistic3A_472, %logistic3A_470 : vector<1x16xf32>
    %logistic3A_474 = arith.divf %logistic3A_472, %logistic3A_473 : vector<1x16xf32>
    %mul3A_475 = arith.mulf %logistic3A_425, %add3A_338 : vector<1x16xf32>
    %mul3A_476 = arith.mulf %logistic3A_398, %tanh3A_447 : vector<1x16xf32>
    %add3A_477 = arith.addf %mul3A_475, %mul3A_476 : vector<1x16xf32>
    %tanh3A_478 = math.tanh %add3A_477 : vector<1x16xf32>
    %mul3A_479 = arith.mulf %logistic3A_474, %tanh3A_478 : vector<1x16xf32>
    %mul3A_480 = vector.broadcast %mul3A_479 : vector<1x16xf32> to vector<10240x16xf32>
    %mul3A_481 = arith.mulf %add3A_90, %mul3A_480 : vector<10240x16xf32>
    %reduce_sum3A_482 = arith.constant dense<0.000000e+00> : vector<10240xf32>
    %reduce_sum3A_483 = vector.multi_reduction <add>, %mul3A_481, %reduce_sum3A_482 [1] : vector<10240x16xf32> to vector<10240xf32>
    %broadcast_in_dim3A_484 = vector.shape_cast %reduce_sum3A_483 : vector<10240xf32> to vector<10240x1xf32>
    %jit3A_485 = arith.constant 0xFF800000 : f32
    %broadcast_in_dim3A_486 = vector.broadcast %jit3A_485 : f32 to vector<10240x1xf32>
    %select_n3A_487 = arith.select %lt3A_92, %broadcast_in_dim3A_484, %broadcast_in_dim3A_486 : vector<10240x1xi1>, vector<10240x1xf32>
    %reduce_max3A_488 = vector.shape_cast %select_n3A_487 : vector<10240x1xf32> to vector<1x10240x1xf32>
    %reduce_max3A_489 = arith.constant dense<0xFF800000> : vector<1xf32>
    %reduce_max3A_490 = vector.multi_reduction <maximumf>, %reduce_max3A_488, %reduce_max3A_489 [1, 2] : vector<1x10240x1xf32> to vector<1xf32>
    %reduce_max3A_491 = vector.shape_cast %reduce_max3A_490 : vector<1xf32> to vector<1x1x1xf32>
    %reduce_max3A_492 = vector.extract %reduce_max3A_491[0, 0, 0] : f32 from vector<1x1x1xf32>
    %sub3A_493 = vector.broadcast %reduce_max3A_492 : f32 to vector<10240x1xf32>
    %sub3A_494 = arith.subf %select_n3A_487, %sub3A_493 : vector<10240x1xf32>
    %exp3A_495 = math.exp %sub3A_494 : vector<10240x1xf32>
    %jit3A_496 = arith.constant 0.000000e+00 : f32
    %broadcast_in_dim3A_497 = vector.broadcast %jit3A_496 : f32 to vector<10240x1xf32>
    %select_n3A_498 = arith.select %lt3A_92, %exp3A_495, %broadcast_in_dim3A_497 : vector<10240x1xi1>, vector<10240x1xf32>
    %mul3A_499 = vector.broadcast %select_n3A_498 : vector<10240x1xf32> to vector<10240x16xf32>
    %mul3A_500 = arith.mulf %add3A_90, %mul3A_499 : vector<10240x16xf32>
    %reduce_sum3A_501 = arith.constant dense<0.000000e+00> : vector<16xf32>
    %reduce_sum3A_502 = vector.multi_reduction <add>, %mul3A_500, %reduce_sum3A_501 [0] : vector<10240x16xf32> to vector<16xf32>
    %broadcast_in_dim3A_503 = vector.shape_cast %reduce_sum3A_502 : vector<16xf32> to vector<1x16xf32>
    %reduce_sum3A_504 = vector.shape_cast %select_n3A_498 : vector<10240x1xf32> to vector<1x10240x1xf32>
    %reduce_sum3A_505 = arith.constant dense<0.000000e+00> : vector<1xf32>
    %reduce_sum3A_506 = vector.multi_reduction <add>, %reduce_sum3A_504, %reduce_sum3A_505 [1, 2] : vector<1x10240x1xf32> to vector<1xf32>
    %reduce_sum3A_507 = vector.shape_cast %reduce_sum3A_506 : vector<1xf32> to vector<1x1x1xf32>
    %reduce_sum3A_508 = vector.extract %reduce_sum3A_507[0, 0, 0] : f32 from vector<1x1x1xf32>
    %div3A_509 = vector.broadcast %reduce_sum3A_508 : f32 to vector<1x16xf32>
    %div3A_510 = arith.divf %broadcast_in_dim3A_503, %div3A_509 : vector<1x16xf32>
    %get3A_511 = arith.constant 0 : index
    %get3A_512 = arith.constant 0 : index
    %get3A_513 = vector.load %arg31[%get3A_511, %get3A_512] : memref<16x16xf32, #tpu.memory_space<vmem>>, vector<16x16xf32>
    %dot_general3A_514 = arith.constant dense<0.000000e+00> : vector<1x16xf32>
    %dot_general3A_515 = tpu.matmul %mul3A_479, %get3A_513, %dot_general3A_514 {dimension_numbers = #tpu.dot_dimension_numbers<[1], [0], [0], [1], [0, 0, 1, 1], [], []>, transpose_lhs_hint = false} : vector<1x16xf32>, vector<16x16xf32>, vector<1x16xf32> -> vector<1x16xf32>
    %get3A_516 = arith.constant 0 : index
    %get3A_517 = arith.constant 0 : index
    %get3A_518 = vector.load %arg32[%get3A_516, %get3A_517] : memref<16x16xf32, #tpu.memory_space<vmem>>, vector<16x16xf32>
    %dot_general3A_519 = arith.constant dense<0.000000e+00> : vector<1x16xf32>
    %dot_general3A_520 = tpu.matmul %div3A_510, %get3A_518, %dot_general3A_519 {dimension_numbers = #tpu.dot_dimension_numbers<[1], [0], [0], [1], [0, 0, 1, 1], [], []>, transpose_lhs_hint = false} : vector<1x16xf32>, vector<16x16xf32>, vector<1x16xf32> -> vector<1x16xf32>
    %add3A_521 = arith.addf %dot_general3A_515, %dot_general3A_520 : vector<1x16xf32>
    %get3A_522 = arith.constant 0 : index
    %get3A_523 = arith.constant 0 : index
    %get3A_524 = vector.load %arg33[%get3A_522, %get3A_523] : memref<1x16xf32, #tpu.memory_space<vmem>>, vector<1x16xf32>
    %add3A_525 = arith.addf %add3A_521, %get3A_524 : vector<1x16xf32>
    %max3A_526 = arith.constant 0.000000e+00 : f32
    %max3A_527 = vector.broadcast %max3A_526 : f32 to vector<1x16xf32>
    %max3A_528 = arith.maximumf %add3A_525, %max3A_527 : vector<1x16xf32>
    %get3A_529 = arith.constant 0 : index
    %get3A_530 = arith.constant 0 : index
    %get3A_531 = vector.load %arg34[%get3A_529, %get3A_530] : memref<16x16xf32, #tpu.memory_space<vmem>>, vector<16x16xf32>
    %dot_general3A_532 = arith.constant dense<0.000000e+00> : vector<1x16xf32>
    %dot_general3A_533 = tpu.matmul %max3A_528, %get3A_531, %dot_general3A_532 {dimension_numbers = #tpu.dot_dimension_numbers<[1], [0], [0], [1], [0, 0, 1, 1], [], []>, transpose_lhs_hint = false} : vector<1x16xf32>, vector<16x16xf32>, vector<1x16xf32> -> vector<1x16xf32>
    %get3A_534 = arith.constant 0 : index
    %get3A_535 = arith.constant 0 : index
    %get3A_536 = vector.load %arg35[%get3A_534, %get3A_535] : memref<1x16xf32, #tpu.memory_space<vmem>>, vector<1x16xf32>
    %add3A_537 = arith.addf %dot_general3A_533, %get3A_536 : vector<1x16xf32>
    %swap3A = arith.constant 0 : index
    %swap3A_538 = arith.constant 0 : index
    %swap3A_539 = vector.load %arg36[%swap3A, %swap3A_538] : memref<1x16xf32, #tpu.memory_space<vmem>>, vector<1x16xf32>
    tpu.vector_store %arg36[%swap3A, %swap3A_538], %add3A_537 {strides = array<i32>} : memref<1x16xf32, #tpu.memory_space<vmem>>, vector<1x16xf32>,
    return
  }
}

</mosaic_0001>

<sc_bundles>
// kernel: kernel.10.cloned.1.call-start
scs
__scs_entry_jumppad:
0x0: {  	(pc) =	sbr.rel $0x88, $3  }
0x1: {  	(tag) =	ssettag $0x0;
	lr =	simm.s32 $0x1  }
0x2: {  	[smem:$0x3F86] =	sst lr;
	_ =	strace $0xD0000000  }
0x3: {  	_ = 	snop  }
0x4: {  	_ = 	snop  }
0x5: {  	_ = 	snop  }
0x6: {  	_ = 	snop  }
0x7: {  	_ = 	snop  }
__scs_overlays_trampoline_lowered:
0x8: {  	[smem:$0x3F95] =	sst s0  }
0x9: {  	[smem:$0x3F96] =	sst s1  }
0xa: {  	[smem:$0x3F97] =	sst s2  }
0xb: {  	[smem:$0x3F98] =	sst s3  }
0xc: {  	[smem:$0x3F99] =	sst s4  }
0xd: {  	[smem:$0x3F9A] =	sst s5  }
0xe: {  	[smem:$0x3F9B] =	sst s6  }
0xf: {  	[smem:$0x3F9C] =	sst s7  }
0x10: {  	[smem:$0x3F9D] =	sst s8  }
0x11: {  	[smem:$0x3F9E] =	sst s9;
	s0 =	simm.s32 @!p0 $0x0  }
0x12: {  	s1 =	sld [smem:$0x3F84];
	s0 =	simm.s32 @p0 $0x1  }
0x13: {  	[smem:$0x3F9F] =	sst s0;
	s0 =	simm.s32 @!p1 $0x0  }
0x14: {  	s2 =	sld [smem:$0x3F83];
	s0 =	simm.s32 @p1 $0x1  }
0x15: {  	[smem:$0x3FA0] =	sst s0;
	s0 =	simm.s32 @!p2 $0x0  }
0x16: {  	s3 =	sld [smem:$0x3FDB];
	s0 =	simm.s32 @p2 $0x1  }
0x17: {  	s4 =	simm.s32 $0x1BF5;
	[smem:$0x3FA2] =	sst s0  }
0x18: {  	s0 =	sld [smem:$0x3F85];
	_ =	swait.ge [sflag:s4], $0x0  }
0x19: {  	s7 =	sld [smem:$0x3F86]  }
0x1a: {  	s8 =	sadd.s32 $0xFFFFE003, lr  }
0x1b: {  	s9 =	sadd.s32 $0xFFFFFEF7, lr;
	s5 =	simm.s32 $0xFFFFFFFF;
	p2 =	slt.u32 s8, $0xFFFFF086  }
0x1c: {  	p1 =	slt.u32 s9, $0xF7A;
	s5 =	simm.s32 @!p2 $0x0  }
0x1d: {  	s5 =	simm.s32 @p1 $0x1;
	p0 =	seq.s32 s7, s2  }
0x1e: {  	s7 =	smul.u32 @!p0 $0xF7A, s2;
	p2 =	seq.s32 @!p0 s5, $0x0  }
0x1f: {  	s9 =	smul.u32 $0xF7A, s1;
	s8 =	simm.s32 @!p0 $0x1BF5;
	p2 =	por !p2, p0  }
0x20: {  	[sflag:s8] =	ssyncset.s32 @!p0 $0xFFFFF086;
	s6 =	sadd.s32 @!p0 s3, s7;
	s7 =	simm.s32 @!p0 $0x108  }
0x21: {  	s3 =	sadd.s32 s3, s9;
	s6 =	sadd.s32 @!p0 $0x88, s6;
	s7 =	simm.s32 @p2 $0x1082  }
0x22: {  	[simem:s7], [sflag:s8] =	dma.local @!p0 [hbm:s6], $0xF7A  }
0x23: {  	s9 =	sor.u32 $0xD0000000, s2;
	s6 =	simm.s32 $0x108;
	_ =	swait.ge @!p0 [sflag:s8], $0x0  }
0x24: {  	s3 =	sadd.s32 $0x88, s3;
	s6 =	simm.s32 @!p1 $0x1082;
	[sflag:s4] =	ssyncset.s32 $0xFFFFF086  }
0x25: {  	[simem:s6], [sflag:s4] =	dma.local [hbm:s3], $0xF7A  }
0x26: {  	[smem:$0x3F86] =	sst s1;
	(tag) =	ssettag s2;
	_ =	strace s9  }
0x27: {  	s1 =	sld [smem:$0x3F96]  }
0x28: {  	s2 =	sld [smem:$0x3F97]  }
0x29: {  	s4 =	sld [smem:$0x3F99]  }
0x2a: {  	p0 =	seq.s32 s5, $0x0;
	s5 =	sld [smem:$0x3F9A]  }
0x2b: {  	s6 =	sld [smem:$0x3F9B]  }
0x2c: {  	s7 =	sld [smem:$0x3F9C]  }
0x2d: {  	s3 =	simm.s32 $0x108;
	s8 =	sld [smem:$0x3F9D]  }
0x2e: {  	s3 =	simm.s32 @!p0 $0x1082;
	s9 =	sld [smem:$0x3F9E]  }
0x2f: {  	lr =	sadd.s32 s0, s3;
	s0 =	sld [smem:$0x3F95]  }
0x30: {  	s3 =	sld [smem:$0x3F98]  }
0x31: {  	[smem:$0x3FA1] =	sst s10  }
0x32: {  	s10 =	sld [smem:$0x3F9F];
	_ =	sdelay $0x3  }
0x33: {  	p0 =	seq.s32 s10, $0x1;
	s10 =	sld [smem:$0x3FA1];
	_ =	sdelay $0x3  }
0x34: {  	[smem:$0x3FA1] =	sst s10  }
0x35: {  	s10 =	sld [smem:$0x3FA0];
	_ =	sdelay $0x3  }
0x36: {  	p1 =	seq.s32 s10, $0x1;
	s10 =	sld [smem:$0x3FA1];
	_ =	sdelay $0x3  }
0x37: {  	[smem:$0x3FA1] =	sst s10  }
0x38: {  	s10 =	sld [smem:$0x3FA2]  }
0x39: {  	_ = 	snop;
	(pc) =	sbr.ind lr, $3  }
0x3a: {  	_ = 	snop  }
0x3b: {  	_ = 	snop  }
0x3c: {  	p2 =	seq.s32 s10, $0x1;
	s10 =	sld [smem:$0x3FA1]  }
0x3d: {  	_ =	shalt  }
0x3e: {  	_ =	shalt  }
0x3f: {  	_ =	shalt  }
0x40: {  	_ =	shalt  }
0x41: {  	_ =	shalt  }
0x42: {  	_ =	shalt  }
0x43: {  	_ =	shalt  }
0x44: {  	_ =	shalt  }
0x45: {  	_ =	shalt  }
0x46: {  	_ =	shalt  }
0x47: {  	_ =	shalt  }
0x48: {  	_ =	shalt  }
0x49: {  	_ =	shalt  }
0x4a: {  	_ =	shalt  }
0x4b: {  	_ =	shalt  }
0x4c: {  	_ =	shalt  }
0x4d: {  	_ =	shalt  }
0x4e: {  	_ =	shalt  }
0x4f: {  	_ =	shalt  }
0x50: {  	_ =	shalt  }
0x51: {  	_ =	shalt  }
0x52: {  	_ =	shalt  }
0x53: {  	_ =	shalt  }
0x54: {  	_ =	shalt  }
0x55: {  	_ =	shalt  }
0x56: {  	_ =	shalt  }
0x57: {  	_ =	shalt  }
0x58: {  	_ =	shalt  }
0x59: {  	_ =	shalt  }
0x5a: {  	_ =	shalt  }
0x5b: {  	_ =	shalt  }
0x5c: {  	_ =	shalt  }
0x5d: {  	_ =	shalt  }
0x5e: {  	_ =	shalt  }
0x5f: {  	_ =	shalt  }
0x60: {  	_ =	shalt  }
0x61: {  	_ =	shalt  }
0x62: {  	_ =	shalt  }
0x63: {  	_ =	shalt  }
0x64: {  	_ =	shalt  }
0x65: {  	_ =	shalt  }
0x66: {  	_ =	shalt  }
0x67: {  	_ =	shalt  }
0x68: {  	_ =	shalt  }
0x69: {  	_ =	shalt  }
0x6a: {  	_ =	shalt  }
0x6b: {  	_ =	shalt  }
0x6c: {  	_ =	shalt  }
0x6d: {  	_ =	shalt  }
0x6e: {  	_ =	shalt  }
0x6f: {  	_ =	shalt  }
0x70: {  	_ =	shalt  }
0x71: {  	_ =	shalt  }
0x72: {  	_ =	shalt  }
0x73: {  	_ =	shalt  }
0x74: {  	_ =	shalt  }
0x75: {  	_ =	shalt  }
0x76: {  	_ =	shalt  }
0x77: {  	_ =	shalt  }
0x78: {  	_ =	shalt  }
0x79: {  	_ =	shalt  }
0x7a: {  	_ =	shalt  }
0x7b: {  	_ =	shalt  }
0x7c: {  	_ =	shalt  }
0x7d: {  	_ =	shalt  }
0x7e: {  	_ =	shalt  }
0x7f: {  	_ =	shalt  }
0x80: {  	_ =	shalt  }
0x81: {  	_ =	shalt  }
0x82: {  	_ =	shalt  }
0x83: {  	_ =	shalt  }
0x84: {  	_ =	shalt  }
0x85: {  	_ =	shalt  }
0x86: {  	_ =	shalt  }
0x87: {  	_ =	shalt  }
.Lfunc_end0:
.L_simem_size_0:
called_computation.3_lowered:
.L_overlay_start_0:
0x88: {  	s2 =	sld [smem:$0x3FD9]  }
0x89: {  	s3 =	sld [smem:$0x3FFE];
	_ =	sdelay $0x1  }
0x8a: {  	s1 =	srdreg.scid  }
0x8b: {  	s0 =	sand.u32 $0x1, s1  }
0x8c: {  	s16 =	sshll.u32 s0, $0xA;
	s2 =	sadd.s32 s3, s2  }
0x8d: {  	s2 =	sadd.s32 s2, s16  }
0x8e: {  	[smem:$0x3FAD] =	sst s2  }
0x8f: {  	_ = 	snop  }
0x90: {  	(tm) =	ssettm $0x1  }
0x91: {  	s17 =	sld [smem:$0x3FFB];
	_ =	sdelay $0x3  }
0x92: {  	_ =	strace s17  }
0x93: {  	s2 =	sld [smem:$0x3FFC];
	_ =	sdelay $0x3  }
0x94: {  	_ =	strace s2  }
0x95: {  	s2 =	sld [smem:$0x3FFD];
	_ =	sdelay $0x3  }
0x96: {  	_ =	strace s2  }
0x97: {  	_ =	strace $0x8FFFFFFF  }
0x98: {  	s18 =	sld [smem:$0x3FDB];
	_ =	sdelay $0x1  }
0x99: {  	s19 =	simm.s32 $_scs_section_size  }
0x9a: {  	s4 =	simm.s32 $_size__tile_overlayer_lowered;
	s5 =	simm.s32 $_tile_overlayer_lowered  }
0x9b: {  	s22 =	simm.s32 $0x1BFF;
	s21 =	sshll.u32 s5, $0x1;
	s2 =	sadd.s32 s19, s18  }
0x9c: {  	s6 =	simm.s32 $0x0;
	s20 =	sshll.u32 s4, $0x1;
	s4 =	sadd.s32 s21, s2  }
0x9d: {  	[timem:s6], [sflag:s22] =	dma.local [hbm:s4], s20  }
0x9e: {  	_ =	swait.ge [sflag:s22], s20  }
0x9f: {  	s3 =	ssub.s32 $0x0, s20;
	[sflag:s22] =	ssyncset.done $0x0  }
0xa0: {  	[sflag:s22] =	ssyncadd.s32 s3;
	_ =	sdelay $0x1  }
0xa1: {  	s23 =	simm.s32 $0x1B8B  }
0xa2: {  	_ =	swait.ge [sflag:s23], $0x1  }
0xa3: {  	[sflag:s23] =	ssyncset.done $0x0  }
0xa4: {  	s25 =	simm.s32 $0x1B8E;
	s24 =	sld [smem:$0x3FFE];
	[sflag:s23] =	ssyncadd.s32 $0xFFFFFFFF  }
0xa5: {  	s26 =	simm.s32 $execute0_lowered;
	[smem:$0x3FD2] =	sst s25  }
0xa6: {  	s4 =	sshll.u32 s26, $0x1;
	_ =	strace $0x80000049;
	[dreg:$0x1] =	wrdreg $0xFFFFFFFF  }
0xa7: {  	s28 =	simm.s32 $_size_execute0_lowered;
	s2 =	sadd.s32 s2, s4;
	[dreg:$0x0] =	wrdreg $0x0  }
0xa8: {  	s4 =	sshll.u32 s28, $0x1;
	[dreg:$0x2] =	wrdreg s2  }
0xa9: {  	[dreg:$0x3] =	wrdreg s4  }
0xaa: {  	[dreg:$0x4] =	wrdreg $0xC0  }
0xab: {  	_ =	task [dreg:s6], $0x5FFFF  }
0xac: {  	[dreg:$0x1] =	wrdreg $0xFFFFFFFF  }
0xad: {  	[dreg:$0x0] =	wrdreg $0x60  }
0xae: {  	[dreg:$0x2] =	wrdreg s24  }
0xaf: {  	[dreg:$0x3] =	wrdreg $0xFF500  }
0xb0: {  	[dreg:$0x4] =	wrdreg $0x9  }
0xb1: {  	_ =	task.clear_ibuf [dreg:s6], $0x5FFFF;
	_ =	strace $0x90000049  }
0xb2: {  	s29 =	simm.s32 $0x9;
	_ =	strace $0x8000004B  }
0xb3: {  	_ =	swait.ge [sflag:s29], $0x1  }
0xb4: {  	[sflag:s29] =	ssyncadd.s32 $0xFFFFFFFF  }
0xb5: {  	_ =	strace $0x9000004B  }
0xb6: {  	_ =	sfence  }
0xb7: {  	s30 =	sld [smem:$0x0];
	_ =	sdelay $0x2  }
0xb8: {  	s31 =	sshll.u32 s1, $0xD;
	s1 =	sshrl.u32 s1, $0x2  }
0xb9: {  	s3 =	sand.u32 $0x4000, s31;
	s1 =	sadd.s32 s1, s30  }
0xba: {  	s0 =	sor.u32 s3, s0;
	s1 =	sshll.u32 s1, $0x11  }
0xbb: {  	s0 =	sor.u32 s1, s0  }
0xbc: {  	s0 =	sadd.s32 $0x8F2B, s0  }
0xbd: {  	[sflag:s0] =	ssyncadd.remote.s32 $0x1  }
0xbe: {  	_ =	sfence.sel $0xFFFF  }
0xbf: {  	[dreg:$0x0] =	wrdreg $0xFFFFFFFF;
	(pc) =	sbr.abs _section_cstart, $3  }
0xc0: {  	[dreg:$0x1] =	wrdreg $0xFFFFFFFF  }
0xc1: {  	_ =	task.clear_ibuf [dreg:s6], $0x2FFFF;
	_ =	strace $0x9FFFFFFF  }
0xc2: {  	(tm) =	ssettm $0x7FFFFFFF  }
0xc3: {  	_ =	shalt  }
tec
execute0_lowered:
.L_overlay_start_1:
0x0: {  	(tag) =	ssettag $0x1  }
0x1: {  	s0 =	rddreg [dreg:$0x0]  }
0x2: {  	s2 =	rddreg [dreg:$0x1]  }
0x3: {  	s3 =	simm.s32 $0x0;
	s1 =	srdreg.scid;
	s8 =	stileid.u32  }
0x4: {  	s13 =	simm.s32 $0x5;
	s18 =	simm.s32 $0x9C40;
	s19 =	simm.s32 $0x50  }
0x5: {  	s20 =	simm.s32 $0xC350;
	s22 =	simm.s32 $0xC850;
	s24 =	simm.s32 $0xCD50  }
0x6: {  	s28 =	simm.s32 $0x1;
	s29 =	simm.s32 $0x2;
	s30 =	simm.s32 $0x3  }
0x7: {  	s31 =	simm.s32 $0x4;
	s14 =	simm.s32 $0xC300;
	s15 =	simm.s32 $0x9B00  }
0x8: {  	s16 =	simm.s32 $0x9B50;
	s17 =	simm.s32 $0x9BA0;
	s21 =	simm.s32 $0x9BF0  }
0x9: {  	s23 =	simm.s32 $0x0;
	s1 =	sand.u32 $0x1, s1;
	s5 =	smul.u32 $0x500, s8  }
0xa: {  	s4 =	sshll.u32 s8, $0x1;
	[smem:$0x7FF] =	sst s3;
	s8 =	smul.u32 $0xA000, s8  }
0xb: {  	s6 =	smul.u32 $0x5000, s1;
	s4 =	sor.u32 s1, s4;
	_ =	strace $0x8000004A  }
0xc: {  	s1 =	ssub.s32 $0x2, s1;
	s7 =	smul.u32 $0x4E2, s4;
	s4 =	sadd.s32 $0x145200, s0  }
0xd: {  	s26 =	sshrl.u32 s1, $0x1;
	s9 =	sshrl.u32 s8, $0x2;
	s5 =	sadd.s32 s5, s6  }
0xe: {  	s1 =	ssub.s32 s1, s26;
	s9 =	sadd.s32 s9, s2;
	s10 =	sadd.s32 s7, s0  }
0xf: {  	s26 =	simm.s32 $0xD250;
	s0 =	sadd.s32 s5, s0;
	s5 =	sadd.s32 $0x285200, s10  }
0x10: {  	s12 =	smax.u32 s1, $0x1;
	s6 =	sadd.s32 $0x2A2C00, s10;
	s7 =	sadd.s32 $0x298E00, s10  }
0x11: {  	v0 =	vimm.f32 $0.0e+00;
	s8 =	sadd.s32 $0x28F000, s10;
	s10 =	sadd.s32 $0xF200, s10;
	s11 =	sadd.s32 $0x5200, s0  }
.LBB2_1:
0x12: {  	[tilespmem:s3], [sflag:$0x5] =	stream.linear.gather [hbm4b:s5+s3], $0x2710, $0x38;
	[tilespmem:$0x12750] =	vst v63  }
0x13: {  	_ =	swait.ge [sflag:s13], $0x2710  }
0x14: {  	[sflag:s13] =	ssyncset.done $0x0  }
0x15: {  	s0 =	simm.s32 $0x2710;
	[sflag:s13] =	ssyncadd.s32 $0xFFFFD8F0  }
0x16: {  	[tilespmem:s0], [sflag:$0x5] =	stream.linear.gather [hbm4b:s6+s3], $0x2710, $0x38;
	[tilespmem:$0x12750] =	vst v63  }
0x17: {  	_ =	swait.ge [sflag:s13], $0x2710  }
0x18: {  	[sflag:s13] =	ssyncset.done $0x0  }
0x19: {  	s1 =	simm.s32 $0x4E20;
	[sflag:s13] =	ssyncadd.s32 $0xFFFFD8F0  }
0x1a: {  	[tilespmem:s1], [sflag:$0x5] =	stream.linear.gather [hbm4b:s7+s3], $0x2710, $0x38;
	[tilespmem:$0x12750] =	vst v63  }
0x1b: {  	_ =	swait.ge [sflag:s13], $0x2710  }
0x1c: {  	[sflag:s13] =	ssyncset.done $0x0  }
0x1d: {  	s25 =	simm.s32 $0x7530;
	[sflag:s13] =	ssyncadd.s32 $0xFFFFD8F0  }
0x1e: {  	[tilespmem:s25], [sflag:$0x5] =	stream.linear.gather [hbm4b:s8+s3], $0x2710, $0x38;
	[tilespmem:$0x12750] =	vst v63  }
0x1f: {  	_ =	swait.ge [sflag:s13], $0x2710  }
0x20: {  	[sflag:s13] =	ssyncset.done $0x0  }
0x21: {  	s0 =	simm.s32 $0x40;
	s1 =	simm.s32 $0x0;
	[sflag:s13] =	ssyncadd.s32 $0xFFFFD8F0  }
.LBB2_2:
0x22: {  	p0 =	sne.s32 s0, $0x9FC0;
	[tilespmem:s1+$0xD750] =	vst v0;
	s1 =	smov.u32 s0;
	s0 =	sadd.s32 $0x40, s0  }
.Ltmp0:
0x23: {  	(pc) =	sbr.rel @p0 .LBB2_2-.Ltmp0, $2  }
0x24: {  	_ =	sdelay $0x2  }
0x25: {  	s1 =	sshra.s32 s1, $0x2  }
0x26: {  	[tilespmem:s1+$0xD750] =	vst v0;
	s0 =	simm.s32 $0xD750  }
0x27: {  	[spmem:s9] =	stream.linear.scatter [tilespmem:s0], [sflag:$0x5], $0x2800, $0x38;
	[tilespmem:$0x12750] =	vst v63  }
0x28: {  	_ =	swait.ge [sflag:s13], $0x2800  }
0x29: {  	[sflag:s13] =	ssyncset.done $0x0  }
0x2a: {  	s25 =	simm.s32 $0x0;
	[sflag:s13] =	ssyncadd.s32 $0xFFFFD800  }
0x2b: {  	v1 =	vld [tilespmem:s25+$0x40]  }
0x2c: {  	v2 =	vld [tilespmem:s25+$0x2750]  }
0x2d: {  	v3 =	vld [tilespmem:s25+$0x0]  }
0x2e: {  	v4 =	vld [tilespmem:s25+$0x4E60]  }
0x2f: {  	v5 =	vld [tilespmem:s25+$0x2710]  }
0x30: {  	v6 =	vld [tilespmem:s25+$0x10]  }
0x31: {  	v7 =	vld [tilespmem:s25+$0x2720]  }
0x32: {  	v8 =	vld [tilespmem:s25+$0x20]  }
0x33: {  	v9 =	vld [tilespmem:s25+$0x2730]  }
0x34: {  	v10 =	vld [tilespmem:s25+$0x30];
	v1 =	vshll.u32 v1, $0x6;
	v2 =	vshll.u32 v2, $0x3  }
0x35: {  	v11 =	vld [tilespmem:s25+$0x2740];
	v1 =	vadd.s32 v1, v2  }
0x36: {  	v1 =	vadd.s32 v4, v1;
	v4 =	vld [tilespmem:s25+$0x4E20]  }
0x37: {  	v2 =	vld [tilespmem:s25+$0x4E30];
	[tilespmem:s25+$0x9C80] =	vst v1;
	v1 =	vshll.u32 v3, $0x6;
	v3 =	vshll.u32 v5, $0x3  }
0x38: {  	v5 =	vld [tilespmem:s25+$0x4E40];
	v3 =	vadd.s32 v1, v3;
	v1 =	vshll.u32 v6, $0x6;
	v6 =	vshll.u32 v7, $0x3  }
0x39: {  	s1 =	simm.s32 $0x50;
	v7 =	vadd.s32 v1, v6;
	v1 =	vshll.u32 v8, $0x6;
	v8 =	vshll.u32 v9, $0x3;
	v6 =	vld [tilespmem:s25+$0x4E50]  }
0x3a: {  	s0 =	simm.s32 $0x280;
	v9 =	vshll.u32 v10, $0x6;
	v10 =	vshll.u32 v11, $0x3;
	v8 =	vadd.s32 v1, v8;
	v1 =	vld [tilespmem:s1+$0x40]  }
.LBB2_4:
0x3b: {  	p0 =	sne.s32 s0, $0x9B00;
	v11 =	vld [tilespmem:s1+$0x2750];
	v3 =	vadd.s32 v4, v3;
	v4 =	vadd.s32 v9, v10  }
0x3c: {  	v9 =	vld [tilespmem:s1+$0x0];
	[tilespmem:s25+$0x9C40] =	vst v3;
	v2 =	vadd.s32 v2, v7  }
0x3d: {  	v3 =	vld [tilespmem:s1+$0x4E60];
	[tilespmem:s25+$0x9C50] =	vst v2;
	v2 =	vadd.s32 v5, v8  }
0x3e: {  	v5 =	vld [tilespmem:s1+$0x2710];
	[tilespmem:s25+$0x9C60] =	vst v2;
	v2 =	vadd.s32 v6, v4  }
0x3f: {  	v4 =	vld [tilespmem:s1+$0x10];
	[tilespmem:s25+$0x9C70] =	vst v2;
	s25 =	smov.u32 s1  }
0x40: {  	v1 =	vshll.u32 v1, $0x6;
	v2 =	vld [tilespmem:s25+$0x2720];
	v6 =	vshll.u32 v11, $0x3  }
0x41: {  	v7 =	vshll.u32 v9, $0x6;
	v8 =	vld [tilespmem:s25+$0x20];
	v1 =	vadd.s32 v1, v6  }
0x42: {  	v6 =	vld [tilespmem:s25+$0x2730];
	v1 =	vadd.s32 v3, v1  }
0x43: {  	v3 =	vshll.u32 v5, $0x3;
	v9 =	vld [tilespmem:s25+$0x30];
	[tilespmem:s25+$0x9C80] =	vst v1  }
0x44: {  	v3 =	vadd.s32 v7, v3;
	v1 =	vshll.u32 v4, $0x6;
	v10 =	vld [tilespmem:s25+$0x2740]  }
.Ltmp1:
0x45: {  	v4 =	vld [tilespmem:s25+$0x4E20];
	v2 =	vshll.u32 v2, $0x3;
	(pc) =	sbr.rel @p0 .LBB2_4-.Ltmp1, $4  }
0x46: {  	v7 =	vadd.s32 v1, v2;
	v2 =	vld [tilespmem:s25+$0x4E30];
	v1 =	vshll.u32 v8, $0x6  }
0x47: {  	v6 =	vshll.u32 v6, $0x3;
	v5 =	vld [tilespmem:s25+$0x4E40]  }
0x48: {  	s1 =	sshra.s32 s0, $0x2;
	v8 =	vadd.s32 v1, v6;
	v9 =	vshll.u32 v9, $0x6;
	v6 =	vld [tilespmem:s25+$0x4E50]  }
0x49: {  	s0 =	sadd.s32 $0x140, s0;
	v1 =	vld [tilespmem:s1+$0x40];
	v10 =	vshll.u32 v10, $0x3  }
0x4a: {  	v11 =	vld [tilespmem:s1+$0x2750];
	v3 =	vadd.s32 v4, v3  }
0x4b: {  	v51 =	vld [tilespmem:s1+$0x0];
	[tilespmem:s25+$0x9C40] =	vst v3;
	v2 =	vadd.s32 v2, v7  }
0x4c: {  	v53 =	vadd.s32 v9, v10;
	v3 =	vld [tilespmem:s1+$0x4E60];
	[tilespmem:s25+$0x9C50] =	vst v2;
	v2 =	vadd.s32 v5, v8  }
0x4d: {  	v52 =	vld [tilespmem:s1+$0x2710];
	[tilespmem:s25+$0x9C60] =	vst v2;
	v2 =	vadd.s32 v6, v53  }
0x4e: {  	v54 =	vld [tilespmem:s1+$0x10];
	[tilespmem:s25+$0x9C70] =	vst v2  }
0x4f: {  	v2 =	vld [tilespmem:s1+$0x2720]  }
0x50: {  	v56 =	vld [tilespmem:s1+$0x20]  }
0x51: {  	v57 =	vld [tilespmem:s1+$0x2730]  }
0x52: {  	v1 =	vshll.u32 v1, $0x6;
	v55 =	vshll.u32 v11, $0x3;
	v58 =	vld [tilespmem:s1+$0x4E20]  }
0x53: {  	v59 =	vld [tilespmem:s1+$0x4E30];
	v1 =	vadd.s32 v1, v55  }
0x54: {  	v1 =	vadd.s32 v3, v1;
	v3 =	vld [tilespmem:s1+$0x30]  }
0x55: {  	[tilespmem:s1+$0x9C80] =	vst v1;
	v1 =	vld [tilespmem:s1+$0x2740]  }
0x56: {  	v4 =	vshll.u32 v51, $0x6;
	v60 =	vld [tilespmem:s1+$0x4E40];
	v5 =	vshll.u32 v52, $0x3  }
0x57: {  	v62 =	vld [tilespmem:s1+$0x4E50];
	v4 =	vadd.s32 v4, v5;
	v61 =	vshll.u32 v54, $0x6  }
0x58: {  	v2 =	vshll.u32 v2, $0x3;
	v8 =	vshll.u32 v56, $0x6;
	v7 =	vshll.u32 v57, $0x3  }
0x59: {  	v4 =	vadd.s32 v58, v4;
	v2 =	vadd.s32 v61, v2;
	v63 =	vadd.s32 v8, v7  }
0x5a: {  	[tilespmem:s1+$0x9C40] =	vst v4;
	v3 =	vshll.u32 v3, $0x6;
	v2 =	vadd.s32 v59, v2;
	v1 =	vshll.u32 v1, $0x3  }
0x5b: {  	[tilespmem:s1+$0x9C50] =	vst v2;
	v2 =	vadd.s32 v60, v63;
	v1 =	vadd.s32 v3, v1  }
0x5c: {  	[tilespmem:s1+$0x9C60] =	vst v2;
	v1 =	vadd.s32 v62, v1  }
0x5d: {  	s0 =	simm.s32 $0x0;
	[tilespmem:s1+$0x9C70] =	vst v1  }
0x5e: {  	[hbm4b:s10+s0] =	stream.linear.scatter [tilespmem:s18], [sflag:$0x5], $0x2710, $0x38;
	[tilespmem:$0x12750] =	vst v63  }
0x5f: {  	_ =	swait.ge [sflag:s13], $0x2710  }
0x60: {  	[sflag:s13] =	ssyncset.done $0x0  }
0x61: {  	[sflag:s13] =	ssyncadd.s32 $0xFFFFD8F0  }
0x62: {  	[bflag:$0x0] =	sbarrier.arrive $0xFFFF  }
0x63: {  	[tilespmem:s20], [sflag:$0x1] =	stream.indirect.gather [hbm4b:s4+s19], $0x10, s18, s19, $0xb8;
	[tilespmem:$0x12750] =	vst v63  }
0x64: {  	s1 =	simm.s32 $0x9C90  }
0x65: {  	[tilespmem:s22], [sflag:$0x2] =	stream.indirect.gather [hbm4b:s4+s19], $0x10, s1, s19, $0xb8;
	[tilespmem:$0x12750] =	vst v63  }
0x66: {  	s25 =	simm.s32 $0x9CE0  }
0x67: {  	[tilespmem:s24], [sflag:$0x3] =	stream.indirect.gather [hbm4b:s4+s19], $0x10, s25, s19, $0xb8;
	[tilespmem:$0x12750] =	vst v63  }
0x68: {  	s1 =	simm.s32 $0x9D30  }
0x69: {  	[tilespmem:s26], [sflag:$0x4] =	stream.indirect.gather [hbm4b:s4+s19], $0x10, s1, s19, $0xb8;
	[tilespmem:$0x12750] =	vst v63  }
0x6a: {  	_ =	swait.ge [sflag:s28], $0x500  }
0x6b: {  	[sflag:s28] =	ssyncset.done $0x0  }
0x6c: {  	s25 =	simm.s32 $0x7530;
	[sflag:s28] =	ssyncadd.s32 $0xFFFFFB00  }
0x6d: {  	[spmem:s2] =	stream.indirect.scatter.add.f32 [tilespmem:s20], [sflag:$0x5], $0x10, s25, s19, $0xb8;
	[tilespmem:$0x12750] =	vst v63  }
0x6e: {  	_ =	swait.ge [sflag:s13], $0x500  }
0x6f: {  	[sflag:s13] =	ssyncset.done $0x0  }
0x70: {  	s1 =	simm.s32 $0x9D80;
	[sflag:s13] =	ssyncadd.s32 $0xFFFFFB00  }
0x71: {  	[tilespmem:s20], [sflag:$0x1] =	stream.indirect.gather [hbm4b:s4+s19], $0x10, s1, s19, $0xb8;
	[tilespmem:$0x12750] =	vst v63  }
0x72: {  	_ =	swait.ge [sflag:s29], $0x500  }
0x73: {  	[sflag:s29] =	ssyncset.done $0x0  }
0x74: {  	s25 =	simm.s32 $0x7580;
	[sflag:s29] =	ssyncadd.s32 $0xFFFFFB00  }
0x75: {  	[spmem:s2] =	stream.indirect.scatter.add.f32 [tilespmem:s22], [sflag:$0x5], $0x10, s25, s19, $0xb8;
	[tilespmem:$0x12750] =	vst v63  }
0x76: {  	_ =	swait.ge [sflag:s13], $0x500  }
0x77: {  	[sflag:s13] =	ssyncset.done $0x0  }
0x78: {  	s1 =	simm.s32 $0x9DD0;
	[sflag:s13] =	ssyncadd.s32 $0xFFFFFB00  }
0x79: {  	[tilespmem:s22], [sflag:$0x2] =	stream.indirect.gather [hbm4b:s4+s19], $0x10, s1, s19, $0xb8;
	[tilespmem:$0x12750] =	vst v63  }
0x7a: {  	_ =	swait.ge [sflag:s30], $0x500  }
0x7b: {  	[sflag:s30] =	ssyncset.done $0x0  }
0x7c: {  	s25 =	simm.s32 $0x75D0;
	[sflag:s30] =	ssyncadd.s32 $0xFFFFFB00  }
0x7d: {  	[spmem:s2] =	stream.indirect.scatter.add.f32 [tilespmem:s24], [sflag:$0x5], $0x10, s25, s19, $0xb8;
	[tilespmem:$0x12750] =	vst v63  }
0x7e: {  	_ =	swait.ge [sflag:s13], $0x500  }
0x7f: {  	[sflag:s13] =	ssyncset.done $0x0  }
0x80: {  	s1 =	simm.s32 $0x9E20;
	[sflag:s13] =	ssyncadd.s32 $0xFFFFFB00  }
0x81: {  	[tilespmem:s24], [sflag:$0x3] =	stream.indirect.gather [hbm4b:s4+s19], $0x10, s1, s19, $0xb8;
	[tilespmem:$0x12750] =	vst v63  }
0x82: {  	_ =	swait.ge [sflag:s31], $0x500  }
0x83: {  	[sflag:s31] =	ssyncset.done $0x0  }
0x84: {  	s25 =	simm.s32 $0x7620;
	[sflag:s31] =	ssyncadd.s32 $0xFFFFFB00  }
0x85: {  	[spmem:s2] =	stream.indirect.scatter.add.f32 [tilespmem:s26], [sflag:$0x5], $0x10, s25, s19, $0xb8;
	[tilespmem:$0x12750] =	vst v63  }
0x86: {  	_ =	swait.ge [sflag:s13], $0x500  }
0x87: {  	[sflag:s13] =	ssyncset.done $0x0  }
0x88: {  	s0 =	simm.s32 $0x9E70;
	s1 =	simm.s32 $0x500;
	[sflag:s13] =	ssyncadd.s32 $0xFFFFFB00  }
.LBB2_6:
0x89: {  	[tilespmem:s26], [sflag:$0x4] =	stream.indirect.gather [hbm4b:s4+s19], $0x10, s0, s19, $0xb8;
	[tilespmem:$0x12750] =	vst v63  }
0x8a: {  	s0 =	smov.u32 s1  }
0x8b: {  	p0 =	sne.s32 s1, $0x9100;
	s1 =	sadd.s32 $0x500, s1;
	_ =	swait.ge [sflag:s28], $0x500  }
0x8c: {  	s25 =	sshra.s32 s0, $0x2;
	[sflag:s28] =	ssyncset.done $0x0  }
0x8d: {  	s0 =	sadd.s32 $0x7530, s25;
	[sflag:s28] =	ssyncadd.s32 $0xFFFFFB00  }
0x8e: {  	[spmem:s2] =	stream.indirect.scatter.add.f32 [tilespmem:s20], [sflag:$0x5], $0x10, s0, s19, $0xb8;
	[tilespmem:$0x12750] =	vst v63  }
0x8f: {  	_ =	swait.ge [sflag:s13], $0x500  }
0x90: {  	[sflag:s13] =	ssyncset.done $0x0  }
0x91: {  	s0 =	sadd.s32 $0x9D80, s25;
	[sflag:s13] =	ssyncadd.s32 $0xFFFFFB00  }
0x92: {  	[tilespmem:s20], [sflag:$0x1] =	stream.indirect.gather [hbm4b:s4+s19], $0x10, s0, s19, $0xb8;
	[tilespmem:$0x12750] =	vst v63  }
0x93: {  	_ =	swait.ge [sflag:s29], $0x500  }
0x94: {  	[sflag:s29] =	ssyncset.done $0x0  }
0x95: {  	s0 =	sadd.s32 $0x7580, s25;
	[sflag:s29] =	ssyncadd.s32 $0xFFFFFB00  }
0x96: {  	[spmem:s2] =	stream.indirect.scatter.add.f32 [tilespmem:s22], [sflag:$0x5], $0x10, s0, s19, $0xb8;
	[tilespmem:$0x12750] =	vst v63  }
0x97: {  	_ =	swait.ge [sflag:s13], $0x500  }
0x98: {  	[sflag:s13] =	ssyncset.done $0x0  }
0x99: {  	s0 =	sadd.s32 $0x9DD0, s25;
	[sflag:s13] =	ssyncadd.s32 $0xFFFFFB00  }
0x9a: {  	[tilespmem:s22], [sflag:$0x2] =	stream.indirect.gather [hbm4b:s4+s19], $0x10, s0, s19, $0xb8;
	[tilespmem:$0x12750] =	vst v63  }
0x9b: {  	_ =	swait.ge [sflag:s30], $0x500  }
0x9c: {  	[sflag:s30] =	ssyncset.done $0x0  }
0x9d: {  	s0 =	sadd.s32 $0x75D0, s25;
	[sflag:s30] =	ssyncadd.s32 $0xFFFFFB00  }
0x9e: {  	[spmem:s2] =	stream.indirect.scatter.add.f32 [tilespmem:s24], [sflag:$0x5], $0x10, s0, s19, $0xb8;
	[tilespmem:$0x12750] =	vst v63  }
0x9f: {  	_ =	swait.ge [sflag:s13], $0x500  }
0xa0: {  	[sflag:s13] =	ssyncset.done $0x0  }
0xa1: {  	s0 =	sadd.s32 $0x9E20, s25;
	[sflag:s13] =	ssyncadd.s32 $0xFFFFFB00  }
0xa2: {  	[tilespmem:s24], [sflag:$0x3] =	stream.indirect.gather [hbm4b:s4+s19], $0x10, s0, s19, $0xb8;
	[tilespmem:$0x12750] =	vst v63  }
0xa3: {  	_ =	swait.ge [sflag:s31], $0x500  }
0xa4: {  	[sflag:s31] =	ssyncset.done $0x0  }
.Ltmp2:
0xa5: {  	s0 =	sadd.s32 $0x7620, s25;
	[sflag:s31] =	ssyncadd.s32 $0xFFFFFB00;
	(pc) =	sbr.rel @p0 .LBB2_6-.Ltmp2, $4  }
0xa6: {  	[spmem:s2] =	stream.indirect.scatter.add.f32 [tilespmem:s26], [sflag:$0x5], $0x10, s0, s19, $0xb8;
	[tilespmem:$0x12750] =	vst v63  }
0xa7: {  	_ =	swait.ge [sflag:s13], $0x500  }
0xa8: {  	[sflag:s13] =	ssyncset.done $0x0  }
0xa9: {  	s0 =	sadd.s32 $0x9E70, s25;
	[sflag:s13] =	ssyncadd.s32 $0xFFFFFB00  }
0xaa: {  	[tilespmem:s26], [sflag:$0x4] =	stream.indirect.gather [hbm4b:s4+s19], $0x10, s0, s19, $0xb8;
	[tilespmem:$0x12750] =	vst v63  }
0xab: {  	_ =	swait.ge [sflag:s28], $0x500  }
0xac: {  	[sflag:s28] =	ssyncset.done $0x0  }
0xad: {  	s1 =	simm.s32 $0x9AB0;
	[sflag:s28] =	ssyncadd.s32 $0xFFFFFB00  }
0xae: {  	[spmem:s2] =	stream.indirect.scatter.add.f32 [tilespmem:s20], [sflag:$0x5], $0x10, s1, s19, $0xb8;
	[tilespmem:$0x12750] =	vst v63  }
0xaf: {  	_ =	swait.ge [sflag:s13], $0x500  }
0xb0: {  	[sflag:s13] =	ssyncset.done $0x0  }
0xb1: {  	[sflag:s13] =	ssyncadd.s32 $0xFFFFFB00  }
0xb2: {  	[tilespmem:s20], [sflag:$0x1] =	stream.indirect.gather [hbm4b:s4+s19], $0x10, s14, s19, $0xb8;
	[tilespmem:$0x12750] =	vst v63  }
0xb3: {  	_ =	swait.ge [sflag:s29], $0x500  }
0xb4: {  	[sflag:s29] =	ssyncset.done $0x0  }
0xb5: {  	[sflag:s29] =	ssyncadd.s32 $0xFFFFFB00  }
0xb6: {  	[spmem:s2] =	stream.indirect.scatter.add.f32 [tilespmem:s22], [sflag:$0x5], $0x10, s15, s19, $0xb8;
	[tilespmem:$0x12750] =	vst v63  }
0xb7: {  	_ =	swait.ge [sflag:s13], $0x500  }
0xb8: {  	[sflag:s13] =	ssyncset.done $0x0  }
0xb9: {  	[sflag:s13] =	ssyncadd.s32 $0xFFFFFB00  }
0xba: {  	_ =	swait.ge [sflag:s30], $0x500  }
0xbb: {  	[sflag:s30] =	ssyncset.done $0x0  }
0xbc: {  	[sflag:s30] =	ssyncadd.s32 $0xFFFFFB00  }
0xbd: {  	[spmem:s2] =	stream.indirect.scatter.add.f32 [tilespmem:s24], [sflag:$0x5], $0x10, s16, s19, $0xb8;
	[tilespmem:$0x12750] =	vst v63  }
0xbe: {  	_ =	swait.ge [sflag:s13], $0x500  }
0xbf: {  	[sflag:s13] =	ssyncset.done $0x0  }
0xc0: {  	[sflag:s13] =	ssyncadd.s32 $0xFFFFFB00  }
0xc1: {  	_ =	swait.ge [sflag:s31], $0x500  }
0xc2: {  	[sflag:s31] =	ssyncset.done $0x0  }
0xc3: {  	[sflag:s31] =	ssyncadd.s32 $0xFFFFFB00  }
0xc4: {  	[spmem:s2] =	stream.indirect.scatter.add.f32 [tilespmem:s26], [sflag:$0x5], $0x10, s17, s19, $0xb8;
	[tilespmem:$0x12750] =	vst v63  }
0xc5: {  	_ =	swait.ge [sflag:s13], $0x500  }
0xc6: {  	[sflag:s13] =	ssyncset.done $0x0  }
0xc7: {  	[sflag:s13] =	ssyncadd.s32 $0xFFFFFB00  }
0xc8: {  	_ =	swait.ge [sflag:s28], $0x500  }
0xc9: {  	[sflag:s28] =	ssyncset.done $0x0  }
0xca: {  	[sflag:s28] =	ssyncadd.s32 $0xFFFFFB00  }
0xcb: {  	[spmem:s2] =	stream.indirect.scatter.add.f32 [tilespmem:s20], [sflag:$0x5], $0x10, s21, s19, $0xb8;
	[tilespmem:$0x12750] =	vst v63  }
0xcc: {  	s25 =	stileid.u32;
	_ =	swait.ge [sflag:s13], $0x500  }
0xcd: {  	s23 =	sadd.s32 $0x1, s23;
	s0 =	sshll.u32 s25, $0x6;
	[sflag:s13] =	ssyncset.done $0x0  }
0xce: {  	p0 =	sne.s32 s23, s12;
	s0 =	sor.u32 $0x1C05, s0;
	[sflag:s13] =	ssyncadd.s32 $0xFFFFFB00  }
.Ltmp3:
0xcf: {  	s1 =	sshrl.u32 s9, $0x3;
	[bflag:$0x0] =	sbarrier.arrive $0xFFFF;
	(pc) =	sbr.rel @p0 .LBB2_1-.Ltmp3, $4  }
0xd0: {  	[hbm:s11], [sflag:s0] =	dma.local [spmem:s1], $0x500  }
0xd1: {  	_ =	swait.ge [sflag:s13], $0x500  }
0xd2: {  	[sflag:s13] =	ssyncset.done $0x0  }
0xd3: {  	[sflag:s13] =	ssyncadd.s32 $0xFFFFFB00  }
0xd4: {  	_ =	sfence.sel $0x180000  }
0xd5: {  	[bflag:$0x0] =	sbarrier.arrive $0xFFFF  }
0xd6: {  	_ =	strace $0x9000004A  }
0xd7: {  	s0 =	stileid.u32;
	[bflag:$0x2] =	sbarrier.arrive $0xFFFF  }
0xd8: {  	p0 =	sne.s32 s0, $0x0;
	s0 =	rddreg [dreg:$0x2]  }
0xd9: {  	s0 =	sadd.s32 @!p0 $0x100000, s0  }
0xda: {  	[sflag:s0] =	ssyncadd.tile.s32 @!p0 $0x1;
	_ =	shalt  }
.Lfunc_end2:
_tile_overlayer_lowered:
.L_overlay_start_2:
0xdb: {  	(tag) =	ssettag $0x2  }
0xdc: {  	s0 =	rddreg [dreg:$0x0];
	s2 =	stileid.u32  }
0xdd: {  	s1 =	rddreg [dreg:$0x1];
	p0 =	sne.s32 s2, $0x0  }
0xde: {  	s3 =	rddreg [dreg:$0x2];
	[bflag:$0x3] =	sbarrier.arrive $0xFFFF;
	s2 =	simm.s32 @!p0 $0x1C05  }
0xdf: {  	[timem:s3], [sflag:s2] =	dma.local @!p0 [hbm:s0], s1  }
0xe0: {  	s0 =	simm.s32 @!p0 $0x5  }
0xe1: {  	_ =	swait.ge @!p0 [sflag:s0], s1  }
0xe2: {  	s1 =	ssub.s32 @!p0 $0x0, s1;
	[sflag:s0] =	ssyncset.done @!p0 $0x0  }
0xe3: {  	[sflag:s0] =	ssyncadd.s32 @!p0 s1  }
0xe4: {  	[bflag:$0x3] =	sbarrier.arrive $0xFFFF  }
0xe5: {  	_ =	shalt  }

// kernel: kernel.13.cloned.1.call-start
scs
__scs_entry_jumppad:
0x0: {  	(pc) =	sbr.rel $0x88, $3  }
0x1: {  	(tag) =	ssettag $0x0;
	lr =	simm.s32 $0x1  }
0x2: {  	[smem:$0x3F86] =	sst lr;
	_ =	strace $0xD0000000  }
0x3: {  	_ = 	snop  }
0x4: {  	_ = 	snop  }
0x5: {  	_ = 	snop  }
0x6: {  	_ = 	snop  }
0x7: {  	_ = 	snop  }
__scs_overlays_trampoline_lowered:
0x8: {  	[smem:$0x3F95] =	sst s0  }
0x9: {  	[smem:$0x3F96] =	sst s1  }
0xa: {  	[smem:$0x3F97] =	sst s2  }
0xb: {  	[smem:$0x3F98] =	sst s3  }
0xc: {  	[smem:$0x3F99] =	sst s4  }
0xd: {  	[smem:$0x3F9A] =	sst s5  }
0xe: {  	[smem:$0x3F9B] =	sst s6  }
0xf: {  	[smem:$0x3F9C] =	sst s7  }
0x10: {  	[smem:$0x3F9D] =	sst s8  }
0x11: {  	[smem:$0x3F9E] =	sst s9;
	s0 =	simm.s32 @!p0 $0x0  }
0x12: {  	s1 =	sld [smem:$0x3F84];
	s0 =	simm.s32 @p0 $0x1  }
0x13: {  	[smem:$0x3F9F] =	sst s0;
	s0 =	simm.s32 @!p1 $0x0  }
0x14: {  	s2 =	sld [smem:$0x3F83];
	s0 =	simm.s32 @p1 $0x1  }
0x15: {  	[smem:$0x3FA0] =	sst s0;
	s0 =	simm.s32 @!p2 $0x0  }
0x16: {  	s3 =	sld [smem:$0x3FDB];
	s0 =	simm.s32 @p2 $0x1  }
0x17: {  	s4 =	simm.s32 $0x1BF5;
	[smem:$0x3FA2] =	sst s0  }
0x18: {  	s0 =	sld [smem:$0x3F85];
	_ =	swait.ge [sflag:s4], $0x0  }
0x19: {  	s7 =	sld [smem:$0x3F86]  }
0x1a: {  	s8 =	sadd.s32 $0xFFFFE003, lr  }
0x1b: {  	s9 =	sadd.s32 $0xFFFFFEF7, lr;
	s5 =	simm.s32 $0xFFFFFFFF;
	p2 =	slt.u32 s8, $0xFFFFF086  }
0x1c: {  	p1 =	slt.u32 s9, $0xF7A;
	s5 =	simm.s32 @!p2 $0x0  }
0x1d: {  	s5 =	simm.s32 @p1 $0x1;
	p0 =	seq.s32 s7, s2  }
0x1e: {  	s7 =	smul.u32 @!p0 $0xF7A, s2;
	p2 =	seq.s32 @!p0 s5, $0x0  }
0x1f: {  	s9 =	smul.u32 $0xF7A, s1;
	s8 =	simm.s32 @!p0 $0x1BF5;
	p2 =	por !p2, p0  }
0x20: {  	[sflag:s8] =	ssyncset.s32 @!p0 $0xFFFFF086;
	s6 =	sadd.s32 @!p0 s3, s7;
	s7 =	simm.s32 @!p0 $0x108  }
0x21: {  	s3 =	sadd.s32 s3, s9;
	s6 =	sadd.s32 @!p0 $0x88, s6;
	s7 =	simm.s32 @p2 $0x1082  }
0x22: {  	[simem:s7], [sflag:s8] =	dma.local @!p0 [hbm:s6], $0xF7A  }
0x23: {  	s9 =	sor.u32 $0xD0000000, s2;
	s6 =	simm.s32 $0x108;
	_ =	swait.ge @!p0 [sflag:s8], $0x0  }
0x24: {  	s3 =	sadd.s32 $0x88, s3;
	s6 =	simm.s32 @!p1 $0x1082;
	[sflag:s4] =	ssyncset.s32 $0xFFFFF086  }
0x25: {  	[simem:s6], [sflag:s4] =	dma.local [hbm:s3], $0xF7A  }
0x26: {  	[smem:$0x3F86] =	sst s1;
	(tag) =	ssettag s2;
	_ =	strace s9  }
0x27: {  	s1 =	sld [smem:$0x3F96]  }
0x28: {  	s2 =	sld [smem:$0x3F97]  }
0x29: {  	s4 =	sld [smem:$0x3F99]  }
0x2a: {  	p0 =	seq.s32 s5, $0x0;
	s5 =	sld [smem:$0x3F9A]  }
0x2b: {  	s6 =	sld [smem:$0x3F9B]  }
0x2c: {  	s7 =	sld [smem:$0x3F9C]  }
0x2d: {  	s3 =	simm.s32 $0x108;
	s8 =	sld [smem:$0x3F9D]  }
0x2e: {  	s3 =	simm.s32 @!p0 $0x1082;
	s9 =	sld [smem:$0x3F9E]  }
0x2f: {  	lr =	sadd.s32 s0, s3;
	s0 =	sld [smem:$0x3F95]  }
0x30: {  	s3 =	sld [smem:$0x3F98]  }
0x31: {  	[smem:$0x3FA1] =	sst s10  }
0x32: {  	s10 =	sld [smem:$0x3F9F];
	_ =	sdelay $0x3  }
0x33: {  	p0 =	seq.s32 s10, $0x1;
	s10 =	sld [smem:$0x3FA1];
	_ =	sdelay $0x3  }
0x34: {  	[smem:$0x3FA1] =	sst s10  }
0x35: {  	s10 =	sld [smem:$0x3FA0];
	_ =	sdelay $0x3  }
0x36: {  	p1 =	seq.s32 s10, $0x1;
	s10 =	sld [smem:$0x3FA1];
	_ =	sdelay $0x3  }
0x37: {  	[smem:$0x3FA1] =	sst s10  }
0x38: {  	s10 =	sld [smem:$0x3FA2]  }
0x39: {  	_ = 	snop;
	(pc) =	sbr.ind lr, $3  }
0x3a: {  	_ = 	snop  }
0x3b: {  	_ = 	snop  }
0x3c: {  	p2 =	seq.s32 s10, $0x1;
	s10 =	sld [smem:$0x3FA1]  }
0x3d: {  	_ =	shalt  }
0x3e: {  	_ =	shalt  }
0x3f: {  	_ =	shalt  }
0x40: {  	_ =	shalt  }
0x41: {  	_ =	shalt  }
0x42: {  	_ =	shalt  }
0x43: {  	_ =	shalt  }
0x44: {  	_ =	shalt  }
0x45: {  	_ =	shalt  }
0x46: {  	_ =	shalt  }
0x47: {  	_ =	shalt  }
0x48: {  	_ =	shalt  }
0x49: {  	_ =	shalt  }
0x4a: {  	_ =	shalt  }
0x4b: {  	_ =	shalt  }
0x4c: {  	_ =	shalt  }
0x4d: {  	_ =	shalt  }
0x4e: {  	_ =	shalt  }
0x4f: {  	_ =	shalt  }
0x50: {  	_ =	shalt  }
0x51: {  	_ =	shalt  }
0x52: {  	_ =	shalt  }
0x53: {  	_ =	shalt  }
0x54: {  	_ =	shalt  }
0x55: {  	_ =	shalt  }
0x56: {  	_ =	shalt  }
0x57: {  	_ =	shalt  }
0x58: {  	_ =	shalt  }
0x59: {  	_ =	shalt  }
0x5a: {  	_ =	shalt  }
0x5b: {  	_ =	shalt  }
0x5c: {  	_ =	shalt  }
0x5d: {  	_ =	shalt  }
0x5e: {  	_ =	shalt  }
0x5f: {  	_ =	shalt  }
0x60: {  	_ =	shalt  }
0x61: {  	_ =	shalt  }
0x62: {  	_ =	shalt  }
0x63: {  	_ =	shalt  }
0x64: {  	_ =	shalt  }
0x65: {  	_ =	shalt  }
0x66: {  	_ =	shalt  }
0x67: {  	_ =	shalt  }
0x68: {  	_ =	shalt  }
0x69: {  	_ =	shalt  }
0x6a: {  	_ =	shalt  }
0x6b: {  	_ =	shalt  }
0x6c: {  	_ =	shalt  }
0x6d: {  	_ =	shalt  }
0x6e: {  	_ =	shalt  }
0x6f: {  	_ =	shalt  }
0x70: {  	_ =	shalt  }
0x71: {  	_ =	shalt  }
0x72: {  	_ =	shalt  }
0x73: {  	_ =	shalt  }
0x74: {  	_ =	shalt  }
0x75: {  	_ =	shalt  }
0x76: {  	_ =	shalt  }
0x77: {  	_ =	shalt  }
0x78: {  	_ =	shalt  }
0x79: {  	_ =	shalt  }
0x7a: {  	_ =	shalt  }
0x7b: {  	_ =	shalt  }
0x7c: {  	_ =	shalt  }
0x7d: {  	_ =	shalt  }
0x7e: {  	_ =	shalt  }
0x7f: {  	_ =	shalt  }
0x80: {  	_ =	shalt  }
0x81: {  	_ =	shalt  }
0x82: {  	_ =	shalt  }
0x83: {  	_ =	shalt  }
0x84: {  	_ =	shalt  }
0x85: {  	_ =	shalt  }
0x86: {  	_ =	shalt  }
0x87: {  	_ =	shalt  }
.Lfunc_end0:
.L_simem_size_0:
called_computation.4_lowered:
.L_overlay_start_0:
0x88: {  	s2 =	sld [smem:$0x3FD9]  }
0x89: {  	s3 =	sld [smem:$0x3FFE];
	_ =	sdelay $0x1  }
0x8a: {  	s1 =	srdreg.scid  }
0x8b: {  	s0 =	sand.u32 $0x1, s1  }
0x8c: {  	s16 =	sshll.u32 s0, $0xA;
	s2 =	sadd.s32 s3, s2  }
0x8d: {  	s2 =	sadd.s32 s2, s16  }
0x8e: {  	[smem:$0x3FAD] =	sst s2  }
0x8f: {  	_ = 	snop  }
0x90: {  	(tm) =	ssettm $0x1  }
0x91: {  	s17 =	sld [smem:$0x3FFB];
	_ =	sdelay $0x3  }
0x92: {  	_ =	strace s17  }
0x93: {  	s2 =	sld [smem:$0x3FFC];
	_ =	sdelay $0x3  }
0x94: {  	_ =	strace s2  }
0x95: {  	s2 =	sld [smem:$0x3FFD];
	_ =	sdelay $0x3  }
0x96: {  	_ =	strace s2  }
0x97: {  	_ =	strace $0x8FFFFFFF  }
0x98: {  	s18 =	sld [smem:$0x3FDB];
	_ =	sdelay $0x1  }
0x99: {  	s19 =	simm.s32 $_scs_section_size  }
0x9a: {  	s4 =	simm.s32 $_size__tile_overlayer_lowered;
	s5 =	simm.s32 $_tile_overlayer_lowered  }
0x9b: {  	s22 =	simm.s32 $0x1BFF;
	s21 =	sshll.u32 s5, $0x1;
	s2 =	sadd.s32 s19, s18  }
0x9c: {  	s6 =	simm.s32 $0x0;
	s20 =	sshll.u32 s4, $0x1;
	s4 =	sadd.s32 s21, s2  }
0x9d: {  	[timem:s6], [sflag:s22] =	dma.local [hbm:s4], s20  }
0x9e: {  	_ =	swait.ge [sflag:s22], s20  }
0x9f: {  	s3 =	ssub.s32 $0x0, s20;
	[sflag:s22] =	ssyncset.done $0x0  }
0xa0: {  	[sflag:s22] =	ssyncadd.s32 s3;
	_ =	sdelay $0x1  }
0xa1: {  	s23 =	simm.s32 $0x1B8B  }
0xa2: {  	_ =	swait.ge [sflag:s23], $0x1  }
0xa3: {  	[sflag:s23] =	ssyncset.done $0x0  }
0xa4: {  	s25 =	simm.s32 $0x1B8E;
	s24 =	sld [smem:$0x3FFE];
	[sflag:s23] =	ssyncadd.s32 $0xFFFFFFFF  }
0xa5: {  	s26 =	simm.s32 $execute0_lowered;
	[smem:$0x3FD2] =	sst s25  }
0xa6: {  	s4 =	sshll.u32 s26, $0x1;
	_ =	strace $0x8000004F;
	[dreg:$0x1] =	wrdreg $0xFFFFFFFF  }
0xa7: {  	s28 =	simm.s32 $_size_execute0_lowered;
	s2 =	sadd.s32 s2, s4;
	[dreg:$0x0] =	wrdreg $0x0  }
0xa8: {  	s4 =	sshll.u32 s28, $0x1;
	[dreg:$0x2] =	wrdreg s2  }
0xa9: {  	[dreg:$0x3] =	wrdreg s4  }
0xaa: {  	[dreg:$0x4] =	wrdreg $0xC0  }
0xab: {  	_ =	task [dreg:s6], $0x5FFFF  }
0xac: {  	[dreg:$0x1] =	wrdreg $0xFFFFFFFF  }
0xad: {  	[dreg:$0x0] =	wrdreg $0x60  }
0xae: {  	[dreg:$0x2] =	wrdreg s24  }
0xaf: {  	[dreg:$0x3] =	wrdreg $0x8A200  }
0xb0: {  	[dreg:$0x4] =	wrdreg $0x9  }
0xb1: {  	_ =	task.clear_ibuf [dreg:s6], $0x5FFFF;
	_ =	strace $0x9000004F  }
0xb2: {  	s29 =	simm.s32 $0x9;
	_ =	strace $0x80000051  }
0xb3: {  	_ =	swait.ge [sflag:s29], $0x1  }
0xb4: {  	[sflag:s29] =	ssyncadd.s32 $0xFFFFFFFF  }
0xb5: {  	_ =	strace $0x90000051  }
0xb6: {  	_ =	sfence  }
0xb7: {  	s30 =	sld [smem:$0x0];
	_ =	sdelay $0x2  }
0xb8: {  	s31 =	sshll.u32 s1, $0xD;
	s1 =	sshrl.u32 s1, $0x2  }
0xb9: {  	s3 =	sand.u32 $0x4000, s31;
	s1 =	sadd.s32 s1, s30  }
0xba: {  	s0 =	sor.u32 s3, s0;
	s1 =	sshll.u32 s1, $0x11  }
0xbb: {  	s0 =	sor.u32 s1, s0  }
0xbc: {  	s0 =	sadd.s32 $0x8F2B, s0  }
0xbd: {  	[sflag:s0] =	ssyncadd.remote.s32 $0x1  }
0xbe: {  	_ =	sfence.sel $0xFFFF  }
0xbf: {  	[dreg:$0x0] =	wrdreg $0xFFFFFFFF;
	(pc) =	sbr.abs _section_cstart, $3  }
0xc0: {  	[dreg:$0x1] =	wrdreg $0xFFFFFFFF  }
0xc1: {  	_ =	task.clear_ibuf [dreg:s6], $0x2FFFF;
	_ =	strace $0x9FFFFFFF  }
0xc2: {  	(tm) =	ssettm $0x7FFFFFFF  }
0xc3: {  	_ =	shalt  }
tec
execute0_lowered:
.L_overlay_start_1:
0x0: {  	(tag) =	ssettag $0x1  }
0x1: {  	s0 =	srdreg.scid;
	s1 =	rddreg [dreg:$0x0]  }
0x2: {  	s8 =	stileid.u32;
	s2 =	rddreg [dreg:$0x1];
	s10 =	simm.s32 $0x2710  }
0x3: {  	s11 =	simm.s32 $0x5;
	s13 =	simm.s32 $0x50;
	s14 =	simm.s32 $0x4E20  }
0x4: {  	s16 =	simm.s32 $0x5320;
	s17 =	simm.s32 $0x27B0;
	s18 =	simm.s32 $0x5820  }
0x5: {  	s19 =	simm.s32 $0x2800;
	s20 =	simm.s32 $0x5D20;
	s21 =	simm.s32 $0x1  }
0x6: {  	s22 =	simm.s32 $0x2;
	s23 =	simm.s32 $0x3;
	s28 =	simm.s32 $0x25D0  }
0x7: {  	s29 =	simm.s32 $0x2620;
	s30 =	simm.s32 $0x2670;
	s6 =	smul.u32 $0x500, s8  }
0x8: {  	s0 =	sand.u32 $0x1, s0;
	s3 =	sshll.u32 s8, $0x1;
	s8 =	smul.u32 $0xA000, s8  }
0x9: {  	s31 =	simm.s32 $0x26C0;
	s4 =	sor.u32 s0, s3;
	s7 =	smul.u32 $0x5000, s0  }
0xa: {  	s3 =	simm.s32 $0x0;
	s0 =	ssub.s32 $0x2, s0;
	s5 =	smul.u32 $0x4E2, s4  }
0xb: {  	[smem:$0x7FF] =	sst s3;
	s4 =	sadd.s32 $0x298E00, s1;
	s25 =	sshrl.u32 s0, $0x1  }
0xc: {  	s26 =	sshrl.u32 s8, $0x2;
	_ =	strace $0x80000050;
	s24 =	sadd.s32 s6, s7  }
0xd: {  	s0 =	ssub.s32 s0, s25;
	s7 =	sadd.s32 s26, s2;
	s25 =	simm.s32 $0x2580  }
0xe: {  	s26 =	simm.s32 $0x4DD0;
	s9 =	sadd.s32 s5, s1;
	s1 =	sadd.s32 s24, s1  }
0xf: {  	s24 =	simm.s32 $0x4;
	s5 =	sadd.s32 $0xF200, s9;
	s6 =	sadd.s32 $0x28F000, s9  }
0x10: {  	v0 =	vimm.f32 $0.0e+00;
	s8 =	sadd.s32 $0x5200, s1;
	s9 =	smax.u32 s0, $0x1;
	s1 =	simm.s32 $0x0  }
.LBB2_1:
0x11: {  	[tilespmem:s10], [sflag:$0x5] =	stream.linear.gather [hbm4b:s5+s3], $0x2710, $0x38;
	[tilespmem:$0xB220] =	vst v63  }
0x12: {  	_ =	swait.ge [sflag:s11], $0x2710  }
0x13: {  	[sflag:s11] =	ssyncset.done $0x0  }
0x14: {  	[sflag:s11] =	ssyncadd.s32 $0xFFFFD8F0  }
0x15: {  	[tilespmem:s3], [sflag:$0x5] =	stream.linear.gather [hbm4b:s6+s3], $0x2710, $0x38;
	[tilespmem:$0xB220] =	vst v63  }
0x16: {  	_ =	swait.ge [sflag:s11], $0x2710  }
0x17: {  	[sflag:s11] =	ssyncset.done $0x0  }
0x18: {  	s0 =	simm.s32 $0x40;
	s12 =	simm.s32 $0x0;
	[sflag:s11] =	ssyncadd.s32 $0xFFFFD8F0  }
.LBB2_2:
0x19: {  	p0 =	sne.s32 s0, $0x9FC0;
	[tilespmem:s12+$0x6220] =	vst v0;
	s12 =	smov.u32 s0;
	s0 =	sadd.s32 $0x40, s0  }
.Ltmp0:
0x1a: {  	(pc) =	sbr.rel @p0 .LBB2_2-.Ltmp0, $2  }
0x1b: {  	_ =	sdelay $0x2  }
0x1c: {  	s12 =	sshra.s32 s12, $0x2  }
0x1d: {  	[tilespmem:s12+$0x6220] =	vst v0;
	s0 =	simm.s32 $0x6220  }
0x1e: {  	[spmem:s7] =	stream.linear.scatter [tilespmem:s0], [sflag:$0x5], $0x2800, $0x38;
	[tilespmem:$0xB220] =	vst v63  }
0x1f: {  	_ =	swait.ge [sflag:s11], $0x2800  }
0x20: {  	[sflag:s11] =	ssyncset.done $0x0  }
0x21: {  	[sflag:s11] =	ssyncadd.s32 $0xFFFFD800  }
0x22: {  	[bflag:$0x0] =	sbarrier.arrive $0xFFFF  }
0x23: {  	[tilespmem:s14], [sflag:$0x1] =	stream.indirect.gather [hbm4b:s4+s13], $0x10, s10, s13, $0xb8;
	[tilespmem:$0xB220] =	vst v63  }
0x24: {  	s12 =	simm.s32 $0x2760  }
0x25: {  	[tilespmem:s16], [sflag:$0x2] =	stream.indirect.gather [hbm4b:s4+s13], $0x10, s12, s13, $0xb8;
	[tilespmem:$0xB220] =	vst v63  }
0x26: {  	_ = 	snop  }
0x27: {  	[tilespmem:s18], [sflag:$0x3] =	stream.indirect.gather [hbm4b:s4+s13], $0x10, s17, s13, $0xb8;
	[tilespmem:$0xB220] =	vst v63  }
0x28: {  	_ = 	snop  }
0x29: {  	[tilespmem:s20], [sflag:$0x4] =	stream.indirect.gather [hbm4b:s4+s13], $0x10, s19, s13, $0xb8;
	[tilespmem:$0xB220] =	vst v63  }
0x2a: {  	_ =	swait.ge [sflag:s21], $0x500  }
0x2b: {  	[sflag:s21] =	ssyncset.done $0x0  }
0x2c: {  	s15 =	simm.s32 $0x0;
	[sflag:s21] =	ssyncadd.s32 $0xFFFFFB00  }
0x2d: {  	[spmem:s2] =	stream.indirect.scatter.add.f32 [tilespmem:s14], [sflag:$0x5], $0x10, s15, s13, $0xb8;
	[tilespmem:$0xB220] =	vst v63  }
0x2e: {  	_ =	swait.ge [sflag:s11], $0x500  }
0x2f: {  	[sflag:s11] =	ssyncset.done $0x0  }
0x30: {  	s12 =	simm.s32 $0x2850;
	[sflag:s11] =	ssyncadd.s32 $0xFFFFFB00  }
0x31: {  	[tilespmem:s14], [sflag:$0x1] =	stream.indirect.gather [hbm4b:s4+s13], $0x10, s12, s13, $0xb8;
	[tilespmem:$0xB220] =	vst v63  }
0x32: {  	_ =	swait.ge [sflag:s22], $0x500  }
0x33: {  	[sflag:s22] =	ssyncset.done $0x0  }
0x34: {  	s15 =	simm.s32 $0x50;
	[sflag:s22] =	ssyncadd.s32 $0xFFFFFB00  }
0x35: {  	[spmem:s2] =	stream.indirect.scatter.add.f32 [tilespmem:s16], [sflag:$0x5], $0x10, s15, s13, $0xb8;
	[tilespmem:$0xB220] =	vst v63  }
0x36: {  	_ =	swait.ge [sflag:s11], $0x500  }
0x37: {  	[sflag:s11] =	ssyncset.done $0x0  }
0x38: {  	s12 =	simm.s32 $0x28A0;
	[sflag:s11] =	ssyncadd.s32 $0xFFFFFB00  }
0x39: {  	[tilespmem:s16], [sflag:$0x2] =	stream.indirect.gather [hbm4b:s4+s13], $0x10, s12, s13, $0xb8;
	[tilespmem:$0xB220] =	vst v63  }
0x3a: {  	_ =	swait.ge [sflag:s23], $0x500  }
0x3b: {  	[sflag:s23] =	ssyncset.done $0x0  }
0x3c: {  	s15 =	simm.s32 $0xA0;
	[sflag:s23] =	ssyncadd.s32 $0xFFFFFB00  }
0x3d: {  	[spmem:s2] =	stream.indirect.scatter.add.f32 [tilespmem:s18], [sflag:$0x5], $0x10, s15, s13, $0xb8;
	[tilespmem:$0xB220] =	vst v63  }
0x3e: {  	_ =	swait.ge [sflag:s11], $0x500  }
0x3f: {  	[sflag:s11] =	ssyncset.done $0x0  }
0x40: {  	s12 =	simm.s32 $0x28F0;
	[sflag:s11] =	ssyncadd.s32 $0xFFFFFB00  }
0x41: {  	[tilespmem:s18], [sflag:$0x3] =	stream.indirect.gather [hbm4b:s4+s13], $0x10, s12, s13, $0xb8;
	[tilespmem:$0xB220] =	vst v63  }
0x42: {  	_ =	swait.ge [sflag:s24], $0x500  }
0x43: {  	[sflag:s24] =	ssyncset.done $0x0  }
0x44: {  	s15 =	simm.s32 $0xF0;
	[sflag:s24] =	ssyncadd.s32 $0xFFFFFB00  }
0x45: {  	[spmem:s2] =	stream.indirect.scatter.add.f32 [tilespmem:s20], [sflag:$0x5], $0x10, s15, s13, $0xb8;
	[tilespmem:$0xB220] =	vst v63  }
0x46: {  	_ =	swait.ge [sflag:s11], $0x500  }
0x47: {  	[sflag:s11] =	ssyncset.done $0x0  }
0x48: {  	s0 =	simm.s32 $0x500;
	s12 =	simm.s32 $0x2940;
	[sflag:s11] =	ssyncadd.s32 $0xFFFFFB00  }
.LBB2_4:
0x49: {  	[tilespmem:s20], [sflag:$0x4] =	stream.indirect.gather [hbm4b:s4+s13], $0x10, s12, s13, $0xb8;
	[tilespmem:$0xB220] =	vst v63  }
0x4a: {  	s12 =	smov.u32 s0  }
0x4b: {  	p0 =	sne.s32 s0, $0x9100;
	s0 =	sadd.s32 $0x500, s0;
	_ =	swait.ge [sflag:s21], $0x500  }
0x4c: {  	[sflag:s21] =	ssyncset.done $0x0  }
0x4d: {  	s12 =	sshra.s32 s12, $0x2;
	[sflag:s21] =	ssyncadd.s32 $0xFFFFFB00  }
0x4e: {  	[spmem:s2] =	stream.indirect.scatter.add.f32 [tilespmem:s14], [sflag:$0x5], $0x10, s12, s13, $0xb8;
	[tilespmem:$0xB220] =	vst v63  }
0x4f: {  	_ =	swait.ge [sflag:s11], $0x500  }
0x50: {  	[sflag:s11] =	ssyncset.done $0x0  }
0x51: {  	s15 =	sadd.s32 $0x2850, s12;
	[sflag:s11] =	ssyncadd.s32 $0xFFFFFB00  }
0x52: {  	[tilespmem:s14], [sflag:$0x1] =	stream.indirect.gather [hbm4b:s4+s13], $0x10, s15, s13, $0xb8;
	[tilespmem:$0xB220] =	vst v63  }
0x53: {  	_ =	swait.ge [sflag:s22], $0x500  }
0x54: {  	[sflag:s22] =	ssyncset.done $0x0  }
0x55: {  	s15 =	sadd.s32 $0x50, s12;
	[sflag:s22] =	ssyncadd.s32 $0xFFFFFB00  }
0x56: {  	[spmem:s2] =	stream.indirect.scatter.add.f32 [tilespmem:s16], [sflag:$0x5], $0x10, s15, s13, $0xb8;
	[tilespmem:$0xB220] =	vst v63  }
0x57: {  	_ =	swait.ge [sflag:s11], $0x500  }
0x58: {  	[sflag:s11] =	ssyncset.done $0x0  }
0x59: {  	s15 =	sadd.s32 $0x28A0, s12;
	[sflag:s11] =	ssyncadd.s32 $0xFFFFFB00  }
0x5a: {  	[tilespmem:s16], [sflag:$0x2] =	stream.indirect.gather [hbm4b:s4+s13], $0x10, s15, s13, $0xb8;
	[tilespmem:$0xB220] =	vst v63  }
0x5b: {  	_ =	swait.ge [sflag:s23], $0x500  }
0x5c: {  	[sflag:s23] =	ssyncset.done $0x0  }
0x5d: {  	s15 =	sadd.s32 $0xA0, s12;
	[sflag:s23] =	ssyncadd.s32 $0xFFFFFB00  }
0x5e: {  	[spmem:s2] =	stream.indirect.scatter.add.f32 [tilespmem:s18], [sflag:$0x5], $0x10, s15, s13, $0xb8;
	[tilespmem:$0xB220] =	vst v63  }
0x5f: {  	_ =	swait.ge [sflag:s11], $0x500  }
0x60: {  	[sflag:s11] =	ssyncset.done $0x0  }
0x61: {  	s15 =	sadd.s32 $0x28F0, s12;
	[sflag:s11] =	ssyncadd.s32 $0xFFFFFB00  }
0x62: {  	[tilespmem:s18], [sflag:$0x3] =	stream.indirect.gather [hbm4b:s4+s13], $0x10, s15, s13, $0xb8;
	[tilespmem:$0xB220] =	vst v63  }
0x63: {  	_ =	swait.ge [sflag:s24], $0x500  }
0x64: {  	[sflag:s24] =	ssyncset.done $0x0  }
.Ltmp1:
0x65: {  	s15 =	sadd.s32 $0xF0, s12;
	[sflag:s24] =	ssyncadd.s32 $0xFFFFFB00;
	(pc) =	sbr.rel @p0 .LBB2_4-.Ltmp1, $4  }
0x66: {  	[spmem:s2] =	stream.indirect.scatter.add.f32 [tilespmem:s20], [sflag:$0x5], $0x10, s15, s13, $0xb8;
	[tilespmem:$0xB220] =	vst v63  }
0x67: {  	_ =	swait.ge [sflag:s11], $0x500  }
0x68: {  	[sflag:s11] =	ssyncset.done $0x0  }
0x69: {  	s12 =	sadd.s32 $0x2940, s12;
	[sflag:s11] =	ssyncadd.s32 $0xFFFFFB00  }
0x6a: {  	[tilespmem:s20], [sflag:$0x4] =	stream.indirect.gather [hbm4b:s4+s13], $0x10, s12, s13, $0xb8;
	[tilespmem:$0xB220] =	vst v63  }
0x6b: {  	_ =	swait.ge [sflag:s21], $0x500  }
0x6c: {  	[sflag:s21] =	ssyncset.done $0x0  }
0x6d: {  	[sflag:s21] =	ssyncadd.s32 $0xFFFFFB00  }
0x6e: {  	[spmem:s2] =	stream.indirect.scatter.add.f32 [tilespmem:s14], [sflag:$0x5], $0x10, s25, s13, $0xb8;
	[tilespmem:$0xB220] =	vst v63  }
0x6f: {  	_ =	swait.ge [sflag:s11], $0x500  }
0x70: {  	[sflag:s11] =	ssyncset.done $0x0  }
0x71: {  	[sflag:s11] =	ssyncadd.s32 $0xFFFFFB00  }
0x72: {  	[tilespmem:s14], [sflag:$0x1] =	stream.indirect.gather [hbm4b:s4+s13], $0x10, s26, s13, $0xb8;
	[tilespmem:$0xB220] =	vst v63  }
0x73: {  	_ =	swait.ge [sflag:s22], $0x500  }
0x74: {  	[sflag:s22] =	ssyncset.done $0x0  }
0x75: {  	[sflag:s22] =	ssyncadd.s32 $0xFFFFFB00  }
0x76: {  	[spmem:s2] =	stream.indirect.scatter.add.f32 [tilespmem:s16], [sflag:$0x5], $0x10, s28, s13, $0xb8;
	[tilespmem:$0xB220] =	vst v63  }
0x77: {  	_ =	swait.ge [sflag:s11], $0x500  }
0x78: {  	[sflag:s11] =	ssyncset.done $0x0  }
0x79: {  	[sflag:s11] =	ssyncadd.s32 $0xFFFFFB00  }
0x7a: {  	_ =	swait.ge [sflag:s23], $0x500  }
0x7b: {  	[sflag:s23] =	ssyncset.done $0x0  }
0x7c: {  	[sflag:s23] =	ssyncadd.s32 $0xFFFFFB00  }
0x7d: {  	[spmem:s2] =	stream.indirect.scatter.add.f32 [tilespmem:s18], [sflag:$0x5], $0x10, s29, s13, $0xb8;
	[tilespmem:$0xB220] =	vst v63  }
0x7e: {  	_ =	swait.ge [sflag:s11], $0x500  }
0x7f: {  	[sflag:s11] =	ssyncset.done $0x0  }
0x80: {  	[sflag:s11] =	ssyncadd.s32 $0xFFFFFB00  }
0x81: {  	_ =	swait.ge [sflag:s24], $0x500  }
0x82: {  	[sflag:s24] =	ssyncset.done $0x0  }
0x83: {  	[sflag:s24] =	ssyncadd.s32 $0xFFFFFB00  }
0x84: {  	[spmem:s2] =	stream.indirect.scatter.add.f32 [tilespmem:s20], [sflag:$0x5], $0x10, s30, s13, $0xb8;
	[tilespmem:$0xB220] =	vst v63  }
0x85: {  	_ =	swait.ge [sflag:s11], $0x500  }
0x86: {  	[sflag:s11] =	ssyncset.done $0x0  }
0x87: {  	[sflag:s11] =	ssyncadd.s32 $0xFFFFFB00  }
0x88: {  	_ =	swait.ge [sflag:s21], $0x500  }
0x89: {  	[sflag:s21] =	ssyncset.done $0x0  }
0x8a: {  	[sflag:s21] =	ssyncadd.s32 $0xFFFFFB00  }
0x8b: {  	[spmem:s2] =	stream.indirect.scatter.add.f32 [tilespmem:s14], [sflag:$0x5], $0x10, s31, s13, $0xb8;
	[tilespmem:$0xB220] =	vst v63  }
0x8c: {  	s0 =	stileid.u32;
	_ =	swait.ge [sflag:s11], $0x500  }
0x8d: {  	s15 =	sshrl.u32 s7, $0x3;
	s1 =	sadd.s32 $0x1, s1;
	[sflag:s11] =	ssyncset.done $0x0  }
0x8e: {  	s0 =	sshll.u32 s0, $0x6;
	p0 =	sne.s32 s1, s9;
	[sflag:s11] =	ssyncadd.s32 $0xFFFFFB00  }
.Ltmp2:
0x8f: {  	s0 =	sor.u32 $0x1C05, s0;
	[bflag:$0x0] =	sbarrier.arrive $0xFFFF;
	(pc) =	sbr.rel @p0 .LBB2_1-.Ltmp2, $4  }
0x90: {  	[hbm:s8], [sflag:s0] =	dma.local [spmem:s15], $0x500  }
0x91: {  	_ =	swait.ge [sflag:s11], $0x500  }
0x92: {  	[sflag:s11] =	ssyncset.done $0x0  }
0x93: {  	[sflag:s11] =	ssyncadd.s32 $0xFFFFFB00  }
0x94: {  	_ =	sfence.sel $0x180000  }
0x95: {  	[bflag:$0x0] =	sbarrier.arrive $0xFFFF  }
0x96: {  	_ =	strace $0x90000050  }
0x97: {  	s0 =	stileid.u32;
	[bflag:$0x2] =	sbarrier.arrive $0xFFFF  }
0x98: {  	p0 =	sne.s32 s0, $0x0;
	s0 =	rddreg [dreg:$0x2]  }
0x99: {  	s0 =	sadd.s32 @!p0 $0x100000, s0  }
0x9a: {  	[sflag:s0] =	ssyncadd.tile.s32 @!p0 $0x1;
	_ =	shalt  }
.Lfunc_end2:
_tile_overlayer_lowered:
.L_overlay_start_2:
0x9b: {  	(tag) =	ssettag $0x2  }
0x9c: {  	s0 =	rddreg [dreg:$0x0];
	s2 =	stileid.u32  }
0x9d: {  	s1 =	rddreg [dreg:$0x1];
	p0 =	sne.s32 s2, $0x0  }
0x9e: {  	s3 =	rddreg [dreg:$0x2];
	[bflag:$0x3] =	sbarrier.arrive $0xFFFF;
	s2 =	simm.s32 @!p0 $0x1C05  }
0x9f: {  	[timem:s3], [sflag:s2] =	dma.local @!p0 [hbm:s0], s1  }
0xa0: {  	s0 =	simm.s32 @!p0 $0x5  }
0xa1: {  	_ =	swait.ge @!p0 [sflag:s0], s1  }
0xa2: {  	s1 =	ssub.s32 @!p0 $0x0, s1;
	[sflag:s0] =	ssyncset.done @!p0 $0x0  }
0xa3: {  	[sflag:s0] =	ssyncadd.s32 @!p0 s1  }
0xa4: {  	[bflag:$0x3] =	sbarrier.arrive $0xFFFF  }
0xa5: {  	_ =	shalt  }

// kernel: kernel.16.cloned.1.call-start
scs
__scs_entry_jumppad:
0x0: {  	(pc) =	sbr.rel $0x88, $3  }
0x1: {  	(tag) =	ssettag $0x0;
	lr =	simm.s32 $0x1  }
0x2: {  	[smem:$0x3F86] =	sst lr;
	_ =	strace $0xD0000000  }
0x3: {  	_ = 	snop  }
0x4: {  	_ = 	snop  }
0x5: {  	_ = 	snop  }
0x6: {  	_ = 	snop  }
0x7: {  	_ = 	snop  }
__scs_overlays_trampoline_lowered:
0x8: {  	[smem:$0x3F95] =	sst s0  }
0x9: {  	[smem:$0x3F96] =	sst s1  }
0xa: {  	[smem:$0x3F97] =	sst s2  }
0xb: {  	[smem:$0x3F98] =	sst s3  }
0xc: {  	[smem:$0x3F99] =	sst s4  }
0xd: {  	[smem:$0x3F9A] =	sst s5  }
0xe: {  	[smem:$0x3F9B] =	sst s6  }
0xf: {  	[smem:$0x3F9C] =	sst s7  }
0x10: {  	[smem:$0x3F9D] =	sst s8  }
0x11: {  	[smem:$0x3F9E] =	sst s9;
	s0 =	simm.s32 @!p0 $0x0  }
0x12: {  	s1 =	sld [smem:$0x3F84];
	s0 =	simm.s32 @p0 $0x1  }
0x13: {  	[smem:$0x3F9F] =	sst s0;
	s0 =	simm.s32 @!p1 $0x0  }
0x14: {  	s2 =	sld [smem:$0x3F83];
	s0 =	simm.s32 @p1 $0x1  }
0x15: {  	[smem:$0x3FA0] =	sst s0;
	s0 =	simm.s32 @!p2 $0x0  }
0x16: {  	s3 =	sld [smem:$0x3FDB];
	s0 =	simm.s32 @p2 $0x1  }
0x17: {  	s4 =	simm.s32 $0x1BF5;
	[smem:$0x3FA2] =	sst s0  }
0x18: {  	s0 =	sld [smem:$0x3F85];
	_ =	swait.ge [sflag:s4], $0x0  }
0x19: {  	s7 =	sld [smem:$0x3F86]  }
0x1a: {  	s8 =	sadd.s32 $0xFFFFE003, lr  }
0x1b: {  	s9 =	sadd.s32 $0xFFFFFEF7, lr;
	s5 =	simm.s32 $0xFFFFFFFF;
	p2 =	slt.u32 s8, $0xFFFFF086  }
0x1c: {  	p1 =	slt.u32 s9, $0xF7A;
	s5 =	simm.s32 @!p2 $0x0  }
0x1d: {  	s5 =	simm.s32 @p1 $0x1;
	p0 =	seq.s32 s7, s2  }
0x1e: {  	s7 =	smul.u32 @!p0 $0xF7A, s2;
	p2 =	seq.s32 @!p0 s5, $0x0  }
0x1f: {  	s9 =	smul.u32 $0xF7A, s1;
	s8 =	simm.s32 @!p0 $0x1BF5;
	p2 =	por !p2, p0  }
0x20: {  	[sflag:s8] =	ssyncset.s32 @!p0 $0xFFFFF086;
	s6 =	sadd.s32 @!p0 s3, s7;
	s7 =	simm.s32 @!p0 $0x108  }
0x21: {  	s3 =	sadd.s32 s3, s9;
	s6 =	sadd.s32 @!p0 $0x88, s6;
	s7 =	simm.s32 @p2 $0x1082  }
0x22: {  	[simem:s7], [sflag:s8] =	dma.local @!p0 [hbm:s6], $0xF7A  }
0x23: {  	s9 =	sor.u32 $0xD0000000, s2;
	s6 =	simm.s32 $0x108;
	_ =	swait.ge @!p0 [sflag:s8], $0x0  }
0x24: {  	s3 =	sadd.s32 $0x88, s3;
	s6 =	simm.s32 @!p1 $0x1082;
	[sflag:s4] =	ssyncset.s32 $0xFFFFF086  }
0x25: {  	[simem:s6], [sflag:s4] =	dma.local [hbm:s3], $0xF7A  }
0x26: {  	[smem:$0x3F86] =	sst s1;
	(tag) =	ssettag s2;
	_ =	strace s9  }
0x27: {  	s1 =	sld [smem:$0x3F96]  }
0x28: {  	s2 =	sld [smem:$0x3F97]  }
0x29: {  	s4 =	sld [smem:$0x3F99]  }
0x2a: {  	p0 =	seq.s32 s5, $0x0;
	s5 =	sld [smem:$0x3F9A]  }
0x2b: {  	s6 =	sld [smem:$0x3F9B]  }
0x2c: {  	s7 =	sld [smem:$0x3F9C]  }
0x2d: {  	s3 =	simm.s32 $0x108;
	s8 =	sld [smem:$0x3F9D]  }
0x2e: {  	s3 =	simm.s32 @!p0 $0x1082;
	s9 =	sld [smem:$0x3F9E]  }
0x2f: {  	lr =	sadd.s32 s0, s3;
	s0 =	sld [smem:$0x3F95]  }
0x30: {  	s3 =	sld [smem:$0x3F98]  }
0x31: {  	[smem:$0x3FA1] =	sst s10  }
0x32: {  	s10 =	sld [smem:$0x3F9F];
	_ =	sdelay $0x3  }
0x33: {  	p0 =	seq.s32 s10, $0x1;
	s10 =	sld [smem:$0x3FA1];
	_ =	sdelay $0x3  }
0x34: {  	[smem:$0x3FA1] =	sst s10  }
0x35: {  	s10 =	sld [smem:$0x3FA0];
	_ =	sdelay $0x3  }
0x36: {  	p1 =	seq.s32 s10, $0x1;
	s10 =	sld [smem:$0x3FA1];
	_ =	sdelay $0x3  }
0x37: {  	[smem:$0x3FA1] =	sst s10  }
0x38: {  	s10 =	sld [smem:$0x3FA2]  }
0x39: {  	_ = 	snop;
	(pc) =	sbr.ind lr, $3  }
0x3a: {  	_ = 	snop  }
0x3b: {  	_ = 	snop  }
0x3c: {  	p2 =	seq.s32 s10, $0x1;
	s10 =	sld [smem:$0x3FA1]  }
0x3d: {  	_ =	shalt  }
0x3e: {  	_ =	shalt  }
0x3f: {  	_ =	shalt  }
0x40: {  	_ =	shalt  }
0x41: {  	_ =	shalt  }
0x42: {  	_ =	shalt  }
0x43: {  	_ =	shalt  }
0x44: {  	_ =	shalt  }
0x45: {  	_ =	shalt  }
0x46: {  	_ =	shalt  }
0x47: {  	_ =	shalt  }
0x48: {  	_ =	shalt  }
0x49: {  	_ =	shalt  }
0x4a: {  	_ =	shalt  }
0x4b: {  	_ =	shalt  }
0x4c: {  	_ =	shalt  }
0x4d: {  	_ =	shalt  }
0x4e: {  	_ =	shalt  }
0x4f: {  	_ =	shalt  }
0x50: {  	_ =	shalt  }
0x51: {  	_ =	shalt  }
0x52: {  	_ =	shalt  }
0x53: {  	_ =	shalt  }
0x54: {  	_ =	shalt  }
0x55: {  	_ =	shalt  }
0x56: {  	_ =	shalt  }
0x57: {  	_ =	shalt  }
0x58: {  	_ =	shalt  }
0x59: {  	_ =	shalt  }
0x5a: {  	_ =	shalt  }
0x5b: {  	_ =	shalt  }
0x5c: {  	_ =	shalt  }
0x5d: {  	_ =	shalt  }
0x5e: {  	_ =	shalt  }
0x5f: {  	_ =	shalt  }
0x60: {  	_ =	shalt  }
0x61: {  	_ =	shalt  }
0x62: {  	_ =	shalt  }
0x63: {  	_ =	shalt  }
0x64: {  	_ =	shalt  }
0x65: {  	_ =	shalt  }
0x66: {  	_ =	shalt  }
0x67: {  	_ =	shalt  }
0x68: {  	_ =	shalt  }
0x69: {  	_ =	shalt  }
0x6a: {  	_ =	shalt  }
0x6b: {  	_ =	shalt  }
0x6c: {  	_ =	shalt  }
0x6d: {  	_ =	shalt  }
0x6e: {  	_ =	shalt  }
0x6f: {  	_ =	shalt  }
0x70: {  	_ =	shalt  }
0x71: {  	_ =	shalt  }
0x72: {  	_ =	shalt  }
0x73: {  	_ =	shalt  }
0x74: {  	_ =	shalt  }
0x75: {  	_ =	shalt  }
0x76: {  	_ =	shalt  }
0x77: {  	_ =	shalt  }
0x78: {  	_ =	shalt  }
0x79: {  	_ =	shalt  }
0x7a: {  	_ =	shalt  }
0x7b: {  	_ =	shalt  }
0x7c: {  	_ =	shalt  }
0x7d: {  	_ =	shalt  }
0x7e: {  	_ =	shalt  }
0x7f: {  	_ =	shalt  }
0x80: {  	_ =	shalt  }
0x81: {  	_ =	shalt  }
0x82: {  	_ =	shalt  }
0x83: {  	_ =	shalt  }
0x84: {  	_ =	shalt  }
0x85: {  	_ =	shalt  }
0x86: {  	_ =	shalt  }
0x87: {  	_ =	shalt  }
.Lfunc_end0:
.L_simem_size_0:
called_computation.5_lowered:
.L_overlay_start_0:
0x88: {  	s2 =	sld [smem:$0x3FD9]  }
0x89: {  	s3 =	sld [smem:$0x3FFE];
	_ =	sdelay $0x1  }
0x8a: {  	s1 =	srdreg.scid  }
0x8b: {  	s0 =	sand.u32 $0x1, s1  }
0x8c: {  	s16 =	sshll.u32 s0, $0xA;
	s2 =	sadd.s32 s3, s2  }
0x8d: {  	s2 =	sadd.s32 s2, s16  }
0x8e: {  	[smem:$0x3FAD] =	sst s2  }
0x8f: {  	_ = 	snop  }
0x90: {  	(tm) =	ssettm $0x1  }
0x91: {  	s17 =	sld [smem:$0x3FFB];
	_ =	sdelay $0x3  }
0x92: {  	_ =	strace s17  }
0x93: {  	s2 =	sld [smem:$0x3FFC];
	_ =	sdelay $0x3  }
0x94: {  	_ =	strace s2  }
0x95: {  	s2 =	sld [smem:$0x3FFD];
	_ =	sdelay $0x3  }
0x96: {  	_ =	strace s2  }
0x97: {  	_ =	strace $0x8FFFFFFF  }
0x98: {  	s18 =	sld [smem:$0x3FDB];
	_ =	sdelay $0x1  }
0x99: {  	s19 =	simm.s32 $_scs_section_size  }
0x9a: {  	s4 =	simm.s32 $_size__tile_overlayer_lowered;
	s5 =	simm.s32 $_tile_overlayer_lowered  }
0x9b: {  	s22 =	simm.s32 $0x1BFF;
	s21 =	sshll.u32 s5, $0x1;
	s2 =	sadd.s32 s19, s18  }
0x9c: {  	s6 =	simm.s32 $0x0;
	s20 =	sshll.u32 s4, $0x1;
	s4 =	sadd.s32 s21, s2  }
0x9d: {  	[timem:s6], [sflag:s22] =	dma.local [hbm:s4], s20  }
0x9e: {  	_ =	swait.ge [sflag:s22], s20  }
0x9f: {  	s3 =	ssub.s32 $0x0, s20;
	[sflag:s22] =	ssyncset.done $0x0  }
0xa0: {  	[sflag:s22] =	ssyncadd.s32 s3;
	_ =	sdelay $0x1  }
0xa1: {  	s23 =	simm.s32 $0x1B8B  }
0xa2: {  	_ =	swait.ge [sflag:s23], $0x1  }
0xa3: {  	[sflag:s23] =	ssyncset.done $0x0  }
0xa4: {  	s25 =	simm.s32 $0x1B8E;
	s24 =	sld [smem:$0x3FFE];
	[sflag:s23] =	ssyncadd.s32 $0xFFFFFFFF  }
0xa5: {  	s26 =	simm.s32 $execute0_lowered;
	[smem:$0x3FD2] =	sst s25  }
0xa6: {  	s4 =	sshll.u32 s26, $0x1;
	_ =	strace $0x80000055;
	[dreg:$0x1] =	wrdreg $0xFFFFFFFF  }
0xa7: {  	s28 =	simm.s32 $_size_execute0_lowered;
	s2 =	sadd.s32 s2, s4;
	[dreg:$0x0] =	wrdreg $0x0  }
0xa8: {  	s4 =	sshll.u32 s28, $0x1;
	[dreg:$0x2] =	wrdreg s2  }
0xa9: {  	[dreg:$0x3] =	wrdreg s4  }
0xaa: {  	[dreg:$0x4] =	wrdreg $0xC0  }
0xab: {  	_ =	task [dreg:s6], $0x5FFFF  }
0xac: {  	[dreg:$0x1] =	wrdreg $0xFFFFFFFF  }
0xad: {  	[dreg:$0x0] =	wrdreg $0x60  }
0xae: {  	[dreg:$0x2] =	wrdreg s24  }
0xaf: {  	[dreg:$0x3] =	wrdreg $0x8A200  }
0xb0: {  	[dreg:$0x4] =	wrdreg $0x9  }
0xb1: {  	_ =	task.clear_ibuf [dreg:s6], $0x5FFFF;
	_ =	strace $0x90000055  }
0xb2: {  	s29 =	simm.s32 $0x9;
	_ =	strace $0x80000057  }
0xb3: {  	_ =	swait.ge [sflag:s29], $0x1  }
0xb4: {  	[sflag:s29] =	ssyncadd.s32 $0xFFFFFFFF  }
0xb5: {  	_ =	strace $0x90000057  }
0xb6: {  	_ =	sfence  }
0xb7: {  	s30 =	sld [smem:$0x0];
	_ =	sdelay $0x2  }
0xb8: {  	s31 =	sshll.u32 s1, $0xD;
	s1 =	sshrl.u32 s1, $0x2  }
0xb9: {  	s3 =	sand.u32 $0x4000, s31;
	s1 =	sadd.s32 s1, s30  }
0xba: {  	s0 =	sor.u32 s3, s0;
	s1 =	sshll.u32 s1, $0x11  }
0xbb: {  	s0 =	sor.u32 s1, s0  }
0xbc: {  	s0 =	sadd.s32 $0x8F2B, s0  }
0xbd: {  	[sflag:s0] =	ssyncadd.remote.s32 $0x1  }
0xbe: {  	_ =	sfence.sel $0xFFFF  }
0xbf: {  	[dreg:$0x0] =	wrdreg $0xFFFFFFFF;
	(pc) =	sbr.abs _section_cstart, $3  }
0xc0: {  	[dreg:$0x1] =	wrdreg $0xFFFFFFFF  }
0xc1: {  	_ =	task.clear_ibuf [dreg:s6], $0x2FFFF;
	_ =	strace $0x9FFFFFFF  }
0xc2: {  	(tm) =	ssettm $0x7FFFFFFF  }
0xc3: {  	_ =	shalt  }
tec
execute0_lowered:
.L_overlay_start_1:
0x0: {  	(tag) =	ssettag $0x1  }
0x1: {  	s0 =	srdreg.scid;
	s1 =	rddreg [dreg:$0x0]  }
0x2: {  	s8 =	stileid.u32;
	s2 =	rddreg [dreg:$0x1];
	s10 =	simm.s32 $0x2710  }
0x3: {  	s11 =	simm.s32 $0x5;
	s13 =	simm.s32 $0x50;
	s14 =	simm.s32 $0x4E20  }
0x4: {  	s16 =	simm.s32 $0x5320;
	s17 =	simm.s32 $0x27B0;
	s18 =	simm.s32 $0x5820  }
0x5: {  	s19 =	simm.s32 $0x2800;
	s20 =	simm.s32 $0x5D20;
	s21 =	simm.s32 $0x1  }
0x6: {  	s22 =	simm.s32 $0x2;
	s23 =	simm.s32 $0x3;
	s28 =	simm.s32 $0x25D0  }
0x7: {  	s29 =	simm.s32 $0x2620;
	s30 =	simm.s32 $0x2670;
	s6 =	smul.u32 $0x500, s8  }
0x8: {  	s0 =	sand.u32 $0x1, s0;
	s3 =	sshll.u32 s8, $0x1;
	s8 =	smul.u32 $0xA000, s8  }
0x9: {  	s31 =	simm.s32 $0x26C0;
	s4 =	sor.u32 s0, s3;
	s7 =	smul.u32 $0x5000, s0  }
0xa: {  	s3 =	simm.s32 $0x0;
	s0 =	ssub.s32 $0x2, s0;
	s5 =	smul.u32 $0x4E2, s4  }
0xb: {  	[smem:$0x7FF] =	sst s3;
	s4 =	sadd.s32 $0x298E00, s1;
	s25 =	sshrl.u32 s0, $0x1  }
0xc: {  	s26 =	sshrl.u32 s8, $0x2;
	_ =	strace $0x80000056;
	s24 =	sadd.s32 s6, s7  }
0xd: {  	s0 =	ssub.s32 s0, s25;
	s7 =	sadd.s32 s26, s2;
	s25 =	simm.s32 $0x2580  }
0xe: {  	s26 =	simm.s32 $0x4DD0;
	s9 =	sadd.s32 s5, s1;
	s1 =	sadd.s32 s24, s1  }
0xf: {  	s24 =	simm.s32 $0x4;
	s5 =	sadd.s32 $0xF200, s9;
	s6 =	sadd.s32 $0x28F000, s9  }
0x10: {  	v0 =	vimm.f32 $0.0e+00;
	s8 =	sadd.s32 $0x5200, s1;
	s9 =	smax.u32 s0, $0x1;
	s1 =	simm.s32 $0x0  }
.LBB2_1:
0x11: {  	[tilespmem:s10], [sflag:$0x5] =	stream.linear.gather [hbm4b:s5+s3], $0x2710, $0x38;
	[tilespmem:$0xB220] =	vst v63  }
0x12: {  	_ =	swait.ge [sflag:s11], $0x2710  }
0x13: {  	[sflag:s11] =	ssyncset.done $0x0  }
0x14: {  	[sflag:s11] =	ssyncadd.s32 $0xFFFFD8F0  }
0x15: {  	[tilespmem:s3], [sflag:$0x5] =	stream.linear.gather [hbm4b:s6+s3], $0x2710, $0x38;
	[tilespmem:$0xB220] =	vst v63  }
0x16: {  	_ =	swait.ge [sflag:s11], $0x2710  }
0x17: {  	[sflag:s11] =	ssyncset.done $0x0  }
0x18: {  	s0 =	simm.s32 $0x40;
	s12 =	simm.s32 $0x0;
	[sflag:s11] =	ssyncadd.s32 $0xFFFFD8F0  }
.LBB2_2:
0x19: {  	p0 =	sne.s32 s0, $0x9FC0;
	[tilespmem:s12+$0x6220] =	vst v0;
	s12 =	smov.u32 s0;
	s0 =	sadd.s32 $0x40, s0  }
.Ltmp0:
0x1a: {  	(pc) =	sbr.rel @p0 .LBB2_2-.Ltmp0, $2  }
0x1b: {  	_ =	sdelay $0x2  }
0x1c: {  	s12 =	sshra.s32 s12, $0x2  }
0x1d: {  	[tilespmem:s12+$0x6220] =	vst v0;
	s0 =	simm.s32 $0x6220  }
0x1e: {  	[spmem:s7] =	stream.linear.scatter [tilespmem:s0], [sflag:$0x5], $0x2800, $0x38;
	[tilespmem:$0xB220] =	vst v63  }
0x1f: {  	_ =	swait.ge [sflag:s11], $0x2800  }
0x20: {  	[sflag:s11] =	ssyncset.done $0x0  }
0x21: {  	[sflag:s11] =	ssyncadd.s32 $0xFFFFD800  }
0x22: {  	[bflag:$0x0] =	sbarrier.arrive $0xFFFF  }
0x23: {  	[tilespmem:s14], [sflag:$0x1] =	stream.indirect.gather [hbm4b:s4+s13], $0x10, s10, s13, $0xb8;
	[tilespmem:$0xB220] =	vst v63  }
0x24: {  	s12 =	simm.s32 $0x2760  }
0x25: {  	[tilespmem:s16], [sflag:$0x2] =	stream.indirect.gather [hbm4b:s4+s13], $0x10, s12, s13, $0xb8;
	[tilespmem:$0xB220] =	vst v63  }
0x26: {  	_ = 	snop  }
0x27: {  	[tilespmem:s18], [sflag:$0x3] =	stream.indirect.gather [hbm4b:s4+s13], $0x10, s17, s13, $0xb8;
	[tilespmem:$0xB220] =	vst v63  }
0x28: {  	_ = 	snop  }
0x29: {  	[tilespmem:s20], [sflag:$0x4] =	stream.indirect.gather [hbm4b:s4+s13], $0x10, s19, s13, $0xb8;
	[tilespmem:$0xB220] =	vst v63  }
0x2a: {  	_ =	swait.ge [sflag:s21], $0x500  }
0x2b: {  	[sflag:s21] =	ssyncset.done $0x0  }
0x2c: {  	s15 =	simm.s32 $0x0;
	[sflag:s21] =	ssyncadd.s32 $0xFFFFFB00  }
0x2d: {  	[spmem:s2] =	stream.indirect.scatter.add.f32 [tilespmem:s14], [sflag:$0x5], $0x10, s15, s13, $0xb8;
	[tilespmem:$0xB220] =	vst v63  }
0x2e: {  	_ =	swait.ge [sflag:s11], $0x500  }
0x2f: {  	[sflag:s11] =	ssyncset.done $0x0  }
0x30: {  	s12 =	simm.s32 $0x2850;
	[sflag:s11] =	ssyncadd.s32 $0xFFFFFB00  }
0x31: {  	[tilespmem:s14], [sflag:$0x1] =	stream.indirect.gather [hbm4b:s4+s13], $0x10, s12, s13, $0xb8;
	[tilespmem:$0xB220] =	vst v63  }
0x32: {  	_ =	swait.ge [sflag:s22], $0x500  }
0x33: {  	[sflag:s22] =	ssyncset.done $0x0  }
0x34: {  	s15 =	simm.s32 $0x50;
	[sflag:s22] =	ssyncadd.s32 $0xFFFFFB00  }
0x35: {  	[spmem:s2] =	stream.indirect.scatter.add.f32 [tilespmem:s16], [sflag:$0x5], $0x10, s15, s13, $0xb8;
	[tilespmem:$0xB220] =	vst v63  }
0x36: {  	_ =	swait.ge [sflag:s11], $0x500  }
0x37: {  	[sflag:s11] =	ssyncset.done $0x0  }
0x38: {  	s12 =	simm.s32 $0x28A0;
	[sflag:s11] =	ssyncadd.s32 $0xFFFFFB00  }
0x39: {  	[tilespmem:s16], [sflag:$0x2] =	stream.indirect.gather [hbm4b:s4+s13], $0x10, s12, s13, $0xb8;
	[tilespmem:$0xB220] =	vst v63  }
0x3a: {  	_ =	swait.ge [sflag:s23], $0x500  }
0x3b: {  	[sflag:s23] =	ssyncset.done $0x0  }
0x3c: {  	s15 =	simm.s32 $0xA0;
	[sflag:s23] =	ssyncadd.s32 $0xFFFFFB00  }
0x3d: {  	[spmem:s2] =	stream.indirect.scatter.add.f32 [tilespmem:s18], [sflag:$0x5], $0x10, s15, s13, $0xb8;
	[tilespmem:$0xB220] =	vst v63  }
0x3e: {  	_ =	swait.ge [sflag:s11], $0x500  }
0x3f: {  	[sflag:s11] =	ssyncset.done $0x0  }
0x40: {  	s12 =	simm.s32 $0x28F0;
	[sflag:s11] =	ssyncadd.s32 $0xFFFFFB00  }
0x41: {  	[tilespmem:s18], [sflag:$0x3] =	stream.indirect.gather [hbm4b:s4+s13], $0x10, s12, s13, $0xb8;
	[tilespmem:$0xB220] =	vst v63  }
0x42: {  	_ =	swait.ge [sflag:s24], $0x500  }
0x43: {  	[sflag:s24] =	ssyncset.done $0x0  }
0x44: {  	s15 =	simm.s32 $0xF0;
	[sflag:s24] =	ssyncadd.s32 $0xFFFFFB00  }
0x45: {  	[spmem:s2] =	stream.indirect.scatter.add.f32 [tilespmem:s20], [sflag:$0x5], $0x10, s15, s13, $0xb8;
	[tilespmem:$0xB220] =	vst v63  }
0x46: {  	_ =	swait.ge [sflag:s11], $0x500  }
0x47: {  	[sflag:s11] =	ssyncset.done $0x0  }
0x48: {  	s0 =	simm.s32 $0x500;
	s12 =	simm.s32 $0x2940;
	[sflag:s11] =	ssyncadd.s32 $0xFFFFFB00  }
.LBB2_4:
0x49: {  	[tilespmem:s20], [sflag:$0x4] =	stream.indirect.gather [hbm4b:s4+s13], $0x10, s12, s13, $0xb8;
	[tilespmem:$0xB220] =	vst v63  }
0x4a: {  	s12 =	smov.u32 s0  }
0x4b: {  	p0 =	sne.s32 s0, $0x9100;
	s0 =	sadd.s32 $0x500, s0;
	_ =	swait.ge [sflag:s21], $0x500  }
0x4c: {  	[sflag:s21] =	ssyncset.done $0x0  }
0x4d: {  	s12 =	sshra.s32 s12, $0x2;
	[sflag:s21] =	ssyncadd.s32 $0xFFFFFB00  }
0x4e: {  	[spmem:s2] =	stream.indirect.scatter.add.f32 [tilespmem:s14], [sflag:$0x5], $0x10, s12, s13, $0xb8;
	[tilespmem:$0xB220] =	vst v63  }
0x4f: {  	_ =	swait.ge [sflag:s11], $0x500  }
0x50: {  	[sflag:s11] =	ssyncset.done $0x0  }
0x51: {  	s15 =	sadd.s32 $0x2850, s12;
	[sflag:s11] =	ssyncadd.s32 $0xFFFFFB00  }
0x52: {  	[tilespmem:s14], [sflag:$0x1] =	stream.indirect.gather [hbm4b:s4+s13], $0x10, s15, s13, $0xb8;
	[tilespmem:$0xB220] =	vst v63  }
0x53: {  	_ =	swait.ge [sflag:s22], $0x500  }
0x54: {  	[sflag:s22] =	ssyncset.done $0x0  }
0x55: {  	s15 =	sadd.s32 $0x50, s12;
	[sflag:s22] =	ssyncadd.s32 $0xFFFFFB00  }
0x56: {  	[spmem:s2] =	stream.indirect.scatter.add.f32 [tilespmem:s16], [sflag:$0x5], $0x10, s15, s13, $0xb8;
	[tilespmem:$0xB220] =	vst v63  }
0x57: {  	_ =	swait.ge [sflag:s11], $0x500  }
0x58: {  	[sflag:s11] =	ssyncset.done $0x0  }
0x59: {  	s15 =	sadd.s32 $0x28A0, s12;
	[sflag:s11] =	ssyncadd.s32 $0xFFFFFB00  }
0x5a: {  	[tilespmem:s16], [sflag:$0x2] =	stream.indirect.gather [hbm4b:s4+s13], $0x10, s15, s13, $0xb8;
	[tilespmem:$0xB220] =	vst v63  }
0x5b: {  	_ =	swait.ge [sflag:s23], $0x500  }
0x5c: {  	[sflag:s23] =	ssyncset.done $0x0  }
0x5d: {  	s15 =	sadd.s32 $0xA0, s12;
	[sflag:s23] =	ssyncadd.s32 $0xFFFFFB00  }
0x5e: {  	[spmem:s2] =	stream.indirect.scatter.add.f32 [tilespmem:s18], [sflag:$0x5], $0x10, s15, s13, $0xb8;
	[tilespmem:$0xB220] =	vst v63  }
0x5f: {  	_ =	swait.ge [sflag:s11], $0x500  }
0x60: {  	[sflag:s11] =	ssyncset.done $0x0  }
0x61: {  	s15 =	sadd.s32 $0x28F0, s12;
	[sflag:s11] =	ssyncadd.s32 $0xFFFFFB00  }
0x62: {  	[tilespmem:s18], [sflag:$0x3] =	stream.indirect.gather [hbm4b:s4+s13], $0x10, s15, s13, $0xb8;
	[tilespmem:$0xB220] =	vst v63  }
0x63: {  	_ =	swait.ge [sflag:s24], $0x500  }
0x64: {  	[sflag:s24] =	ssyncset.done $0x0  }
.Ltmp1:
0x65: {  	s15 =	sadd.s32 $0xF0, s12;
	[sflag:s24] =	ssyncadd.s32 $0xFFFFFB00;
	(pc) =	sbr.rel @p0 .LBB2_4-.Ltmp1, $4  }
0x66: {  	[spmem:s2] =	stream.indirect.scatter.add.f32 [tilespmem:s20], [sflag:$0x5], $0x10, s15, s13, $0xb8;
	[tilespmem:$0xB220] =	vst v63  }
0x67: {  	_ =	swait.ge [sflag:s11], $0x500  }
0x68: {  	[sflag:s11] =	ssyncset.done $0x0  }
0x69: {  	s12 =	sadd.s32 $0x2940, s12;
	[sflag:s11] =	ssyncadd.s32 $0xFFFFFB00  }
0x6a: {  	[tilespmem:s20], [sflag:$0x4] =	stream.indirect.gather [hbm4b:s4+s13], $0x10, s12, s13, $0xb8;
	[tilespmem:$0xB220] =	vst v63  }
0x6b: {  	_ =	swait.ge [sflag:s21], $0x500  }
0x6c: {  	[sflag:s21] =	ssyncset.done $0x0  }
0x6d: {  	[sflag:s21] =	ssyncadd.s32 $0xFFFFFB00  }
0x6e: {  	[spmem:s2] =	stream.indirect.scatter.add.f32 [tilespmem:s14], [sflag:$0x5], $0x10, s25, s13, $0xb8;
	[tilespmem:$0xB220] =	vst v63  }
0x6f: {  	_ =	swait.ge [sflag:s11], $0x500  }
0x70: {  	[sflag:s11] =	ssyncset.done $0x0  }
0x71: {  	[sflag:s11] =	ssyncadd.s32 $0xFFFFFB00  }
0x72: {  	[tilespmem:s14], [sflag:$0x1] =	stream.indirect.gather [hbm4b:s4+s13], $0x10, s26, s13, $0xb8;
	[tilespmem:$0xB220] =	vst v63  }
0x73: {  	_ =	swait.ge [sflag:s22], $0x500  }
0x74: {  	[sflag:s22] =	ssyncset.done $0x0  }
0x75: {  	[sflag:s22] =	ssyncadd.s32 $0xFFFFFB00  }
0x76: {  	[spmem:s2] =	stream.indirect.scatter.add.f32 [tilespmem:s16], [sflag:$0x5], $0x10, s28, s13, $0xb8;
	[tilespmem:$0xB220] =	vst v63  }
0x77: {  	_ =	swait.ge [sflag:s11], $0x500  }
0x78: {  	[sflag:s11] =	ssyncset.done $0x0  }
0x79: {  	[sflag:s11] =	ssyncadd.s32 $0xFFFFFB00  }
0x7a: {  	_ =	swait.ge [sflag:s23], $0x500  }
0x7b: {  	[sflag:s23] =	ssyncset.done $0x0  }
0x7c: {  	[sflag:s23] =	ssyncadd.s32 $0xFFFFFB00  }
0x7d: {  	[spmem:s2] =	stream.indirect.scatter.add.f32 [tilespmem:s18], [sflag:$0x5], $0x10, s29, s13, $0xb8;
	[tilespmem:$0xB220] =	vst v63  }
0x7e: {  	_ =	swait.ge [sflag:s11], $0x500  }
0x7f: {  	[sflag:s11] =	ssyncset.done $0x0  }
0x80: {  	[sflag:s11] =	ssyncadd.s32 $0xFFFFFB00  }
0x81: {  	_ =	swait.ge [sflag:s24], $0x500  }
0x82: {  	[sflag:s24] =	ssyncset.done $0x0  }
0x83: {  	[sflag:s24] =	ssyncadd.s32 $0xFFFFFB00  }
0x84: {  	[spmem:s2] =	stream.indirect.scatter.add.f32 [tilespmem:s20], [sflag:$0x5], $0x10, s30, s13, $0xb8;
	[tilespmem:$0xB220] =	vst v63  }
0x85: {  	_ =	swait.ge [sflag:s11], $0x500  }
0x86: {  	[sflag:s11] =	ssyncset.done $0x0  }
0x87: {  	[sflag:s11] =	ssyncadd.s32 $0xFFFFFB00  }
0x88: {  	_ =	swait.ge [sflag:s21], $0x500  }
0x89: {  	[sflag:s21] =	ssyncset.done $0x0  }
0x8a: {  	[sflag:s21] =	ssyncadd.s32 $0xFFFFFB00  }
0x8b: {  	[spmem:s2] =	stream.indirect.scatter.add.f32 [tilespmem:s14], [sflag:$0x5], $0x10, s31, s13, $0xb8;
	[tilespmem:$0xB220] =	vst v63  }
0x8c: {  	s0 =	stileid.u32;
	_ =	swait.ge [sflag:s11], $0x500  }
0x8d: {  	s15 =	sshrl.u32 s7, $0x3;
	s1 =	sadd.s32 $0x1, s1;
	[sflag:s11] =	ssyncset.done $0x0  }
0x8e: {  	s0 =	sshll.u32 s0, $0x6;
	p0 =	sne.s32 s1, s9;
	[sflag:s11] =	ssyncadd.s32 $0xFFFFFB00  }
.Ltmp2:
0x8f: {  	s0 =	sor.u32 $0x1C05, s0;
	[bflag:$0x0] =	sbarrier.arrive $0xFFFF;
	(pc) =	sbr.rel @p0 .LBB2_1-.Ltmp2, $4  }
0x90: {  	[hbm:s8], [sflag:s0] =	dma.local [spmem:s15], $0x500  }
0x91: {  	_ =	swait.ge [sflag:s11], $0x500  }
0x92: {  	[sflag:s11] =	ssyncset.done $0x0  }
0x93: {  	[sflag:s11] =	ssyncadd.s32 $0xFFFFFB00  }
0x94: {  	_ =	sfence.sel $0x180000  }
0x95: {  	[bflag:$0x0] =	sbarrier.arrive $0xFFFF  }
0x96: {  	_ =	strace $0x90000056  }
0x97: {  	s0 =	stileid.u32;
	[bflag:$0x2] =	sbarrier.arrive $0xFFFF  }
0x98: {  	p0 =	sne.s32 s0, $0x0;
	s0 =	rddreg [dreg:$0x2]  }
0x99: {  	s0 =	sadd.s32 @!p0 $0x100000, s0  }
0x9a: {  	[sflag:s0] =	ssyncadd.tile.s32 @!p0 $0x1;
	_ =	shalt  }
.Lfunc_end2:
_tile_overlayer_lowered:
.L_overlay_start_2:
0x9b: {  	(tag) =	ssettag $0x2  }
0x9c: {  	s0 =	rddreg [dreg:$0x0];
	s2 =	stileid.u32  }
0x9d: {  	s1 =	rddreg [dreg:$0x1];
	p0 =	sne.s32 s2, $0x0  }
0x9e: {  	s3 =	rddreg [dreg:$0x2];
	[bflag:$0x3] =	sbarrier.arrive $0xFFFF;
	s2 =	simm.s32 @!p0 $0x1C05  }
0x9f: {  	[timem:s3], [sflag:s2] =	dma.local @!p0 [hbm:s0], s1  }
0xa0: {  	s0 =	simm.s32 @!p0 $0x5  }
0xa1: {  	_ =	swait.ge @!p0 [sflag:s0], s1  }
0xa2: {  	s1 =	ssub.s32 @!p0 $0x0, s1;
	[sflag:s0] =	ssyncset.done @!p0 $0x0  }
0xa3: {  	[sflag:s0] =	ssyncadd.s32 @!p0 s1  }
0xa4: {  	[bflag:$0x3] =	sbarrier.arrive $0xFFFF  }
0xa5: {  	_ =	shalt  }

// kernel: sparse-core-data-format-call.1.cloned.1.call-start
scs
called_computation.1_lowered:
.L_overlay_start_0:
0x0: {  	s1 =	sld [smem:$0x3FD9]  }
0x1: {  	s2 =	sld [smem:$0x3FFE];
	_ =	sdelay $0x1  }
0x2: {  	s3 =	srdreg.scid  }
0x3: {  	s0 =	sand.u32 $0x1, s3  }
0x4: {  	s17 =	sshll.u32 s0, $0xA;
	s1 =	sadd.s32 s2, s1  }
0x5: {  	s1 =	sadd.s32 s1, s17  }
0x6: {  	[smem:$0x3FAD] =	sst s1  }
0x7: {  	_ = 	snop  }
0x8: {  	(tm) =	ssettm $0x1  }
0x9: {  	s18 =	sld [smem:$0x3FFB];
	_ =	sdelay $0x3  }
0xa: {  	_ =	strace s18  }
0xb: {  	s1 =	sld [smem:$0x3FFC];
	_ =	sdelay $0x3  }
0xc: {  	_ =	strace s1  }
0xd: {  	s1 =	sld [smem:$0x3FFD];
	_ =	sdelay $0x3  }
0xe: {  	_ =	strace s1  }
0xf: {  	_ =	strace $0x8FFFFFFF  }
0x10: {  	s19 =	sld [smem:$0x3FDB];
	_ =	sdelay $0x1  }
0x11: {  	s20 =	simm.s32 $_scs_section_size  }
0x12: {  	s4 =	simm.s32 $_size__tile_overlayer_lowered;
	s5 =	simm.s32 $_tile_overlayer_lowered  }
0x13: {  	s23 =	simm.s32 $0x1BFF;
	s22 =	sshll.u32 s5, $0x1;
	s1 =	sadd.s32 s20, s19  }
0x14: {  	s6 =	simm.s32 $0x0;
	s21 =	sshll.u32 s4, $0x1;
	s4 =	sadd.s32 s22, s1  }
0x15: {  	[timem:s6], [sflag:s23] =	dma.local [hbm:s4], s21  }
0x16: {  	_ =	swait.ge [sflag:s23], s21  }
0x17: {  	s2 =	ssub.s32 $0x0, s21;
	[sflag:s23] =	ssyncset.done $0x0  }
0x18: {  	[sflag:s23] =	ssyncadd.s32 s2;
	_ =	sdelay $0x1  }
0x19: {  	s24 =	simm.s32 $0x1B8B  }
0x1a: {  	_ =	swait.ge [sflag:s24], $0x1  }
0x1b: {  	[sflag:s24] =	ssyncset.done $0x0  }
0x1c: {  	s26 =	simm.s32 $0x1B8E;
	s25 =	sld [smem:$0x3FFE];
	[sflag:s24] =	ssyncadd.s32 $0xFFFFFFFF  }
0x1d: {  	s27 =	simm.s32 $execute0_lowered;
	[smem:$0x3FD2] =	sst s26  }
0x1e: {  	s4 =	sshll.u32 s27, $0x1;
	_ =	strace $0x8000004C;
	[dreg:$0x1] =	wrdreg $0xFFFFFFFF  }
0x1f: {  	s28 =	simm.s32 $_size_execute0_lowered;
	s1 =	sadd.s32 s1, s4;
	[dreg:$0x0] =	wrdreg $0x0  }
0x20: {  	s4 =	sshll.u32 s28, $0x1;
	[dreg:$0x2] =	wrdreg s1  }
0x21: {  	[dreg:$0x3] =	wrdreg s4  }
0x22: {  	[dreg:$0x4] =	wrdreg $0xC0  }
0x23: {  	_ =	task [dreg:s6], $0x5FFFF  }
0x24: {  	[dreg:$0x1] =	wrdreg $0xFFFFFFFF  }
0x25: {  	[dreg:$0x0] =	wrdreg $0x60  }
0x26: {  	[dreg:$0x2] =	wrdreg s25  }
0x27: {  	[dreg:$0x3] =	wrdreg $0x9  }
0x28: {  	_ =	task.clear_ibuf [dreg:s6], $0x4FFFF;
	_ =	strace $0x9000004C  }
0x29: {  	s29 =	simm.s32 $0x9;
	_ =	strace $0x8000004E  }
0x2a: {  	_ =	swait.ge [sflag:s29], $0x1  }
0x2b: {  	[sflag:s29] =	ssyncadd.s32 $0xFFFFFFFF  }
0x2c: {  	_ =	strace $0x9000004E  }
0x2d: {  	_ =	sfence  }
0x2e: {  	s30 =	sld [smem:$0x0];
	_ =	sdelay $0x2  }
0x2f: {  	s31 =	sshll.u32 s3, $0xD;
	s3 =	sshrl.u32 s3, $0x2  }
0x30: {  	s2 =	sand.u32 $0x4000, s31;
	s1 =	sadd.s32 s3, s30  }
0x31: {  	s0 =	sor.u32 s2, s0;
	s1 =	sshll.u32 s1, $0x11  }
0x32: {  	s0 =	sor.u32 s1, s0  }
0x33: {  	s0 =	sadd.s32 $0x8F2B, s0  }
0x34: {  	[sflag:s0] =	ssyncadd.remote.s32 $0x1  }
0x35: {  	_ =	sfence.sel $0xFFFF  }
0x36: {  	[dreg:$0x0] =	wrdreg $0xFFFFFFFF;
	(pc) =	sbr.abs _section_cstart, $3  }
0x37: {  	[dreg:$0x1] =	wrdreg $0xFFFFFFFF  }
0x38: {  	_ =	task.clear_ibuf [dreg:s6], $0x2FFFF;
	_ =	strace $0x9FFFFFFF  }
0x39: {  	(tm) =	ssettm $0x7FFFFFFF  }
tec
execute0_lowered:
.L_overlay_start_1:
0x0: {  	(tag) =	ssettag $0x1  }
0x1: {  	s0 =	srdreg.scid  }
0x2: {  	s1 =	sshll.u32 s0, $0x4  }
0x3: {  	s4 =	rddreg [dreg:$0x0];
	s0 =	stileid.u32;
	s1 =	sand.u32 $0x10, s1  }
0x4: {  	s7 =	simm.s32 $0x1;
	s8 =	simm.s32 $0x2;
	s1 =	sor.u32 s0, s1  }
0x5: {  	s9 =	simm.s32 $0x0;
	s12 =	simm.s32 $0x0;
	s2 =	sshll.u32 s1, $0x1  }
0x6: {  	s11 =	simm.s32 $0x0;
	s3 =	sadd.s32 $0x19000, s4;
	s6 =	ssub.s32 $0x500, s2  }
.Ltmp0:
0x7: {  	s4 =	sadd.s32 $0x298E00, s4;
	s5 =	sand.u32 $0x3E, s6;
	(pc) =	sbr.rel .LBB1_1-.Ltmp0, $4  }
0x8: {  	s1 =	rddreg [dreg:$0x1];
	_ =	strace $0x8000004D;
	p0 =	sne.s32 s5, $0x0  }
0x9: {  	s6 =	sshrl.u32 s6, $0x6;
	s5 =	simm.s32 $0x1;
	s7 =	simm.s32 @!p0 $0x0  }
0xa: {  	s10 =	smov.u32 s2;
	[sflag:s5] =	ssyncpa.u1 $0x0;
	s6 =	sadd.s32 s7, s6  }
0xb: {  	[sflag:s8] =	ssyncpa.u1 $0x0;
	s8 =	simm.s32 $0x0;
	s7 =	sadd.s32 $0x1, s6  }
.LBB1_9:
0xc: {  	s14 =	sadd.s32 $0x40, s10  }
0xd: {  	p1 =	sgt.s32 s14, $0x4FF  }
0xe: {  	s14 =	smov.u32 @p1 s2;
	p1 =	sne.s32 s11, s7  }
.Ltmp1:
0xf: {  	p0 =	slt.u32 s11, $0x2;
	(pc) =	sbr.rel @!p1 .LBB1_10-.Ltmp1, $4  }
0x10: {  	s13 =	simm.s32 @!p0 $0x2  }
0x11: {  	s15 =	sadd.s32 $0x1, s11;
	_ =	swait.ge @!p0 [sflag:s13], $0x4000  }
0x12: {  	s12 =	smov.u32 s10;
	s9 =	sadd.s32 $0x4000, s9;
	[sflag:s13] =	ssyncset.done @!p0 $0x0  }
0x13: {  	s11 =	smov.u32 s15;
	s10 =	smov.u32 s14;
	[sflag:s13] =	ssyncadd.s32 @!p0 $0xFFFFC000  }
.LBB1_1:
0x14: {  	p0 =	sge.u32 s11, s6  }
0x15: {  	s13 =	sxor.u32 @!p0 $0xFFFFFFFF, s11  }
0x16: {  	s31 =	sadd.s32 $0xFFFFFFFF, s11;
	s14 =	sshll.u32 @!p0 s10, $0xA;
	s13 =	sshll.u32 @!p0 s13, $0xE  }
0x17: {  	s15 =	simm.s32 @!p0 $0x0;
	s14 =	sadd.s32 @!p0 s3, s14;
	s13 =	sand.u32 @!p0 $0x4000, s13  }
0x18: {  	[tilespmem:s13], [sflag:$0x1] =	stream.linear.gather @!p0 [hbm4b:s14+s15], $0x4000, $0x38;
	[tilespmem:$0x10000] =	vst v63  }
0x19: {  	p0 =	sge.u32 s31, s6  }
.Ltmp2:
0x1a: {  	_ = 	snop;
	(pc) =	sbr.rel @p0 .LBB1_9-.Ltmp2, $1  }
0x1b: {  	_ =	sdelay $0x3  }
0x1c: {  	s13 =	sshll.u32 s9, $0x2  }
0x1d: {  	_ =	swait.ge [sflag:s5], $0x4000;
	s14 =	sshll.u32 s11, $0xE;
	s16 =	simm.s32 $0x0  }
0x1e: {  	p1 =	por $0x1, $0x1;
	s13 =	sand.u32 $0x10000, s13;
	[sflag:s5] =	ssyncset.done $0x0  }
0x1f: {  	s14 =	sand.u32 $0x4000, s14;
	s15 =	sshrl.u32 s13, $0x2;
	[sflag:s5] =	ssyncadd.s32 $0xFFFFC000  }
0x20: {  	s13 =	sor.u32 $0x8000, s14;
	s14 =	sadd.s32 $0x8040, s15;
	s15 =	sadd.s32 $0x40, s15  }
.LBB1_3:
0x21: {  	s16 =	sshll.u32 s16, $0x2  }
0x22: {  	p0 =	por p1, p1;
	s17 =	sshra.s32 s16, $0x2  }
0x23: {  	s18 =	simm.s32 $0x0;
	s16 =	sadd.s32 s17, s14;
	s17 =	sadd.s32 s17, s15  }
.LBB1_4:
0x24: {  	v0 =	vmov s17;
	_ =	sdelay $0x3  }
0x25: {  	s20 =	simm.s32 $0x0  }
0x26: {  	v6 =	vld.idx.msk [tilespmem:v0+s20+$0x30 ss:$0x1], $0xffff  }
0x27: {  	v7 =	vld.idx.msk [tilespmem:v0+s20+$0xFFFFFFC0 ss:$0x1], $0xffff  }
0x28: {  	v5 =	vld.idx.msk [tilespmem:v0+s20+$0xFFFFFFD0 ss:$0x1], $0xffff  }
0x29: {  	v4 =	vld.idx.msk [tilespmem:v0+s20+$0xFFFFFFE0 ss:$0x1], $0xffff  }
0x2a: {  	v3 =	vld.idx.msk [tilespmem:v0+s20+$0xFFFFFFF0 ss:$0x1], $0xffff  }
0x2b: {  	v1 =	vld.idx.msk [tilespmem:v0+s20+$0x0 ss:$0x1], $0xffff  }
0x2c: {  	v2 =	vld.idx.msk [tilespmem:v0+s20+$0x10 ss:$0x1], $0xffff;
	[tilespmem:s16+$0x30] =	vst v6  }
0x2d: {  	s19 =	simm.s32 $0x80;
	s21 =	simm.s32 $0x400;
	[tilespmem:s16+$0xFFFFFFC0] =	vst v7;
	v6 =	vld.idx.msk [tilespmem:v0+s20+$0x20 ss:$0x1], $0xffff;
	s20 =	smov.u32 s16  }
.LBB1_5:
0x2e: {  	p1 =	sne.s32 s21, $0xE00;
	v7 =	vld.idx.msk [tilespmem:v0+s19+$0x30 ss:$0x1], $0xffff;
	[tilespmem:s20+$0xFFFFFFD0] =	vst v5  }
0x2f: {  	v8 =	vld.idx.msk [tilespmem:v0+s19+$0xFFFFFFC0 ss:$0x1], $0xffff;
	[tilespmem:s20+$0xFFFFFFE0] =	vst v4  }
0x30: {  	v5 =	vld.idx.msk [tilespmem:v0+s19+$0xFFFFFFD0 ss:$0x1], $0xffff;
	[tilespmem:s20+$0xFFFFFFF0] =	vst v3  }
.Ltmp3:
0x31: {  	v4 =	vld.idx.msk [tilespmem:v0+s19+$0xFFFFFFE0 ss:$0x1], $0xffff;
	[tilespmem:s20+$0x0] =	vst v1;
	(pc) =	sbr.rel @p1 .LBB1_5-.Ltmp3, $4  }
0x32: {  	v3 =	vld.idx.msk [tilespmem:v0+s19+$0xFFFFFFF0 ss:$0x1], $0xffff;
	[tilespmem:s20+$0x10] =	vst v2  }
0x33: {  	v1 =	vld.idx.msk [tilespmem:v0+s19+$0x0 ss:$0x1], $0xffff;
	[tilespmem:s20+$0x20] =	vst v6;
	s20 =	sadd.s32 $0x400, s20  }
0x34: {  	v2 =	vld.idx.msk [tilespmem:v0+s19+$0x10 ss:$0x1], $0xffff;
	[tilespmem:s20+$0x30] =	vst v7  }
0x35: {  	[tilespmem:s20+$0xFFFFFFC0] =	vst v8;
	v6 =	vld.idx.msk [tilespmem:v0+s19+$0x20 ss:$0x1], $0xffff;
	s19 =	sshra.s32 s21, $0x2;
	s21 =	sadd.s32 $0x200, s21  }
0x36: {  	_ =	sdelay $0x2  }
0x37: {  	[tilespmem:s20+$0xFFFFFFD0] =	vst v5  }
0x38: {  	v56 =	vld.idx.msk [tilespmem:v0+s19+$0x30 ss:$0x1], $0xffff;
	[tilespmem:s20+$0xFFFFFFE0] =	vst v4  }
0x39: {  	v57 =	vld.idx.msk [tilespmem:v0+s19+$0xFFFFFFC0 ss:$0x1], $0xffff;
	[tilespmem:s20+$0xFFFFFFF0] =	vst v3  }
0x3a: {  	v58 =	vld.idx.msk [tilespmem:v0+s19+$0xFFFFFFD0 ss:$0x1], $0xffff;
	[tilespmem:s20+$0x0] =	vst v1  }
0x3b: {  	v59 =	vld.idx.msk [tilespmem:v0+s19+$0xFFFFFFE0 ss:$0x1], $0xffff;
	[tilespmem:s20+$0x10] =	vst v2  }
0x3c: {  	v60 =	vld.idx.msk [tilespmem:v0+s19+$0xFFFFFFF0 ss:$0x1], $0xffff;
	s31 =	sadd.s32 $0x400, s20;
	[tilespmem:s20+$0x20] =	vst v6  }
0x3d: {  	v61 =	vld.idx.msk [tilespmem:v0+s19+$0x0 ss:$0x1], $0xffff;
	[tilespmem:s31+$0x30] =	vst v56  }
0x3e: {  	v62 =	vld.idx.msk [tilespmem:v0+s19+$0x10 ss:$0x1], $0xffff;
	s18 =	sadd.s32 $0x1, s18;
	[tilespmem:s31+$0xFFFFFFC0] =	vst v57  }
0x3f: {  	v63 =	vld.idx.msk [tilespmem:v0+s19+$0x20 ss:$0x1], $0xffff;
	p1 =	sne.s32 s18, $0x8;
	[tilespmem:s31+$0xFFFFFFD0] =	vst v58  }
.Ltmp4:
0x40: {  	[tilespmem:s31+$0xFFFFFFE0] =	vst v59;
	(pc) =	sbr.rel @p1 .LBB1_4-.Ltmp4, $4  }
0x41: {  	[tilespmem:s31+$0xFFFFFFF0] =	vst v60  }
0x42: {  	[tilespmem:s31+$0x0] =	vst v61  }
0x43: {  	[tilespmem:s31+$0x10] =	vst v62  }
0x44: {  	s16 =	sadd.s32 $0x80, s16;
	s17 =	sadd.s32 $0x400, s17;
	[tilespmem:s31+$0x20] =	vst v63  }
.Ltmp5:
0x45: {  	(pc) =	sbr.rel @p0 .LBB1_3-.Ltmp5, $2  }
0x46: {  	_ =	sdelay $0x2  }
0x47: {  	s16 =	simm.s32 $0x2000;
	p1 =	por $0x0, $0x0  }
.Ltmp6:
0x48: {  	(pc) =	sbr.rel .LBB1_9-.Ltmp6, $4  }
0x49: {  	_ = 	snop  }
0x4a: {  	s12 =	sshll.u32 s12, $0xA  }
0x4b: {  	s12 =	sadd.s32 s4, s12  }
0x4c: {  	[hbm4b:s12+s8] =	stream.linear.scatter [tilespmem:s13], [sflag:$0x2], $0x4000, $0x38;
	[tilespmem:$0x10000] =	vst v63  }
.LBB1_10:
0x4d: {  	_ =	sfence.sel $0x180000  }
0x4e: {  	s2 =	simm.s32 $0x1;
	[bflag:$0x0] =	sbarrier.arrive $0xFFFF  }
0x4f: {  	s31 =	simm.s32 $0x2;
	[sflag:s2] =	ssyncpa.u1 $0x1  }
0x50: {  	[sflag:s31] =	ssyncpa.u1 $0x1  }
0x51: {  	p0 =	sne.s32 s0, $0x0;
	_ =	strace $0x9000004D  }
0x52: {  	s0 =	sadd.s32 @!p0 $0x100000, s1;
	[bflag:$0x2] =	sbarrier.arrive $0xFFFF  }
0x53: {  	[sflag:s0] =	ssyncadd.tile.s32 @!p0 $0x1;
	_ =	shalt  }
.Lfunc_end1:
_tile_overlayer_lowered:
.L_overlay_start_2:
0x54: {  	(tag) =	ssettag $0x2  }
0x55: {  	s0 =	rddreg [dreg:$0x0];
	s2 =	stileid.u32  }
0x56: {  	s1 =	rddreg [dreg:$0x1];
	p0 =	sne.s32 s2, $0x0  }
0x57: {  	s3 =	rddreg [dreg:$0x2];
	[bflag:$0x3] =	sbarrier.arrive $0xFFFF;
	s2 =	simm.s32 @!p0 $0x1C01  }
0x58: {  	[timem:s3], [sflag:s2] =	dma.local @!p0 [hbm:s0], s1  }
0x59: {  	s0 =	simm.s32 @!p0 $0x1  }
0x5a: {  	_ =	swait.ge @!p0 [sflag:s0], s1  }
0x5b: {  	s1 =	ssub.s32 @!p0 $0x0, s1;
	[sflag:s0] =	ssyncset.done @!p0 $0x0  }
0x5c: {  	[sflag:s0] =	ssyncadd.s32 @!p0 s1  }
0x5d: {  	[bflag:$0x3] =	sbarrier.arrive $0xFFFF  }
0x5e: {  	_ =	shalt  }

// kernel: sparse-core-data-format-call.2.cloned.1.call-start
scs
called_computation.2_lowered:
.L_overlay_start_0:
0x0: {  	s1 =	sld [smem:$0x3FD9]  }
0x1: {  	s2 =	sld [smem:$0x3FFE];
	_ =	sdelay $0x1  }
0x2: {  	s3 =	srdreg.scid  }
0x3: {  	s0 =	sand.u32 $0x1, s3  }
0x4: {  	s17 =	sshll.u32 s0, $0xA;
	s1 =	sadd.s32 s2, s1  }
0x5: {  	s1 =	sadd.s32 s1, s17  }
0x6: {  	[smem:$0x3FAD] =	sst s1  }
0x7: {  	_ = 	snop  }
0x8: {  	(tm) =	ssettm $0x1  }
0x9: {  	s18 =	sld [smem:$0x3FFB];
	_ =	sdelay $0x3  }
0xa: {  	_ =	strace s18  }
0xb: {  	s1 =	sld [smem:$0x3FFC];
	_ =	sdelay $0x3  }
0xc: {  	_ =	strace s1  }
0xd: {  	s1 =	sld [smem:$0x3FFD];
	_ =	sdelay $0x3  }
0xe: {  	_ =	strace s1  }
0xf: {  	_ =	strace $0x8FFFFFFF  }
0x10: {  	s19 =	sld [smem:$0x3FDB];
	_ =	sdelay $0x1  }
0x11: {  	s20 =	simm.s32 $_scs_section_size  }
0x12: {  	s4 =	simm.s32 $_size__tile_overlayer_lowered;
	s5 =	simm.s32 $_tile_overlayer_lowered  }
0x13: {  	s23 =	simm.s32 $0x1BFF;
	s22 =	sshll.u32 s5, $0x1;
	s1 =	sadd.s32 s20, s19  }
0x14: {  	s6 =	simm.s32 $0x0;
	s21 =	sshll.u32 s4, $0x1;
	s4 =	sadd.s32 s22, s1  }
0x15: {  	[timem:s6], [sflag:s23] =	dma.local [hbm:s4], s21  }
0x16: {  	_ =	swait.ge [sflag:s23], s21  }
0x17: {  	s2 =	ssub.s32 $0x0, s21;
	[sflag:s23] =	ssyncset.done $0x0  }
0x18: {  	[sflag:s23] =	ssyncadd.s32 s2;
	_ =	sdelay $0x1  }
0x19: {  	s24 =	simm.s32 $0x1B8B  }
0x1a: {  	_ =	swait.ge [sflag:s24], $0x1  }
0x1b: {  	[sflag:s24] =	ssyncset.done $0x0  }
0x1c: {  	s26 =	simm.s32 $0x1B8E;
	s25 =	sld [smem:$0x3FFE];
	[sflag:s24] =	ssyncadd.s32 $0xFFFFFFFF  }
0x1d: {  	s27 =	simm.s32 $execute0_lowered;
	[smem:$0x3FD2] =	sst s26  }
0x1e: {  	s4 =	sshll.u32 s27, $0x1;
	_ =	strace $0x80000046;
	[dreg:$0x1] =	wrdreg $0xFFFFFFFF  }
0x1f: {  	s28 =	simm.s32 $_size_execute0_lowered;
	s1 =	sadd.s32 s1, s4;
	[dreg:$0x0] =	wrdreg $0x0  }
0x20: {  	s4 =	sshll.u32 s28, $0x1;
	[dreg:$0x2] =	wrdreg s1  }
0x21: {  	[dreg:$0x3] =	wrdreg s4  }
0x22: {  	[dreg:$0x4] =	wrdreg $0xC0  }
0x23: {  	_ =	task [dreg:s6], $0x5FFFF  }
0x24: {  	[dreg:$0x1] =	wrdreg $0xFFFFFFFF  }
0x25: {  	[dreg:$0x0] =	wrdreg $0x60  }
0x26: {  	[dreg:$0x2] =	wrdreg s25  }
0x27: {  	[dreg:$0x3] =	wrdreg $0x9  }
0x28: {  	_ =	task.clear_ibuf [dreg:s6], $0x4FFFF;
	_ =	strace $0x90000046  }
0x29: {  	s29 =	simm.s32 $0x9;
	_ =	strace $0x80000048  }
0x2a: {  	_ =	swait.ge [sflag:s29], $0x1  }
0x2b: {  	[sflag:s29] =	ssyncadd.s32 $0xFFFFFFFF  }
0x2c: {  	_ =	strace $0x90000048  }
0x2d: {  	_ =	sfence  }
0x2e: {  	s30 =	sld [smem:$0x0];
	_ =	sdelay $0x2  }
0x2f: {  	s31 =	sshll.u32 s3, $0xD;
	s3 =	sshrl.u32 s3, $0x2  }
0x30: {  	s2 =	sand.u32 $0x4000, s31;
	s1 =	sadd.s32 s3, s30  }
0x31: {  	s0 =	sor.u32 s2, s0;
	s1 =	sshll.u32 s1, $0x11  }
0x32: {  	s0 =	sor.u32 s1, s0  }
0x33: {  	s0 =	sadd.s32 $0x8F2B, s0  }
0x34: {  	[sflag:s0] =	ssyncadd.remote.s32 $0x1  }
0x35: {  	_ =	sfence.sel $0xFFFF  }
0x36: {  	[dreg:$0x0] =	wrdreg $0xFFFFFFFF;
	(pc) =	sbr.abs _section_cstart, $3  }
0x37: {  	[dreg:$0x1] =	wrdreg $0xFFFFFFFF  }
0x38: {  	_ =	task.clear_ibuf [dreg:s6], $0x2FFFF;
	_ =	strace $0x9FFFFFFF  }
0x39: {  	(tm) =	ssettm $0x7FFFFFFF  }
tec
execute0_lowered:
.L_overlay_start_1:
0x0: {  	(tag) =	ssettag $0x1  }
0x1: {  	s0 =	srdreg.scid  }
0x2: {  	s1 =	sshll.u32 s0, $0x4  }
0x3: {  	s4 =	rddreg [dreg:$0x0];
	s0 =	stileid.u32;
	s1 =	sand.u32 $0x10, s1  }
0x4: {  	s7 =	simm.s32 $0x1;
	s8 =	simm.s32 $0x2;
	s1 =	sor.u32 s0, s1  }
0x5: {  	s9 =	simm.s32 $0x0;
	s12 =	simm.s32 $0x0;
	s2 =	sshll.u32 s1, $0x1  }
0x6: {  	s11 =	simm.s32 $0x0;
	s3 =	sadd.s32 $0x5200, s4;
	s6 =	ssub.s32 $0x500, s2  }
.Ltmp0:
0x7: {  	s4 =	sadd.s32 $0x145200, s4;
	s5 =	sand.u32 $0x3E, s6;
	(pc) =	sbr.rel .LBB1_1-.Ltmp0, $4  }
0x8: {  	s1 =	rddreg [dreg:$0x1];
	_ =	strace $0x80000047;
	p0 =	sne.s32 s5, $0x0  }
0x9: {  	s6 =	sshrl.u32 s6, $0x6;
	s5 =	simm.s32 $0x1;
	s7 =	simm.s32 @!p0 $0x0  }
0xa: {  	s10 =	smov.u32 s2;
	[sflag:s5] =	ssyncpa.u1 $0x0;
	s6 =	sadd.s32 s7, s6  }
0xb: {  	[sflag:s8] =	ssyncpa.u1 $0x0;
	s8 =	simm.s32 $0x0;
	s7 =	sadd.s32 $0x1, s6  }
.LBB1_9:
0xc: {  	s14 =	sadd.s32 $0x40, s10  }
0xd: {  	p1 =	sgt.s32 s14, $0x4FF  }
0xe: {  	s14 =	smov.u32 @p1 s2;
	p1 =	sne.s32 s11, s7  }
.Ltmp1:
0xf: {  	p0 =	slt.u32 s11, $0x2;
	(pc) =	sbr.rel @!p1 .LBB1_10-.Ltmp1, $4  }
0x10: {  	s13 =	simm.s32 @!p0 $0x2  }
0x11: {  	s15 =	sadd.s32 $0x1, s11;
	_ =	swait.ge @!p0 [sflag:s13], $0x4000  }
0x12: {  	s12 =	smov.u32 s10;
	s9 =	sadd.s32 $0x4000, s9;
	[sflag:s13] =	ssyncset.done @!p0 $0x0  }
0x13: {  	s11 =	smov.u32 s15;
	s10 =	smov.u32 s14;
	[sflag:s13] =	ssyncadd.s32 @!p0 $0xFFFFC000  }
.LBB1_1:
0x14: {  	p0 =	sge.u32 s11, s6  }
0x15: {  	s13 =	sxor.u32 @!p0 $0xFFFFFFFF, s11  }
0x16: {  	s31 =	sadd.s32 $0xFFFFFFFF, s11;
	s14 =	sshll.u32 @!p0 s10, $0xA;
	s13 =	sshll.u32 @!p0 s13, $0xE  }
0x17: {  	s15 =	simm.s32 @!p0 $0x0;
	s14 =	sadd.s32 @!p0 s3, s14;
	s13 =	sand.u32 @!p0 $0x4000, s13  }
0x18: {  	[tilespmem:s13], [sflag:$0x1] =	stream.linear.gather @!p0 [hbm4b:s14+s15], $0x4000, $0x38;
	[tilespmem:$0x10000] =	vst v63  }
0x19: {  	p0 =	sge.u32 s31, s6  }
.Ltmp2:
0x1a: {  	_ = 	snop;
	(pc) =	sbr.rel @p0 .LBB1_9-.Ltmp2, $1  }
0x1b: {  	_ =	sdelay $0x3  }
0x1c: {  	s13 =	sshll.u32 s9, $0x2  }
0x1d: {  	_ =	swait.ge [sflag:s5], $0x4000;
	s14 =	sshll.u32 s11, $0xE;
	s16 =	simm.s32 $0x0  }
0x1e: {  	p1 =	por $0x1, $0x1;
	s13 =	sand.u32 $0x10000, s13;
	[sflag:s5] =	ssyncset.done $0x0  }
0x1f: {  	s14 =	sand.u32 $0x4000, s14;
	s15 =	sshrl.u32 s13, $0x2;
	[sflag:s5] =	ssyncadd.s32 $0xFFFFC000  }
0x20: {  	s13 =	sor.u32 $0x8000, s14;
	s14 =	sadd.s32 $0x8040, s15;
	s15 =	sadd.s32 $0x40, s15  }
.LBB1_3:
0x21: {  	s16 =	sshll.u32 s16, $0x2  }
0x22: {  	p0 =	por p1, p1;
	s17 =	sshra.s32 s16, $0x2  }
0x23: {  	s18 =	simm.s32 $0x0;
	s16 =	sadd.s32 s17, s14;
	s17 =	sadd.s32 s17, s15  }
.LBB1_4:
0x24: {  	v0 =	vmov s17;
	_ =	sdelay $0x3  }
0x25: {  	s20 =	simm.s32 $0x0  }
0x26: {  	v6 =	vld.idx.msk [tilespmem:v0+s20+$0x30 ss:$0x1], $0xffff  }
0x27: {  	v7 =	vld.idx.msk [tilespmem:v0+s20+$0xFFFFFFC0 ss:$0x1], $0xffff  }
0x28: {  	v5 =	vld.idx.msk [tilespmem:v0+s20+$0xFFFFFFD0 ss:$0x1], $0xffff  }
0x29: {  	v4 =	vld.idx.msk [tilespmem:v0+s20+$0xFFFFFFE0 ss:$0x1], $0xffff  }
0x2a: {  	v3 =	vld.idx.msk [tilespmem:v0+s20+$0xFFFFFFF0 ss:$0x1], $0xffff  }
0x2b: {  	v1 =	vld.idx.msk [tilespmem:v0+s20+$0x0 ss:$0x1], $0xffff  }
0x2c: {  	v2 =	vld.idx.msk [tilespmem:v0+s20+$0x10 ss:$0x1], $0xffff;
	[tilespmem:s16+$0x30] =	vst v6  }
0x2d: {  	s19 =	simm.s32 $0x80;
	s21 =	simm.s32 $0x400;
	[tilespmem:s16+$0xFFFFFFC0] =	vst v7;
	v6 =	vld.idx.msk [tilespmem:v0+s20+$0x20 ss:$0x1], $0xffff;
	s20 =	smov.u32 s16  }
.LBB1_5:
0x2e: {  	p1 =	sne.s32 s21, $0xE00;
	v7 =	vld.idx.msk [tilespmem:v0+s19+$0x30 ss:$0x1], $0xffff;
	[tilespmem:s20+$0xFFFFFFD0] =	vst v5  }
0x2f: {  	v8 =	vld.idx.msk [tilespmem:v0+s19+$0xFFFFFFC0 ss:$0x1], $0xffff;
	[tilespmem:s20+$0xFFFFFFE0] =	vst v4  }
0x30: {  	v5 =	vld.idx.msk [tilespmem:v0+s19+$0xFFFFFFD0 ss:$0x1], $0xffff;
	[tilespmem:s20+$0xFFFFFFF0] =	vst v3  }
.Ltmp3:
0x31: {  	v4 =	vld.idx.msk [tilespmem:v0+s19+$0xFFFFFFE0 ss:$0x1], $0xffff;
	[tilespmem:s20+$0x0] =	vst v1;
	(pc) =	sbr.rel @p1 .LBB1_5-.Ltmp3, $4  }
0x32: {  	v3 =	vld.idx.msk [tilespmem:v0+s19+$0xFFFFFFF0 ss:$0x1], $0xffff;
	[tilespmem:s20+$0x10] =	vst v2  }
0x33: {  	v1 =	vld.idx.msk [tilespmem:v0+s19+$0x0 ss:$0x1], $0xffff;
	[tilespmem:s20+$0x20] =	vst v6;
	s20 =	sadd.s32 $0x400, s20  }
0x34: {  	v2 =	vld.idx.msk [tilespmem:v0+s19+$0x10 ss:$0x1], $0xffff;
	[tilespmem:s20+$0x30] =	vst v7  }
0x35: {  	[tilespmem:s20+$0xFFFFFFC0] =	vst v8;
	v6 =	vld.idx.msk [tilespmem:v0+s19+$0x20 ss:$0x1], $0xffff;
	s19 =	sshra.s32 s21, $0x2;
	s21 =	sadd.s32 $0x200, s21  }
0x36: {  	_ =	sdelay $0x2  }
0x37: {  	[tilespmem:s20+$0xFFFFFFD0] =	vst v5  }
0x38: {  	v56 =	vld.idx.msk [tilespmem:v0+s19+$0x30 ss:$0x1], $0xffff;
	[tilespmem:s20+$0xFFFFFFE0] =	vst v4  }
0x39: {  	v57 =	vld.idx.msk [tilespmem:v0+s19+$0xFFFFFFC0 ss:$0x1], $0xffff;
	[tilespmem:s20+$0xFFFFFFF0] =	vst v3  }
0x3a: {  	v58 =	vld.idx.msk [tilespmem:v0+s19+$0xFFFFFFD0 ss:$0x1], $0xffff;
	[tilespmem:s20+$0x0] =	vst v1  }
0x3b: {  	v59 =	vld.idx.msk [tilespmem:v0+s19+$0xFFFFFFE0 ss:$0x1], $0xffff;
	[tilespmem:s20+$0x10] =	vst v2  }
0x3c: {  	v60 =	vld.idx.msk [tilespmem:v0+s19+$0xFFFFFFF0 ss:$0x1], $0xffff;
	s31 =	sadd.s32 $0x400, s20;
	[tilespmem:s20+$0x20] =	vst v6  }
0x3d: {  	v61 =	vld.idx.msk [tilespmem:v0+s19+$0x0 ss:$0x1], $0xffff;
	[tilespmem:s31+$0x30] =	vst v56  }
0x3e: {  	v62 =	vld.idx.msk [tilespmem:v0+s19+$0x10 ss:$0x1], $0xffff;
	s18 =	sadd.s32 $0x1, s18;
	[tilespmem:s31+$0xFFFFFFC0] =	vst v57  }
0x3f: {  	v63 =	vld.idx.msk [tilespmem:v0+s19+$0x20 ss:$0x1], $0xffff;
	p1 =	sne.s32 s18, $0x8;
	[tilespmem:s31+$0xFFFFFFD0] =	vst v58  }
.Ltmp4:
0x40: {  	[tilespmem:s31+$0xFFFFFFE0] =	vst v59;
	(pc) =	sbr.rel @p1 .LBB1_4-.Ltmp4, $4  }
0x41: {  	[tilespmem:s31+$0xFFFFFFF0] =	vst v60  }
0x42: {  	[tilespmem:s31+$0x0] =	vst v61  }
0x43: {  	[tilespmem:s31+$0x10] =	vst v62  }
0x44: {  	s16 =	sadd.s32 $0x80, s16;
	s17 =	sadd.s32 $0x400, s17;
	[tilespmem:s31+$0x20] =	vst v63  }
.Ltmp5:
0x45: {  	(pc) =	sbr.rel @p0 .LBB1_3-.Ltmp5, $2  }
0x46: {  	_ =	sdelay $0x2  }
0x47: {  	s16 =	simm.s32 $0x2000;
	p1 =	por $0x0, $0x0  }
.Ltmp6:
0x48: {  	(pc) =	sbr.rel .LBB1_9-.Ltmp6, $4  }
0x49: {  	_ = 	snop  }
0x4a: {  	s12 =	sshll.u32 s12, $0xA  }
0x4b: {  	s12 =	sadd.s32 s4, s12  }
0x4c: {  	[hbm4b:s12+s8] =	stream.linear.scatter [tilespmem:s13], [sflag:$0x2], $0x4000, $0x38;
	[tilespmem:$0x10000] =	vst v63  }
.LBB1_10:
0x4d: {  	_ =	sfence.sel $0x180000  }
0x4e: {  	s2 =	simm.s32 $0x1;
	[bflag:$0x0] =	sbarrier.arrive $0xFFFF  }
0x4f: {  	s31 =	simm.s32 $0x2;
	[sflag:s2] =	ssyncpa.u1 $0x1  }
0x50: {  	[sflag:s31] =	ssyncpa.u1 $0x1  }
0x51: {  	p0 =	sne.s32 s0, $0x0;
	_ =	strace $0x90000047  }
0x52: {  	s0 =	sadd.s32 @!p0 $0x100000, s1;
	[bflag:$0x2] =	sbarrier.arrive $0xFFFF  }
0x53: {  	[sflag:s0] =	ssyncadd.tile.s32 @!p0 $0x1;
	_ =	shalt  }
.Lfunc_end1:
_tile_overlayer_lowered:
.L_overlay_start_2:
0x54: {  	(tag) =	ssettag $0x2  }
0x55: {  	s0 =	rddreg [dreg:$0x0];
	s2 =	stileid.u32  }
0x56: {  	s1 =	rddreg [dreg:$0x1];
	p0 =	sne.s32 s2, $0x0  }
0x57: {  	s3 =	rddreg [dreg:$0x2];
	[bflag:$0x3] =	sbarrier.arrive $0xFFFF;
	s2 =	simm.s32 @!p0 $0x1C01  }
0x58: {  	[timem:s3], [sflag:s2] =	dma.local @!p0 [hbm:s0], s1  }
0x59: {  	s0 =	simm.s32 @!p0 $0x1  }
0x5a: {  	_ =	swait.ge @!p0 [sflag:s0], s1  }
0x5b: {  	s1 =	ssub.s32 @!p0 $0x0, s1;
	[sflag:s0] =	ssyncset.done @!p0 $0x0  }
0x5c: {  	[sflag:s0] =	ssyncadd.s32 @!p0 s1  }
0x5d: {  	[bflag:$0x3] =	sbarrier.arrive $0xFFFF  }
0x5e: {  	_ =	shalt  }

// kernel: sparse-core-data-format-call.cloned.1.call-start
scs
called_computation_lowered:
.L_overlay_start_0:
0x0: {  	s1 =	sld [smem:$0x3FD9]  }
0x1: {  	s2 =	sld [smem:$0x3FFE];
	_ =	sdelay $0x1  }
0x2: {  	s3 =	srdreg.scid  }
0x3: {  	s0 =	sand.u32 $0x1, s3  }
0x4: {  	s17 =	sshll.u32 s0, $0xA;
	s1 =	sadd.s32 s2, s1  }
0x5: {  	s1 =	sadd.s32 s1, s17  }
0x6: {  	[smem:$0x3FAD] =	sst s1  }
0x7: {  	_ = 	snop  }
0x8: {  	(tm) =	ssettm $0x1  }
0x9: {  	s18 =	sld [smem:$0x3FFB];
	_ =	sdelay $0x3  }
0xa: {  	_ =	strace s18  }
0xb: {  	s1 =	sld [smem:$0x3FFC];
	_ =	sdelay $0x3  }
0xc: {  	_ =	strace s1  }
0xd: {  	s1 =	sld [smem:$0x3FFD];
	_ =	sdelay $0x3  }
0xe: {  	_ =	strace s1  }
0xf: {  	_ =	strace $0x8FFFFFFF  }
0x10: {  	s19 =	sld [smem:$0x3FDB];
	_ =	sdelay $0x1  }
0x11: {  	s20 =	simm.s32 $_scs_section_size  }
0x12: {  	s4 =	simm.s32 $_size__tile_overlayer_lowered;
	s5 =	simm.s32 $_tile_overlayer_lowered  }
0x13: {  	s23 =	simm.s32 $0x1BFF;
	s22 =	sshll.u32 s5, $0x1;
	s1 =	sadd.s32 s20, s19  }
0x14: {  	s6 =	simm.s32 $0x0;
	s21 =	sshll.u32 s4, $0x1;
	s4 =	sadd.s32 s22, s1  }
0x15: {  	[timem:s6], [sflag:s23] =	dma.local [hbm:s4], s21  }
0x16: {  	_ =	swait.ge [sflag:s23], s21  }
0x17: {  	s2 =	ssub.s32 $0x0, s21;
	[sflag:s23] =	ssyncset.done $0x0  }
0x18: {  	[sflag:s23] =	ssyncadd.s32 s2;
	_ =	sdelay $0x1  }
0x19: {  	s24 =	simm.s32 $0x1B8B  }
0x1a: {  	_ =	swait.ge [sflag:s24], $0x1  }
0x1b: {  	[sflag:s24] =	ssyncset.done $0x0  }
0x1c: {  	s26 =	simm.s32 $0x1B8E;
	s25 =	sld [smem:$0x3FFE];
	[sflag:s24] =	ssyncadd.s32 $0xFFFFFFFF  }
0x1d: {  	s27 =	simm.s32 $execute0_lowered;
	[smem:$0x3FD2] =	sst s26  }
0x1e: {  	s4 =	sshll.u32 s27, $0x1;
	_ =	strace $0x80000052;
	[dreg:$0x1] =	wrdreg $0xFFFFFFFF  }
0x1f: {  	s28 =	simm.s32 $_size_execute0_lowered;
	s1 =	sadd.s32 s1, s4;
	[dreg:$0x0] =	wrdreg $0x0  }
0x20: {  	s4 =	sshll.u32 s28, $0x1;
	[dreg:$0x2] =	wrdreg s1  }
0x21: {  	[dreg:$0x3] =	wrdreg s4  }
0x22: {  	[dreg:$0x4] =	wrdreg $0xC0  }
0x23: {  	_ =	task [dreg:s6], $0x5FFFF  }
0x24: {  	[dreg:$0x1] =	wrdreg $0xFFFFFFFF  }
0x25: {  	[dreg:$0x0] =	wrdreg $0x60  }
0x26: {  	[dreg:$0x2] =	wrdreg s25  }
0x27: {  	[dreg:$0x3] =	wrdreg $0x9  }
0x28: {  	_ =	task.clear_ibuf [dreg:s6], $0x4FFFF;
	_ =	strace $0x90000052  }
0x29: {  	s29 =	simm.s32 $0x9;
	_ =	strace $0x80000054  }
0x2a: {  	_ =	swait.ge [sflag:s29], $0x1  }
0x2b: {  	[sflag:s29] =	ssyncadd.s32 $0xFFFFFFFF  }
0x2c: {  	_ =	strace $0x90000054  }
0x2d: {  	_ =	sfence  }
0x2e: {  	s30 =	sld [smem:$0x0];
	_ =	sdelay $0x2  }
0x2f: {  	s31 =	sshll.u32 s3, $0xD;
	s3 =	sshrl.u32 s3, $0x2  }
0x30: {  	s2 =	sand.u32 $0x4000, s31;
	s1 =	sadd.s32 s3, s30  }
0x31: {  	s0 =	sor.u32 s2, s0;
	s1 =	sshll.u32 s1, $0x11  }
0x32: {  	s0 =	sor.u32 s1, s0  }
0x33: {  	s0 =	sadd.s32 $0x8F2B, s0  }
0x34: {  	[sflag:s0] =	ssyncadd.remote.s32 $0x1  }
0x35: {  	_ =	sfence.sel $0xFFFF  }
0x36: {  	[dreg:$0x0] =	wrdreg $0xFFFFFFFF;
	(pc) =	sbr.abs _section_cstart, $3  }
0x37: {  	[dreg:$0x1] =	wrdreg $0xFFFFFFFF  }
0x38: {  	_ =	task.clear_ibuf [dreg:s6], $0x2FFFF;
	_ =	strace $0x9FFFFFFF  }
0x39: {  	(tm) =	ssettm $0x7FFFFFFF  }
tec
execute0_lowered:
.L_overlay_start_1:
0x0: {  	(tag) =	ssettag $0x1  }
0x1: {  	s0 =	srdreg.scid  }
0x2: {  	s1 =	sshll.u32 s0, $0x4  }
0x3: {  	s4 =	rddreg [dreg:$0x0];
	s0 =	stileid.u32;
	s1 =	sand.u32 $0x10, s1  }
0x4: {  	s7 =	simm.s32 $0x1;
	s8 =	simm.s32 $0x2;
	s1 =	sor.u32 s0, s1  }
0x5: {  	s9 =	simm.s32 $0x0;
	s12 =	simm.s32 $0x0;
	s2 =	sshll.u32 s1, $0x1  }
0x6: {  	s11 =	simm.s32 $0x0;
	s3 =	sadd.s32 $0x19000, s4;
	s6 =	ssub.s32 $0x500, s2  }
.Ltmp0:
0x7: {  	s4 =	sadd.s32 $0x298E00, s4;
	s5 =	sand.u32 $0x3E, s6;
	(pc) =	sbr.rel .LBB1_1-.Ltmp0, $4  }
0x8: {  	s1 =	rddreg [dreg:$0x1];
	_ =	strace $0x80000053;
	p0 =	sne.s32 s5, $0x0  }
0x9: {  	s6 =	sshrl.u32 s6, $0x6;
	s5 =	simm.s32 $0x1;
	s7 =	simm.s32 @!p0 $0x0  }
0xa: {  	s10 =	smov.u32 s2;
	[sflag:s5] =	ssyncpa.u1 $0x0;
	s6 =	sadd.s32 s7, s6  }
0xb: {  	[sflag:s8] =	ssyncpa.u1 $0x0;
	s8 =	simm.s32 $0x0;
	s7 =	sadd.s32 $0x1, s6  }
.LBB1_9:
0xc: {  	s14 =	sadd.s32 $0x40, s10  }
0xd: {  	p1 =	sgt.s32 s14, $0x4FF  }
0xe: {  	s14 =	smov.u32 @p1 s2;
	p1 =	sne.s32 s11, s7  }
.Ltmp1:
0xf: {  	p0 =	slt.u32 s11, $0x2;
	(pc) =	sbr.rel @!p1 .LBB1_10-.Ltmp1, $4  }
0x10: {  	s13 =	simm.s32 @!p0 $0x2  }
0x11: {  	s15 =	sadd.s32 $0x1, s11;
	_ =	swait.ge @!p0 [sflag:s13], $0x4000  }
0x12: {  	s12 =	smov.u32 s10;
	s9 =	sadd.s32 $0x4000, s9;
	[sflag:s13] =	ssyncset.done @!p0 $0x0  }
0x13: {  	s11 =	smov.u32 s15;
	s10 =	smov.u32 s14;
	[sflag:s13] =	ssyncadd.s32 @!p0 $0xFFFFC000  }
.LBB1_1:
0x14: {  	p0 =	sge.u32 s11, s6  }
0x15: {  	s13 =	sxor.u32 @!p0 $0xFFFFFFFF, s11  }
0x16: {  	s31 =	sadd.s32 $0xFFFFFFFF, s11;
	s14 =	sshll.u32 @!p0 s10, $0xA;
	s13 =	sshll.u32 @!p0 s13, $0xE  }
0x17: {  	s15 =	simm.s32 @!p0 $0x0;
	s14 =	sadd.s32 @!p0 s3, s14;
	s13 =	sand.u32 @!p0 $0x4000, s13  }
0x18: {  	[tilespmem:s13], [sflag:$0x1] =	stream.linear.gather @!p0 [hbm4b:s14+s15], $0x4000, $0x38;
	[tilespmem:$0x10000] =	vst v63  }
0x19: {  	p0 =	sge.u32 s31, s6  }
.Ltmp2:
0x1a: {  	_ = 	snop;
	(pc) =	sbr.rel @p0 .LBB1_9-.Ltmp2, $1  }
0x1b: {  	_ =	sdelay $0x3  }
0x1c: {  	s13 =	sshll.u32 s9, $0x2  }
0x1d: {  	_ =	swait.ge [sflag:s5], $0x4000;
	s14 =	sshll.u32 s11, $0xE;
	s16 =	simm.s32 $0x0  }
0x1e: {  	p1 =	por $0x1, $0x1;
	s13 =	sand.u32 $0x10000, s13;
	[sflag:s5] =	ssyncset.done $0x0  }
0x1f: {  	s14 =	sand.u32 $0x4000, s14;
	s15 =	sshrl.u32 s13, $0x2;
	[sflag:s5] =	ssyncadd.s32 $0xFFFFC000  }
0x20: {  	s13 =	sor.u32 $0x8000, s14;
	s14 =	sadd.s32 $0x8040, s15;
	s15 =	sadd.s32 $0x40, s15  }
.LBB1_3:
0x21: {  	s16 =	sshll.u32 s16, $0x2  }
0x22: {  	p0 =	por p1, p1;
	s17 =	sshra.s32 s16, $0x2  }
0x23: {  	s18 =	simm.s32 $0x0;
	s16 =	sadd.s32 s17, s14;
	s17 =	sadd.s32 s17, s15  }
.LBB1_4:
0x24: {  	v0 =	vmov s17;
	_ =	sdelay $0x3  }
0x25: {  	s20 =	simm.s32 $0x0  }
0x26: {  	v6 =	vld.idx.msk [tilespmem:v0+s20+$0x30 ss:$0x1], $0xffff  }
0x27: {  	v7 =	vld.idx.msk [tilespmem:v0+s20+$0xFFFFFFC0 ss:$0x1], $0xffff  }
0x28: {  	v5 =	vld.idx.msk [tilespmem:v0+s20+$0xFFFFFFD0 ss:$0x1], $0xffff  }
0x29: {  	v4 =	vld.idx.msk [tilespmem:v0+s20+$0xFFFFFFE0 ss:$0x1], $0xffff  }
0x2a: {  	v3 =	vld.idx.msk [tilespmem:v0+s20+$0xFFFFFFF0 ss:$0x1], $0xffff  }
0x2b: {  	v1 =	vld.idx.msk [tilespmem:v0+s20+$0x0 ss:$0x1], $0xffff  }
0x2c: {  	v2 =	vld.idx.msk [tilespmem:v0+s20+$0x10 ss:$0x1], $0xffff;
	[tilespmem:s16+$0x30] =	vst v6  }
0x2d: {  	s19 =	simm.s32 $0x80;
	s21 =	simm.s32 $0x400;
	[tilespmem:s16+$0xFFFFFFC0] =	vst v7;
	v6 =	vld.idx.msk [tilespmem:v0+s20+$0x20 ss:$0x1], $0xffff;
	s20 =	smov.u32 s16  }
.LBB1_5:
0x2e: {  	p1 =	sne.s32 s21, $0xE00;
	v7 =	vld.idx.msk [tilespmem:v0+s19+$0x30 ss:$0x1], $0xffff;
	[tilespmem:s20+$0xFFFFFFD0] =	vst v5  }
0x2f: {  	v8 =	vld.idx.msk [tilespmem:v0+s19+$0xFFFFFFC0 ss:$0x1], $0xffff;
	[tilespmem:s20+$0xFFFFFFE0] =	vst v4  }
0x30: {  	v5 =	vld.idx.msk [tilespmem:v0+s19+$0xFFFFFFD0 ss:$0x1], $0xffff;
	[tilespmem:s20+$0xFFFFFFF0] =	vst v3  }
.Ltmp3:
0x31: {  	v4 =	vld.idx.msk [tilespmem:v0+s19+$0xFFFFFFE0 ss:$0x1], $0xffff;
	[tilespmem:s20+$0x0] =	vst v1;
	(pc) =	sbr.rel @p1 .LBB1_5-.Ltmp3, $4  }
0x32: {  	v3 =	vld.idx.msk [tilespmem:v0+s19+$0xFFFFFFF0 ss:$0x1], $0xffff;
	[tilespmem:s20+$0x10] =	vst v2  }
0x33: {  	v1 =	vld.idx.msk [tilespmem:v0+s19+$0x0 ss:$0x1], $0xffff;
	[tilespmem:s20+$0x20] =	vst v6;
	s20 =	sadd.s32 $0x400, s20  }
0x34: {  	v2 =	vld.idx.msk [tilespmem:v0+s19+$0x10 ss:$0x1], $0xffff;
	[tilespmem:s20+$0x30] =	vst v7  }
0x35: {  	[tilespmem:s20+$0xFFFFFFC0] =	vst v8;
	v6 =	vld.idx.msk [tilespmem:v0+s19+$0x20 ss:$0x1], $0xffff;
	s19 =	sshra.s32 s21, $0x2;
	s21 =	sadd.s32 $0x200, s21  }
0x36: {  	_ =	sdelay $0x2  }
0x37: {  	[tilespmem:s20+$0xFFFFFFD0] =	vst v5  }
0x38: {  	v56 =	vld.idx.msk [tilespmem:v0+s19+$0x30 ss:$0x1], $0xffff;
	[tilespmem:s20+$0xFFFFFFE0] =	vst v4  }
0x39: {  	v57 =	vld.idx.msk [tilespmem:v0+s19+$0xFFFFFFC0 ss:$0x1], $0xffff;
	[tilespmem:s20+$0xFFFFFFF0] =	vst v3  }
0x3a: {  	v58 =	vld.idx.msk [tilespmem:v0+s19+$0xFFFFFFD0 ss:$0x1], $0xffff;
	[tilespmem:s20+$0x0] =	vst v1  }
0x3b: {  	v59 =	vld.idx.msk [tilespmem:v0+s19+$0xFFFFFFE0 ss:$0x1], $0xffff;
	[tilespmem:s20+$0x10] =	vst v2  }
0x3c: {  	v60 =	vld.idx.msk [tilespmem:v0+s19+$0xFFFFFFF0 ss:$0x1], $0xffff;
	s31 =	sadd.s32 $0x400, s20;
	[tilespmem:s20+$0x20] =	vst v6  }
0x3d: {  	v61 =	vld.idx.msk [tilespmem:v0+s19+$0x0 ss:$0x1], $0xffff;
	[tilespmem:s31+$0x30] =	vst v56  }
0x3e: {  	v62 =	vld.idx.msk [tilespmem:v0+s19+$0x10 ss:$0x1], $0xffff;
	s18 =	sadd.s32 $0x1, s18;
	[tilespmem:s31+$0xFFFFFFC0] =	vst v57  }
0x3f: {  	v63 =	vld.idx.msk [tilespmem:v0+s19+$0x20 ss:$0x1], $0xffff;
	p1 =	sne.s32 s18, $0x8;
	[tilespmem:s31+$0xFFFFFFD0] =	vst v58  }
.Ltmp4:
0x40: {  	[tilespmem:s31+$0xFFFFFFE0] =	vst v59;
	(pc) =	sbr.rel @p1 .LBB1_4-.Ltmp4, $4  }
0x41: {  	[tilespmem:s31+$0xFFFFFFF0] =	vst v60  }
0x42: {  	[tilespmem:s31+$0x0] =	vst v61  }
0x43: {  	[tilespmem:s31+$0x10] =	vst v62  }
0x44: {  	s16 =	sadd.s32 $0x80, s16;
	s17 =	sadd.s32 $0x400, s17;
	[tilespmem:s31+$0x20] =	vst v63  }
.Ltmp5:
0x45: {  	(pc) =	sbr.rel @p0 .LBB1_3-.Ltmp5, $2  }
0x46: {  	_ =	sdelay $0x2  }
0x47: {  	s16 =	simm.s32 $0x2000;
	p1 =	por $0x0, $0x0  }
.Ltmp6:
0x48: {  	(pc) =	sbr.rel .LBB1_9-.Ltmp6, $4  }
0x49: {  	_ = 	snop  }
0x4a: {  	s12 =	sshll.u32 s12, $0xA  }
0x4b: {  	s12 =	sadd.s32 s4, s12  }
0x4c: {  	[hbm4b:s12+s8] =	stream.linear.scatter [tilespmem:s13], [sflag:$0x2], $0x4000, $0x38;
	[tilespmem:$0x10000] =	vst v63  }
.LBB1_10:
0x4d: {  	_ =	sfence.sel $0x180000  }
0x4e: {  	s2 =	simm.s32 $0x1;
	[bflag:$0x0] =	sbarrier.arrive $0xFFFF  }
0x4f: {  	s31 =	simm.s32 $0x2;
	[sflag:s2] =	ssyncpa.u1 $0x1  }
0x50: {  	[sflag:s31] =	ssyncpa.u1 $0x1  }
0x51: {  	p0 =	sne.s32 s0, $0x0;
	_ =	strace $0x90000053  }
0x52: {  	s0 =	sadd.s32 @!p0 $0x100000, s1;
	[bflag:$0x2] =	sbarrier.arrive $0xFFFF  }
0x53: {  	[sflag:s0] =	ssyncadd.tile.s32 @!p0 $0x1;
	_ =	shalt  }
.Lfunc_end1:
_tile_overlayer_lowered:
.L_overlay_start_2:
0x54: {  	(tag) =	ssettag $0x2  }
0x55: {  	s0 =	rddreg [dreg:$0x0];
	s2 =	stileid.u32  }
0x56: {  	s1 =	rddreg [dreg:$0x1];
	p0 =	sne.s32 s2, $0x0  }
0x57: {  	s3 =	rddreg [dreg:$0x2];
	[bflag:$0x3] =	sbarrier.arrive $0xFFFF;
	s2 =	simm.s32 @!p0 $0x1C01  }
0x58: {  	[timem:s3], [sflag:s2] =	dma.local @!p0 [hbm:s0], s1  }
0x59: {  	s0 =	simm.s32 @!p0 $0x1  }
0x5a: {  	_ =	swait.ge @!p0 [sflag:s0], s1  }
0x5b: {  	s1 =	ssub.s32 @!p0 $0x0, s1;
	[sflag:s0] =	ssyncset.done @!p0 $0x0  }
0x5c: {  	[sflag:s0] =	ssyncadd.s32 @!p0 s1  }
0x5d: {  	[bflag:$0x3] =	sbarrier.arrive $0xFFFF  }
0x5e: {  	_ =	shalt  }

</sc_bundles>
